<compile_context>
chip_gen: v7x
topology: tpu7x:2x2x1
jax: 0.10.2.dev20260603
libtpu: 0.0.44.dev20260713+nightly
codegen_flags: <defaults>
</compile_context>

<pallas_src>
import functools

import jax
import jax.numpy as jnp
import numpy as np
from jax import lax
from jax.experimental import pallas as pl
from jax.experimental.pallas import tpu as pltpu
from jax.experimental.pallas import tpu_sc as plsc

N_NODES = 10000
D_IN = 128
HID = 64
N_EDGES = 320000

NC = 2
NS = 16
L = 16
NW = NC * NS
E_PER_W = N_EDGES // NW
CHUNK = 80
N_CHUNKS = E_PER_W // CHUNK
GROUPS = CHUNK // L
STAGE_ROWS = N_NODES // NS


def _proj_body(e_ref, w1_ref, b1_ref, pa_ref, pb_ref):
    e = e_ref[...]
    pa_ref[...] = (
        jnp.dot(e, w1_ref[:D_IN, :], preferred_element_type=jnp.float32)
        + b1_ref[...]
    ).astype(jnp.bfloat16)
    pb_ref[...] = jnp.dot(
        e, w1_ref[D_IN:, :], preferred_element_type=jnp.float32
    ).astype(jnp.bfloat16)


def _project(node_embeddings, W1, b1):
    return pl.pallas_call(
        _proj_body,
        out_shape=[
            jax.ShapeDtypeStruct((N_NODES, HID), jnp.bfloat16),
            jax.ShapeDtypeStruct((N_NODES, HID), jnp.bfloat16),
        ],
    )(node_embeddings, W1, b1.reshape(1, HID))


def _edge_body(pa_hbm, pb_hbm, ei_hbm, wb_hbm, out_hbm,
               pa_s, pb_s, isrc_v, idst_v, ha0, hb0, ha1, hb1, ha2, hb2,
               w2_v, out_v,
               sem_a0, sem_b0, sem_a1, sem_b1, sem_a2, sem_b2):
    sid = lax.axis_index("s")
    wid = sid * NC + lax.axis_index("c")

    pltpu.sync_copy(pa_hbm.at[pl.ds(sid * STAGE_ROWS, STAGE_ROWS)],
                    pa_s.at[pl.ds(sid * STAGE_ROWS, STAGE_ROWS)])
    pltpu.sync_copy(pb_hbm.at[pl.ds(sid * STAGE_ROWS, STAGE_ROWS)],
                    pb_s.at[pl.ds(sid * STAGE_ROWS, STAGE_ROWS)])
    pltpu.sync_copy(ei_hbm.at[0, pl.ds(wid * E_PER_W, E_PER_W)], isrc_v)
    pltpu.sync_copy(ei_hbm.at[1, pl.ds(wid * E_PER_W, E_PER_W)], idst_v)
    pltpu.sync_copy(wb_hbm, w2_v)
    plsc.subcore_barrier()

    w2c = [w2_v[pl.ds(k * L, L)] for k in range(HID // L)]
    b2 = w2_v[pl.ds(HID, L)]
    lane = lax.iota(jnp.int32, L)
    perms = [lane ^ (1 << p) for p in range(4)]
    masks = [(lane & (1 << p)) != 0 for p in range(4)]

    def start(c, ha, hb, sa, sb):
        pltpu.async_copy(pa_s.at[isrc_v.at[pl.ds(c * CHUNK, CHUNK)]], ha, sa)
        pltpu.async_copy(pb_s.at[idst_v.at[pl.ds(c * CHUNK, CHUNK)]], hb, sb)

    def wait(c, ha, hb, sa, sb):
        pltpu.make_async_copy(
            pa_s.at[isrc_v.at[pl.ds(c * CHUNK, CHUNK)]], ha, sa).wait()
        pltpu.make_async_copy(
            pb_s.at[idst_v.at[pl.ds(c * CHUNK, CHUNK)]], hb, sb).wait()

    def merge(x, y, p):
        m = masks[p]
        xa = jnp.where(m, y, x)
        yb = jnp.where(m, x, y)
        return xa + yb.at[perms[p]].get(mode="promise_in_bounds")

    def compute(c, ha_v, hb_v):
        def group_body(g, carry2):
            base = g * L
            ts = []
            for i in range(L):
                e = base + i
                t = jnp.zeros((L,), jnp.float32)
                for k in range(HID // (2 * L)):
                    h_bf = (ha_v[e, pl.ds(k * 2 * L, 2 * L)]
                            + hb_v[e, pl.ds(k * 2 * L, 2 * L)])
                    h_ev, h_od = plsc.unpack(h_bf, format=plsc.PackFormat.INTERLEAVED)
                    t = t + jnp.maximum(h_ev, 0.0) * w2c[2 * k]
                    t = t + jnp.maximum(h_od, 0.0) * w2c[2 * k + 1]
                ts.append(t)
            for p in range(4):
                ts = [merge(ts[i], ts[i + 1], p) for i in range(0, len(ts), 2)]
            out_v[pl.ds(c * CHUNK + base, L)] = ts[0] + b2
            return carry2

        lax.fori_loop(0, GROUPS, group_body, 0)

    bufs = [(ha0, hb0, sem_a0, sem_b0),
            (ha1, hb1, sem_a1, sem_b1),
            (ha2, hb2, sem_a2, sem_b2)]
    start(0, *bufs[0])
    start(1, *bufs[1])

    def triple_body(t, carry):
        c = t * 3
        for j in range(3):
            wait(c + j, *bufs[j])
            start(c + j + 2, *bufs[(j + 2) % 3])
            compute(c + j, bufs[j][0], bufs[j][1])
        return carry

    lax.fori_loop(0, (N_CHUNKS - 2) // 3, triple_body, 0)
    wait(N_CHUNKS - 2, *bufs[(N_CHUNKS - 2) % 3])
    compute(N_CHUNKS - 2, bufs[(N_CHUNKS - 2) % 3][0], bufs[(N_CHUNKS - 2) % 3][1])
    wait(N_CHUNKS - 1, *bufs[(N_CHUNKS - 1) % 3])
    compute(N_CHUNKS - 1, bufs[(N_CHUNKS - 1) % 3][0], bufs[(N_CHUNKS - 1) % 3][1])
    pltpu.sync_copy(out_v, out_hbm.at[pl.ds(wid * E_PER_W, E_PER_W)])


_edge_kernel = functools.partial(
    pl.kernel,
    mesh=plsc.VectorSubcoreMesh(core_axis_name="c", subcore_axis_name="s"),
    out_type=jax.ShapeDtypeStruct((N_EDGES,), jnp.float32),
    compiler_params=pltpu.CompilerParams(
        use_tc_tiling_on_sc=False, needs_layout_passes=False
    ),
    scratch_types=[
        pltpu.VMEM_SHARED((N_NODES, HID), jnp.bfloat16),
        pltpu.VMEM_SHARED((N_NODES, HID), jnp.bfloat16),
        pltpu.VMEM((E_PER_W,), jnp.int32),
        pltpu.VMEM((E_PER_W,), jnp.int32),
        pltpu.VMEM((CHUNK, HID), jnp.bfloat16),
        pltpu.VMEM((CHUNK, HID), jnp.bfloat16),
        pltpu.VMEM((CHUNK, HID), jnp.bfloat16),
        pltpu.VMEM((CHUNK, HID), jnp.bfloat16),
        pltpu.VMEM((CHUNK, HID), jnp.bfloat16),
        pltpu.VMEM((CHUNK, HID), jnp.bfloat16),
        pltpu.VMEM((HID + L,), jnp.float32),
        pltpu.VMEM((E_PER_W,), jnp.float32),
        pltpu.SemaphoreType.DMA,
        pltpu.SemaphoreType.DMA,
        pltpu.SemaphoreType.DMA,
        pltpu.SemaphoreType.DMA,
        pltpu.SemaphoreType.DMA,
        pltpu.SemaphoreType.DMA,
    ],
)(_edge_body)


_W2_ORDER = np.arange(HID).reshape(HID // (2 * L), L, 2)
_W2_ORDER = np.concatenate(
    [np.concatenate([blk[:, 0], blk[:, 1]]) for blk in _W2_ORDER]
)


def kernel(node_embeddings, edge_index, W1, b1, W2, b2):
    pa, pb = _project(node_embeddings, W1, b1)
    ei = edge_index.astype(jnp.int32)
    wb = jnp.concatenate(
        [W2.reshape(HID)[_W2_ORDER], jnp.full((L,), b2[0], jnp.float32)]
    )
    out = _edge_kernel(pa, pb, ei, wb)
    return out.reshape(N_EDGES, 1)

# --- scband reference (transcript-rebuilt; emitter-appended) ---
"""Pipeline reference for scband-link-weight-decoder-13142599925966 (READ-ONLY COPY).

The authoritative reference and input builder live on the scoring server;
editing this copy changes nothing except your own understanding.
"""

import jax, jax.numpy as jnp
import numpy as np

IN_CHANNELS = 128
HIDDEN = 64
N_NODES = 10000
N_EDGES = 320000


def setup_inputs(seed: int = 0) -> dict:
    key = jax.random.key(seed)
    k1, k2, k3, k4, k5, k6 = jax.random.split(key, 6)
    node_embeddings = jax.random.normal(k1, (N_NODES, IN_CHANNELS), dtype=jnp.float32)
    edge_index = jax.random.randint(k2, (2, N_EDGES), 0, N_NODES, dtype=jnp.int64)
    in_dim = 2 * IN_CHANNELS
    # Linear 1: (2*in_channels -> 64), PyTorch default init scale ~ 1/sqrt(fan_in)
    lim1 = 1.0 / np.sqrt(in_dim)
    W1 = jax.random.uniform(k3, (in_dim, HIDDEN), minval=-lim1, maxval=lim1, dtype=jnp.float32)
    b1 = jax.random.uniform(k4, (HIDDEN,), minval=-lim1, maxval=lim1, dtype=jnp.float32)
    # Final Linear: (64 -> 1)
    lim2 = 1.0 / np.sqrt(HIDDEN)
    W2 = jax.random.uniform(k5, (HIDDEN, 1), minval=-lim2, maxval=lim2, dtype=jnp.float32)
    b2 = jax.random.uniform(k6, (1,), minval=-lim2, maxval=lim2, dtype=jnp.float32)
    return {"node_embeddings": node_embeddings, "edge_index": edge_index,
            "W1": W1, "b1": b1, "W2": W2, "b2": b2}


def reference(node_embeddings, edge_index, W1, b1, W2, b2):
    src = jnp.take(node_embeddings, edge_index[0], axis=0)
    dst = jnp.take(node_embeddings, edge_index[1], axis=0)
    node_pair_embedding = jnp.concatenate([src, dst], axis=1)
    h = jax.nn.relu(node_pair_embedding @ W1 + b1)
    out = h @ W2 + b2
    return out

if __name__ == "__main__":
    import jax
    _d = setup_inputs()
    print(jax.jit(kernel)(*tuple(_d.values())))

</pallas_src>

<mosaic_0001>
#map = affine_map<(d0, d1) -> (0, 0)>
#map1 = affine_map<(d0, d1) -> (0)>
module attributes {stable_mosaic.version = 14 : i64} {
  func.func @_edge_body(%arg0: i32, %arg1: i32, %arg2: memref<10000x64xbf16, #tpu.memory_space<hbm>>, %arg3: memref<10000x64xbf16, #tpu.memory_space<hbm>>, %arg4: memref<2x320000xi32, #tpu.memory_space<hbm>>, %arg5: memref<80xf32, #tpu.memory_space<hbm>>, %arg6: memref<320000xf32, #tpu.memory_space<hbm>>, %arg7: memref<10000x64xbf16, #tpu.memory_space<vmem_shared>>, %arg8: memref<10000x64xbf16, #tpu.memory_space<vmem_shared>>, %arg9: memref<10000xi32, #tpu.memory_space<vmem>>, %arg10: memref<10000xi32, #tpu.memory_space<vmem>>, %arg11: memref<80x64xbf16, #tpu.memory_space<vmem>>, %arg12: memref<80x64xbf16, #tpu.memory_space<vmem>>, %arg13: memref<80x64xbf16, #tpu.memory_space<vmem>>, %arg14: memref<80x64xbf16, #tpu.memory_space<vmem>>, %arg15: memref<80x64xbf16, #tpu.memory_space<vmem>>, %arg16: memref<80x64xbf16, #tpu.memory_space<vmem>>, %arg17: memref<80xf32, #tpu.memory_space<vmem>>, %arg18: memref<10000xf32, #tpu.memory_space<vmem>>, %arg19: memref<!tpu.dma_semaphore, #tpu.memory_space<semaphore_mem>>, %arg20: memref<!tpu.dma_semaphore, #tpu.memory_space<semaphore_mem>>, %arg21: memref<!tpu.dma_semaphore, #tpu.memory_space<semaphore_mem>>, %arg22: memref<!tpu.dma_semaphore, #tpu.memory_space<semaphore_mem>>, %arg23: memref<!tpu.dma_semaphore, #tpu.memory_space<semaphore_mem>>, %arg24: memref<!tpu.dma_semaphore, #tpu.memory_space<semaphore_mem>>) attributes {dimension_semantics = [#tpu.dimension_semantics<core_parallel>, #tpu.dimension_semantics<subcore_parallel>], iteration_bounds = array<i64: 2, 16>, scalar_prefetch = 0 : i64, scratch_operands = 18 : i64, tpu.core_type = #tpu.core_type<sc_vector_subcore>, window_params = [{transform_indices = #map}, {transform_indices = #map}, {transform_indices = #map}, {transform_indices = #map1}, {transform_indices = #map1}]} {
    %mul3A = arith.constant 2 : i32
    %mul3A_0 = arith.muli %arg1, %mul3A : i32
    %add3A = arith.addi %mul3A_0, %arg0 : i32
    %mul3A_1 = arith.constant 625 : i32
    %mul3A_2 = arith.muli %arg1, %mul3A_1 : i32
    %mul3A_3 = arith.constant 625 : i32
    %mul3A_4 = arith.muli %arg1, %mul3A_3 : i32
    "tpu.region"() ({
      %run_scoped3A_113 = tpu.sem_alloc : memref<!tpu.dma_semaphore, #tpu.memory_space<semaphore_mem>>
      %dma_start3A_114 = arith.constant 0 : i32
      %dma_start3A_115 = tpu.memref_slice %arg7[%mul3A_4, %dma_start3A_114] : memref<10000x64xbf16, #tpu.memory_space<vmem_shared>> -> memref<625x64xbf16, #tpu.memory_space<vmem_shared>>
      %dma_start3A_116 = arith.constant 0 : i32
      %dma_start3A_117 = tpu.memref_slice %arg2[%mul3A_2, %dma_start3A_116] : memref<10000x64xbf16, #tpu.memory_space<hbm>> -> memref<625x64xbf16, #tpu.memory_space<hbm>>
      tpu.enqueue_dma source(%dma_start3A_117 : memref<625x64xbf16, #tpu.memory_space<hbm>>) target(%dma_start3A_115 : memref<625x64xbf16, #tpu.memory_space<vmem_shared>>) target_semaphore(%run_scoped3A_113 : memref<!tpu.dma_semaphore, #tpu.memory_space<semaphore_mem>>)
      %dma_wait3A_118 = arith.constant 0 : i32
      %dma_wait3A_119 = tpu.memref_slice %arg7[%mul3A_4, %dma_wait3A_118] : memref<10000x64xbf16, #tpu.memory_space<vmem_shared>> -> memref<625x64xbf16, #tpu.memory_space<vmem_shared>>
      %dma_wait3A_120 = arith.constant 0 : i32
      %dma_wait3A_121 = tpu.memref_slice %arg2[%mul3A_2, %dma_wait3A_120] : memref<10000x64xbf16, #tpu.memory_space<hbm>> -> memref<625x64xbf16, #tpu.memory_space<hbm>>
      tpu.wait_dma2 semaphore(%run_scoped3A_113 : memref<!tpu.dma_semaphore, #tpu.memory_space<semaphore_mem>>) src(%dma_wait3A_121 : memref<625x64xbf16, #tpu.memory_space<hbm>>) dst(%dma_wait3A_119 : memref<625x64xbf16, #tpu.memory_space<vmem_shared>>)
      tpu.yield
    }) : () -> ()
    %mul3A_5 = arith.constant 625 : i32
    %mul3A_6 = arith.muli %arg1, %mul3A_5 : i32
    %mul3A_7 = arith.constant 625 : i32
    %mul3A_8 = arith.muli %arg1, %mul3A_7 : i32
    "tpu.region"() ({
      %run_scoped3A_113 = tpu.sem_alloc : memref<!tpu.dma_semaphore, #tpu.memory_space<semaphore_mem>>
      %dma_start3A_114 = arith.constant 0 : i32
      %dma_start3A_115 = tpu.memref_slice %arg8[%mul3A_8, %dma_start3A_114] : memref<10000x64xbf16, #tpu.memory_space<vmem_shared>> -> memref<625x64xbf16, #tpu.memory_space<vmem_shared>>
      %dma_start3A_116 = arith.constant 0 : i32
      %dma_start3A_117 = tpu.memref_slice %arg3[%mul3A_6, %dma_start3A_116] : memref<10000x64xbf16, #tpu.memory_space<hbm>> -> memref<625x64xbf16, #tpu.memory_space<hbm>>
      tpu.enqueue_dma source(%dma_start3A_117 : memref<625x64xbf16, #tpu.memory_space<hbm>>) target(%dma_start3A_115 : memref<625x64xbf16, #tpu.memory_space<vmem_shared>>) target_semaphore(%run_scoped3A_113 : memref<!tpu.dma_semaphore, #tpu.memory_space<semaphore_mem>>)
      %dma_wait3A_118 = arith.constant 0 : i32
      %dma_wait3A_119 = tpu.memref_slice %arg8[%mul3A_8, %dma_wait3A_118] : memref<10000x64xbf16, #tpu.memory_space<vmem_shared>> -> memref<625x64xbf16, #tpu.memory_space<vmem_shared>>
      %dma_wait3A_120 = arith.constant 0 : i32
      %dma_wait3A_121 = tpu.memref_slice %arg3[%mul3A_6, %dma_wait3A_120] : memref<10000x64xbf16, #tpu.memory_space<hbm>> -> memref<625x64xbf16, #tpu.memory_space<hbm>>
      tpu.wait_dma2 semaphore(%run_scoped3A_113 : memref<!tpu.dma_semaphore, #tpu.memory_space<semaphore_mem>>) src(%dma_wait3A_121 : memref<625x64xbf16, #tpu.memory_space<hbm>>) dst(%dma_wait3A_119 : memref<625x64xbf16, #tpu.memory_space<vmem_shared>>)
      tpu.yield
    }) : () -> ()
    %mul3A_9 = arith.constant 10000 : i32
    %mul3A_10 = arith.muli %add3A, %mul3A_9 : i32
    %run_scoped3A = arith.constant 0 : i32
    "tpu.region"() ({
      %run_scoped3A_113 = tpu.sem_alloc : memref<!tpu.dma_semaphore, #tpu.memory_space<semaphore_mem>>
      %dma_start3A_114 = tpu.memref_slice %arg4[%run_scoped3A, %mul3A_10] : memref<2x320000xi32, #tpu.memory_space<hbm>> -> memref<1x10000xi32, #tpu.memory_space<hbm>>
      %dma_start3A_115 = tpu.memref_squeeze %dma_start3A_114 : memref<1x10000xi32, #tpu.memory_space<hbm>> -> memref<10000xi32, #tpu.memory_space<hbm>>
      %dma_start3A_116 = tpu.memref_slice %arg4[%run_scoped3A, %mul3A_10] : memref<2x320000xi32, #tpu.memory_space<hbm>> -> memref<1x10000xi32, #tpu.memory_space<hbm>>
      %dma_start3A_117 = tpu.memref_squeeze %dma_start3A_116 : memref<1x10000xi32, #tpu.memory_space<hbm>> -> memref<10000xi32, #tpu.memory_space<hbm>>
      tpu.enqueue_dma source(%dma_start3A_117 : memref<10000xi32, #tpu.memory_space<hbm>>) target(%arg9 : memref<10000xi32, #tpu.memory_space<vmem>>) target_semaphore(%run_scoped3A_113 : memref<!tpu.dma_semaphore, #tpu.memory_space<semaphore_mem>>)
      %dma_wait3A_118 = tpu.memref_slice %arg4[%run_scoped3A, %mul3A_10] : memref<2x320000xi32, #tpu.memory_space<hbm>> -> memref<1x10000xi32, #tpu.memory_space<hbm>>
      %dma_wait3A_119 = tpu.memref_squeeze %dma_wait3A_118 : memref<1x10000xi32, #tpu.memory_space<hbm>> -> memref<10000xi32, #tpu.memory_space<hbm>>
      %dma_wait3A_120 = tpu.memref_slice %arg4[%run_scoped3A, %mul3A_10] : memref<2x320000xi32, #tpu.memory_space<hbm>> -> memref<1x10000xi32, #tpu.memory_space<hbm>>
      %dma_wait3A_121 = tpu.memref_squeeze %dma_wait3A_120 : memref<1x10000xi32, #tpu.memory_space<hbm>> -> memref<10000xi32, #tpu.memory_space<hbm>>
      tpu.wait_dma2 semaphore(%run_scoped3A_113 : memref<!tpu.dma_semaphore, #tpu.memory_space<semaphore_mem>>) src(%dma_wait3A_121 : memref<10000xi32, #tpu.memory_space<hbm>>) dst(%arg9 : memref<10000xi32, #tpu.memory_space<vmem>>)
      tpu.yield
    }) : () -> ()
    %mul3A_11 = arith.constant 10000 : i32
    %mul3A_12 = arith.muli %add3A, %mul3A_11 : i32
    %run_scoped3A_13 = arith.constant 1 : i32
    "tpu.region"() ({
      %run_scoped3A_113 = tpu.sem_alloc : memref<!tpu.dma_semaphore, #tpu.memory_space<semaphore_mem>>
      %dma_start3A_114 = tpu.memref_slice %arg4[%run_scoped3A_13, %mul3A_12] : memref<2x320000xi32, #tpu.memory_space<hbm>> -> memref<1x10000xi32, #tpu.memory_space<hbm>>
      %dma_start3A_115 = tpu.memref_squeeze %dma_start3A_114 : memref<1x10000xi32, #tpu.memory_space<hbm>> -> memref<10000xi32, #tpu.memory_space<hbm>>
      %dma_start3A_116 = tpu.memref_slice %arg4[%run_scoped3A_13, %mul3A_12] : memref<2x320000xi32, #tpu.memory_space<hbm>> -> memref<1x10000xi32, #tpu.memory_space<hbm>>
      %dma_start3A_117 = tpu.memref_squeeze %dma_start3A_116 : memref<1x10000xi32, #tpu.memory_space<hbm>> -> memref<10000xi32, #tpu.memory_space<hbm>>
      tpu.enqueue_dma source(%dma_start3A_117 : memref<10000xi32, #tpu.memory_space<hbm>>) target(%arg10 : memref<10000xi32, #tpu.memory_space<vmem>>) target_semaphore(%run_scoped3A_113 : memref<!tpu.dma_semaphore, #tpu.memory_space<semaphore_mem>>)
      %dma_wait3A_118 = tpu.memref_slice %arg4[%run_scoped3A_13, %mul3A_12] : memref<2x320000xi32, #tpu.memory_space<hbm>> -> memref<1x10000xi32, #tpu.memory_space<hbm>>
      %dma_wait3A_119 = tpu.memref_squeeze %dma_wait3A_118 : memref<1x10000xi32, #tpu.memory_space<hbm>> -> memref<10000xi32, #tpu.memory_space<hbm>>
      %dma_wait3A_120 = tpu.memref_slice %arg4[%run_scoped3A_13, %mul3A_12] : memref<2x320000xi32, #tpu.memory_space<hbm>> -> memref<1x10000xi32, #tpu.memory_space<hbm>>
      %dma_wait3A_121 = tpu.memref_squeeze %dma_wait3A_120 : memref<1x10000xi32, #tpu.memory_space<hbm>> -> memref<10000xi32, #tpu.memory_space<hbm>>
      tpu.wait_dma2 semaphore(%run_scoped3A_113 : memref<!tpu.dma_semaphore, #tpu.memory_space<semaphore_mem>>) src(%dma_wait3A_121 : memref<10000xi32, #tpu.memory_space<hbm>>) dst(%arg10 : memref<10000xi32, #tpu.memory_space<vmem>>)
      tpu.yield
    }) : () -> ()
    "tpu.region"() ({
      %run_scoped3A_113 = tpu.sem_alloc : memref<!tpu.dma_semaphore, #tpu.memory_space<semaphore_mem>>
      tpu.enqueue_dma source(%arg5 : memref<80xf32, #tpu.memory_space<hbm>>) target(%arg17 : memref<80xf32, #tpu.memory_space<vmem>>) target_semaphore(%run_scoped3A_113 : memref<!tpu.dma_semaphore, #tpu.memory_space<semaphore_mem>>)
      tpu.wait_dma2 semaphore(%run_scoped3A_113 : memref<!tpu.dma_semaphore, #tpu.memory_space<semaphore_mem>>) src(%arg5 : memref<80xf32, #tpu.memory_space<hbm>>) dst(%arg17 : memref<80xf32, #tpu.memory_space<vmem>>)
      tpu.yield
    }) : () -> ()
    %barrier3A = arith.constant 0 : index
    tpu.barrier barrier_id(%barrier3A)
    %get3A = arith.constant 0 : index
    %get3A_14 = tpu.vector_load %arg17[%get3A] {strides = array<i32>} : memref<80xf32, #tpu.memory_space<vmem>>, vector<16xf32>,
    %get3A_15 = arith.constant 16 : index
    %get3A_16 = tpu.vector_load %arg17[%get3A_15] {strides = array<i32>} : memref<80xf32, #tpu.memory_space<vmem>>, vector<16xf32>,
    %get3A_17 = arith.constant 32 : index
    %get3A_18 = tpu.vector_load %arg17[%get3A_17] {strides = array<i32>} : memref<80xf32, #tpu.memory_space<vmem>>, vector<16xf32>,
    %get3A_19 = arith.constant 48 : index
    %get3A_20 = tpu.vector_load %arg17[%get3A_19] {strides = array<i32>} : memref<80xf32, #tpu.memory_space<vmem>>, vector<16xf32>,
    %get3A_21 = arith.constant 64 : index
    %get3A_22 = tpu.vector_load %arg17[%get3A_21] {strides = array<i32>} : memref<80xf32, #tpu.memory_space<vmem>>, vector<16xf32>,
    %iota3A = tpu.iota {dimensions = array<i32: 0>} : vector<16xi32>
    %xor3A = arith.constant 1 : i32
    %xor3A_23 = vector.broadcast %xor3A : i32 to vector<16xi32>
    %xor3A_24 = arith.xori %iota3A, %xor3A_23 : vector<16xi32>
    %xor3A_25 = arith.constant 2 : i32
    %xor3A_26 = vector.broadcast %xor3A_25 : i32 to vector<16xi32>
    %xor3A_27 = arith.xori %iota3A, %xor3A_26 : vector<16xi32>
    %xor3A_28 = arith.constant 4 : i32
    %xor3A_29 = vector.broadcast %xor3A_28 : i32 to vector<16xi32>
    %xor3A_30 = arith.xori %iota3A, %xor3A_29 : vector<16xi32>
    %xor3A_31 = arith.constant 8 : i32
    %xor3A_32 = vector.broadcast %xor3A_31 : i32 to vector<16xi32>
    %xor3A_33 = arith.xori %iota3A, %xor3A_32 : vector<16xi32>
    %and3A = arith.constant 1 : i32
    %and3A_34 = vector.broadcast %and3A : i32 to vector<16xi32>
    %and3A_35 = arith.andi %iota3A, %and3A_34 : vector<16xi32>
    %ne3A = arith.constant 0 : i32
    %ne3A_36 = vector.broadcast %ne3A : i32 to vector<16xi32>
    %ne3A_37 = arith.cmpi ne, %and3A_35, %ne3A_36 : vector<16xi32>
    %and3A_38 = arith.constant 2 : i32
    %and3A_39 = vector.broadcast %and3A_38 : i32 to vector<16xi32>
    %and3A_40 = arith.andi %iota3A, %and3A_39 : vector<16xi32>
    %ne3A_41 = arith.constant 0 : i32
    %ne3A_42 = vector.broadcast %ne3A_41 : i32 to vector<16xi32>
    %ne3A_43 = arith.cmpi ne, %and3A_40, %ne3A_42 : vector<16xi32>
    %and3A_44 = arith.constant 4 : i32
    %and3A_45 = vector.broadcast %and3A_44 : i32 to vector<16xi32>
    %and3A_46 = arith.andi %iota3A, %and3A_45 : vector<16xi32>
    %ne3A_47 = arith.constant 0 : i32
    %ne3A_48 = vector.broadcast %ne3A_47 : i32 to vector<16xi32>
    %ne3A_49 = arith.cmpi ne, %and3A_46, %ne3A_48 : vector<16xi32>
    %and3A_50 = arith.constant 8 : i32
    %and3A_51 = vector.broadcast %and3A_50 : i32 to vector<16xi32>
    %and3A_52 = arith.andi %iota3A, %and3A_51 : vector<16xi32>
    %ne3A_53 = arith.constant 0 : i32
    %ne3A_54 = vector.broadcast %ne3A_53 : i32 to vector<16xi32>
    %ne3A_55 = arith.cmpi ne, %and3A_52, %ne3A_54 : vector<16xi32>
    %dma_start3A = arith.constant 0 : i32
    %dma_start3A_56 = tpu.memref_slice %arg9[%dma_start3A] : memref<10000xi32, #tpu.memory_space<vmem>> -> memref<80xi32, #tpu.memory_space<vmem>>
    %dma_start3A_57 = arith.constant 0 : i32
    %dma_start3A_58 = arith.constant 0 : i32
    %dma_start3A_59 = tpu.memref_slice %arg7[%dma_start3A_57, %dma_start3A_58] : memref<10000x64xbf16, #tpu.memory_space<vmem_shared>> -> memref<10000x64xbf16, #tpu.memory_space<vmem_shared>>
    tpu.enqueue_indirect_dma source(%dma_start3A_59 : memref<10000x64xbf16, #tpu.memory_space<vmem_shared>>) target(%arg11 : memref<80x64xbf16, #tpu.memory_space<vmem>>) offsets(%dma_start3A_56 : memref<80xi32, #tpu.memory_space<vmem>>) semaphore(%arg19 : memref<!tpu.dma_semaphore, #tpu.memory_space<semaphore_mem>>)
    %dma_start3A_60 = arith.constant 0 : i32
    %dma_start3A_61 = tpu.memref_slice %arg10[%dma_start3A_60] : memref<10000xi32, #tpu.memory_space<vmem>> -> memref<80xi32, #tpu.memory_space<vmem>>
    %dma_start3A_62 = arith.constant 0 : i32
    %dma_start3A_63 = arith.constant 0 : i32
    %dma_start3A_64 = tpu.memref_slice %arg8[%dma_start3A_62, %dma_start3A_63] : memref<10000x64xbf16, #tpu.memory_space<vmem_shared>> -> memref<10000x64xbf16, #tpu.memory_space<vmem_shared>>
    tpu.enqueue_indirect_dma source(%dma_start3A_64 : memref<10000x64xbf16, #tpu.memory_space<vmem_shared>>) target(%arg12 : memref<80x64xbf16, #tpu.memory_space<vmem>>) offsets(%dma_start3A_61 : memref<80xi32, #tpu.memory_space<vmem>>) semaphore(%arg20 : memref<!tpu.dma_semaphore, #tpu.memory_space<semaphore_mem>>)
    %dma_start3A_65 = arith.constant 80 : i32
    %dma_start3A_66 = tpu.memref_slice %arg9[%dma_start3A_65] : memref<10000xi32, #tpu.memory_space<vmem>> -> memref<80xi32, #tpu.memory_space<vmem>>
    %dma_start3A_67 = arith.constant 0 : i32
    %dma_start3A_68 = arith.constant 0 : i32
    %dma_start3A_69 = tpu.memref_slice %arg7[%dma_start3A_67, %dma_start3A_68] : memref<10000x64xbf16, #tpu.memory_space<vmem_shared>> -> memref<10000x64xbf16, #tpu.memory_space<vmem_shared>>
    tpu.enqueue_indirect_dma source(%dma_start3A_69 : memref<10000x64xbf16, #tpu.memory_space<vmem_shared>>) target(%arg13 : memref<80x64xbf16, #tpu.memory_space<vmem>>) offsets(%dma_start3A_66 : memref<80xi32, #tpu.memory_space<vmem>>) semaphore(%arg21 : memref<!tpu.dma_semaphore, #tpu.memory_space<semaphore_mem>>)
    %dma_start3A_70 = arith.constant 80 : i32
    %dma_start3A_71 = tpu.memref_slice %arg10[%dma_start3A_70] : memref<10000xi32, #tpu.memory_space<vmem>> -> memref<80xi32, #tpu.memory_space<vmem>>
    %dma_start3A_72 = arith.constant 0 : i32
    %dma_start3A_73 = arith.constant 0 : i32
    %dma_start3A_74 = tpu.memref_slice %arg8[%dma_start3A_72, %dma_start3A_73] : memref<10000x64xbf16, #tpu.memory_space<vmem_shared>> -> memref<10000x64xbf16, #tpu.memory_space<vmem_shared>>
    tpu.enqueue_indirect_dma source(%dma_start3A_74 : memref<10000x64xbf16, #tpu.memory_space<vmem_shared>>) target(%arg14 : memref<80x64xbf16, #tpu.memory_space<vmem>>) offsets(%dma_start3A_71 : memref<80xi32, #tpu.memory_space<vmem>>) semaphore(%arg22 : memref<!tpu.dma_semaphore, #tpu.memory_space<semaphore_mem>>)
    %scan3A = arith.constant 0 : i32
    %scan3A_75 = arith.constant 0 : i32
    %scan3A_76 = arith.constant 41 : i32
    %scan3A_77 = arith.addi %scan3A_75, %scan3A_76 : i32
    %scan3A_78 = arith.constant 1 : i32
    scf.for %scan3A_113 = %scan3A_75 to %scan3A_77 step %scan3A_78  : i32 {
      %mul3A_114 = arith.constant 3 : i32
      %mul3A_115 = arith.muli %scan3A_113, %mul3A_114 : i32
      %add3A_116 = arith.constant 0 : i32
      %add3A_117 = arith.addi %mul3A_115, %add3A_116 : i32
      %mul3A_118 = arith.constant 80 : i32
      %mul3A_119 = arith.muli %add3A_117, %mul3A_118 : i32
      %dma_wait3A_120 = tpu.memref_slice %arg9[%mul3A_119] : memref<10000xi32, #tpu.memory_space<vmem>> -> memref<80xi32, #tpu.memory_space<vmem>>
      %dma_wait3A_121 = arith.constant 0 : i32
      %dma_wait3A_122 = arith.constant 0 : i32
      %dma_wait3A_123 = tpu.memref_slice %arg7[%dma_wait3A_121, %dma_wait3A_122] : memref<10000x64xbf16, #tpu.memory_space<vmem_shared>> -> memref<10000x64xbf16, #tpu.memory_space<vmem_shared>>
      tpu.wait_indirect_dma semaphore(%arg19 : memref<!tpu.dma_semaphore, #tpu.memory_space<semaphore_mem>>) src(%dma_wait3A_123 : memref<10000x64xbf16, #tpu.memory_space<vmem_shared>>) dst(%arg11 : memref<80x64xbf16, #tpu.memory_space<vmem>>)
      %mul3A_124 = arith.constant 80 : i32
      %mul3A_125 = arith.muli %add3A_117, %mul3A_124 : i32
      %dma_wait3A_126 = tpu.memref_slice %arg10[%mul3A_125] : memref<10000xi32, #tpu.memory_space<vmem>> -> memref<80xi32, #tpu.memory_space<vmem>>
      %dma_wait3A_127 = arith.constant 0 : i32
      %dma_wait3A_128 = arith.constant 0 : i32
      %dma_wait3A_129 = tpu.memref_slice %arg8[%dma_wait3A_127, %dma_wait3A_128] : memref<10000x64xbf16, #tpu.memory_space<vmem_shared>> -> memref<10000x64xbf16, #tpu.memory_space<vmem_shared>>
      tpu.wait_indirect_dma semaphore(%arg20 : memref<!tpu.dma_semaphore, #tpu.memory_space<semaphore_mem>>) src(%dma_wait3A_129 : memref<10000x64xbf16, #tpu.memory_space<vmem_shared>>) dst(%arg12 : memref<80x64xbf16, #tpu.memory_space<vmem>>)
      %add3A_130 = arith.constant 0 : i32
      %add3A_131 = arith.addi %mul3A_115, %add3A_130 : i32
      %add3A_132 = arith.constant 2 : i32
      %add3A_133 = arith.addi %add3A_131, %add3A_132 : i32
      %mul3A_134 = arith.constant 80 : i32
      %mul3A_135 = arith.muli %add3A_133, %mul3A_134 : i32
      %dma_start3A_136 = tpu.memref_slice %arg9[%mul3A_135] : memref<10000xi32, #tpu.memory_space<vmem>> -> memref<80xi32, #tpu.memory_space<vmem>>
      %dma_start3A_137 = arith.constant 0 : i32
      %dma_start3A_138 = arith.constant 0 : i32
      %dma_start3A_139 = tpu.memref_slice %arg7[%dma_start3A_137, %dma_start3A_138] : memref<10000x64xbf16, #tpu.memory_space<vmem_shared>> -> memref<10000x64xbf16, #tpu.memory_space<vmem_shared>>
      tpu.enqueue_indirect_dma source(%dma_start3A_139 : memref<10000x64xbf16, #tpu.memory_space<vmem_shared>>) target(%arg15 : memref<80x64xbf16, #tpu.memory_space<vmem>>) offsets(%dma_start3A_136 : memref<80xi32, #tpu.memory_space<vmem>>) semaphore(%arg23 : memref<!tpu.dma_semaphore, #tpu.memory_space<semaphore_mem>>)
      %mul3A_140 = arith.constant 80 : i32
      %mul3A_141 = arith.muli %add3A_133, %mul3A_140 : i32
      %dma_start3A_142 = tpu.memref_slice %arg10[%mul3A_141] : memref<10000xi32, #tpu.memory_space<vmem>> -> memref<80xi32, #tpu.memory_space<vmem>>
      %dma_start3A_143 = arith.constant 0 : i32
      %dma_start3A_144 = arith.constant 0 : i32
      %dma_start3A_145 = tpu.memref_slice %arg8[%dma_start3A_143, %dma_start3A_144] : memref<10000x64xbf16, #tpu.memory_space<vmem_shared>> -> memref<10000x64xbf16, #tpu.memory_space<vmem_shared>>
      tpu.enqueue_indirect_dma source(%dma_start3A_145 : memref<10000x64xbf16, #tpu.memory_space<vmem_shared>>) target(%arg16 : memref<80x64xbf16, #tpu.memory_space<vmem>>) offsets(%dma_start3A_142 : memref<80xi32, #tpu.memory_space<vmem>>) semaphore(%arg24 : memref<!tpu.dma_semaphore, #tpu.memory_space<semaphore_mem>>)
      %add3A_146 = arith.constant 0 : i32
      %add3A_147 = arith.addi %mul3A_115, %add3A_146 : i32
      %scan3A_148 = arith.constant 0 : i32
      %scan3A_149 = arith.constant 0 : i32
      %scan3A_150 = arith.constant 5 : i32
      %scan3A_151 = arith.addi %scan3A_149, %scan3A_150 : i32
      %scan3A_152 = arith.constant 1 : i32
      scf.for %scan3A_230 = %scan3A_149 to %scan3A_151 step %scan3A_152  : i32 {
        %mul3A_231 = arith.constant 16 : i32
        %mul3A_232 = arith.muli %scan3A_230, %mul3A_231 : i32
        %add3A_233 = arith.constant 0 : i32
        %add3A_234 = arith.addi %mul3A_232, %add3A_233 : i32
        %broadcast_in_dim3A = arith.constant 0.000000e+00 : f32
        %broadcast_in_dim3A_235 = vector.broadcast %broadcast_in_dim3A : f32 to vector<16xf32>
        %get3A_236 = arith.index_cast %add3A_234 : i32 to index
        %get3A_237 = arith.constant 0 : index
        %get3A_238 = tpu.vector_load %arg11[%get3A_236, %get3A_237] {strides = array<i32>} : memref<80x64xbf16, #tpu.memory_space<vmem>>, vector<32xbf16>,
        %get3A_239 = arith.index_cast %add3A_234 : i32 to index
        %get3A_240 = arith.constant 0 : index
        %get3A_241 = tpu.vector_load %arg12[%get3A_239, %get3A_240] {strides = array<i32>} : memref<80x64xbf16, #tpu.memory_space<vmem>>, vector<32xbf16>,
        %add3A_242 = arith.addf %get3A_238, %get3A_241 : vector<32xbf16>
        %unpack3A = tpu.unpack_subelements %add3A_242, 0 {pack_format = #tpu.pack_format<interleaved>} : vector<32xbf16> -> vector<16xf32>
        %unpack3A_243 = tpu.unpack_subelements %add3A_242, 1 {pack_format = #tpu.pack_format<interleaved>} : vector<32xbf16> -> vector<16xf32>
        %max3A = arith.constant 0.000000e+00 : f32
        %max3A_244 = vector.broadcast %max3A : f32 to vector<16xf32>
        %max3A_245 = arith.maximumf %unpack3A, %max3A_244 : vector<16xf32>
        %mul3A_246 = arith.mulf %max3A_245, %get3A_14 : vector<16xf32>
        %add3A_247 = arith.addf %broadcast_in_dim3A_235, %mul3A_246 : vector<16xf32>
        %max3A_248 = arith.constant 0.000000e+00 : f32
        %max3A_249 = vector.broadcast %max3A_248 : f32 to vector<16xf32>
        %max3A_250 = arith.maximumf %unpack3A_243, %max3A_249 : vector<16xf32>
        %mul3A_251 = arith.mulf %max3A_250, %get3A_16 : vector<16xf32>
        %add3A_252 = arith.addf %add3A_247, %mul3A_251 : vector<16xf32>
        %get3A_253 = arith.index_cast %add3A_234 : i32 to index
        %get3A_254 = arith.constant 32 : index
        %get3A_255 = tpu.vector_load %arg11[%get3A_253, %get3A_254] {strides = array<i32>} : memref<80x64xbf16, #tpu.memory_space<vmem>>, vector<32xbf16>,
        %get3A_256 = arith.index_cast %add3A_234 : i32 to index
        %get3A_257 = arith.constant 32 : index
        %get3A_258 = tpu.vector_load %arg12[%get3A_256, %get3A_257] {strides = array<i32>} : memref<80x64xbf16, #tpu.memory_space<vmem>>, vector<32xbf16>,
        %add3A_259 = arith.addf %get3A_255, %get3A_258 : vector<32xbf16>
        %unpack3A_260 = tpu.unpack_subelements %add3A_259, 0 {pack_format = #tpu.pack_format<interleaved>} : vector<32xbf16> -> vector<16xf32>
        %unpack3A_261 = tpu.unpack_subelements %add3A_259, 1 {pack_format = #tpu.pack_format<interleaved>} : vector<32xbf16> -> vector<16xf32>
        %max3A_262 = arith.constant 0.000000e+00 : f32
        %max3A_263 = vector.broadcast %max3A_262 : f32 to vector<16xf32>
        %max3A_264 = arith.maximumf %unpack3A_260, %max3A_263 : vector<16xf32>
        %mul3A_265 = arith.mulf %max3A_264, %get3A_18 : vector<16xf32>
        %add3A_266 = arith.addf %add3A_252, %mul3A_265 : vector<16xf32>
        %max3A_267 = arith.constant 0.000000e+00 : f32
        %max3A_268 = vector.broadcast %max3A_267 : f32 to vector<16xf32>
        %max3A_269 = arith.maximumf %unpack3A_261, %max3A_268 : vector<16xf32>
        %mul3A_270 = arith.mulf %max3A_269, %get3A_20 : vector<16xf32>
        %add3A_271 = arith.addf %add3A_266, %mul3A_270 : vector<16xf32>
        %add3A_272 = arith.constant 1 : i32
        %add3A_273 = arith.addi %mul3A_232, %add3A_272 : i32
        %broadcast_in_dim3A_274 = arith.constant 0.000000e+00 : f32
        %broadcast_in_dim3A_275 = vector.broadcast %broadcast_in_dim3A_274 : f32 to vector<16xf32>
        %get3A_276 = arith.index_cast %add3A_273 : i32 to index
        %get3A_277 = arith.constant 0 : index
        %get3A_278 = tpu.vector_load %arg11[%get3A_276, %get3A_277] {strides = array<i32>} : memref<80x64xbf16, #tpu.memory_space<vmem>>, vector<32xbf16>,
        %get3A_279 = arith.index_cast %add3A_273 : i32 to index
        %get3A_280 = arith.constant 0 : index
        %get3A_281 = tpu.vector_load %arg12[%get3A_279, %get3A_280] {strides = array<i32>} : memref<80x64xbf16, #tpu.memory_space<vmem>>, vector<32xbf16>,
        %add3A_282 = arith.addf %get3A_278, %get3A_281 : vector<32xbf16>
        %unpack3A_283 = tpu.unpack_subelements %add3A_282, 0 {pack_format = #tpu.pack_format<interleaved>} : vector<32xbf16> -> vector<16xf32>
        %unpack3A_284 = tpu.unpack_subelements %add3A_282, 1 {pack_format = #tpu.pack_format<interleaved>} : vector<32xbf16> -> vector<16xf32>
        %max3A_285 = arith.constant 0.000000e+00 : f32
        %max3A_286 = vector.broadcast %max3A_285 : f32 to vector<16xf32>
        %max3A_287 = arith.maximumf %unpack3A_283, %max3A_286 : vector<16xf32>
        %mul3A_288 = arith.mulf %max3A_287, %get3A_14 : vector<16xf32>
        %add3A_289 = arith.addf %broadcast_in_dim3A_275, %mul3A_288 : vector<16xf32>
        %max3A_290 = arith.constant 0.000000e+00 : f32
        %max3A_291 = vector.broadcast %max3A_290 : f32 to vector<16xf32>
        %max3A_292 = arith.maximumf %unpack3A_284, %max3A_291 : vector<16xf32>
        %mul3A_293 = arith.mulf %max3A_292, %get3A_16 : vector<16xf32>
        %add3A_294 = arith.addf %add3A_289, %mul3A_293 : vector<16xf32>
        %get3A_295 = arith.index_cast %add3A_273 : i32 to index
        %get3A_296 = arith.constant 32 : index
        %get3A_297 = tpu.vector_load %arg11[%get3A_295, %get3A_296] {strides = array<i32>} : memref<80x64xbf16, #tpu.memory_space<vmem>>, vector<32xbf16>,
        %get3A_298 = arith.index_cast %add3A_273 : i32 to index
        %get3A_299 = arith.constant 32 : index
        %get3A_300 = tpu.vector_load %arg12[%get3A_298, %get3A_299] {strides = array<i32>} : memref<80x64xbf16, #tpu.memory_space<vmem>>, vector<32xbf16>,
        %add3A_301 = arith.addf %get3A_297, %get3A_300 : vector<32xbf16>
        %unpack3A_302 = tpu.unpack_subelements %add3A_301, 0 {pack_format = #tpu.pack_format<interleaved>} : vector<32xbf16> -> vector<16xf32>
        %unpack3A_303 = tpu.unpack_subelements %add3A_301, 1 {pack_format = #tpu.pack_format<interleaved>} : vector<32xbf16> -> vector<16xf32>
        %max3A_304 = arith.constant 0.000000e+00 : f32
        %max3A_305 = vector.broadcast %max3A_304 : f32 to vector<16xf32>
        %max3A_306 = arith.maximumf %unpack3A_302, %max3A_305 : vector<16xf32>
        %mul3A_307 = arith.mulf %max3A_306, %get3A_18 : vector<16xf32>
        %add3A_308 = arith.addf %add3A_294, %mul3A_307 : vector<16xf32>
        %max3A_309 = arith.constant 0.000000e+00 : f32
        %max3A_310 = vector.broadcast %max3A_309 : f32 to vector<16xf32>
        %max3A_311 = arith.maximumf %unpack3A_303, %max3A_310 : vector<16xf32>
        %mul3A_312 = arith.mulf %max3A_311, %get3A_20 : vector<16xf32>
        %add3A_313 = arith.addf %add3A_308, %mul3A_312 : vector<16xf32>
        %add3A_314 = arith.constant 2 : i32
        %add3A_315 = arith.addi %mul3A_232, %add3A_314 : i32
        %broadcast_in_dim3A_316 = arith.constant 0.000000e+00 : f32
        %broadcast_in_dim3A_317 = vector.broadcast %broadcast_in_dim3A_316 : f32 to vector<16xf32>
        %get3A_318 = arith.index_cast %add3A_315 : i32 to index
        %get3A_319 = arith.constant 0 : index
        %get3A_320 = tpu.vector_load %arg11[%get3A_318, %get3A_319] {strides = array<i32>} : memref<80x64xbf16, #tpu.memory_space<vmem>>, vector<32xbf16>,
        %get3A_321 = arith.index_cast %add3A_315 : i32 to index
        %get3A_322 = arith.constant 0 : index
        %get3A_323 = tpu.vector_load %arg12[%get3A_321, %get3A_322] {strides = array<i32>} : memref<80x64xbf16, #tpu.memory_space<vmem>>, vector<32xbf16>,
        %add3A_324 = arith.addf %get3A_320, %get3A_323 : vector<32xbf16>
        %unpack3A_325 = tpu.unpack_subelements %add3A_324, 0 {pack_format = #tpu.pack_format<interleaved>} : vector<32xbf16> -> vector<16xf32>
        %unpack3A_326 = tpu.unpack_subelements %add3A_324, 1 {pack_format = #tpu.pack_format<interleaved>} : vector<32xbf16> -> vector<16xf32>
        %max3A_327 = arith.constant 0.000000e+00 : f32
        %max3A_328 = vector.broadcast %max3A_327 : f32 to vector<16xf32>
        %max3A_329 = arith.maximumf %unpack3A_325, %max3A_328 : vector<16xf32>
        %mul3A_330 = arith.mulf %max3A_329, %get3A_14 : vector<16xf32>
        %add3A_331 = arith.addf %broadcast_in_dim3A_317, %mul3A_330 : vector<16xf32>
        %max3A_332 = arith.constant 0.000000e+00 : f32
        %max3A_333 = vector.broadcast %max3A_332 : f32 to vector<16xf32>
        %max3A_334 = arith.maximumf %unpack3A_326, %max3A_333 : vector<16xf32>
        %mul3A_335 = arith.mulf %max3A_334, %get3A_16 : vector<16xf32>
        %add3A_336 = arith.addf %add3A_331, %mul3A_335 : vector<16xf32>
        %get3A_337 = arith.index_cast %add3A_315 : i32 to index
        %get3A_338 = arith.constant 32 : index
        %get3A_339 = tpu.vector_load %arg11[%get3A_337, %get3A_338] {strides = array<i32>} : memref<80x64xbf16, #tpu.memory_space<vmem>>, vector<32xbf16>,
        %get3A_340 = arith.index_cast %add3A_315 : i32 to index
        %get3A_341 = arith.constant 32 : index
        %get3A_342 = tpu.vector_load %arg12[%get3A_340, %get3A_341] {strides = array<i32>} : memref<80x64xbf16, #tpu.memory_space<vmem>>, vector<32xbf16>,
        %add3A_343 = arith.addf %get3A_339, %get3A_342 : vector<32xbf16>
        %unpack3A_344 = tpu.unpack_subelements %add3A_343, 0 {pack_format = #tpu.pack_format<interleaved>} : vector<32xbf16> -> vector<16xf32>
        %unpack3A_345 = tpu.unpack_subelements %add3A_343, 1 {pack_format = #tpu.pack_format<interleaved>} : vector<32xbf16> -> vector<16xf32>
        %max3A_346 = arith.constant 0.000000e+00 : f32
        %max3A_347 = vector.broadcast %max3A_346 : f32 to vector<16xf32>
        %max3A_348 = arith.maximumf %unpack3A_344, %max3A_347 : vector<16xf32>
        %mul3A_349 = arith.mulf %max3A_348, %get3A_18 : vector<16xf32>
        %add3A_350 = arith.addf %add3A_336, %mul3A_349 : vector<16xf32>
        %max3A_351 = arith.constant 0.000000e+00 : f32
        %max3A_352 = vector.broadcast %max3A_351 : f32 to vector<16xf32>
        %max3A_353 = arith.maximumf %unpack3A_345, %max3A_352 : vector<16xf32>
        %mul3A_354 = arith.mulf %max3A_353, %get3A_20 : vector<16xf32>
        %add3A_355 = arith.addf %add3A_350, %mul3A_354 : vector<16xf32>
        %add3A_356 = arith.constant 3 : i32
        %add3A_357 = arith.addi %mul3A_232, %add3A_356 : i32
        %broadcast_in_dim3A_358 = arith.constant 0.000000e+00 : f32
        %broadcast_in_dim3A_359 = vector.broadcast %broadcast_in_dim3A_358 : f32 to vector<16xf32>
        %get3A_360 = arith.index_cast %add3A_357 : i32 to index
        %get3A_361 = arith.constant 0 : index
        %get3A_362 = tpu.vector_load %arg11[%get3A_360, %get3A_361] {strides = array<i32>} : memref<80x64xbf16, #tpu.memory_space<vmem>>, vector<32xbf16>,
        %get3A_363 = arith.index_cast %add3A_357 : i32 to index
        %get3A_364 = arith.constant 0 : index
        %get3A_365 = tpu.vector_load %arg12[%get3A_363, %get3A_364] {strides = array<i32>} : memref<80x64xbf16, #tpu.memory_space<vmem>>, vector<32xbf16>,
        %add3A_366 = arith.addf %get3A_362, %get3A_365 : vector<32xbf16>
        %unpack3A_367 = tpu.unpack_subelements %add3A_366, 0 {pack_format = #tpu.pack_format<interleaved>} : vector<32xbf16> -> vector<16xf32>
        %unpack3A_368 = tpu.unpack_subelements %add3A_366, 1 {pack_format = #tpu.pack_format<interleaved>} : vector<32xbf16> -> vector<16xf32>
        %max3A_369 = arith.constant 0.000000e+00 : f32
        %max3A_370 = vector.broadcast %max3A_369 : f32 to vector<16xf32>
        %max3A_371 = arith.maximumf %unpack3A_367, %max3A_370 : vector<16xf32>
        %mul3A_372 = arith.mulf %max3A_371, %get3A_14 : vector<16xf32>
        %add3A_373 = arith.addf %broadcast_in_dim3A_359, %mul3A_372 : vector<16xf32>
        %max3A_374 = arith.constant 0.000000e+00 : f32
        %max3A_375 = vector.broadcast %max3A_374 : f32 to vector<16xf32>
        %max3A_376 = arith.maximumf %unpack3A_368, %max3A_375 : vector<16xf32>
        %mul3A_377 = arith.mulf %max3A_376, %get3A_16 : vector<16xf32>
        %add3A_378 = arith.addf %add3A_373, %mul3A_377 : vector<16xf32>
        %get3A_379 = arith.index_cast %add3A_357 : i32 to index
        %get3A_380 = arith.constant 32 : index
        %get3A_381 = tpu.vector_load %arg11[%get3A_379, %get3A_380] {strides = array<i32>} : memref<80x64xbf16, #tpu.memory_space<vmem>>, vector<32xbf16>,
        %get3A_382 = arith.index_cast %add3A_357 : i32 to index
        %get3A_383 = arith.constant 32 : index
        %get3A_384 = tpu.vector_load %arg12[%get3A_382, %get3A_383] {strides = array<i32>} : memref<80x64xbf16, #tpu.memory_space<vmem>>, vector<32xbf16>,
        %add3A_385 = arith.addf %get3A_381, %get3A_384 : vector<32xbf16>
        %unpack3A_386 = tpu.unpack_subelements %add3A_385, 0 {pack_format = #tpu.pack_format<interleaved>} : vector<32xbf16> -> vector<16xf32>
        %unpack3A_387 = tpu.unpack_subelements %add3A_385, 1 {pack_format = #tpu.pack_format<interleaved>} : vector<32xbf16> -> vector<16xf32>
        %max3A_388 = arith.constant 0.000000e+00 : f32
        %max3A_389 = vector.broadcast %max3A_388 : f32 to vector<16xf32>
        %max3A_390 = arith.maximumf %unpack3A_386, %max3A_389 : vector<16xf32>
        %mul3A_391 = arith.mulf %max3A_390, %get3A_18 : vector<16xf32>
        %add3A_392 = arith.addf %add3A_378, %mul3A_391 : vector<16xf32>
        %max3A_393 = arith.constant 0.000000e+00 : f32
        %max3A_394 = vector.broadcast %max3A_393 : f32 to vector<16xf32>
        %max3A_395 = arith.maximumf %unpack3A_387, %max3A_394 : vector<16xf32>
        %mul3A_396 = arith.mulf %max3A_395, %get3A_20 : vector<16xf32>
        %add3A_397 = arith.addf %add3A_392, %mul3A_396 : vector<16xf32>
        %add3A_398 = arith.constant 4 : i32
        %add3A_399 = arith.addi %mul3A_232, %add3A_398 : i32
        %broadcast_in_dim3A_400 = arith.constant 0.000000e+00 : f32
        %broadcast_in_dim3A_401 = vector.broadcast %broadcast_in_dim3A_400 : f32 to vector<16xf32>
        %get3A_402 = arith.index_cast %add3A_399 : i32 to index
        %get3A_403 = arith.constant 0 : index
        %get3A_404 = tpu.vector_load %arg11[%get3A_402, %get3A_403] {strides = array<i32>} : memref<80x64xbf16, #tpu.memory_space<vmem>>, vector<32xbf16>,
        %get3A_405 = arith.index_cast %add3A_399 : i32 to index
        %get3A_406 = arith.constant 0 : index
        %get3A_407 = tpu.vector_load %arg12[%get3A_405, %get3A_406] {strides = array<i32>} : memref<80x64xbf16, #tpu.memory_space<vmem>>, vector<32xbf16>,
        %add3A_408 = arith.addf %get3A_404, %get3A_407 : vector<32xbf16>
        %unpack3A_409 = tpu.unpack_subelements %add3A_408, 0 {pack_format = #tpu.pack_format<interleaved>} : vector<32xbf16> -> vector<16xf32>
        %unpack3A_410 = tpu.unpack_subelements %add3A_408, 1 {pack_format = #tpu.pack_format<interleaved>} : vector<32xbf16> -> vector<16xf32>
        %max3A_411 = arith.constant 0.000000e+00 : f32
        %max3A_412 = vector.broadcast %max3A_411 : f32 to vector<16xf32>
        %max3A_413 = arith.maximumf %unpack3A_409, %max3A_412 : vector<16xf32>
        %mul3A_414 = arith.mulf %max3A_413, %get3A_14 : vector<16xf32>
        %add3A_415 = arith.addf %broadcast_in_dim3A_401, %mul3A_414 : vector<16xf32>
        %max3A_416 = arith.constant 0.000000e+00 : f32
        %max3A_417 = vector.broadcast %max3A_416 : f32 to vector<16xf32>
        %max3A_418 = arith.maximumf %unpack3A_410, %max3A_417 : vector<16xf32>
        %mul3A_419 = arith.mulf %max3A_418, %get3A_16 : vector<16xf32>
        %add3A_420 = arith.addf %add3A_415, %mul3A_419 : vector<16xf32>
        %get3A_421 = arith.index_cast %add3A_399 : i32 to index
        %get3A_422 = arith.constant 32 : index
        %get3A_423 = tpu.vector_load %arg11[%get3A_421, %get3A_422] {strides = array<i32>} : memref<80x64xbf16, #tpu.memory_space<vmem>>, vector<32xbf16>,
        %get3A_424 = arith.index_cast %add3A_399 : i32 to index
        %get3A_425 = arith.constant 32 : index
        %get3A_426 = tpu.vector_load %arg12[%get3A_424, %get3A_425] {strides = array<i32>} : memref<80x64xbf16, #tpu.memory_space<vmem>>, vector<32xbf16>,
        %add3A_427 = arith.addf %get3A_423, %get3A_426 : vector<32xbf16>
        %unpack3A_428 = tpu.unpack_subelements %add3A_427, 0 {pack_format = #tpu.pack_format<interleaved>} : vector<32xbf16> -> vector<16xf32>
        %unpack3A_429 = tpu.unpack_subelements %add3A_427, 1 {pack_format = #tpu.pack_format<interleaved>} : vector<32xbf16> -> vector<16xf32>
        %max3A_430 = arith.constant 0.000000e+00 : f32
        %max3A_431 = vector.broadcast %max3A_430 : f32 to vector<16xf32>
        %max3A_432 = arith.maximumf %unpack3A_428, %max3A_431 : vector<16xf32>
        %mul3A_433 = arith.mulf %max3A_432, %get3A_18 : vector<16xf32>
        %add3A_434 = arith.addf %add3A_420, %mul3A_433 : vector<16xf32>
        %max3A_435 = arith.constant 0.000000e+00 : f32
        %max3A_436 = vector.broadcast %max3A_435 : f32 to vector<16xf32>
        %max3A_437 = arith.maximumf %unpack3A_429, %max3A_436 : vector<16xf32>
        %mul3A_438 = arith.mulf %max3A_437, %get3A_20 : vector<16xf32>
        %add3A_439 = arith.addf %add3A_434, %mul3A_438 : vector<16xf32>
        %add3A_440 = arith.constant 5 : i32
        %add3A_441 = arith.addi %mul3A_232, %add3A_440 : i32
        %broadcast_in_dim3A_442 = arith.constant 0.000000e+00 : f32
        %broadcast_in_dim3A_443 = vector.broadcast %broadcast_in_dim3A_442 : f32 to vector<16xf32>
        %get3A_444 = arith.index_cast %add3A_441 : i32 to index
        %get3A_445 = arith.constant 0 : index
        %get3A_446 = tpu.vector_load %arg11[%get3A_444, %get3A_445] {strides = array<i32>} : memref<80x64xbf16, #tpu.memory_space<vmem>>, vector<32xbf16>,
        %get3A_447 = arith.index_cast %add3A_441 : i32 to index
        %get3A_448 = arith.constant 0 : index
        %get3A_449 = tpu.vector_load %arg12[%get3A_447, %get3A_448] {strides = array<i32>} : memref<80x64xbf16, #tpu.memory_space<vmem>>, vector<32xbf16>,
        %add3A_450 = arith.addf %get3A_446, %get3A_449 : vector<32xbf16>
        %unpack3A_451 = tpu.unpack_subelements %add3A_450, 0 {pack_format = #tpu.pack_format<interleaved>} : vector<32xbf16> -> vector<16xf32>
        %unpack3A_452 = tpu.unpack_subelements %add3A_450, 1 {pack_format = #tpu.pack_format<interleaved>} : vector<32xbf16> -> vector<16xf32>
        %max3A_453 = arith.constant 0.000000e+00 : f32
        %max3A_454 = vector.broadcast %max3A_453 : f32 to vector<16xf32>
        %max3A_455 = arith.maximumf %unpack3A_451, %max3A_454 : vector<16xf32>
        %mul3A_456 = arith.mulf %max3A_455, %get3A_14 : vector<16xf32>
        %add3A_457 = arith.addf %broadcast_in_dim3A_443, %mul3A_456 : vector<16xf32>
        %max3A_458 = arith.constant 0.000000e+00 : f32
        %max3A_459 = vector.broadcast %max3A_458 : f32 to vector<16xf32>
        %max3A_460 = arith.maximumf %unpack3A_452, %max3A_459 : vector<16xf32>
        %mul3A_461 = arith.mulf %max3A_460, %get3A_16 : vector<16xf32>
        %add3A_462 = arith.addf %add3A_457, %mul3A_461 : vector<16xf32>
        %get3A_463 = arith.index_cast %add3A_441 : i32 to index
        %get3A_464 = arith.constant 32 : index
        %get3A_465 = tpu.vector_load %arg11[%get3A_463, %get3A_464] {strides = array<i32>} : memref<80x64xbf16, #tpu.memory_space<vmem>>, vector<32xbf16>,
        %get3A_466 = arith.index_cast %add3A_441 : i32 to index
        %get3A_467 = arith.constant 32 : index
        %get3A_468 = tpu.vector_load %arg12[%get3A_466, %get3A_467] {strides = array<i32>} : memref<80x64xbf16, #tpu.memory_space<vmem>>, vector<32xbf16>,
        %add3A_469 = arith.addf %get3A_465, %get3A_468 : vector<32xbf16>
        %unpack3A_470 = tpu.unpack_subelements %add3A_469, 0 {pack_format = #tpu.pack_format<interleaved>} : vector<32xbf16> -> vector<16xf32>
        %unpack3A_471 = tpu.unpack_subelements %add3A_469, 1 {pack_format = #tpu.pack_format<interleaved>} : vector<32xbf16> -> vector<16xf32>
        %max3A_472 = arith.constant 0.000000e+00 : f32
        %max3A_473 = vector.broadcast %max3A_472 : f32 to vector<16xf32>
        %max3A_474 = arith.maximumf %unpack3A_470, %max3A_473 : vector<16xf32>
        %mul3A_475 = arith.mulf %max3A_474, %get3A_18 : vector<16xf32>
        %add3A_476 = arith.addf %add3A_462, %mul3A_475 : vector<16xf32>
        %max3A_477 = arith.constant 0.000000e+00 : f32
        %max3A_478 = vector.broadcast %max3A_477 : f32 to vector<16xf32>
        %max3A_479 = arith.maximumf %unpack3A_471, %max3A_478 : vector<16xf32>
        %mul3A_480 = arith.mulf %max3A_479, %get3A_20 : vector<16xf32>
        %add3A_481 = arith.addf %add3A_476, %mul3A_480 : vector<16xf32>
        %add3A_482 = arith.constant 6 : i32
        %add3A_483 = arith.addi %mul3A_232, %add3A_482 : i32
        %broadcast_in_dim3A_484 = arith.constant 0.000000e+00 : f32
        %broadcast_in_dim3A_485 = vector.broadcast %broadcast_in_dim3A_484 : f32 to vector<16xf32>
        %get3A_486 = arith.index_cast %add3A_483 : i32 to index
        %get3A_487 = arith.constant 0 : index
        %get3A_488 = tpu.vector_load %arg11[%get3A_486, %get3A_487] {strides = array<i32>} : memref<80x64xbf16, #tpu.memory_space<vmem>>, vector<32xbf16>,
        %get3A_489 = arith.index_cast %add3A_483 : i32 to index
        %get3A_490 = arith.constant 0 : index
        %get3A_491 = tpu.vector_load %arg12[%get3A_489, %get3A_490] {strides = array<i32>} : memref<80x64xbf16, #tpu.memory_space<vmem>>, vector<32xbf16>,
        %add3A_492 = arith.addf %get3A_488, %get3A_491 : vector<32xbf16>
        %unpack3A_493 = tpu.unpack_subelements %add3A_492, 0 {pack_format = #tpu.pack_format<interleaved>} : vector<32xbf16> -> vector<16xf32>
        %unpack3A_494 = tpu.unpack_subelements %add3A_492, 1 {pack_format = #tpu.pack_format<interleaved>} : vector<32xbf16> -> vector<16xf32>
        %max3A_495 = arith.constant 0.000000e+00 : f32
        %max3A_496 = vector.broadcast %max3A_495 : f32 to vector<16xf32>
        %max3A_497 = arith.maximumf %unpack3A_493, %max3A_496 : vector<16xf32>
        %mul3A_498 = arith.mulf %max3A_497, %get3A_14 : vector<16xf32>
        %add3A_499 = arith.addf %broadcast_in_dim3A_485, %mul3A_498 : vector<16xf32>
        %max3A_500 = arith.constant 0.000000e+00 : f32
        %max3A_501 = vector.broadcast %max3A_500 : f32 to vector<16xf32>
        %max3A_502 = arith.maximumf %unpack3A_494, %max3A_501 : vector<16xf32>
        %mul3A_503 = arith.mulf %max3A_502, %get3A_16 : vector<16xf32>
        %add3A_504 = arith.addf %add3A_499, %mul3A_503 : vector<16xf32>
        %get3A_505 = arith.index_cast %add3A_483 : i32 to index
        %get3A_506 = arith.constant 32 : index
        %get3A_507 = tpu.vector_load %arg11[%get3A_505, %get3A_506] {strides = array<i32>} : memref<80x64xbf16, #tpu.memory_space<vmem>>, vector<32xbf16>,
        %get3A_508 = arith.index_cast %add3A_483 : i32 to index
        %get3A_509 = arith.constant 32 : index
        %get3A_510 = tpu.vector_load %arg12[%get3A_508, %get3A_509] {strides = array<i32>} : memref<80x64xbf16, #tpu.memory_space<vmem>>, vector<32xbf16>,
        %add3A_511 = arith.addf %get3A_507, %get3A_510 : vector<32xbf16>
        %unpack3A_512 = tpu.unpack_subelements %add3A_511, 0 {pack_format = #tpu.pack_format<interleaved>} : vector<32xbf16> -> vector<16xf32>
        %unpack3A_513 = tpu.unpack_subelements %add3A_511, 1 {pack_format = #tpu.pack_format<interleaved>} : vector<32xbf16> -> vector<16xf32>
        %max3A_514 = arith.constant 0.000000e+00 : f32
        %max3A_515 = vector.broadcast %max3A_514 : f32 to vector<16xf32>
        %max3A_516 = arith.maximumf %unpack3A_512, %max3A_515 : vector<16xf32>
        %mul3A_517 = arith.mulf %max3A_516, %get3A_18 : vector<16xf32>
        %add3A_518 = arith.addf %add3A_504, %mul3A_517 : vector<16xf32>
        %max3A_519 = arith.constant 0.000000e+00 : f32
        %max3A_520 = vector.broadcast %max3A_519 : f32 to vector<16xf32>
        %max3A_521 = arith.maximumf %unpack3A_513, %max3A_520 : vector<16xf32>
        %mul3A_522 = arith.mulf %max3A_521, %get3A_20 : vector<16xf32>
        %add3A_523 = arith.addf %add3A_518, %mul3A_522 : vector<16xf32>
        %add3A_524 = arith.constant 7 : i32
        %add3A_525 = arith.addi %mul3A_232, %add3A_524 : i32
        %broadcast_in_dim3A_526 = arith.constant 0.000000e+00 : f32
        %broadcast_in_dim3A_527 = vector.broadcast %broadcast_in_dim3A_526 : f32 to vector<16xf32>
        %get3A_528 = arith.index_cast %add3A_525 : i32 to index
        %get3A_529 = arith.constant 0 : index
        %get3A_530 = tpu.vector_load %arg11[%get3A_528, %get3A_529] {strides = array<i32>} : memref<80x64xbf16, #tpu.memory_space<vmem>>, vector<32xbf16>,
        %get3A_531 = arith.index_cast %add3A_525 : i32 to index
        %get3A_532 = arith.constant 0 : index
        %get3A_533 = tpu.vector_load %arg12[%get3A_531, %get3A_532] {strides = array<i32>} : memref<80x64xbf16, #tpu.memory_space<vmem>>, vector<32xbf16>,
        %add3A_534 = arith.addf %get3A_530, %get3A_533 : vector<32xbf16>
        %unpack3A_535 = tpu.unpack_subelements %add3A_534, 0 {pack_format = #tpu.pack_format<interleaved>} : vector<32xbf16> -> vector<16xf32>
        %unpack3A_536 = tpu.unpack_subelements %add3A_534, 1 {pack_format = #tpu.pack_format<interleaved>} : vector<32xbf16> -> vector<16xf32>
        %max3A_537 = arith.constant 0.000000e+00 : f32
        %max3A_538 = vector.broadcast %max3A_537 : f32 to vector<16xf32>
        %max3A_539 = arith.maximumf %unpack3A_535, %max3A_538 : vector<16xf32>
        %mul3A_540 = arith.mulf %max3A_539, %get3A_14 : vector<16xf32>
        %add3A_541 = arith.addf %broadcast_in_dim3A_527, %mul3A_540 : vector<16xf32>
        %max3A_542 = arith.constant 0.000000e+00 : f32
        %max3A_543 = vector.broadcast %max3A_542 : f32 to vector<16xf32>
        %max3A_544 = arith.maximumf %unpack3A_536, %max3A_543 : vector<16xf32>
        %mul3A_545 = arith.mulf %max3A_544, %get3A_16 : vector<16xf32>
        %add3A_546 = arith.addf %add3A_541, %mul3A_545 : vector<16xf32>
        %get3A_547 = arith.index_cast %add3A_525 : i32 to index
        %get3A_548 = arith.constant 32 : index
        %get3A_549 = tpu.vector_load %arg11[%get3A_547, %get3A_548] {strides = array<i32>} : memref<80x64xbf16, #tpu.memory_space<vmem>>, vector<32xbf16>,
        %get3A_550 = arith.index_cast %add3A_525 : i32 to index
        %get3A_551 = arith.constant 32 : index
        %get3A_552 = tpu.vector_load %arg12[%get3A_550, %get3A_551] {strides = array<i32>} : memref<80x64xbf16, #tpu.memory_space<vmem>>, vector<32xbf16>,
        %add3A_553 = arith.addf %get3A_549, %get3A_552 : vector<32xbf16>
        %unpack3A_554 = tpu.unpack_subelements %add3A_553, 0 {pack_format = #tpu.pack_format<interleaved>} : vector<32xbf16> -> vector<16xf32>
        %unpack3A_555 = tpu.unpack_subelements %add3A_553, 1 {pack_format = #tpu.pack_format<interleaved>} : vector<32xbf16> -> vector<16xf32>
        %max3A_556 = arith.constant 0.000000e+00 : f32
        %max3A_557 = vector.broadcast %max3A_556 : f32 to vector<16xf32>
        %max3A_558 = arith.maximumf %unpack3A_554, %max3A_557 : vector<16xf32>
        %mul3A_559 = arith.mulf %max3A_558, %get3A_18 : vector<16xf32>
        %add3A_560 = arith.addf %add3A_546, %mul3A_559 : vector<16xf32>
        %max3A_561 = arith.constant 0.000000e+00 : f32
        %max3A_562 = vector.broadcast %max3A_561 : f32 to vector<16xf32>
        %max3A_563 = arith.maximumf %unpack3A_555, %max3A_562 : vector<16xf32>
        %mul3A_564 = arith.mulf %max3A_563, %get3A_20 : vector<16xf32>
        %add3A_565 = arith.addf %add3A_560, %mul3A_564 : vector<16xf32>
        %add3A_566 = arith.constant 8 : i32
        %add3A_567 = arith.addi %mul3A_232, %add3A_566 : i32
        %broadcast_in_dim3A_568 = arith.constant 0.000000e+00 : f32
        %broadcast_in_dim3A_569 = vector.broadcast %broadcast_in_dim3A_568 : f32 to vector<16xf32>
        %get3A_570 = arith.index_cast %add3A_567 : i32 to index
        %get3A_571 = arith.constant 0 : index
        %get3A_572 = tpu.vector_load %arg11[%get3A_570, %get3A_571] {strides = array<i32>} : memref<80x64xbf16, #tpu.memory_space<vmem>>, vector<32xbf16>,
        %get3A_573 = arith.index_cast %add3A_567 : i32 to index
        %get3A_574 = arith.constant 0 : index
        %get3A_575 = tpu.vector_load %arg12[%get3A_573, %get3A_574] {strides = array<i32>} : memref<80x64xbf16, #tpu.memory_space<vmem>>, vector<32xbf16>,
        %add3A_576 = arith.addf %get3A_572, %get3A_575 : vector<32xbf16>
        %unpack3A_577 = tpu.unpack_subelements %add3A_576, 0 {pack_format = #tpu.pack_format<interleaved>} : vector<32xbf16> -> vector<16xf32>
        %unpack3A_578 = tpu.unpack_subelements %add3A_576, 1 {pack_format = #tpu.pack_format<interleaved>} : vector<32xbf16> -> vector<16xf32>
        %max3A_579 = arith.constant 0.000000e+00 : f32
        %max3A_580 = vector.broadcast %max3A_579 : f32 to vector<16xf32>
        %max3A_581 = arith.maximumf %unpack3A_577, %max3A_580 : vector<16xf32>
        %mul3A_582 = arith.mulf %max3A_581, %get3A_14 : vector<16xf32>
        %add3A_583 = arith.addf %broadcast_in_dim3A_569, %mul3A_582 : vector<16xf32>
        %max3A_584 = arith.constant 0.000000e+00 : f32
        %max3A_585 = vector.broadcast %max3A_584 : f32 to vector<16xf32>
        %max3A_586 = arith.maximumf %unpack3A_578, %max3A_585 : vector<16xf32>
        %mul3A_587 = arith.mulf %max3A_586, %get3A_16 : vector<16xf32>
        %add3A_588 = arith.addf %add3A_583, %mul3A_587 : vector<16xf32>
        %get3A_589 = arith.index_cast %add3A_567 : i32 to index
        %get3A_590 = arith.constant 32 : index
        %get3A_591 = tpu.vector_load %arg11[%get3A_589, %get3A_590] {strides = array<i32>} : memref<80x64xbf16, #tpu.memory_space<vmem>>, vector<32xbf16>,
        %get3A_592 = arith.index_cast %add3A_567 : i32 to index
        %get3A_593 = arith.constant 32 : index
        %get3A_594 = tpu.vector_load %arg12[%get3A_592, %get3A_593] {strides = array<i32>} : memref<80x64xbf16, #tpu.memory_space<vmem>>, vector<32xbf16>,
        %add3A_595 = arith.addf %get3A_591, %get3A_594 : vector<32xbf16>
        %unpack3A_596 = tpu.unpack_subelements %add3A_595, 0 {pack_format = #tpu.pack_format<interleaved>} : vector<32xbf16> -> vector<16xf32>
        %unpack3A_597 = tpu.unpack_subelements %add3A_595, 1 {pack_format = #tpu.pack_format<interleaved>} : vector<32xbf16> -> vector<16xf32>
        %max3A_598 = arith.constant 0.000000e+00 : f32
        %max3A_599 = vector.broadcast %max3A_598 : f32 to vector<16xf32>
        %max3A_600 = arith.maximumf %unpack3A_596, %max3A_599 : vector<16xf32>
        %mul3A_601 = arith.mulf %max3A_600, %get3A_18 : vector<16xf32>
        %add3A_602 = arith.addf %add3A_588, %mul3A_601 : vector<16xf32>
        %max3A_603 = arith.constant 0.000000e+00 : f32
        %max3A_604 = vector.broadcast %max3A_603 : f32 to vector<16xf32>
        %max3A_605 = arith.maximumf %unpack3A_597, %max3A_604 : vector<16xf32>
        %mul3A_606 = arith.mulf %max3A_605, %get3A_20 : vector<16xf32>
        %add3A_607 = arith.addf %add3A_602, %mul3A_606 : vector<16xf32>
        %add3A_608 = arith.constant 9 : i32
        %add3A_609 = arith.addi %mul3A_232, %add3A_608 : i32
        %broadcast_in_dim3A_610 = arith.constant 0.000000e+00 : f32
        %broadcast_in_dim3A_611 = vector.broadcast %broadcast_in_dim3A_610 : f32 to vector<16xf32>
        %get3A_612 = arith.index_cast %add3A_609 : i32 to index
        %get3A_613 = arith.constant 0 : index
        %get3A_614 = tpu.vector_load %arg11[%get3A_612, %get3A_613] {strides = array<i32>} : memref<80x64xbf16, #tpu.memory_space<vmem>>, vector<32xbf16>,
        %get3A_615 = arith.index_cast %add3A_609 : i32 to index
        %get3A_616 = arith.constant 0 : index
        %get3A_617 = tpu.vector_load %arg12[%get3A_615, %get3A_616] {strides = array<i32>} : memref<80x64xbf16, #tpu.memory_space<vmem>>, vector<32xbf16>,
        %add3A_618 = arith.addf %get3A_614, %get3A_617 : vector<32xbf16>
        %unpack3A_619 = tpu.unpack_subelements %add3A_618, 0 {pack_format = #tpu.pack_format<interleaved>} : vector<32xbf16> -> vector<16xf32>
        %unpack3A_620 = tpu.unpack_subelements %add3A_618, 1 {pack_format = #tpu.pack_format<interleaved>} : vector<32xbf16> -> vector<16xf32>
        %max3A_621 = arith.constant 0.000000e+00 : f32
        %max3A_622 = vector.broadcast %max3A_621 : f32 to vector<16xf32>
        %max3A_623 = arith.maximumf %unpack3A_619, %max3A_622 : vector<16xf32>
        %mul3A_624 = arith.mulf %max3A_623, %get3A_14 : vector<16xf32>
        %add3A_625 = arith.addf %broadcast_in_dim3A_611, %mul3A_624 : vector<16xf32>
        %max3A_626 = arith.constant 0.000000e+00 : f32
        %max3A_627 = vector.broadcast %max3A_626 : f32 to vector<16xf32>
        %max3A_628 = arith.maximumf %unpack3A_620, %max3A_627 : vector<16xf32>
        %mul3A_629 = arith.mulf %max3A_628, %get3A_16 : vector<16xf32>
        %add3A_630 = arith.addf %add3A_625, %mul3A_629 : vector<16xf32>
        %get3A_631 = arith.index_cast %add3A_609 : i32 to index
        %get3A_632 = arith.constant 32 : index
        %get3A_633 = tpu.vector_load %arg11[%get3A_631, %get3A_632] {strides = array<i32>} : memref<80x64xbf16, #tpu.memory_space<vmem>>, vector<32xbf16>,
        %get3A_634 = arith.index_cast %add3A_609 : i32 to index
        %get3A_635 = arith.constant 32 : index
        %get3A_636 = tpu.vector_load %arg12[%get3A_634, %get3A_635] {strides = array<i32>} : memref<80x64xbf16, #tpu.memory_space<vmem>>, vector<32xbf16>,
        %add3A_637 = arith.addf %get3A_633, %get3A_636 : vector<32xbf16>
        %unpack3A_638 = tpu.unpack_subelements %add3A_637, 0 {pack_format = #tpu.pack_format<interleaved>} : vector<32xbf16> -> vector<16xf32>
        %unpack3A_639 = tpu.unpack_subelements %add3A_637, 1 {pack_format = #tpu.pack_format<interleaved>} : vector<32xbf16> -> vector<16xf32>
        %max3A_640 = arith.constant 0.000000e+00 : f32
        %max3A_641 = vector.broadcast %max3A_640 : f32 to vector<16xf32>
        %max3A_642 = arith.maximumf %unpack3A_638, %max3A_641 : vector<16xf32>
        %mul3A_643 = arith.mulf %max3A_642, %get3A_18 : vector<16xf32>
        %add3A_644 = arith.addf %add3A_630, %mul3A_643 : vector<16xf32>
        %max3A_645 = arith.constant 0.000000e+00 : f32
        %max3A_646 = vector.broadcast %max3A_645 : f32 to vector<16xf32>
        %max3A_647 = arith.maximumf %unpack3A_639, %max3A_646 : vector<16xf32>
        %mul3A_648 = arith.mulf %max3A_647, %get3A_20 : vector<16xf32>
        %add3A_649 = arith.addf %add3A_644, %mul3A_648 : vector<16xf32>
        %add3A_650 = arith.constant 10 : i32
        %add3A_651 = arith.addi %mul3A_232, %add3A_650 : i32
        %broadcast_in_dim3A_652 = arith.constant 0.000000e+00 : f32
        %broadcast_in_dim3A_653 = vector.broadcast %broadcast_in_dim3A_652 : f32 to vector<16xf32>
        %get3A_654 = arith.index_cast %add3A_651 : i32 to index
        %get3A_655 = arith.constant 0 : index
        %get3A_656 = tpu.vector_load %arg11[%get3A_654, %get3A_655] {strides = array<i32>} : memref<80x64xbf16, #tpu.memory_space<vmem>>, vector<32xbf16>,
        %get3A_657 = arith.index_cast %add3A_651 : i32 to index
        %get3A_658 = arith.constant 0 : index
        %get3A_659 = tpu.vector_load %arg12[%get3A_657, %get3A_658] {strides = array<i32>} : memref<80x64xbf16, #tpu.memory_space<vmem>>, vector<32xbf16>,
        %add3A_660 = arith.addf %get3A_656, %get3A_659 : vector<32xbf16>
        %unpack3A_661 = tpu.unpack_subelements %add3A_660, 0 {pack_format = #tpu.pack_format<interleaved>} : vector<32xbf16> -> vector<16xf32>
        %unpack3A_662 = tpu.unpack_subelements %add3A_660, 1 {pack_format = #tpu.pack_format<interleaved>} : vector<32xbf16> -> vector<16xf32>
        %max3A_663 = arith.constant 0.000000e+00 : f32
        %max3A_664 = vector.broadcast %max3A_663 : f32 to vector<16xf32>
        %max3A_665 = arith.maximumf %unpack3A_661, %max3A_664 : vector<16xf32>
        %mul3A_666 = arith.mulf %max3A_665, %get3A_14 : vector<16xf32>
        %add3A_667 = arith.addf %broadcast_in_dim3A_653, %mul3A_666 : vector<16xf32>
        %max3A_668 = arith.constant 0.000000e+00 : f32
        %max3A_669 = vector.broadcast %max3A_668 : f32 to vector<16xf32>
        %max3A_670 = arith.maximumf %unpack3A_662, %max3A_669 : vector<16xf32>
        %mul3A_671 = arith.mulf %max3A_670, %get3A_16 : vector<16xf32>
        %add3A_672 = arith.addf %add3A_667, %mul3A_671 : vector<16xf32>
        %get3A_673 = arith.index_cast %add3A_651 : i32 to index
        %get3A_674 = arith.constant 32 : index
        %get3A_675 = tpu.vector_load %arg11[%get3A_673, %get3A_674] {strides = array<i32>} : memref<80x64xbf16, #tpu.memory_space<vmem>>, vector<32xbf16>,
        %get3A_676 = arith.index_cast %add3A_651 : i32 to index
        %get3A_677 = arith.constant 32 : index
        %get3A_678 = tpu.vector_load %arg12[%get3A_676, %get3A_677] {strides = array<i32>} : memref<80x64xbf16, #tpu.memory_space<vmem>>, vector<32xbf16>,
        %add3A_679 = arith.addf %get3A_675, %get3A_678 : vector<32xbf16>
        %unpack3A_680 = tpu.unpack_subelements %add3A_679, 0 {pack_format = #tpu.pack_format<interleaved>} : vector<32xbf16> -> vector<16xf32>
        %unpack3A_681 = tpu.unpack_subelements %add3A_679, 1 {pack_format = #tpu.pack_format<interleaved>} : vector<32xbf16> -> vector<16xf32>
        %max3A_682 = arith.constant 0.000000e+00 : f32
        %max3A_683 = vector.broadcast %max3A_682 : f32 to vector<16xf32>
        %max3A_684 = arith.maximumf %unpack3A_680, %max3A_683 : vector<16xf32>
        %mul3A_685 = arith.mulf %max3A_684, %get3A_18 : vector<16xf32>
        %add3A_686 = arith.addf %add3A_672, %mul3A_685 : vector<16xf32>
        %max3A_687 = arith.constant 0.000000e+00 : f32
        %max3A_688 = vector.broadcast %max3A_687 : f32 to vector<16xf32>
        %max3A_689 = arith.maximumf %unpack3A_681, %max3A_688 : vector<16xf32>
        %mul3A_690 = arith.mulf %max3A_689, %get3A_20 : vector<16xf32>
        %add3A_691 = arith.addf %add3A_686, %mul3A_690 : vector<16xf32>
        %add3A_692 = arith.constant 11 : i32
        %add3A_693 = arith.addi %mul3A_232, %add3A_692 : i32
        %broadcast_in_dim3A_694 = arith.constant 0.000000e+00 : f32
        %broadcast_in_dim3A_695 = vector.broadcast %broadcast_in_dim3A_694 : f32 to vector<16xf32>
        %get3A_696 = arith.index_cast %add3A_693 : i32 to index
        %get3A_697 = arith.constant 0 : index
        %get3A_698 = tpu.vector_load %arg11[%get3A_696, %get3A_697] {strides = array<i32>} : memref<80x64xbf16, #tpu.memory_space<vmem>>, vector<32xbf16>,
        %get3A_699 = arith.index_cast %add3A_693 : i32 to index
        %get3A_700 = arith.constant 0 : index
        %get3A_701 = tpu.vector_load %arg12[%get3A_699, %get3A_700] {strides = array<i32>} : memref<80x64xbf16, #tpu.memory_space<vmem>>, vector<32xbf16>,
        %add3A_702 = arith.addf %get3A_698, %get3A_701 : vector<32xbf16>
        %unpack3A_703 = tpu.unpack_subelements %add3A_702, 0 {pack_format = #tpu.pack_format<interleaved>} : vector<32xbf16> -> vector<16xf32>
        %unpack3A_704 = tpu.unpack_subelements %add3A_702, 1 {pack_format = #tpu.pack_format<interleaved>} : vector<32xbf16> -> vector<16xf32>
        %max3A_705 = arith.constant 0.000000e+00 : f32
        %max3A_706 = vector.broadcast %max3A_705 : f32 to vector<16xf32>
        %max3A_707 = arith.maximumf %unpack3A_703, %max3A_706 : vector<16xf32>
        %mul3A_708 = arith.mulf %max3A_707, %get3A_14 : vector<16xf32>
        %add3A_709 = arith.addf %broadcast_in_dim3A_695, %mul3A_708 : vector<16xf32>
        %max3A_710 = arith.constant 0.000000e+00 : f32
        %max3A_711 = vector.broadcast %max3A_710 : f32 to vector<16xf32>
        %max3A_712 = arith.maximumf %unpack3A_704, %max3A_711 : vector<16xf32>
        %mul3A_713 = arith.mulf %max3A_712, %get3A_16 : vector<16xf32>
        %add3A_714 = arith.addf %add3A_709, %mul3A_713 : vector<16xf32>
        %get3A_715 = arith.index_cast %add3A_693 : i32 to index
        %get3A_716 = arith.constant 32 : index
        %get3A_717 = tpu.vector_load %arg11[%get3A_715, %get3A_716] {strides = array<i32>} : memref<80x64xbf16, #tpu.memory_space<vmem>>, vector<32xbf16>,
        %get3A_718 = arith.index_cast %add3A_693 : i32 to index
        %get3A_719 = arith.constant 32 : index
        %get3A_720 = tpu.vector_load %arg12[%get3A_718, %get3A_719] {strides = array<i32>} : memref<80x64xbf16, #tpu.memory_space<vmem>>, vector<32xbf16>,
        %add3A_721 = arith.addf %get3A_717, %get3A_720 : vector<32xbf16>
        %unpack3A_722 = tpu.unpack_subelements %add3A_721, 0 {pack_format = #tpu.pack_format<interleaved>} : vector<32xbf16> -> vector<16xf32>
        %unpack3A_723 = tpu.unpack_subelements %add3A_721, 1 {pack_format = #tpu.pack_format<interleaved>} : vector<32xbf16> -> vector<16xf32>
        %max3A_724 = arith.constant 0.000000e+00 : f32
        %max3A_725 = vector.broadcast %max3A_724 : f32 to vector<16xf32>
        %max3A_726 = arith.maximumf %unpack3A_722, %max3A_725 : vector<16xf32>
        %mul3A_727 = arith.mulf %max3A_726, %get3A_18 : vector<16xf32>
        %add3A_728 = arith.addf %add3A_714, %mul3A_727 : vector<16xf32>
        %max3A_729 = arith.constant 0.000000e+00 : f32
        %max3A_730 = vector.broadcast %max3A_729 : f32 to vector<16xf32>
        %max3A_731 = arith.maximumf %unpack3A_723, %max3A_730 : vector<16xf32>
        %mul3A_732 = arith.mulf %max3A_731, %get3A_20 : vector<16xf32>
        %add3A_733 = arith.addf %add3A_728, %mul3A_732 : vector<16xf32>
        %add3A_734 = arith.constant 12 : i32
        %add3A_735 = arith.addi %mul3A_232, %add3A_734 : i32
        %broadcast_in_dim3A_736 = arith.constant 0.000000e+00 : f32
        %broadcast_in_dim3A_737 = vector.broadcast %broadcast_in_dim3A_736 : f32 to vector<16xf32>
        %get3A_738 = arith.index_cast %add3A_735 : i32 to index
        %get3A_739 = arith.constant 0 : index
        %get3A_740 = tpu.vector_load %arg11[%get3A_738, %get3A_739] {strides = array<i32>} : memref<80x64xbf16, #tpu.memory_space<vmem>>, vector<32xbf16>,
        %get3A_741 = arith.index_cast %add3A_735 : i32 to index
        %get3A_742 = arith.constant 0 : index
        %get3A_743 = tpu.vector_load %arg12[%get3A_741, %get3A_742] {strides = array<i32>} : memref<80x64xbf16, #tpu.memory_space<vmem>>, vector<32xbf16>,
        %add3A_744 = arith.addf %get3A_740, %get3A_743 : vector<32xbf16>
        %unpack3A_745 = tpu.unpack_subelements %add3A_744, 0 {pack_format = #tpu.pack_format<interleaved>} : vector<32xbf16> -> vector<16xf32>
        %unpack3A_746 = tpu.unpack_subelements %add3A_744, 1 {pack_format = #tpu.pack_format<interleaved>} : vector<32xbf16> -> vector<16xf32>
        %max3A_747 = arith.constant 0.000000e+00 : f32
        %max3A_748 = vector.broadcast %max3A_747 : f32 to vector<16xf32>
        %max3A_749 = arith.maximumf %unpack3A_745, %max3A_748 : vector<16xf32>
        %mul3A_750 = arith.mulf %max3A_749, %get3A_14 : vector<16xf32>
        %add3A_751 = arith.addf %broadcast_in_dim3A_737, %mul3A_750 : vector<16xf32>
        %max3A_752 = arith.constant 0.000000e+00 : f32
        %max3A_753 = vector.broadcast %max3A_752 : f32 to vector<16xf32>
        %max3A_754 = arith.maximumf %unpack3A_746, %max3A_753 : vector<16xf32>
        %mul3A_755 = arith.mulf %max3A_754, %get3A_16 : vector<16xf32>
        %add3A_756 = arith.addf %add3A_751, %mul3A_755 : vector<16xf32>
        %get3A_757 = arith.index_cast %add3A_735 : i32 to index
        %get3A_758 = arith.constant 32 : index
        %get3A_759 = tpu.vector_load %arg11[%get3A_757, %get3A_758] {strides = array<i32>} : memref<80x64xbf16, #tpu.memory_space<vmem>>, vector<32xbf16>,
        %get3A_760 = arith.index_cast %add3A_735 : i32 to index
        %get3A_761 = arith.constant 32 : index
        %get3A_762 = tpu.vector_load %arg12[%get3A_760, %get3A_761] {strides = array<i32>} : memref<80x64xbf16, #tpu.memory_space<vmem>>, vector<32xbf16>,
        %add3A_763 = arith.addf %get3A_759, %get3A_762 : vector<32xbf16>
        %unpack3A_764 = tpu.unpack_subelements %add3A_763, 0 {pack_format = #tpu.pack_format<interleaved>} : vector<32xbf16> -> vector<16xf32>
        %unpack3A_765 = tpu.unpack_subelements %add3A_763, 1 {pack_format = #tpu.pack_format<interleaved>} : vector<32xbf16> -> vector<16xf32>
        %max3A_766 = arith.constant 0.000000e+00 : f32
        %max3A_767 = vector.broadcast %max3A_766 : f32 to vector<16xf32>
        %max3A_768 = arith.maximumf %unpack3A_764, %max3A_767 : vector<16xf32>
        %mul3A_769 = arith.mulf %max3A_768, %get3A_18 : vector<16xf32>
        %add3A_770 = arith.addf %add3A_756, %mul3A_769 : vector<16xf32>
        %max3A_771 = arith.constant 0.000000e+00 : f32
        %max3A_772 = vector.broadcast %max3A_771 : f32 to vector<16xf32>
        %max3A_773 = arith.maximumf %unpack3A_765, %max3A_772 : vector<16xf32>
        %mul3A_774 = arith.mulf %max3A_773, %get3A_20 : vector<16xf32>
        %add3A_775 = arith.addf %add3A_770, %mul3A_774 : vector<16xf32>
        %add3A_776 = arith.constant 13 : i32
        %add3A_777 = arith.addi %mul3A_232, %add3A_776 : i32
        %broadcast_in_dim3A_778 = arith.constant 0.000000e+00 : f32
        %broadcast_in_dim3A_779 = vector.broadcast %broadcast_in_dim3A_778 : f32 to vector<16xf32>
        %get3A_780 = arith.index_cast %add3A_777 : i32 to index
        %get3A_781 = arith.constant 0 : index
        %get3A_782 = tpu.vector_load %arg11[%get3A_780, %get3A_781] {strides = array<i32>} : memref<80x64xbf16, #tpu.memory_space<vmem>>, vector<32xbf16>,
        %get3A_783 = arith.index_cast %add3A_777 : i32 to index
        %get3A_784 = arith.constant 0 : index
        %get3A_785 = tpu.vector_load %arg12[%get3A_783, %get3A_784] {strides = array<i32>} : memref<80x64xbf16, #tpu.memory_space<vmem>>, vector<32xbf16>,
        %add3A_786 = arith.addf %get3A_782, %get3A_785 : vector<32xbf16>
        %unpack3A_787 = tpu.unpack_subelements %add3A_786, 0 {pack_format = #tpu.pack_format<interleaved>} : vector<32xbf16> -> vector<16xf32>
        %unpack3A_788 = tpu.unpack_subelements %add3A_786, 1 {pack_format = #tpu.pack_format<interleaved>} : vector<32xbf16> -> vector<16xf32>
        %max3A_789 = arith.constant 0.000000e+00 : f32
        %max3A_790 = vector.broadcast %max3A_789 : f32 to vector<16xf32>
        %max3A_791 = arith.maximumf %unpack3A_787, %max3A_790 : vector<16xf32>
        %mul3A_792 = arith.mulf %max3A_791, %get3A_14 : vector<16xf32>
        %add3A_793 = arith.addf %broadcast_in_dim3A_779, %mul3A_792 : vector<16xf32>
        %max3A_794 = arith.constant 0.000000e+00 : f32
        %max3A_795 = vector.broadcast %max3A_794 : f32 to vector<16xf32>
        %max3A_796 = arith.maximumf %unpack3A_788, %max3A_795 : vector<16xf32>
        %mul3A_797 = arith.mulf %max3A_796, %get3A_16 : vector<16xf32>
        %add3A_798 = arith.addf %add3A_793, %mul3A_797 : vector<16xf32>
        %get3A_799 = arith.index_cast %add3A_777 : i32 to index
        %get3A_800 = arith.constant 32 : index
        %get3A_801 = tpu.vector_load %arg11[%get3A_799, %get3A_800] {strides = array<i32>} : memref<80x64xbf16, #tpu.memory_space<vmem>>, vector<32xbf16>,
        %get3A_802 = arith.index_cast %add3A_777 : i32 to index
        %get3A_803 = arith.constant 32 : index
        %get3A_804 = tpu.vector_load %arg12[%get3A_802, %get3A_803] {strides = array<i32>} : memref<80x64xbf16, #tpu.memory_space<vmem>>, vector<32xbf16>,
        %add3A_805 = arith.addf %get3A_801, %get3A_804 : vector<32xbf16>
        %unpack3A_806 = tpu.unpack_subelements %add3A_805, 0 {pack_format = #tpu.pack_format<interleaved>} : vector<32xbf16> -> vector<16xf32>
        %unpack3A_807 = tpu.unpack_subelements %add3A_805, 1 {pack_format = #tpu.pack_format<interleaved>} : vector<32xbf16> -> vector<16xf32>
        %max3A_808 = arith.constant 0.000000e+00 : f32
        %max3A_809 = vector.broadcast %max3A_808 : f32 to vector<16xf32>
        %max3A_810 = arith.maximumf %unpack3A_806, %max3A_809 : vector<16xf32>
        %mul3A_811 = arith.mulf %max3A_810, %get3A_18 : vector<16xf32>
        %add3A_812 = arith.addf %add3A_798, %mul3A_811 : vector<16xf32>
        %max3A_813 = arith.constant 0.000000e+00 : f32
        %max3A_814 = vector.broadcast %max3A_813 : f32 to vector<16xf32>
        %max3A_815 = arith.maximumf %unpack3A_807, %max3A_814 : vector<16xf32>
        %mul3A_816 = arith.mulf %max3A_815, %get3A_20 : vector<16xf32>
        %add3A_817 = arith.addf %add3A_812, %mul3A_816 : vector<16xf32>
        %add3A_818 = arith.constant 14 : i32
        %add3A_819 = arith.addi %mul3A_232, %add3A_818 : i32
        %broadcast_in_dim3A_820 = arith.constant 0.000000e+00 : f32
        %broadcast_in_dim3A_821 = vector.broadcast %broadcast_in_dim3A_820 : f32 to vector<16xf32>
        %get3A_822 = arith.index_cast %add3A_819 : i32 to index
        %get3A_823 = arith.constant 0 : index
        %get3A_824 = tpu.vector_load %arg11[%get3A_822, %get3A_823] {strides = array<i32>} : memref<80x64xbf16, #tpu.memory_space<vmem>>, vector<32xbf16>,
        %get3A_825 = arith.index_cast %add3A_819 : i32 to index
        %get3A_826 = arith.constant 0 : index
        %get3A_827 = tpu.vector_load %arg12[%get3A_825, %get3A_826] {strides = array<i32>} : memref<80x64xbf16, #tpu.memory_space<vmem>>, vector<32xbf16>,
        %add3A_828 = arith.addf %get3A_824, %get3A_827 : vector<32xbf16>
        %unpack3A_829 = tpu.unpack_subelements %add3A_828, 0 {pack_format = #tpu.pack_format<interleaved>} : vector<32xbf16> -> vector<16xf32>
        %unpack3A_830 = tpu.unpack_subelements %add3A_828, 1 {pack_format = #tpu.pack_format<interleaved>} : vector<32xbf16> -> vector<16xf32>
        %max3A_831 = arith.constant 0.000000e+00 : f32
        %max3A_832 = vector.broadcast %max3A_831 : f32 to vector<16xf32>
        %max3A_833 = arith.maximumf %unpack3A_829, %max3A_832 : vector<16xf32>
        %mul3A_834 = arith.mulf %max3A_833, %get3A_14 : vector<16xf32>
        %add3A_835 = arith.addf %broadcast_in_dim3A_821, %mul3A_834 : vector<16xf32>
        %max3A_836 = arith.constant 0.000000e+00 : f32
        %max3A_837 = vector.broadcast %max3A_836 : f32 to vector<16xf32>
        %max3A_838 = arith.maximumf %unpack3A_830, %max3A_837 : vector<16xf32>
        %mul3A_839 = arith.mulf %max3A_838, %get3A_16 : vector<16xf32>
        %add3A_840 = arith.addf %add3A_835, %mul3A_839 : vector<16xf32>
        %get3A_841 = arith.index_cast %add3A_819 : i32 to index
        %get3A_842 = arith.constant 32 : index
        %get3A_843 = tpu.vector_load %arg11[%get3A_841, %get3A_842] {strides = array<i32>} : memref<80x64xbf16, #tpu.memory_space<vmem>>, vector<32xbf16>,
        %get3A_844 = arith.index_cast %add3A_819 : i32 to index
        %get3A_845 = arith.constant 32 : index
        %get3A_846 = tpu.vector_load %arg12[%get3A_844, %get3A_845] {strides = array<i32>} : memref<80x64xbf16, #tpu.memory_space<vmem>>, vector<32xbf16>,
        %add3A_847 = arith.addf %get3A_843, %get3A_846 : vector<32xbf16>
        %unpack3A_848 = tpu.unpack_subelements %add3A_847, 0 {pack_format = #tpu.pack_format<interleaved>} : vector<32xbf16> -> vector<16xf32>
        %unpack3A_849 = tpu.unpack_subelements %add3A_847, 1 {pack_format = #tpu.pack_format<interleaved>} : vector<32xbf16> -> vector<16xf32>
        %max3A_850 = arith.constant 0.000000e+00 : f32
        %max3A_851 = vector.broadcast %max3A_850 : f32 to vector<16xf32>
        %max3A_852 = arith.maximumf %unpack3A_848, %max3A_851 : vector<16xf32>
        %mul3A_853 = arith.mulf %max3A_852, %get3A_18 : vector<16xf32>
        %add3A_854 = arith.addf %add3A_840, %mul3A_853 : vector<16xf32>
        %max3A_855 = arith.constant 0.000000e+00 : f32
        %max3A_856 = vector.broadcast %max3A_855 : f32 to vector<16xf32>
        %max3A_857 = arith.maximumf %unpack3A_849, %max3A_856 : vector<16xf32>
        %mul3A_858 = arith.mulf %max3A_857, %get3A_20 : vector<16xf32>
        %add3A_859 = arith.addf %add3A_854, %mul3A_858 : vector<16xf32>
        %add3A_860 = arith.constant 15 : i32
        %add3A_861 = arith.addi %mul3A_232, %add3A_860 : i32
        %broadcast_in_dim3A_862 = arith.constant 0.000000e+00 : f32
        %broadcast_in_dim3A_863 = vector.broadcast %broadcast_in_dim3A_862 : f32 to vector<16xf32>
        %get3A_864 = arith.index_cast %add3A_861 : i32 to index
        %get3A_865 = arith.constant 0 : index
        %get3A_866 = tpu.vector_load %arg11[%get3A_864, %get3A_865] {strides = array<i32>} : memref<80x64xbf16, #tpu.memory_space<vmem>>, vector<32xbf16>,
        %get3A_867 = arith.index_cast %add3A_861 : i32 to index
        %get3A_868 = arith.constant 0 : index
        %get3A_869 = tpu.vector_load %arg12[%get3A_867, %get3A_868] {strides = array<i32>} : memref<80x64xbf16, #tpu.memory_space<vmem>>, vector<32xbf16>,
        %add3A_870 = arith.addf %get3A_866, %get3A_869 : vector<32xbf16>
        %unpack3A_871 = tpu.unpack_subelements %add3A_870, 0 {pack_format = #tpu.pack_format<interleaved>} : vector<32xbf16> -> vector<16xf32>
        %unpack3A_872 = tpu.unpack_subelements %add3A_870, 1 {pack_format = #tpu.pack_format<interleaved>} : vector<32xbf16> -> vector<16xf32>
        %max3A_873 = arith.constant 0.000000e+00 : f32
        %max3A_874 = vector.broadcast %max3A_873 : f32 to vector<16xf32>
        %max3A_875 = arith.maximumf %unpack3A_871, %max3A_874 : vector<16xf32>
        %mul3A_876 = arith.mulf %max3A_875, %get3A_14 : vector<16xf32>
        %add3A_877 = arith.addf %broadcast_in_dim3A_863, %mul3A_876 : vector<16xf32>
        %max3A_878 = arith.constant 0.000000e+00 : f32
        %max3A_879 = vector.broadcast %max3A_878 : f32 to vector<16xf32>
        %max3A_880 = arith.maximumf %unpack3A_872, %max3A_879 : vector<16xf32>
        %mul3A_881 = arith.mulf %max3A_880, %get3A_16 : vector<16xf32>
        %add3A_882 = arith.addf %add3A_877, %mul3A_881 : vector<16xf32>
        %get3A_883 = arith.index_cast %add3A_861 : i32 to index
        %get3A_884 = arith.constant 32 : index
        %get3A_885 = tpu.vector_load %arg11[%get3A_883, %get3A_884] {strides = array<i32>} : memref<80x64xbf16, #tpu.memory_space<vmem>>, vector<32xbf16>,
        %get3A_886 = arith.index_cast %add3A_861 : i32 to index
        %get3A_887 = arith.constant 32 : index
        %get3A_888 = tpu.vector_load %arg12[%get3A_886, %get3A_887] {strides = array<i32>} : memref<80x64xbf16, #tpu.memory_space<vmem>>, vector<32xbf16>,
        %add3A_889 = arith.addf %get3A_885, %get3A_888 : vector<32xbf16>
        %unpack3A_890 = tpu.unpack_subelements %add3A_889, 0 {pack_format = #tpu.pack_format<interleaved>} : vector<32xbf16> -> vector<16xf32>
        %unpack3A_891 = tpu.unpack_subelements %add3A_889, 1 {pack_format = #tpu.pack_format<interleaved>} : vector<32xbf16> -> vector<16xf32>
        %max3A_892 = arith.constant 0.000000e+00 : f32
        %max3A_893 = vector.broadcast %max3A_892 : f32 to vector<16xf32>
        %max3A_894 = arith.maximumf %unpack3A_890, %max3A_893 : vector<16xf32>
        %mul3A_895 = arith.mulf %max3A_894, %get3A_18 : vector<16xf32>
        %add3A_896 = arith.addf %add3A_882, %mul3A_895 : vector<16xf32>
        %max3A_897 = arith.constant 0.000000e+00 : f32
        %max3A_898 = vector.broadcast %max3A_897 : f32 to vector<16xf32>
        %max3A_899 = arith.maximumf %unpack3A_891, %max3A_898 : vector<16xf32>
        %mul3A_900 = arith.mulf %max3A_899, %get3A_20 : vector<16xf32>
        %add3A_901 = arith.addf %add3A_896, %mul3A_900 : vector<16xf32>
        %select_n3A = arith.select %ne3A_37, %add3A_313, %add3A_271 : vector<16xi1>, vector<16xf32>
        %select_n3A_902 = arith.select %ne3A_37, %add3A_271, %add3A_313 : vector<16xi1>, vector<16xf32>
        %lt3A = arith.constant 0 : i32
        %lt3A_903 = vector.broadcast %lt3A : i32 to vector<16xi32>
        %lt3A_904 = arith.cmpi slt, %xor3A_24, %lt3A_903 : vector<16xi32>
        %add3A_905 = arith.constant 16 : i32
        %add3A_906 = vector.broadcast %add3A_905 : i32 to vector<16xi32>
        %add3A_907 = arith.addi %xor3A_24, %add3A_906 : vector<16xi32>
        %select_n3A_908 = arith.select %lt3A_904, %add3A_907, %xor3A_24 : vector<16xi1>, vector<16xi32>
        %broadcast_in_dim3A_909 = vector.shape_cast %select_n3A_908 : vector<16xi32> to vector<16x1xi32>
        %gather3A = vector.shape_cast %broadcast_in_dim3A_909 : vector<16x1xi32> to vector<16xi32>
        %gather3A_910 = tpu.dynamic_gather %select_n3A_902[%gather3A] in [0] : vector<16xf32>, vector<16xi32> -> vector<16xf32>
        %add3A_911 = arith.addf %select_n3A, %gather3A_910 : vector<16xf32>
        %select_n3A_912 = arith.select %ne3A_37, %add3A_397, %add3A_355 : vector<16xi1>, vector<16xf32>
        %select_n3A_913 = arith.select %ne3A_37, %add3A_355, %add3A_397 : vector<16xi1>, vector<16xf32>
        %lt3A_914 = arith.constant 0 : i32
        %lt3A_915 = vector.broadcast %lt3A_914 : i32 to vector<16xi32>
        %lt3A_916 = arith.cmpi slt, %xor3A_24, %lt3A_915 : vector<16xi32>
        %add3A_917 = arith.constant 16 : i32
        %add3A_918 = vector.broadcast %add3A_917 : i32 to vector<16xi32>
        %add3A_919 = arith.addi %xor3A_24, %add3A_918 : vector<16xi32>
        %select_n3A_920 = arith.select %lt3A_916, %add3A_919, %xor3A_24 : vector<16xi1>, vector<16xi32>
        %broadcast_in_dim3A_921 = vector.shape_cast %select_n3A_920 : vector<16xi32> to vector<16x1xi32>
        %gather3A_922 = vector.shape_cast %broadcast_in_dim3A_921 : vector<16x1xi32> to vector<16xi32>
        %gather3A_923 = tpu.dynamic_gather %select_n3A_913[%gather3A_922] in [0] : vector<16xf32>, vector<16xi32> -> vector<16xf32>
        %add3A_924 = arith.addf %select_n3A_912, %gather3A_923 : vector<16xf32>
        %select_n3A_925 = arith.select %ne3A_37, %add3A_481, %add3A_439 : vector<16xi1>, vector<16xf32>
        %select_n3A_926 = arith.select %ne3A_37, %add3A_439, %add3A_481 : vector<16xi1>, vector<16xf32>
        %lt3A_927 = arith.constant 0 : i32
        %lt3A_928 = vector.broadcast %lt3A_927 : i32 to vector<16xi32>
        %lt3A_929 = arith.cmpi slt, %xor3A_24, %lt3A_928 : vector<16xi32>
        %add3A_930 = arith.constant 16 : i32
        %add3A_931 = vector.broadcast %add3A_930 : i32 to vector<16xi32>
        %add3A_932 = arith.addi %xor3A_24, %add3A_931 : vector<16xi32>
        %select_n3A_933 = arith.select %lt3A_929, %add3A_932, %xor3A_24 : vector<16xi1>, vector<16xi32>
        %broadcast_in_dim3A_934 = vector.shape_cast %select_n3A_933 : vector<16xi32> to vector<16x1xi32>
        %gather3A_935 = vector.shape_cast %broadcast_in_dim3A_934 : vector<16x1xi32> to vector<16xi32>
        %gather3A_936 = tpu.dynamic_gather %select_n3A_926[%gather3A_935] in [0] : vector<16xf32>, vector<16xi32> -> vector<16xf32>
        %add3A_937 = arith.addf %select_n3A_925, %gather3A_936 : vector<16xf32>
        %select_n3A_938 = arith.select %ne3A_37, %add3A_565, %add3A_523 : vector<16xi1>, vector<16xf32>
        %select_n3A_939 = arith.select %ne3A_37, %add3A_523, %add3A_565 : vector<16xi1>, vector<16xf32>
        %lt3A_940 = arith.constant 0 : i32
        %lt3A_941 = vector.broadcast %lt3A_940 : i32 to vector<16xi32>
        %lt3A_942 = arith.cmpi slt, %xor3A_24, %lt3A_941 : vector<16xi32>
        %add3A_943 = arith.constant 16 : i32
        %add3A_944 = vector.broadcast %add3A_943 : i32 to vector<16xi32>
        %add3A_945 = arith.addi %xor3A_24, %add3A_944 : vector<16xi32>
        %select_n3A_946 = arith.select %lt3A_942, %add3A_945, %xor3A_24 : vector<16xi1>, vector<16xi32>
        %broadcast_in_dim3A_947 = vector.shape_cast %select_n3A_946 : vector<16xi32> to vector<16x1xi32>
        %gather3A_948 = vector.shape_cast %broadcast_in_dim3A_947 : vector<16x1xi32> to vector<16xi32>
        %gather3A_949 = tpu.dynamic_gather %select_n3A_939[%gather3A_948] in [0] : vector<16xf32>, vector<16xi32> -> vector<16xf32>
        %add3A_950 = arith.addf %select_n3A_938, %gather3A_949 : vector<16xf32>
        %select_n3A_951 = arith.select %ne3A_37, %add3A_649, %add3A_607 : vector<16xi1>, vector<16xf32>
        %select_n3A_952 = arith.select %ne3A_37, %add3A_607, %add3A_649 : vector<16xi1>, vector<16xf32>
        %lt3A_953 = arith.constant 0 : i32
        %lt3A_954 = vector.broadcast %lt3A_953 : i32 to vector<16xi32>
        %lt3A_955 = arith.cmpi slt, %xor3A_24, %lt3A_954 : vector<16xi32>
        %add3A_956 = arith.constant 16 : i32
        %add3A_957 = vector.broadcast %add3A_956 : i32 to vector<16xi32>
        %add3A_958 = arith.addi %xor3A_24, %add3A_957 : vector<16xi32>
        %select_n3A_959 = arith.select %lt3A_955, %add3A_958, %xor3A_24 : vector<16xi1>, vector<16xi32>
        %broadcast_in_dim3A_960 = vector.shape_cast %select_n3A_959 : vector<16xi32> to vector<16x1xi32>
        %gather3A_961 = vector.shape_cast %broadcast_in_dim3A_960 : vector<16x1xi32> to vector<16xi32>
        %gather3A_962 = tpu.dynamic_gather %select_n3A_952[%gather3A_961] in [0] : vector<16xf32>, vector<16xi32> -> vector<16xf32>
        %add3A_963 = arith.addf %select_n3A_951, %gather3A_962 : vector<16xf32>
        %select_n3A_964 = arith.select %ne3A_37, %add3A_733, %add3A_691 : vector<16xi1>, vector<16xf32>
        %select_n3A_965 = arith.select %ne3A_37, %add3A_691, %add3A_733 : vector<16xi1>, vector<16xf32>
        %lt3A_966 = arith.constant 0 : i32
        %lt3A_967 = vector.broadcast %lt3A_966 : i32 to vector<16xi32>
        %lt3A_968 = arith.cmpi slt, %xor3A_24, %lt3A_967 : vector<16xi32>
        %add3A_969 = arith.constant 16 : i32
        %add3A_970 = vector.broadcast %add3A_969 : i32 to vector<16xi32>
        %add3A_971 = arith.addi %xor3A_24, %add3A_970 : vector<16xi32>
        %select_n3A_972 = arith.select %lt3A_968, %add3A_971, %xor3A_24 : vector<16xi1>, vector<16xi32>
        %broadcast_in_dim3A_973 = vector.shape_cast %select_n3A_972 : vector<16xi32> to vector<16x1xi32>
        %gather3A_974 = vector.shape_cast %broadcast_in_dim3A_973 : vector<16x1xi32> to vector<16xi32>
        %gather3A_975 = tpu.dynamic_gather %select_n3A_965[%gather3A_974] in [0] : vector<16xf32>, vector<16xi32> -> vector<16xf32>
        %add3A_976 = arith.addf %select_n3A_964, %gather3A_975 : vector<16xf32>
        %select_n3A_977 = arith.select %ne3A_37, %add3A_817, %add3A_775 : vector<16xi1>, vector<16xf32>
        %select_n3A_978 = arith.select %ne3A_37, %add3A_775, %add3A_817 : vector<16xi1>, vector<16xf32>
        %lt3A_979 = arith.constant 0 : i32
        %lt3A_980 = vector.broadcast %lt3A_979 : i32 to vector<16xi32>
        %lt3A_981 = arith.cmpi slt, %xor3A_24, %lt3A_980 : vector<16xi32>
        %add3A_982 = arith.constant 16 : i32
        %add3A_983 = vector.broadcast %add3A_982 : i32 to vector<16xi32>
        %add3A_984 = arith.addi %xor3A_24, %add3A_983 : vector<16xi32>
        %select_n3A_985 = arith.select %lt3A_981, %add3A_984, %xor3A_24 : vector<16xi1>, vector<16xi32>
        %broadcast_in_dim3A_986 = vector.shape_cast %select_n3A_985 : vector<16xi32> to vector<16x1xi32>
        %gather3A_987 = vector.shape_cast %broadcast_in_dim3A_986 : vector<16x1xi32> to vector<16xi32>
        %gather3A_988 = tpu.dynamic_gather %select_n3A_978[%gather3A_987] in [0] : vector<16xf32>, vector<16xi32> -> vector<16xf32>
        %add3A_989 = arith.addf %select_n3A_977, %gather3A_988 : vector<16xf32>
        %select_n3A_990 = arith.select %ne3A_37, %add3A_901, %add3A_859 : vector<16xi1>, vector<16xf32>
        %select_n3A_991 = arith.select %ne3A_37, %add3A_859, %add3A_901 : vector<16xi1>, vector<16xf32>
        %lt3A_992 = arith.constant 0 : i32
        %lt3A_993 = vector.broadcast %lt3A_992 : i32 to vector<16xi32>
        %lt3A_994 = arith.cmpi slt, %xor3A_24, %lt3A_993 : vector<16xi32>
        %add3A_995 = arith.constant 16 : i32
        %add3A_996 = vector.broadcast %add3A_995 : i32 to vector<16xi32>
        %add3A_997 = arith.addi %xor3A_24, %add3A_996 : vector<16xi32>
        %select_n3A_998 = arith.select %lt3A_994, %add3A_997, %xor3A_24 : vector<16xi1>, vector<16xi32>
        %broadcast_in_dim3A_999 = vector.shape_cast %select_n3A_998 : vector<16xi32> to vector<16x1xi32>
        %gather3A_1000 = vector.shape_cast %broadcast_in_dim3A_999 : vector<16x1xi32> to vector<16xi32>
        %gather3A_1001 = tpu.dynamic_gather %select_n3A_991[%gather3A_1000] in [0] : vector<16xf32>, vector<16xi32> -> vector<16xf32>
        %add3A_1002 = arith.addf %select_n3A_990, %gather3A_1001 : vector<16xf32>
        %select_n3A_1003 = arith.select %ne3A_43, %add3A_924, %add3A_911 : vector<16xi1>, vector<16xf32>
        %select_n3A_1004 = arith.select %ne3A_43, %add3A_911, %add3A_924 : vector<16xi1>, vector<16xf32>
        %lt3A_1005 = arith.constant 0 : i32
        %lt3A_1006 = vector.broadcast %lt3A_1005 : i32 to vector<16xi32>
        %lt3A_1007 = arith.cmpi slt, %xor3A_27, %lt3A_1006 : vector<16xi32>
        %add3A_1008 = arith.constant 16 : i32
        %add3A_1009 = vector.broadcast %add3A_1008 : i32 to vector<16xi32>
        %add3A_1010 = arith.addi %xor3A_27, %add3A_1009 : vector<16xi32>
        %select_n3A_1011 = arith.select %lt3A_1007, %add3A_1010, %xor3A_27 : vector<16xi1>, vector<16xi32>
        %broadcast_in_dim3A_1012 = vector.shape_cast %select_n3A_1011 : vector<16xi32> to vector<16x1xi32>
        %gather3A_1013 = vector.shape_cast %broadcast_in_dim3A_1012 : vector<16x1xi32> to vector<16xi32>
        %gather3A_1014 = tpu.dynamic_gather %select_n3A_1004[%gather3A_1013] in [0] : vector<16xf32>, vector<16xi32> -> vector<16xf32>
        %add3A_1015 = arith.addf %select_n3A_1003, %gather3A_1014 : vector<16xf32>
        %select_n3A_1016 = arith.select %ne3A_43, %add3A_950, %add3A_937 : vector<16xi1>, vector<16xf32>
        %select_n3A_1017 = arith.select %ne3A_43, %add3A_937, %add3A_950 : vector<16xi1>, vector<16xf32>
        %lt3A_1018 = arith.constant 0 : i32
        %lt3A_1019 = vector.broadcast %lt3A_1018 : i32 to vector<16xi32>
        %lt3A_1020 = arith.cmpi slt, %xor3A_27, %lt3A_1019 : vector<16xi32>
        %add3A_1021 = arith.constant 16 : i32
        %add3A_1022 = vector.broadcast %add3A_1021 : i32 to vector<16xi32>
        %add3A_1023 = arith.addi %xor3A_27, %add3A_1022 : vector<16xi32>
        %select_n3A_1024 = arith.select %lt3A_1020, %add3A_1023, %xor3A_27 : vector<16xi1>, vector<16xi32>
        %broadcast_in_dim3A_1025 = vector.shape_cast %select_n3A_1024 : vector<16xi32> to vector<16x1xi32>
        %gather3A_1026 = vector.shape_cast %broadcast_in_dim3A_1025 : vector<16x1xi32> to vector<16xi32>
        %gather3A_1027 = tpu.dynamic_gather %select_n3A_1017[%gather3A_1026] in [0] : vector<16xf32>, vector<16xi32> -> vector<16xf32>
        %add3A_1028 = arith.addf %select_n3A_1016, %gather3A_1027 : vector<16xf32>
        %select_n3A_1029 = arith.select %ne3A_43, %add3A_976, %add3A_963 : vector<16xi1>, vector<16xf32>
        %select_n3A_1030 = arith.select %ne3A_43, %add3A_963, %add3A_976 : vector<16xi1>, vector<16xf32>
        %lt3A_1031 = arith.constant 0 : i32
        %lt3A_1032 = vector.broadcast %lt3A_1031 : i32 to vector<16xi32>
        %lt3A_1033 = arith.cmpi slt, %xor3A_27, %lt3A_1032 : vector<16xi32>
        %add3A_1034 = arith.constant 16 : i32
        %add3A_1035 = vector.broadcast %add3A_1034 : i32 to vector<16xi32>
        %add3A_1036 = arith.addi %xor3A_27, %add3A_1035 : vector<16xi32>
        %select_n3A_1037 = arith.select %lt3A_1033, %add3A_1036, %xor3A_27 : vector<16xi1>, vector<16xi32>
        %broadcast_in_dim3A_1038 = vector.shape_cast %select_n3A_1037 : vector<16xi32> to vector<16x1xi32>
        %gather3A_1039 = vector.shape_cast %broadcast_in_dim3A_1038 : vector<16x1xi32> to vector<16xi32>
        %gather3A_1040 = tpu.dynamic_gather %select_n3A_1030[%gather3A_1039] in [0] : vector<16xf32>, vector<16xi32> -> vector<16xf32>
        %add3A_1041 = arith.addf %select_n3A_1029, %gather3A_1040 : vector<16xf32>
        %select_n3A_1042 = arith.select %ne3A_43, %add3A_1002, %add3A_989 : vector<16xi1>, vector<16xf32>
        %select_n3A_1043 = arith.select %ne3A_43, %add3A_989, %add3A_1002 : vector<16xi1>, vector<16xf32>
        %lt3A_1044 = arith.constant 0 : i32
        %lt3A_1045 = vector.broadcast %lt3A_1044 : i32 to vector<16xi32>
        %lt3A_1046 = arith.cmpi slt, %xor3A_27, %lt3A_1045 : vector<16xi32>
        %add3A_1047 = arith.constant 16 : i32
        %add3A_1048 = vector.broadcast %add3A_1047 : i32 to vector<16xi32>
        %add3A_1049 = arith.addi %xor3A_27, %add3A_1048 : vector<16xi32>
        %select_n3A_1050 = arith.select %lt3A_1046, %add3A_1049, %xor3A_27 : vector<16xi1>, vector<16xi32>
        %broadcast_in_dim3A_1051 = vector.shape_cast %select_n3A_1050 : vector<16xi32> to vector<16x1xi32>
        %gather3A_1052 = vector.shape_cast %broadcast_in_dim3A_1051 : vector<16x1xi32> to vector<16xi32>
        %gather3A_1053 = tpu.dynamic_gather %select_n3A_1043[%gather3A_1052] in [0] : vector<16xf32>, vector<16xi32> -> vector<16xf32>
        %add3A_1054 = arith.addf %select_n3A_1042, %gather3A_1053 : vector<16xf32>
        %select_n3A_1055 = arith.select %ne3A_49, %add3A_1028, %add3A_1015 : vector<16xi1>, vector<16xf32>
        %select_n3A_1056 = arith.select %ne3A_49, %add3A_1015, %add3A_1028 : vector<16xi1>, vector<16xf32>
        %lt3A_1057 = arith.constant 0 : i32
        %lt3A_1058 = vector.broadcast %lt3A_1057 : i32 to vector<16xi32>
        %lt3A_1059 = arith.cmpi slt, %xor3A_30, %lt3A_1058 : vector<16xi32>
        %add3A_1060 = arith.constant 16 : i32
        %add3A_1061 = vector.broadcast %add3A_1060 : i32 to vector<16xi32>
        %add3A_1062 = arith.addi %xor3A_30, %add3A_1061 : vector<16xi32>
        %select_n3A_1063 = arith.select %lt3A_1059, %add3A_1062, %xor3A_30 : vector<16xi1>, vector<16xi32>
        %broadcast_in_dim3A_1064 = vector.shape_cast %select_n3A_1063 : vector<16xi32> to vector<16x1xi32>
        %gather3A_1065 = vector.shape_cast %broadcast_in_dim3A_1064 : vector<16x1xi32> to vector<16xi32>
        %gather3A_1066 = tpu.dynamic_gather %select_n3A_1056[%gather3A_1065] in [0] : vector<16xf32>, vector<16xi32> -> vector<16xf32>
        %add3A_1067 = arith.addf %select_n3A_1055, %gather3A_1066 : vector<16xf32>
        %select_n3A_1068 = arith.select %ne3A_49, %add3A_1054, %add3A_1041 : vector<16xi1>, vector<16xf32>
        %select_n3A_1069 = arith.select %ne3A_49, %add3A_1041, %add3A_1054 : vector<16xi1>, vector<16xf32>
        %lt3A_1070 = arith.constant 0 : i32
        %lt3A_1071 = vector.broadcast %lt3A_1070 : i32 to vector<16xi32>
        %lt3A_1072 = arith.cmpi slt, %xor3A_30, %lt3A_1071 : vector<16xi32>
        %add3A_1073 = arith.constant 16 : i32
        %add3A_1074 = vector.broadcast %add3A_1073 : i32 to vector<16xi32>
        %add3A_1075 = arith.addi %xor3A_30, %add3A_1074 : vector<16xi32>
        %select_n3A_1076 = arith.select %lt3A_1072, %add3A_1075, %xor3A_30 : vector<16xi1>, vector<16xi32>
        %broadcast_in_dim3A_1077 = vector.shape_cast %select_n3A_1076 : vector<16xi32> to vector<16x1xi32>
        %gather3A_1078 = vector.shape_cast %broadcast_in_dim3A_1077 : vector<16x1xi32> to vector<16xi32>
        %gather3A_1079 = tpu.dynamic_gather %select_n3A_1069[%gather3A_1078] in [0] : vector<16xf32>, vector<16xi32> -> vector<16xf32>
        %add3A_1080 = arith.addf %select_n3A_1068, %gather3A_1079 : vector<16xf32>
        %select_n3A_1081 = arith.select %ne3A_55, %add3A_1080, %add3A_1067 : vector<16xi1>, vector<16xf32>
        %select_n3A_1082 = arith.select %ne3A_55, %add3A_1067, %add3A_1080 : vector<16xi1>, vector<16xf32>
        %lt3A_1083 = arith.constant 0 : i32
        %lt3A_1084 = vector.broadcast %lt3A_1083 : i32 to vector<16xi32>
        %lt3A_1085 = arith.cmpi slt, %xor3A_33, %lt3A_1084 : vector<16xi32>
        %add3A_1086 = arith.constant 16 : i32
        %add3A_1087 = vector.broadcast %add3A_1086 : i32 to vector<16xi32>
        %add3A_1088 = arith.addi %xor3A_33, %add3A_1087 : vector<16xi32>
        %select_n3A_1089 = arith.select %lt3A_1085, %add3A_1088, %xor3A_33 : vector<16xi1>, vector<16xi32>
        %broadcast_in_dim3A_1090 = vector.shape_cast %select_n3A_1089 : vector<16xi32> to vector<16x1xi32>
        %gather3A_1091 = vector.shape_cast %broadcast_in_dim3A_1090 : vector<16x1xi32> to vector<16xi32>
        %gather3A_1092 = tpu.dynamic_gather %select_n3A_1082[%gather3A_1091] in [0] : vector<16xf32>, vector<16xi32> -> vector<16xf32>
        %add3A_1093 = arith.addf %select_n3A_1081, %gather3A_1092 : vector<16xf32>
        %add3A_1094 = arith.addf %add3A_1093, %get3A_22 : vector<16xf32>
        %mul3A_1095 = arith.constant 80 : i32
        %mul3A_1096 = arith.muli %add3A_147, %mul3A_1095 : i32
        %add3A_1097 = arith.addi %mul3A_1096, %mul3A_232 : i32
        %swap3A = arith.index_cast %add3A_1097 : i32 to index
        %swap3A_1098 = tpu.vector_load %arg18[%swap3A] {strides = array<i32>} : memref<10000xf32, #tpu.memory_space<vmem>>, vector<16xf32>,
        tpu.vector_store %arg18[%swap3A], %add3A_1094 {strides = array<i32>} : memref<10000xf32, #tpu.memory_space<vmem>>, vector<16xf32>,
      }
      %scan3A_153 = arith.constant 5 : i32
      %add3A_154 = arith.constant 1 : i32
      %add3A_155 = arith.addi %mul3A_115, %add3A_154 : i32
      %mul3A_156 = arith.constant 80 : i32
      %mul3A_157 = arith.muli %add3A_155, %mul3A_156 : i32
      %dma_wait3A_158 = tpu.memref_slice %arg9[%mul3A_157] : memref<10000xi32, #tpu.memory_space<vmem>> -> memref<80xi32, #tpu.memory_space<vmem>>
      %dma_wait3A_159 = arith.constant 0 : i32
      %dma_wait3A_160 = arith.constant 0 : i32
      %dma_wait3A_161 = tpu.memref_slice %arg7[%dma_wait3A_159, %dma_wait3A_160] : memref<10000x64xbf16, #tpu.memory_space<vmem_shared>> -> memref<10000x64xbf16, #tpu.memory_space<vmem_shared>>
      tpu.wait_indirect_dma semaphore(%arg21 : memref<!tpu.dma_semaphore, #tpu.memory_space<semaphore_mem>>) src(%dma_wait3A_161 : memref<10000x64xbf16, #tpu.memory_space<vmem_shared>>) dst(%arg13 : memref<80x64xbf16, #tpu.memory_space<vmem>>)
      %mul3A_162 = arith.constant 80 : i32
      %mul3A_163 = arith.muli %add3A_155, %mul3A_162 : i32
      %dma_wait3A_164 = tpu.memref_slice %arg10[%mul3A_163] : memref<10000xi32, #tpu.memory_space<vmem>> -> memref<80xi32, #tpu.memory_space<vmem>>
      %dma_wait3A_165 = arith.constant 0 : i32
      %dma_wait3A_166 = arith.constant 0 : i32
      %dma_wait3A_167 = tpu.memref_slice %arg8[%dma_wait3A_165, %dma_wait3A_166] : memref<10000x64xbf16, #tpu.memory_space<vmem_shared>> -> memref<10000x64xbf16, #tpu.memory_space<vmem_shared>>
      tpu.wait_indirect_dma semaphore(%arg22 : memref<!tpu.dma_semaphore, #tpu.memory_space<semaphore_mem>>) src(%dma_wait3A_167 : memref<10000x64xbf16, #tpu.memory_space<vmem_shared>>) dst(%arg14 : memref<80x64xbf16, #tpu.memory_space<vmem>>)
      %add3A_168 = arith.constant 1 : i32
      %add3A_169 = arith.addi %mul3A_115, %add3A_168 : i32
      %add3A_170 = arith.constant 2 : i32
      %add3A_171 = arith.addi %add3A_169, %add3A_170 : i32
      %mul3A_172 = arith.constant 80 : i32
      %mul3A_173 = arith.muli %add3A_171, %mul3A_172 : i32
      %dma_start3A_174 = tpu.memref_slice %arg9[%mul3A_173] : memref<10000xi32, #tpu.memory_space<vmem>> -> memref<80xi32, #tpu.memory_space<vmem>>
      %dma_start3A_175 = arith.constant 0 : i32
      %dma_start3A_176 = arith.constant 0 : i32
      %dma_start3A_177 = tpu.memref_slice %arg7[%dma_start3A_175, %dma_start3A_176] : memref<10000x64xbf16, #tpu.memory_space<vmem_shared>> -> memref<10000x64xbf16, #tpu.memory_space<vmem_shared>>
      tpu.enqueue_indirect_dma source(%dma_start3A_177 : memref<10000x64xbf16, #tpu.memory_space<vmem_shared>>) target(%arg11 : memref<80x64xbf16, #tpu.memory_space<vmem>>) offsets(%dma_start3A_174 : memref<80xi32, #tpu.memory_space<vmem>>) semaphore(%arg19 : memref<!tpu.dma_semaphore, #tpu.memory_space<semaphore_mem>>)
      %mul3A_178 = arith.constant 80 : i32
      %mul3A_179 = arith.muli %add3A_171, %mul3A_178 : i32
      %dma_start3A_180 = tpu.memref_slice %arg10[%mul3A_179] : memref<10000xi32, #tpu.memory_space<vmem>> -> memref<80xi32, #tpu.memory_space<vmem>>
      %dma_start3A_181 = arith.constant 0 : i32
      %dma_start3A_182 = arith.constant 0 : i32
      %dma_start3A_183 = tpu.memref_slice %arg8[%dma_start3A_181, %dma_start3A_182] : memref<10000x64xbf16, #tpu.memory_space<vmem_shared>> -> memref<10000x64xbf16, #tpu.memory_space<vmem_shared>>
      tpu.enqueue_indirect_dma source(%dma_start3A_183 : memref<10000x64xbf16, #tpu.memory_space<vmem_shared>>) target(%arg12 : memref<80x64xbf16, #tpu.memory_space<vmem>>) offsets(%dma_start3A_180 : memref<80xi32, #tpu.memory_space<vmem>>) semaphore(%arg20 : memref<!tpu.dma_semaphore, #tpu.memory_space<semaphore_mem>>)
      %add3A_184 = arith.constant 1 : i32
      %add3A_185 = arith.addi %mul3A_115, %add3A_184 : i32
      %scan3A_186 = arith.constant 0 : i32
      %scan3A_187 = arith.constant 0 : i32
      %scan3A_188 = arith.constant 5 : i32
      %scan3A_189 = arith.addi %scan3A_187, %scan3A_188 : i32
      %scan3A_190 = arith.constant 1 : i32
      scf.for %scan3A_230 = %scan3A_187 to %scan3A_189 step %scan3A_190  : i32 {
        %mul3A_231 = arith.constant 16 : i32
        %mul3A_232 = arith.muli %scan3A_230, %mul3A_231 : i32
        %add3A_233 = arith.constant 0 : i32
        %add3A_234 = arith.addi %mul3A_232, %add3A_233 : i32
        %broadcast_in_dim3A = arith.constant 0.000000e+00 : f32
        %broadcast_in_dim3A_235 = vector.broadcast %broadcast_in_dim3A : f32 to vector<16xf32>
        %get3A_236 = arith.index_cast %add3A_234 : i32 to index
        %get3A_237 = arith.constant 0 : index
        %get3A_238 = tpu.vector_load %arg13[%get3A_236, %get3A_237] {strides = array<i32>} : memref<80x64xbf16, #tpu.memory_space<vmem>>, vector<32xbf16>,
        %get3A_239 = arith.index_cast %add3A_234 : i32 to index
        %get3A_240 = arith.constant 0 : index
        %get3A_241 = tpu.vector_load %arg14[%get3A_239, %get3A_240] {strides = array<i32>} : memref<80x64xbf16, #tpu.memory_space<vmem>>, vector<32xbf16>,
        %add3A_242 = arith.addf %get3A_238, %get3A_241 : vector<32xbf16>
        %unpack3A = tpu.unpack_subelements %add3A_242, 0 {pack_format = #tpu.pack_format<interleaved>} : vector<32xbf16> -> vector<16xf32>
        %unpack3A_243 = tpu.unpack_subelements %add3A_242, 1 {pack_format = #tpu.pack_format<interleaved>} : vector<32xbf16> -> vector<16xf32>
        %max3A = arith.constant 0.000000e+00 : f32
        %max3A_244 = vector.broadcast %max3A : f32 to vector<16xf32>
        %max3A_245 = arith.maximumf %unpack3A, %max3A_244 : vector<16xf32>
        %mul3A_246 = arith.mulf %max3A_245, %get3A_14 : vector<16xf32>
        %add3A_247 = arith.addf %broadcast_in_dim3A_235, %mul3A_246 : vector<16xf32>
        %max3A_248 = arith.constant 0.000000e+00 : f32
        %max3A_249 = vector.broadcast %max3A_248 : f32 to vector<16xf32>
        %max3A_250 = arith.maximumf %unpack3A_243, %max3A_249 : vector<16xf32>
        %mul3A_251 = arith.mulf %max3A_250, %get3A_16 : vector<16xf32>
        %add3A_252 = arith.addf %add3A_247, %mul3A_251 : vector<16xf32>
        %get3A_253 = arith.index_cast %add3A_234 : i32 to index
        %get3A_254 = arith.constant 32 : index
        %get3A_255 = tpu.vector_load %arg13[%get3A_253, %get3A_254] {strides = array<i32>} : memref<80x64xbf16, #tpu.memory_space<vmem>>, vector<32xbf16>,
        %get3A_256 = arith.index_cast %add3A_234 : i32 to index
        %get3A_257 = arith.constant 32 : index
        %get3A_258 = tpu.vector_load %arg14[%get3A_256, %get3A_257] {strides = array<i32>} : memref<80x64xbf16, #tpu.memory_space<vmem>>, vector<32xbf16>,
        %add3A_259 = arith.addf %get3A_255, %get3A_258 : vector<32xbf16>
        %unpack3A_260 = tpu.unpack_subelements %add3A_259, 0 {pack_format = #tpu.pack_format<interleaved>} : vector<32xbf16> -> vector<16xf32>
        %unpack3A_261 = tpu.unpack_subelements %add3A_259, 1 {pack_format = #tpu.pack_format<interleaved>} : vector<32xbf16> -> vector<16xf32>
        %max3A_262 = arith.constant 0.000000e+00 : f32
        %max3A_263 = vector.broadcast %max3A_262 : f32 to vector<16xf32>
        %max3A_264 = arith.maximumf %unpack3A_260, %max3A_263 : vector<16xf32>
        %mul3A_265 = arith.mulf %max3A_264, %get3A_18 : vector<16xf32>
        %add3A_266 = arith.addf %add3A_252, %mul3A_265 : vector<16xf32>
        %max3A_267 = arith.constant 0.000000e+00 : f32
        %max3A_268 = vector.broadcast %max3A_267 : f32 to vector<16xf32>
        %max3A_269 = arith.maximumf %unpack3A_261, %max3A_268 : vector<16xf32>
        %mul3A_270 = arith.mulf %max3A_269, %get3A_20 : vector<16xf32>
        %add3A_271 = arith.addf %add3A_266, %mul3A_270 : vector<16xf32>
        %add3A_272 = arith.constant 1 : i32
        %add3A_273 = arith.addi %mul3A_232, %add3A_272 : i32
        %broadcast_in_dim3A_274 = arith.constant 0.000000e+00 : f32
        %broadcast_in_dim3A_275 = vector.broadcast %broadcast_in_dim3A_274 : f32 to vector<16xf32>
        %get3A_276 = arith.index_cast %add3A_273 : i32 to index
        %get3A_277 = arith.constant 0 : index
        %get3A_278 = tpu.vector_load %arg13[%get3A_276, %get3A_277] {strides = array<i32>} : memref<80x64xbf16, #tpu.memory_space<vmem>>, vector<32xbf16>,
        %get3A_279 = arith.index_cast %add3A_273 : i32 to index
        %get3A_280 = arith.constant 0 : index
        %get3A_281 = tpu.vector_load %arg14[%get3A_279, %get3A_280] {strides = array<i32>} : memref<80x64xbf16, #tpu.memory_space<vmem>>, vector<32xbf16>,
        %add3A_282 = arith.addf %get3A_278, %get3A_281 : vector<32xbf16>
        %unpack3A_283 = tpu.unpack_subelements %add3A_282, 0 {pack_format = #tpu.pack_format<interleaved>} : vector<32xbf16> -> vector<16xf32>
        %unpack3A_284 = tpu.unpack_subelements %add3A_282, 1 {pack_format = #tpu.pack_format<interleaved>} : vector<32xbf16> -> vector<16xf32>
        %max3A_285 = arith.constant 0.000000e+00 : f32
        %max3A_286 = vector.broadcast %max3A_285 : f32 to vector<16xf32>
        %max3A_287 = arith.maximumf %unpack3A_283, %max3A_286 : vector<16xf32>
        %mul3A_288 = arith.mulf %max3A_287, %get3A_14 : vector<16xf32>
        %add3A_289 = arith.addf %broadcast_in_dim3A_275, %mul3A_288 : vector<16xf32>
        %max3A_290 = arith.constant 0.000000e+00 : f32
        %max3A_291 = vector.broadcast %max3A_290 : f32 to vector<16xf32>
        %max3A_292 = arith.maximumf %unpack3A_284, %max3A_291 : vector<16xf32>
        %mul3A_293 = arith.mulf %max3A_292, %get3A_16 : vector<16xf32>
        %add3A_294 = arith.addf %add3A_289, %mul3A_293 : vector<16xf32>
        %get3A_295 = arith.index_cast %add3A_273 : i32 to index
        %get3A_296 = arith.constant 32 : index
        %get3A_297 = tpu.vector_load %arg13[%get3A_295, %get3A_296] {strides = array<i32>} : memref<80x64xbf16, #tpu.memory_space<vmem>>, vector<32xbf16>,
        %get3A_298 = arith.index_cast %add3A_273 : i32 to index
        %get3A_299 = arith.constant 32 : index
        %get3A_300 = tpu.vector_load %arg14[%get3A_298, %get3A_299] {strides = array<i32>} : memref<80x64xbf16, #tpu.memory_space<vmem>>, vector<32xbf16>,
        %add3A_301 = arith.addf %get3A_297, %get3A_300 : vector<32xbf16>
        %unpack3A_302 = tpu.unpack_subelements %add3A_301, 0 {pack_format = #tpu.pack_format<interleaved>} : vector<32xbf16> -> vector<16xf32>
        %unpack3A_303 = tpu.unpack_subelements %add3A_301, 1 {pack_format = #tpu.pack_format<interleaved>} : vector<32xbf16> -> vector<16xf32>
        %max3A_304 = arith.constant 0.000000e+00 : f32
        %max3A_305 = vector.broadcast %max3A_304 : f32 to vector<16xf32>
        %max3A_306 = arith.maximumf %unpack3A_302, %max3A_305 : vector<16xf32>
        %mul3A_307 = arith.mulf %max3A_306, %get3A_18 : vector<16xf32>
        %add3A_308 = arith.addf %add3A_294, %mul3A_307 : vector<16xf32>
        %max3A_309 = arith.constant 0.000000e+00 : f32
        %max3A_310 = vector.broadcast %max3A_309 : f32 to vector<16xf32>
        %max3A_311 = arith.maximumf %unpack3A_303, %max3A_310 : vector<16xf32>
        %mul3A_312 = arith.mulf %max3A_311, %get3A_20 : vector<16xf32>
        %add3A_313 = arith.addf %add3A_308, %mul3A_312 : vector<16xf32>
        %add3A_314 = arith.constant 2 : i32
        %add3A_315 = arith.addi %mul3A_232, %add3A_314 : i32
        %broadcast_in_dim3A_316 = arith.constant 0.000000e+00 : f32
        %broadcast_in_dim3A_317 = vector.broadcast %broadcast_in_dim3A_316 : f32 to vector<16xf32>
        %get3A_318 = arith.index_cast %add3A_315 : i32 to index
        %get3A_319 = arith.constant 0 : index
        %get3A_320 = tpu.vector_load %arg13[%get3A_318, %get3A_319] {strides = array<i32>} : memref<80x64xbf16, #tpu.memory_space<vmem>>, vector<32xbf16>,
        %get3A_321 = arith.index_cast %add3A_315 : i32 to index
        %get3A_322 = arith.constant 0 : index
        %get3A_323 = tpu.vector_load %arg14[%get3A_321, %get3A_322] {strides = array<i32>} : memref<80x64xbf16, #tpu.memory_space<vmem>>, vector<32xbf16>,
        %add3A_324 = arith.addf %get3A_320, %get3A_323 : vector<32xbf16>
        %unpack3A_325 = tpu.unpack_subelements %add3A_324, 0 {pack_format = #tpu.pack_format<interleaved>} : vector<32xbf16> -> vector<16xf32>
        %unpack3A_326 = tpu.unpack_subelements %add3A_324, 1 {pack_format = #tpu.pack_format<interleaved>} : vector<32xbf16> -> vector<16xf32>
        %max3A_327 = arith.constant 0.000000e+00 : f32
        %max3A_328 = vector.broadcast %max3A_327 : f32 to vector<16xf32>
        %max3A_329 = arith.maximumf %unpack3A_325, %max3A_328 : vector<16xf32>
        %mul3A_330 = arith.mulf %max3A_329, %get3A_14 : vector<16xf32>
        %add3A_331 = arith.addf %broadcast_in_dim3A_317, %mul3A_330 : vector<16xf32>
        %max3A_332 = arith.constant 0.000000e+00 : f32
        %max3A_333 = vector.broadcast %max3A_332 : f32 to vector<16xf32>
        %max3A_334 = arith.maximumf %unpack3A_326, %max3A_333 : vector<16xf32>
        %mul3A_335 = arith.mulf %max3A_334, %get3A_16 : vector<16xf32>
        %add3A_336 = arith.addf %add3A_331, %mul3A_335 : vector<16xf32>
        %get3A_337 = arith.index_cast %add3A_315 : i32 to index
        %get3A_338 = arith.constant 32 : index
        %get3A_339 = tpu.vector_load %arg13[%get3A_337, %get3A_338] {strides = array<i32>} : memref<80x64xbf16, #tpu.memory_space<vmem>>, vector<32xbf16>,
        %get3A_340 = arith.index_cast %add3A_315 : i32 to index
        %get3A_341 = arith.constant 32 : index
        %get3A_342 = tpu.vector_load %arg14[%get3A_340, %get3A_341] {strides = array<i32>} : memref<80x64xbf16, #tpu.memory_space<vmem>>, vector<32xbf16>,
        %add3A_343 = arith.addf %get3A_339, %get3A_342 : vector<32xbf16>
        %unpack3A_344 = tpu.unpack_subelements %add3A_343, 0 {pack_format = #tpu.pack_format<interleaved>} : vector<32xbf16> -> vector<16xf32>
        %unpack3A_345 = tpu.unpack_subelements %add3A_343, 1 {pack_format = #tpu.pack_format<interleaved>} : vector<32xbf16> -> vector<16xf32>
        %max3A_346 = arith.constant 0.000000e+00 : f32
        %max3A_347 = vector.broadcast %max3A_346 : f32 to vector<16xf32>
        %max3A_348 = arith.maximumf %unpack3A_344, %max3A_347 : vector<16xf32>
        %mul3A_349 = arith.mulf %max3A_348, %get3A_18 : vector<16xf32>
        %add3A_350 = arith.addf %add3A_336, %mul3A_349 : vector<16xf32>
        %max3A_351 = arith.constant 0.000000e+00 : f32
        %max3A_352 = vector.broadcast %max3A_351 : f32 to vector<16xf32>
        %max3A_353 = arith.maximumf %unpack3A_345, %max3A_352 : vector<16xf32>
        %mul3A_354 = arith.mulf %max3A_353, %get3A_20 : vector<16xf32>
        %add3A_355 = arith.addf %add3A_350, %mul3A_354 : vector<16xf32>
        %add3A_356 = arith.constant 3 : i32
        %add3A_357 = arith.addi %mul3A_232, %add3A_356 : i32
        %broadcast_in_dim3A_358 = arith.constant 0.000000e+00 : f32
        %broadcast_in_dim3A_359 = vector.broadcast %broadcast_in_dim3A_358 : f32 to vector<16xf32>
        %get3A_360 = arith.index_cast %add3A_357 : i32 to index
        %get3A_361 = arith.constant 0 : index
        %get3A_362 = tpu.vector_load %arg13[%get3A_360, %get3A_361] {strides = array<i32>} : memref<80x64xbf16, #tpu.memory_space<vmem>>, vector<32xbf16>,
        %get3A_363 = arith.index_cast %add3A_357 : i32 to index
        %get3A_364 = arith.constant 0 : index
        %get3A_365 = tpu.vector_load %arg14[%get3A_363, %get3A_364] {strides = array<i32>} : memref<80x64xbf16, #tpu.memory_space<vmem>>, vector<32xbf16>,
        %add3A_366 = arith.addf %get3A_362, %get3A_365 : vector<32xbf16>
        %unpack3A_367 = tpu.unpack_subelements %add3A_366, 0 {pack_format = #tpu.pack_format<interleaved>} : vector<32xbf16> -> vector<16xf32>
        %unpack3A_368 = tpu.unpack_subelements %add3A_366, 1 {pack_format = #tpu.pack_format<interleaved>} : vector<32xbf16> -> vector<16xf32>
        %max3A_369 = arith.constant 0.000000e+00 : f32
        %max3A_370 = vector.broadcast %max3A_369 : f32 to vector<16xf32>
        %max3A_371 = arith.maximumf %unpack3A_367, %max3A_370 : vector<16xf32>
        %mul3A_372 = arith.mulf %max3A_371, %get3A_14 : vector<16xf32>
        %add3A_373 = arith.addf %broadcast_in_dim3A_359, %mul3A_372 : vector<16xf32>
        %max3A_374 = arith.constant 0.000000e+00 : f32
        %max3A_375 = vector.broadcast %max3A_374 : f32 to vector<16xf32>
        %max3A_376 = arith.maximumf %unpack3A_368, %max3A_375 : vector<16xf32>
        %mul3A_377 = arith.mulf %max3A_376, %get3A_16 : vector<16xf32>
        %add3A_378 = arith.addf %add3A_373, %mul3A_377 : vector<16xf32>
        %get3A_379 = arith.index_cast %add3A_357 : i32 to index
        %get3A_380 = arith.constant 32 : index
        %get3A_381 = tpu.vector_load %arg13[%get3A_379, %get3A_380] {strides = array<i32>} : memref<80x64xbf16, #tpu.memory_space<vmem>>, vector<32xbf16>,
        %get3A_382 = arith.index_cast %add3A_357 : i32 to index
        %get3A_383 = arith.constant 32 : index
        %get3A_384 = tpu.vector_load %arg14[%get3A_382, %get3A_383] {strides = array<i32>} : memref<80x64xbf16, #tpu.memory_space<vmem>>, vector<32xbf16>,
        %add3A_385 = arith.addf %get3A_381, %get3A_384 : vector<32xbf16>
        %unpack3A_386 = tpu.unpack_subelements %add3A_385, 0 {pack_format = #tpu.pack_format<interleaved>} : vector<32xbf16> -> vector<16xf32>
        %unpack3A_387 = tpu.unpack_subelements %add3A_385, 1 {pack_format = #tpu.pack_format<interleaved>} : vector<32xbf16> -> vector<16xf32>
        %max3A_388 = arith.constant 0.000000e+00 : f32
        %max3A_389 = vector.broadcast %max3A_388 : f32 to vector<16xf32>
        %max3A_390 = arith.maximumf %unpack3A_386, %max3A_389 : vector<16xf32>
        %mul3A_391 = arith.mulf %max3A_390, %get3A_18 : vector<16xf32>
        %add3A_392 = arith.addf %add3A_378, %mul3A_391 : vector<16xf32>
        %max3A_393 = arith.constant 0.000000e+00 : f32
        %max3A_394 = vector.broadcast %max3A_393 : f32 to vector<16xf32>
        %max3A_395 = arith.maximumf %unpack3A_387, %max3A_394 : vector<16xf32>
        %mul3A_396 = arith.mulf %max3A_395, %get3A_20 : vector<16xf32>
        %add3A_397 = arith.addf %add3A_392, %mul3A_396 : vector<16xf32>
        %add3A_398 = arith.constant 4 : i32
        %add3A_399 = arith.addi %mul3A_232, %add3A_398 : i32
        %broadcast_in_dim3A_400 = arith.constant 0.000000e+00 : f32
        %broadcast_in_dim3A_401 = vector.broadcast %broadcast_in_dim3A_400 : f32 to vector<16xf32>
        %get3A_402 = arith.index_cast %add3A_399 : i32 to index
        %get3A_403 = arith.constant 0 : index
        %get3A_404 = tpu.vector_load %arg13[%get3A_402, %get3A_403] {strides = array<i32>} : memref<80x64xbf16, #tpu.memory_space<vmem>>, vector<32xbf16>,
        %get3A_405 = arith.index_cast %add3A_399 : i32 to index
        %get3A_406 = arith.constant 0 : index
        %get3A_407 = tpu.vector_load %arg14[%get3A_405, %get3A_406] {strides = array<i32>} : memref<80x64xbf16, #tpu.memory_space<vmem>>, vector<32xbf16>,
        %add3A_408 = arith.addf %get3A_404, %get3A_407 : vector<32xbf16>
        %unpack3A_409 = tpu.unpack_subelements %add3A_408, 0 {pack_format = #tpu.pack_format<interleaved>} : vector<32xbf16> -> vector<16xf32>
        %unpack3A_410 = tpu.unpack_subelements %add3A_408, 1 {pack_format = #tpu.pack_format<interleaved>} : vector<32xbf16> -> vector<16xf32>
        %max3A_411 = arith.constant 0.000000e+00 : f32
        %max3A_412 = vector.broadcast %max3A_411 : f32 to vector<16xf32>
        %max3A_413 = arith.maximumf %unpack3A_409, %max3A_412 : vector<16xf32>
        %mul3A_414 = arith.mulf %max3A_413, %get3A_14 : vector<16xf32>
        %add3A_415 = arith.addf %broadcast_in_dim3A_401, %mul3A_414 : vector<16xf32>
        %max3A_416 = arith.constant 0.000000e+00 : f32
        %max3A_417 = vector.broadcast %max3A_416 : f32 to vector<16xf32>
        %max3A_418 = arith.maximumf %unpack3A_410, %max3A_417 : vector<16xf32>
        %mul3A_419 = arith.mulf %max3A_418, %get3A_16 : vector<16xf32>
        %add3A_420 = arith.addf %add3A_415, %mul3A_419 : vector<16xf32>
        %get3A_421 = arith.index_cast %add3A_399 : i32 to index
        %get3A_422 = arith.constant 32 : index
        %get3A_423 = tpu.vector_load %arg13[%get3A_421, %get3A_422] {strides = array<i32>} : memref<80x64xbf16, #tpu.memory_space<vmem>>, vector<32xbf16>,
        %get3A_424 = arith.index_cast %add3A_399 : i32 to index
        %get3A_425 = arith.constant 32 : index
        %get3A_426 = tpu.vector_load %arg14[%get3A_424, %get3A_425] {strides = array<i32>} : memref<80x64xbf16, #tpu.memory_space<vmem>>, vector<32xbf16>,
        %add3A_427 = arith.addf %get3A_423, %get3A_426 : vector<32xbf16>
        %unpack3A_428 = tpu.unpack_subelements %add3A_427, 0 {pack_format = #tpu.pack_format<interleaved>} : vector<32xbf16> -> vector<16xf32>
        %unpack3A_429 = tpu.unpack_subelements %add3A_427, 1 {pack_format = #tpu.pack_format<interleaved>} : vector<32xbf16> -> vector<16xf32>
        %max3A_430 = arith.constant 0.000000e+00 : f32
        %max3A_431 = vector.broadcast %max3A_430 : f32 to vector<16xf32>
        %max3A_432 = arith.maximumf %unpack3A_428, %max3A_431 : vector<16xf32>
        %mul3A_433 = arith.mulf %max3A_432, %get3A_18 : vector<16xf32>
        %add3A_434 = arith.addf %add3A_420, %mul3A_433 : vector<16xf32>
        %max3A_435 = arith.constant 0.000000e+00 : f32
        %max3A_436 = vector.broadcast %max3A_435 : f32 to vector<16xf32>
        %max3A_437 = arith.maximumf %unpack3A_429, %max3A_436 : vector<16xf32>
        %mul3A_438 = arith.mulf %max3A_437, %get3A_20 : vector<16xf32>
        %add3A_439 = arith.addf %add3A_434, %mul3A_438 : vector<16xf32>
        %add3A_440 = arith.constant 5 : i32
        %add3A_441 = arith.addi %mul3A_232, %add3A_440 : i32
        %broadcast_in_dim3A_442 = arith.constant 0.000000e+00 : f32
        %broadcast_in_dim3A_443 = vector.broadcast %broadcast_in_dim3A_442 : f32 to vector<16xf32>
        %get3A_444 = arith.index_cast %add3A_441 : i32 to index
        %get3A_445 = arith.constant 0 : index
        %get3A_446 = tpu.vector_load %arg13[%get3A_444, %get3A_445] {strides = array<i32>} : memref<80x64xbf16, #tpu.memory_space<vmem>>, vector<32xbf16>,
        %get3A_447 = arith.index_cast %add3A_441 : i32 to index
        %get3A_448 = arith.constant 0 : index
        %get3A_449 = tpu.vector_load %arg14[%get3A_447, %get3A_448] {strides = array<i32>} : memref<80x64xbf16, #tpu.memory_space<vmem>>, vector<32xbf16>,
        %add3A_450 = arith.addf %get3A_446, %get3A_449 : vector<32xbf16>
        %unpack3A_451 = tpu.unpack_subelements %add3A_450, 0 {pack_format = #tpu.pack_format<interleaved>} : vector<32xbf16> -> vector<16xf32>
        %unpack3A_452 = tpu.unpack_subelements %add3A_450, 1 {pack_format = #tpu.pack_format<interleaved>} : vector<32xbf16> -> vector<16xf32>
        %max3A_453 = arith.constant 0.000000e+00 : f32
        %max3A_454 = vector.broadcast %max3A_453 : f32 to vector<16xf32>
        %max3A_455 = arith.maximumf %unpack3A_451, %max3A_454 : vector<16xf32>
        %mul3A_456 = arith.mulf %max3A_455, %get3A_14 : vector<16xf32>
        %add3A_457 = arith.addf %broadcast_in_dim3A_443, %mul3A_456 : vector<16xf32>
        %max3A_458 = arith.constant 0.000000e+00 : f32
        %max3A_459 = vector.broadcast %max3A_458 : f32 to vector<16xf32>
        %max3A_460 = arith.maximumf %unpack3A_452, %max3A_459 : vector<16xf32>
        %mul3A_461 = arith.mulf %max3A_460, %get3A_16 : vector<16xf32>
        %add3A_462 = arith.addf %add3A_457, %mul3A_461 : vector<16xf32>
        %get3A_463 = arith.index_cast %add3A_441 : i32 to index
        %get3A_464 = arith.constant 32 : index
        %get3A_465 = tpu.vector_load %arg13[%get3A_463, %get3A_464] {strides = array<i32>} : memref<80x64xbf16, #tpu.memory_space<vmem>>, vector<32xbf16>,
        %get3A_466 = arith.index_cast %add3A_441 : i32 to index
        %get3A_467 = arith.constant 32 : index
        %get3A_468 = tpu.vector_load %arg14[%get3A_466, %get3A_467] {strides = array<i32>} : memref<80x64xbf16, #tpu.memory_space<vmem>>, vector<32xbf16>,
        %add3A_469 = arith.addf %get3A_465, %get3A_468 : vector<32xbf16>
        %unpack3A_470 = tpu.unpack_subelements %add3A_469, 0 {pack_format = #tpu.pack_format<interleaved>} : vector<32xbf16> -> vector<16xf32>
        %unpack3A_471 = tpu.unpack_subelements %add3A_469, 1 {pack_format = #tpu.pack_format<interleaved>} : vector<32xbf16> -> vector<16xf32>
        %max3A_472 = arith.constant 0.000000e+00 : f32
        %max3A_473 = vector.broadcast %max3A_472 : f32 to vector<16xf32>
        %max3A_474 = arith.maximumf %unpack3A_470, %max3A_473 : vector<16xf32>
        %mul3A_475 = arith.mulf %max3A_474, %get3A_18 : vector<16xf32>
        %add3A_476 = arith.addf %add3A_462, %mul3A_475 : vector<16xf32>
        %max3A_477 = arith.constant 0.000000e+00 : f32
        %max3A_478 = vector.broadcast %max3A_477 : f32 to vector<16xf32>
        %max3A_479 = arith.maximumf %unpack3A_471, %max3A_478 : vector<16xf32>
        %mul3A_480 = arith.mulf %max3A_479, %get3A_20 : vector<16xf32>
        %add3A_481 = arith.addf %add3A_476, %mul3A_480 : vector<16xf32>
        %add3A_482 = arith.constant 6 : i32
        %add3A_483 = arith.addi %mul3A_232, %add3A_482 : i32
        %broadcast_in_dim3A_484 = arith.constant 0.000000e+00 : f32
        %broadcast_in_dim3A_485 = vector.broadcast %broadcast_in_dim3A_484 : f32 to vector<16xf32>
        %get3A_486 = arith.index_cast %add3A_483 : i32 to index
        %get3A_487 = arith.constant 0 : index
        %get3A_488 = tpu.vector_load %arg13[%get3A_486, %get3A_487] {strides = array<i32>} : memref<80x64xbf16, #tpu.memory_space<vmem>>, vector<32xbf16>,
        %get3A_489 = arith.index_cast %add3A_483 : i32 to index
        %get3A_490 = arith.constant 0 : index
        %get3A_491 = tpu.vector_load %arg14[%get3A_489, %get3A_490] {strides = array<i32>} : memref<80x64xbf16, #tpu.memory_space<vmem>>, vector<32xbf16>,
        %add3A_492 = arith.addf %get3A_488, %get3A_491 : vector<32xbf16>
        %unpack3A_493 = tpu.unpack_subelements %add3A_492, 0 {pack_format = #tpu.pack_format<interleaved>} : vector<32xbf16> -> vector<16xf32>
        %unpack3A_494 = tpu.unpack_subelements %add3A_492, 1 {pack_format = #tpu.pack_format<interleaved>} : vector<32xbf16> -> vector<16xf32>
        %max3A_495 = arith.constant 0.000000e+00 : f32
        %max3A_496 = vector.broadcast %max3A_495 : f32 to vector<16xf32>
        %max3A_497 = arith.maximumf %unpack3A_493, %max3A_496 : vector<16xf32>
        %mul3A_498 = arith.mulf %max3A_497, %get3A_14 : vector<16xf32>
        %add3A_499 = arith.addf %broadcast_in_dim3A_485, %mul3A_498 : vector<16xf32>
        %max3A_500 = arith.constant 0.000000e+00 : f32
        %max3A_501 = vector.broadcast %max3A_500 : f32 to vector<16xf32>
        %max3A_502 = arith.maximumf %unpack3A_494, %max3A_501 : vector<16xf32>
        %mul3A_503 = arith.mulf %max3A_502, %get3A_16 : vector<16xf32>
        %add3A_504 = arith.addf %add3A_499, %mul3A_503 : vector<16xf32>
        %get3A_505 = arith.index_cast %add3A_483 : i32 to index
        %get3A_506 = arith.constant 32 : index
        %get3A_507 = tpu.vector_load %arg13[%get3A_505, %get3A_506] {strides = array<i32>} : memref<80x64xbf16, #tpu.memory_space<vmem>>, vector<32xbf16>,
        %get3A_508 = arith.index_cast %add3A_483 : i32 to index
        %get3A_509 = arith.constant 32 : index
        %get3A_510 = tpu.vector_load %arg14[%get3A_508, %get3A_509] {strides = array<i32>} : memref<80x64xbf16, #tpu.memory_space<vmem>>, vector<32xbf16>,
        %add3A_511 = arith.addf %get3A_507, %get3A_510 : vector<32xbf16>
        %unpack3A_512 = tpu.unpack_subelements %add3A_511, 0 {pack_format = #tpu.pack_format<interleaved>} : vector<32xbf16> -> vector<16xf32>
        %unpack3A_513 = tpu.unpack_subelements %add3A_511, 1 {pack_format = #tpu.pack_format<interleaved>} : vector<32xbf16> -> vector<16xf32>
        %max3A_514 = arith.constant 0.000000e+00 : f32
        %max3A_515 = vector.broadcast %max3A_514 : f32 to vector<16xf32>
        %max3A_516 = arith.maximumf %unpack3A_512, %max3A_515 : vector<16xf32>
        %mul3A_517 = arith.mulf %max3A_516, %get3A_18 : vector<16xf32>
        %add3A_518 = arith.addf %add3A_504, %mul3A_517 : vector<16xf32>
        %max3A_519 = arith.constant 0.000000e+00 : f32
        %max3A_520 = vector.broadcast %max3A_519 : f32 to vector<16xf32>
        %max3A_521 = arith.maximumf %unpack3A_513, %max3A_520 : vector<16xf32>
        %mul3A_522 = arith.mulf %max3A_521, %get3A_20 : vector<16xf32>
        %add3A_523 = arith.addf %add3A_518, %mul3A_522 : vector<16xf32>
        %add3A_524 = arith.constant 7 : i32
        %add3A_525 = arith.addi %mul3A_232, %add3A_524 : i32
        %broadcast_in_dim3A_526 = arith.constant 0.000000e+00 : f32
        %broadcast_in_dim3A_527 = vector.broadcast %broadcast_in_dim3A_526 : f32 to vector<16xf32>
        %get3A_528 = arith.index_cast %add3A_525 : i32 to index
        %get3A_529 = arith.constant 0 : index
        %get3A_530 = tpu.vector_load %arg13[%get3A_528, %get3A_529] {strides = array<i32>} : memref<80x64xbf16, #tpu.memory_space<vmem>>, vector<32xbf16>,
        %get3A_531 = arith.index_cast %add3A_525 : i32 to index
        %get3A_532 = arith.constant 0 : index
        %get3A_533 = tpu.vector_load %arg14[%get3A_531, %get3A_532] {strides = array<i32>} : memref<80x64xbf16, #tpu.memory_space<vmem>>, vector<32xbf16>,
        %add3A_534 = arith.addf %get3A_530, %get3A_533 : vector<32xbf16>
        %unpack3A_535 = tpu.unpack_subelements %add3A_534, 0 {pack_format = #tpu.pack_format<interleaved>} : vector<32xbf16> -> vector<16xf32>
        %unpack3A_536 = tpu.unpack_subelements %add3A_534, 1 {pack_format = #tpu.pack_format<interleaved>} : vector<32xbf16> -> vector<16xf32>
        %max3A_537 = arith.constant 0.000000e+00 : f32
        %max3A_538 = vector.broadcast %max3A_537 : f32 to vector<16xf32>
        %max3A_539 = arith.maximumf %unpack3A_535, %max3A_538 : vector<16xf32>
        %mul3A_540 = arith.mulf %max3A_539, %get3A_14 : vector<16xf32>
        %add3A_541 = arith.addf %broadcast_in_dim3A_527, %mul3A_540 : vector<16xf32>
        %max3A_542 = arith.constant 0.000000e+00 : f32
        %max3A_543 = vector.broadcast %max3A_542 : f32 to vector<16xf32>
        %max3A_544 = arith.maximumf %unpack3A_536, %max3A_543 : vector<16xf32>
        %mul3A_545 = arith.mulf %max3A_544, %get3A_16 : vector<16xf32>
        %add3A_546 = arith.addf %add3A_541, %mul3A_545 : vector<16xf32>
        %get3A_547 = arith.index_cast %add3A_525 : i32 to index
        %get3A_548 = arith.constant 32 : index
        %get3A_549 = tpu.vector_load %arg13[%get3A_547, %get3A_548] {strides = array<i32>} : memref<80x64xbf16, #tpu.memory_space<vmem>>, vector<32xbf16>,
        %get3A_550 = arith.index_cast %add3A_525 : i32 to index
        %get3A_551 = arith.constant 32 : index
        %get3A_552 = tpu.vector_load %arg14[%get3A_550, %get3A_551] {strides = array<i32>} : memref<80x64xbf16, #tpu.memory_space<vmem>>, vector<32xbf16>,
        %add3A_553 = arith.addf %get3A_549, %get3A_552 : vector<32xbf16>
        %unpack3A_554 = tpu.unpack_subelements %add3A_553, 0 {pack_format = #tpu.pack_format<interleaved>} : vector<32xbf16> -> vector<16xf32>
        %unpack3A_555 = tpu.unpack_subelements %add3A_553, 1 {pack_format = #tpu.pack_format<interleaved>} : vector<32xbf16> -> vector<16xf32>
        %max3A_556 = arith.constant 0.000000e+00 : f32
        %max3A_557 = vector.broadcast %max3A_556 : f32 to vector<16xf32>
        %max3A_558 = arith.maximumf %unpack3A_554, %max3A_557 : vector<16xf32>
        %mul3A_559 = arith.mulf %max3A_558, %get3A_18 : vector<16xf32>
        %add3A_560 = arith.addf %add3A_546, %mul3A_559 : vector<16xf32>
        %max3A_561 = arith.constant 0.000000e+00 : f32
        %max3A_562 = vector.broadcast %max3A_561 : f32 to vector<16xf32>
        %max3A_563 = arith.maximumf %unpack3A_555, %max3A_562 : vector<16xf32>
        %mul3A_564 = arith.mulf %max3A_563, %get3A_20 : vector<16xf32>
        %add3A_565 = arith.addf %add3A_560, %mul3A_564 : vector<16xf32>
        %add3A_566 = arith.constant 8 : i32
        %add3A_567 = arith.addi %mul3A_232, %add3A_566 : i32
        %broadcast_in_dim3A_568 = arith.constant 0.000000e+00 : f32
        %broadcast_in_dim3A_569 = vector.broadcast %broadcast_in_dim3A_568 : f32 to vector<16xf32>
        %get3A_570 = arith.index_cast %add3A_567 : i32 to index
        %get3A_571 = arith.constant 0 : index
        %get3A_572 = tpu.vector_load %arg13[%get3A_570, %get3A_571] {strides = array<i32>} : memref<80x64xbf16, #tpu.memory_space<vmem>>, vector<32xbf16>,
        %get3A_573 = arith.index_cast %add3A_567 : i32 to index
        %get3A_574 = arith.constant 0 : index
        %get3A_575 = tpu.vector_load %arg14[%get3A_573, %get3A_574] {strides = array<i32>} : memref<80x64xbf16, #tpu.memory_space<vmem>>, vector<32xbf16>,
        %add3A_576 = arith.addf %get3A_572, %get3A_575 : vector<32xbf16>
        %unpack3A_577 = tpu.unpack_subelements %add3A_576, 0 {pack_format = #tpu.pack_format<interleaved>} : vector<32xbf16> -> vector<16xf32>
        %unpack3A_578 = tpu.unpack_subelements %add3A_576, 1 {pack_format = #tpu.pack_format<interleaved>} : vector<32xbf16> -> vector<16xf32>
        %max3A_579 = arith.constant 0.000000e+00 : f32
        %max3A_580 = vector.broadcast %max3A_579 : f32 to vector<16xf32>
        %max3A_581 = arith.maximumf %unpack3A_577, %max3A_580 : vector<16xf32>
        %mul3A_582 = arith.mulf %max3A_581, %get3A_14 : vector<16xf32>
        %add3A_583 = arith.addf %broadcast_in_dim3A_569, %mul3A_582 : vector<16xf32>
        %max3A_584 = arith.constant 0.000000e+00 : f32
        %max3A_585 = vector.broadcast %max3A_584 : f32 to vector<16xf32>
        %max3A_586 = arith.maximumf %unpack3A_578, %max3A_585 : vector<16xf32>
        %mul3A_587 = arith.mulf %max3A_586, %get3A_16 : vector<16xf32>
        %add3A_588 = arith.addf %add3A_583, %mul3A_587 : vector<16xf32>
        %get3A_589 = arith.index_cast %add3A_567 : i32 to index
        %get3A_590 = arith.constant 32 : index
        %get3A_591 = tpu.vector_load %arg13[%get3A_589, %get3A_590] {strides = array<i32>} : memref<80x64xbf16, #tpu.memory_space<vmem>>, vector<32xbf16>,
        %get3A_592 = arith.index_cast %add3A_567 : i32 to index
        %get3A_593 = arith.constant 32 : index
        %get3A_594 = tpu.vector_load %arg14[%get3A_592, %get3A_593] {strides = array<i32>} : memref<80x64xbf16, #tpu.memory_space<vmem>>, vector<32xbf16>,
        %add3A_595 = arith.addf %get3A_591, %get3A_594 : vector<32xbf16>
        %unpack3A_596 = tpu.unpack_subelements %add3A_595, 0 {pack_format = #tpu.pack_format<interleaved>} : vector<32xbf16> -> vector<16xf32>
        %unpack3A_597 = tpu.unpack_subelements %add3A_595, 1 {pack_format = #tpu.pack_format<interleaved>} : vector<32xbf16> -> vector<16xf32>
        %max3A_598 = arith.constant 0.000000e+00 : f32
        %max3A_599 = vector.broadcast %max3A_598 : f32 to vector<16xf32>
        %max3A_600 = arith.maximumf %unpack3A_596, %max3A_599 : vector<16xf32>
        %mul3A_601 = arith.mulf %max3A_600, %get3A_18 : vector<16xf32>
        %add3A_602 = arith.addf %add3A_588, %mul3A_601 : vector<16xf32>
        %max3A_603 = arith.constant 0.000000e+00 : f32
        %max3A_604 = vector.broadcast %max3A_603 : f32 to vector<16xf32>
        %max3A_605 = arith.maximumf %unpack3A_597, %max3A_604 : vector<16xf32>
        %mul3A_606 = arith.mulf %max3A_605, %get3A_20 : vector<16xf32>
        %add3A_607 = arith.addf %add3A_602, %mul3A_606 : vector<16xf32>
        %add3A_608 = arith.constant 9 : i32
        %add3A_609 = arith.addi %mul3A_232, %add3A_608 : i32
        %broadcast_in_dim3A_610 = arith.constant 0.000000e+00 : f32
        %broadcast_in_dim3A_611 = vector.broadcast %broadcast_in_dim3A_610 : f32 to vector<16xf32>
        %get3A_612 = arith.index_cast %add3A_609 : i32 to index
        %get3A_613 = arith.constant 0 : index
        %get3A_614 = tpu.vector_load %arg13[%get3A_612, %get3A_613] {strides = array<i32>} : memref<80x64xbf16, #tpu.memory_space<vmem>>, vector<32xbf16>,
        %get3A_615 = arith.index_cast %add3A_609 : i32 to index
        %get3A_616 = arith.constant 0 : index
        %get3A_617 = tpu.vector_load %arg14[%get3A_615, %get3A_616] {strides = array<i32>} : memref<80x64xbf16, #tpu.memory_space<vmem>>, vector<32xbf16>,
        %add3A_618 = arith.addf %get3A_614, %get3A_617 : vector<32xbf16>
        %unpack3A_619 = tpu.unpack_subelements %add3A_618, 0 {pack_format = #tpu.pack_format<interleaved>} : vector<32xbf16> -> vector<16xf32>
        %unpack3A_620 = tpu.unpack_subelements %add3A_618, 1 {pack_format = #tpu.pack_format<interleaved>} : vector<32xbf16> -> vector<16xf32>
        %max3A_621 = arith.constant 0.000000e+00 : f32
        %max3A_622 = vector.broadcast %max3A_621 : f32 to vector<16xf32>
        %max3A_623 = arith.maximumf %unpack3A_619, %max3A_622 : vector<16xf32>
        %mul3A_624 = arith.mulf %max3A_623, %get3A_14 : vector<16xf32>
        %add3A_625 = arith.addf %broadcast_in_dim3A_611, %mul3A_624 : vector<16xf32>
        %max3A_626 = arith.constant 0.000000e+00 : f32
        %max3A_627 = vector.broadcast %max3A_626 : f32 to vector<16xf32>
        %max3A_628 = arith.maximumf %unpack3A_620, %max3A_627 : vector<16xf32>
        %mul3A_629 = arith.mulf %max3A_628, %get3A_16 : vector<16xf32>
        %add3A_630 = arith.addf %add3A_625, %mul3A_629 : vector<16xf32>
        %get3A_631 = arith.index_cast %add3A_609 : i32 to index
        %get3A_632 = arith.constant 32 : index
        %get3A_633 = tpu.vector_load %arg13[%get3A_631, %get3A_632] {strides = array<i32>} : memref<80x64xbf16, #tpu.memory_space<vmem>>, vector<32xbf16>,
        %get3A_634 = arith.index_cast %add3A_609 : i32 to index
        %get3A_635 = arith.constant 32 : index
        %get3A_636 = tpu.vector_load %arg14[%get3A_634, %get3A_635] {strides = array<i32>} : memref<80x64xbf16, #tpu.memory_space<vmem>>, vector<32xbf16>,
        %add3A_637 = arith.addf %get3A_633, %get3A_636 : vector<32xbf16>
        %unpack3A_638 = tpu.unpack_subelements %add3A_637, 0 {pack_format = #tpu.pack_format<interleaved>} : vector<32xbf16> -> vector<16xf32>
        %unpack3A_639 = tpu.unpack_subelements %add3A_637, 1 {pack_format = #tpu.pack_format<interleaved>} : vector<32xbf16> -> vector<16xf32>
        %max3A_640 = arith.constant 0.000000e+00 : f32
        %max3A_641 = vector.broadcast %max3A_640 : f32 to vector<16xf32>
        %max3A_642 = arith.maximumf %unpack3A_638, %max3A_641 : vector<16xf32>
        %mul3A_643 = arith.mulf %max3A_642, %get3A_18 : vector<16xf32>
        %add3A_644 = arith.addf %add3A_630, %mul3A_643 : vector<16xf32>
        %max3A_645 = arith.constant 0.000000e+00 : f32
        %max3A_646 = vector.broadcast %max3A_645 : f32 to vector<16xf32>
        %max3A_647 = arith.maximumf %unpack3A_639, %max3A_646 : vector<16xf32>
        %mul3A_648 = arith.mulf %max3A_647, %get3A_20 : vector<16xf32>
        %add3A_649 = arith.addf %add3A_644, %mul3A_648 : vector<16xf32>
        %add3A_650 = arith.constant 10 : i32
        %add3A_651 = arith.addi %mul3A_232, %add3A_650 : i32
        %broadcast_in_dim3A_652 = arith.constant 0.000000e+00 : f32
        %broadcast_in_dim3A_653 = vector.broadcast %broadcast_in_dim3A_652 : f32 to vector<16xf32>
        %get3A_654 = arith.index_cast %add3A_651 : i32 to index
        %get3A_655 = arith.constant 0 : index
        %get3A_656 = tpu.vector_load %arg13[%get3A_654, %get3A_655] {strides = array<i32>} : memref<80x64xbf16, #tpu.memory_space<vmem>>, vector<32xbf16>,
        %get3A_657 = arith.index_cast %add3A_651 : i32 to index
        %get3A_658 = arith.constant 0 : index
        %get3A_659 = tpu.vector_load %arg14[%get3A_657, %get3A_658] {strides = array<i32>} : memref<80x64xbf16, #tpu.memory_space<vmem>>, vector<32xbf16>,
        %add3A_660 = arith.addf %get3A_656, %get3A_659 : vector<32xbf16>
        %unpack3A_661 = tpu.unpack_subelements %add3A_660, 0 {pack_format = #tpu.pack_format<interleaved>} : vector<32xbf16> -> vector<16xf32>
        %unpack3A_662 = tpu.unpack_subelements %add3A_660, 1 {pack_format = #tpu.pack_format<interleaved>} : vector<32xbf16> -> vector<16xf32>
        %max3A_663 = arith.constant 0.000000e+00 : f32
        %max3A_664 = vector.broadcast %max3A_663 : f32 to vector<16xf32>
        %max3A_665 = arith.maximumf %unpack3A_661, %max3A_664 : vector<16xf32>
        %mul3A_666 = arith.mulf %max3A_665, %get3A_14 : vector<16xf32>
        %add3A_667 = arith.addf %broadcast_in_dim3A_653, %mul3A_666 : vector<16xf32>
        %max3A_668 = arith.constant 0.000000e+00 : f32
        %max3A_669 = vector.broadcast %max3A_668 : f32 to vector<16xf32>
        %max3A_670 = arith.maximumf %unpack3A_662, %max3A_669 : vector<16xf32>
        %mul3A_671 = arith.mulf %max3A_670, %get3A_16 : vector<16xf32>
        %add3A_672 = arith.addf %add3A_667, %mul3A_671 : vector<16xf32>
        %get3A_673 = arith.index_cast %add3A_651 : i32 to index
        %get3A_674 = arith.constant 32 : index
        %get3A_675 = tpu.vector_load %arg13[%get3A_673, %get3A_674] {strides = array<i32>} : memref<80x64xbf16, #tpu.memory_space<vmem>>, vector<32xbf16>,
        %get3A_676 = arith.index_cast %add3A_651 : i32 to index
        %get3A_677 = arith.constant 32 : index
        %get3A_678 = tpu.vector_load %arg14[%get3A_676, %get3A_677] {strides = array<i32>} : memref<80x64xbf16, #tpu.memory_space<vmem>>, vector<32xbf16>,
        %add3A_679 = arith.addf %get3A_675, %get3A_678 : vector<32xbf16>
        %unpack3A_680 = tpu.unpack_subelements %add3A_679, 0 {pack_format = #tpu.pack_format<interleaved>} : vector<32xbf16> -> vector<16xf32>
        %unpack3A_681 = tpu.unpack_subelements %add3A_679, 1 {pack_format = #tpu.pack_format<interleaved>} : vector<32xbf16> -> vector<16xf32>
        %max3A_682 = arith.constant 0.000000e+00 : f32
        %max3A_683 = vector.broadcast %max3A_682 : f32 to vector<16xf32>
        %max3A_684 = arith.maximumf %unpack3A_680, %max3A_683 : vector<16xf32>
        %mul3A_685 = arith.mulf %max3A_684, %get3A_18 : vector<16xf32>
        %add3A_686 = arith.addf %add3A_672, %mul3A_685 : vector<16xf32>
        %max3A_687 = arith.constant 0.000000e+00 : f32
        %max3A_688 = vector.broadcast %max3A_687 : f32 to vector<16xf32>
        %max3A_689 = arith.maximumf %unpack3A_681, %max3A_688 : vector<16xf32>
        %mul3A_690 = arith.mulf %max3A_689, %get3A_20 : vector<16xf32>
        %add3A_691 = arith.addf %add3A_686, %mul3A_690 : vector<16xf32>
        %add3A_692 = arith.constant 11 : i32
        %add3A_693 = arith.addi %mul3A_232, %add3A_692 : i32
        %broadcast_in_dim3A_694 = arith.constant 0.000000e+00 : f32
        %broadcast_in_dim3A_695 = vector.broadcast %broadcast_in_dim3A_694 : f32 to vector<16xf32>
        %get3A_696 = arith.index_cast %add3A_693 : i32 to index
        %get3A_697 = arith.constant 0 : index
        %get3A_698 = tpu.vector_load %arg13[%get3A_696, %get3A_697] {strides = array<i32>} : memref<80x64xbf16, #tpu.memory_space<vmem>>, vector<32xbf16>,
        %get3A_699 = arith.index_cast %add3A_693 : i32 to index
        %get3A_700 = arith.constant 0 : index
        %get3A_701 = tpu.vector_load %arg14[%get3A_699, %get3A_700] {strides = array<i32>} : memref<80x64xbf16, #tpu.memory_space<vmem>>, vector<32xbf16>,
        %add3A_702 = arith.addf %get3A_698, %get3A_701 : vector<32xbf16>
        %unpack3A_703 = tpu.unpack_subelements %add3A_702, 0 {pack_format = #tpu.pack_format<interleaved>} : vector<32xbf16> -> vector<16xf32>
        %unpack3A_704 = tpu.unpack_subelements %add3A_702, 1 {pack_format = #tpu.pack_format<interleaved>} : vector<32xbf16> -> vector<16xf32>
        %max3A_705 = arith.constant 0.000000e+00 : f32
        %max3A_706 = vector.broadcast %max3A_705 : f32 to vector<16xf32>
        %max3A_707 = arith.maximumf %unpack3A_703, %max3A_706 : vector<16xf32>
        %mul3A_708 = arith.mulf %max3A_707, %get3A_14 : vector<16xf32>
        %add3A_709 = arith.addf %broadcast_in_dim3A_695, %mul3A_708 : vector<16xf32>
        %max3A_710 = arith.constant 0.000000e+00 : f32
        %max3A_711 = vector.broadcast %max3A_710 : f32 to vector<16xf32>
        %max3A_712 = arith.maximumf %unpack3A_704, %max3A_711 : vector<16xf32>
        %mul3A_713 = arith.mulf %max3A_712, %get3A_16 : vector<16xf32>
        %add3A_714 = arith.addf %add3A_709, %mul3A_713 : vector<16xf32>
        %get3A_715 = arith.index_cast %add3A_693 : i32 to index
        %get3A_716 = arith.constant 32 : index
        %get3A_717 = tpu.vector_load %arg13[%get3A_715, %get3A_716] {strides = array<i32>} : memref<80x64xbf16, #tpu.memory_space<vmem>>, vector<32xbf16>,
        %get3A_718 = arith.index_cast %add3A_693 : i32 to index
        %get3A_719 = arith.constant 32 : index
        %get3A_720 = tpu.vector_load %arg14[%get3A_718, %get3A_719] {strides = array<i32>} : memref<80x64xbf16, #tpu.memory_space<vmem>>, vector<32xbf16>,
        %add3A_721 = arith.addf %get3A_717, %get3A_720 : vector<32xbf16>
        %unpack3A_722 = tpu.unpack_subelements %add3A_721, 0 {pack_format = #tpu.pack_format<interleaved>} : vector<32xbf16> -> vector<16xf32>
        %unpack3A_723 = tpu.unpack_subelements %add3A_721, 1 {pack_format = #tpu.pack_format<interleaved>} : vector<32xbf16> -> vector<16xf32>
        %max3A_724 = arith.constant 0.000000e+00 : f32
        %max3A_725 = vector.broadcast %max3A_724 : f32 to vector<16xf32>
        %max3A_726 = arith.maximumf %unpack3A_722, %max3A_725 : vector<16xf32>
        %mul3A_727 = arith.mulf %max3A_726, %get3A_18 : vector<16xf32>
        %add3A_728 = arith.addf %add3A_714, %mul3A_727 : vector<16xf32>
        %max3A_729 = arith.constant 0.000000e+00 : f32
        %max3A_730 = vector.broadcast %max3A_729 : f32 to vector<16xf32>
        %max3A_731 = arith.maximumf %unpack3A_723, %max3A_730 : vector<16xf32>
        %mul3A_732 = arith.mulf %max3A_731, %get3A_20 : vector<16xf32>
        %add3A_733 = arith.addf %add3A_728, %mul3A_732 : vector<16xf32>
        %add3A_734 = arith.constant 12 : i32
        %add3A_735 = arith.addi %mul3A_232, %add3A_734 : i32
        %broadcast_in_dim3A_736 = arith.constant 0.000000e+00 : f32
        %broadcast_in_dim3A_737 = vector.broadcast %broadcast_in_dim3A_736 : f32 to vector<16xf32>
        %get3A_738 = arith.index_cast %add3A_735 : i32 to index
        %get3A_739 = arith.constant 0 : index
        %get3A_740 = tpu.vector_load %arg13[%get3A_738, %get3A_739] {strides = array<i32>} : memref<80x64xbf16, #tpu.memory_space<vmem>>, vector<32xbf16>,
        %get3A_741 = arith.index_cast %add3A_735 : i32 to index
        %get3A_742 = arith.constant 0 : index
        %get3A_743 = tpu.vector_load %arg14[%get3A_741, %get3A_742] {strides = array<i32>} : memref<80x64xbf16, #tpu.memory_space<vmem>>, vector<32xbf16>,
        %add3A_744 = arith.addf %get3A_740, %get3A_743 : vector<32xbf16>
        %unpack3A_745 = tpu.unpack_subelements %add3A_744, 0 {pack_format = #tpu.pack_format<interleaved>} : vector<32xbf16> -> vector<16xf32>
        %unpack3A_746 = tpu.unpack_subelements %add3A_744, 1 {pack_format = #tpu.pack_format<interleaved>} : vector<32xbf16> -> vector<16xf32>
        %max3A_747 = arith.constant 0.000000e+00 : f32
        %max3A_748 = vector.broadcast %max3A_747 : f32 to vector<16xf32>
        %max3A_749 = arith.maximumf %unpack3A_745, %max3A_748 : vector<16xf32>
        %mul3A_750 = arith.mulf %max3A_749, %get3A_14 : vector<16xf32>
        %add3A_751 = arith.addf %broadcast_in_dim3A_737, %mul3A_750 : vector<16xf32>
        %max3A_752 = arith.constant 0.000000e+00 : f32
        %max3A_753 = vector.broadcast %max3A_752 : f32 to vector<16xf32>
        %max3A_754 = arith.maximumf %unpack3A_746, %max3A_753 : vector<16xf32>
        %mul3A_755 = arith.mulf %max3A_754, %get3A_16 : vector<16xf32>
        %add3A_756 = arith.addf %add3A_751, %mul3A_755 : vector<16xf32>
        %get3A_757 = arith.index_cast %add3A_735 : i32 to index
        %get3A_758 = arith.constant 32 : index
        %get3A_759 = tpu.vector_load %arg13[%get3A_757, %get3A_758] {strides = array<i32>} : memref<80x64xbf16, #tpu.memory_space<vmem>>, vector<32xbf16>,
        %get3A_760 = arith.index_cast %add3A_735 : i32 to index
        %get3A_761 = arith.constant 32 : index
        %get3A_762 = tpu.vector_load %arg14[%get3A_760, %get3A_761] {strides = array<i32>} : memref<80x64xbf16, #tpu.memory_space<vmem>>, vector<32xbf16>,
        %add3A_763 = arith.addf %get3A_759, %get3A_762 : vector<32xbf16>
        %unpack3A_764 = tpu.unpack_subelements %add3A_763, 0 {pack_format = #tpu.pack_format<interleaved>} : vector<32xbf16> -> vector<16xf32>
        %unpack3A_765 = tpu.unpack_subelements %add3A_763, 1 {pack_format = #tpu.pack_format<interleaved>} : vector<32xbf16> -> vector<16xf32>
        %max3A_766 = arith.constant 0.000000e+00 : f32
        %max3A_767 = vector.broadcast %max3A_766 : f32 to vector<16xf32>
        %max3A_768 = arith.maximumf %unpack3A_764, %max3A_767 : vector<16xf32>
        %mul3A_769 = arith.mulf %max3A_768, %get3A_18 : vector<16xf32>
        %add3A_770 = arith.addf %add3A_756, %mul3A_769 : vector<16xf32>
        %max3A_771 = arith.constant 0.000000e+00 : f32
        %max3A_772 = vector.broadcast %max3A_771 : f32 to vector<16xf32>
        %max3A_773 = arith.maximumf %unpack3A_765, %max3A_772 : vector<16xf32>
        %mul3A_774 = arith.mulf %max3A_773, %get3A_20 : vector<16xf32>
        %add3A_775 = arith.addf %add3A_770, %mul3A_774 : vector<16xf32>
        %add3A_776 = arith.constant 13 : i32
        %add3A_777 = arith.addi %mul3A_232, %add3A_776 : i32
        %broadcast_in_dim3A_778 = arith.constant 0.000000e+00 : f32
        %broadcast_in_dim3A_779 = vector.broadcast %broadcast_in_dim3A_778 : f32 to vector<16xf32>
        %get3A_780 = arith.index_cast %add3A_777 : i32 to index
        %get3A_781 = arith.constant 0 : index
        %get3A_782 = tpu.vector_load %arg13[%get3A_780, %get3A_781] {strides = array<i32>} : memref<80x64xbf16, #tpu.memory_space<vmem>>, vector<32xbf16>,
        %get3A_783 = arith.index_cast %add3A_777 : i32 to index
        %get3A_784 = arith.constant 0 : index
        %get3A_785 = tpu.vector_load %arg14[%get3A_783, %get3A_784] {strides = array<i32>} : memref<80x64xbf16, #tpu.memory_space<vmem>>, vector<32xbf16>,
        %add3A_786 = arith.addf %get3A_782, %get3A_785 : vector<32xbf16>
        %unpack3A_787 = tpu.unpack_subelements %add3A_786, 0 {pack_format = #tpu.pack_format<interleaved>} : vector<32xbf16> -> vector<16xf32>
        %unpack3A_788 = tpu.unpack_subelements %add3A_786, 1 {pack_format = #tpu.pack_format<interleaved>} : vector<32xbf16> -> vector<16xf32>
        %max3A_789 = arith.constant 0.000000e+00 : f32
        %max3A_790 = vector.broadcast %max3A_789 : f32 to vector<16xf32>
        %max3A_791 = arith.maximumf %unpack3A_787, %max3A_790 : vector<16xf32>
        %mul3A_792 = arith.mulf %max3A_791, %get3A_14 : vector<16xf32>
        %add3A_793 = arith.addf %broadcast_in_dim3A_779, %mul3A_792 : vector<16xf32>
        %max3A_794 = arith.constant 0.000000e+00 : f32
        %max3A_795 = vector.broadcast %max3A_794 : f32 to vector<16xf32>
        %max3A_796 = arith.maximumf %unpack3A_788, %max3A_795 : vector<16xf32>
        %mul3A_797 = arith.mulf %max3A_796, %get3A_16 : vector<16xf32>
        %add3A_798 = arith.addf %add3A_793, %mul3A_797 : vector<16xf32>
        %get3A_799 = arith.index_cast %add3A_777 : i32 to index
        %get3A_800 = arith.constant 32 : index
        %get3A_801 = tpu.vector_load %arg13[%get3A_799, %get3A_800] {strides = array<i32>} : memref<80x64xbf16, #tpu.memory_space<vmem>>, vector<32xbf16>,
        %get3A_802 = arith.index_cast %add3A_777 : i32 to index
        %get3A_803 = arith.constant 32 : index
        %get3A_804 = tpu.vector_load %arg14[%get3A_802, %get3A_803] {strides = array<i32>} : memref<80x64xbf16, #tpu.memory_space<vmem>>, vector<32xbf16>,
        %add3A_805 = arith.addf %get3A_801, %get3A_804 : vector<32xbf16>
        %unpack3A_806 = tpu.unpack_subelements %add3A_805, 0 {pack_format = #tpu.pack_format<interleaved>} : vector<32xbf16> -> vector<16xf32>
        %unpack3A_807 = tpu.unpack_subelements %add3A_805, 1 {pack_format = #tpu.pack_format<interleaved>} : vector<32xbf16> -> vector<16xf32>
        %max3A_808 = arith.constant 0.000000e+00 : f32
        %max3A_809 = vector.broadcast %max3A_808 : f32 to vector<16xf32>
        %max3A_810 = arith.maximumf %unpack3A_806, %max3A_809 : vector<16xf32>
        %mul3A_811 = arith.mulf %max3A_810, %get3A_18 : vector<16xf32>
        %add3A_812 = arith.addf %add3A_798, %mul3A_811 : vector<16xf32>
        %max3A_813 = arith.constant 0.000000e+00 : f32
        %max3A_814 = vector.broadcast %max3A_813 : f32 to vector<16xf32>
        %max3A_815 = arith.maximumf %unpack3A_807, %max3A_814 : vector<16xf32>
        %mul3A_816 = arith.mulf %max3A_815, %get3A_20 : vector<16xf32>
        %add3A_817 = arith.addf %add3A_812, %mul3A_816 : vector<16xf32>
        %add3A_818 = arith.constant 14 : i32
        %add3A_819 = arith.addi %mul3A_232, %add3A_818 : i32
        %broadcast_in_dim3A_820 = arith.constant 0.000000e+00 : f32
        %broadcast_in_dim3A_821 = vector.broadcast %broadcast_in_dim3A_820 : f32 to vector<16xf32>
        %get3A_822 = arith.index_cast %add3A_819 : i32 to index
        %get3A_823 = arith.constant 0 : index
        %get3A_824 = tpu.vector_load %arg13[%get3A_822, %get3A_823] {strides = array<i32>} : memref<80x64xbf16, #tpu.memory_space<vmem>>, vector<32xbf16>,
        %get3A_825 = arith.index_cast %add3A_819 : i32 to index
        %get3A_826 = arith.constant 0 : index
        %get3A_827 = tpu.vector_load %arg14[%get3A_825, %get3A_826] {strides = array<i32>} : memref<80x64xbf16, #tpu.memory_space<vmem>>, vector<32xbf16>,
        %add3A_828 = arith.addf %get3A_824, %get3A_827 : vector<32xbf16>
        %unpack3A_829 = tpu.unpack_subelements %add3A_828, 0 {pack_format = #tpu.pack_format<interleaved>} : vector<32xbf16> -> vector<16xf32>
        %unpack3A_830 = tpu.unpack_subelements %add3A_828, 1 {pack_format = #tpu.pack_format<interleaved>} : vector<32xbf16> -> vector<16xf32>
        %max3A_831 = arith.constant 0.000000e+00 : f32
        %max3A_832 = vector.broadcast %max3A_831 : f32 to vector<16xf32>
        %max3A_833 = arith.maximumf %unpack3A_829, %max3A_832 : vector<16xf32>
        %mul3A_834 = arith.mulf %max3A_833, %get3A_14 : vector<16xf32>
        %add3A_835 = arith.addf %broadcast_in_dim3A_821, %mul3A_834 : vector<16xf32>
        %max3A_836 = arith.constant 0.000000e+00 : f32
        %max3A_837 = vector.broadcast %max3A_836 : f32 to vector<16xf32>
        %max3A_838 = arith.maximumf %unpack3A_830, %max3A_837 : vector<16xf32>
        %mul3A_839 = arith.mulf %max3A_838, %get3A_16 : vector<16xf32>
        %add3A_840 = arith.addf %add3A_835, %mul3A_839 : vector<16xf32>
        %get3A_841 = arith.index_cast %add3A_819 : i32 to index
        %get3A_842 = arith.constant 32 : index
        %get3A_843 = tpu.vector_load %arg13[%get3A_841, %get3A_842] {strides = array<i32>} : memref<80x64xbf16, #tpu.memory_space<vmem>>, vector<32xbf16>,
        %get3A_844 = arith.index_cast %add3A_819 : i32 to index
        %get3A_845 = arith.constant 32 : index
        %get3A_846 = tpu.vector_load %arg14[%get3A_844, %get3A_845] {strides = array<i32>} : memref<80x64xbf16, #tpu.memory_space<vmem>>, vector<32xbf16>,
        %add3A_847 = arith.addf %get3A_843, %get3A_846 : vector<32xbf16>
        %unpack3A_848 = tpu.unpack_subelements %add3A_847, 0 {pack_format = #tpu.pack_format<interleaved>} : vector<32xbf16> -> vector<16xf32>
        %unpack3A_849 = tpu.unpack_subelements %add3A_847, 1 {pack_format = #tpu.pack_format<interleaved>} : vector<32xbf16> -> vector<16xf32>
        %max3A_850 = arith.constant 0.000000e+00 : f32
        %max3A_851 = vector.broadcast %max3A_850 : f32 to vector<16xf32>
        %max3A_852 = arith.maximumf %unpack3A_848, %max3A_851 : vector<16xf32>
        %mul3A_853 = arith.mulf %max3A_852, %get3A_18 : vector<16xf32>
        %add3A_854 = arith.addf %add3A_840, %mul3A_853 : vector<16xf32>
        %max3A_855 = arith.constant 0.000000e+00 : f32
        %max3A_856 = vector.broadcast %max3A_855 : f32 to vector<16xf32>
        %max3A_857 = arith.maximumf %unpack3A_849, %max3A_856 : vector<16xf32>
        %mul3A_858 = arith.mulf %max3A_857, %get3A_20 : vector<16xf32>
        %add3A_859 = arith.addf %add3A_854, %mul3A_858 : vector<16xf32>
        %add3A_860 = arith.constant 15 : i32
        %add3A_861 = arith.addi %mul3A_232, %add3A_860 : i32
        %broadcast_in_dim3A_862 = arith.constant 0.000000e+00 : f32
        %broadcast_in_dim3A_863 = vector.broadcast %broadcast_in_dim3A_862 : f32 to vector<16xf32>
        %get3A_864 = arith.index_cast %add3A_861 : i32 to index
        %get3A_865 = arith.constant 0 : index
        %get3A_866 = tpu.vector_load %arg13[%get3A_864, %get3A_865] {strides = array<i32>} : memref<80x64xbf16, #tpu.memory_space<vmem>>, vector<32xbf16>,
        %get3A_867 = arith.index_cast %add3A_861 : i32 to index
        %get3A_868 = arith.constant 0 : index
        %get3A_869 = tpu.vector_load %arg14[%get3A_867, %get3A_868] {strides = array<i32>} : memref<80x64xbf16, #tpu.memory_space<vmem>>, vector<32xbf16>,
        %add3A_870 = arith.addf %get3A_866, %get3A_869 : vector<32xbf16>
        %unpack3A_871 = tpu.unpack_subelements %add3A_870, 0 {pack_format = #tpu.pack_format<interleaved>} : vector<32xbf16> -> vector<16xf32>
        %unpack3A_872 = tpu.unpack_subelements %add3A_870, 1 {pack_format = #tpu.pack_format<interleaved>} : vector<32xbf16> -> vector<16xf32>
        %max3A_873 = arith.constant 0.000000e+00 : f32
        %max3A_874 = vector.broadcast %max3A_873 : f32 to vector<16xf32>
        %max3A_875 = arith.maximumf %unpack3A_871, %max3A_874 : vector<16xf32>
        %mul3A_876 = arith.mulf %max3A_875, %get3A_14 : vector<16xf32>
        %add3A_877 = arith.addf %broadcast_in_dim3A_863, %mul3A_876 : vector<16xf32>
        %max3A_878 = arith.constant 0.000000e+00 : f32
        %max3A_879 = vector.broadcast %max3A_878 : f32 to vector<16xf32>
        %max3A_880 = arith.maximumf %unpack3A_872, %max3A_879 : vector<16xf32>
        %mul3A_881 = arith.mulf %max3A_880, %get3A_16 : vector<16xf32>
        %add3A_882 = arith.addf %add3A_877, %mul3A_881 : vector<16xf32>
        %get3A_883 = arith.index_cast %add3A_861 : i32 to index
        %get3A_884 = arith.constant 32 : index
        %get3A_885 = tpu.vector_load %arg13[%get3A_883, %get3A_884] {strides = array<i32>} : memref<80x64xbf16, #tpu.memory_space<vmem>>, vector<32xbf16>,
        %get3A_886 = arith.index_cast %add3A_861 : i32 to index
        %get3A_887 = arith.constant 32 : index
        %get3A_888 = tpu.vector_load %arg14[%get3A_886, %get3A_887] {strides = array<i32>} : memref<80x64xbf16, #tpu.memory_space<vmem>>, vector<32xbf16>,
        %add3A_889 = arith.addf %get3A_885, %get3A_888 : vector<32xbf16>
        %unpack3A_890 = tpu.unpack_subelements %add3A_889, 0 {pack_format = #tpu.pack_format<interleaved>} : vector<32xbf16> -> vector<16xf32>
        %unpack3A_891 = tpu.unpack_subelements %add3A_889, 1 {pack_format = #tpu.pack_format<interleaved>} : vector<32xbf16> -> vector<16xf32>
        %max3A_892 = arith.constant 0.000000e+00 : f32
        %max3A_893 = vector.broadcast %max3A_892 : f32 to vector<16xf32>
        %max3A_894 = arith.maximumf %unpack3A_890, %max3A_893 : vector<16xf32>
        %mul3A_895 = arith.mulf %max3A_894, %get3A_18 : vector<16xf32>
        %add3A_896 = arith.addf %add3A_882, %mul3A_895 : vector<16xf32>
        %max3A_897 = arith.constant 0.000000e+00 : f32
        %max3A_898 = vector.broadcast %max3A_897 : f32 to vector<16xf32>
        %max3A_899 = arith.maximumf %unpack3A_891, %max3A_898 : vector<16xf32>
        %mul3A_900 = arith.mulf %max3A_899, %get3A_20 : vector<16xf32>
        %add3A_901 = arith.addf %add3A_896, %mul3A_900 : vector<16xf32>
        %select_n3A = arith.select %ne3A_37, %add3A_313, %add3A_271 : vector<16xi1>, vector<16xf32>
        %select_n3A_902 = arith.select %ne3A_37, %add3A_271, %add3A_313 : vector<16xi1>, vector<16xf32>
        %lt3A = arith.constant 0 : i32
        %lt3A_903 = vector.broadcast %lt3A : i32 to vector<16xi32>
        %lt3A_904 = arith.cmpi slt, %xor3A_24, %lt3A_903 : vector<16xi32>
        %add3A_905 = arith.constant 16 : i32
        %add3A_906 = vector.broadcast %add3A_905 : i32 to vector<16xi32>
        %add3A_907 = arith.addi %xor3A_24, %add3A_906 : vector<16xi32>
        %select_n3A_908 = arith.select %lt3A_904, %add3A_907, %xor3A_24 : vector<16xi1>, vector<16xi32>
        %broadcast_in_dim3A_909 = vector.shape_cast %select_n3A_908 : vector<16xi32> to vector<16x1xi32>
        %gather3A = vector.shape_cast %broadcast_in_dim3A_909 : vector<16x1xi32> to vector<16xi32>
        %gather3A_910 = tpu.dynamic_gather %select_n3A_902[%gather3A] in [0] : vector<16xf32>, vector<16xi32> -> vector<16xf32>
        %add3A_911 = arith.addf %select_n3A, %gather3A_910 : vector<16xf32>
        %select_n3A_912 = arith.select %ne3A_37, %add3A_397, %add3A_355 : vector<16xi1>, vector<16xf32>
        %select_n3A_913 = arith.select %ne3A_37, %add3A_355, %add3A_397 : vector<16xi1>, vector<16xf32>
        %lt3A_914 = arith.constant 0 : i32
        %lt3A_915 = vector.broadcast %lt3A_914 : i32 to vector<16xi32>
        %lt3A_916 = arith.cmpi slt, %xor3A_24, %lt3A_915 : vector<16xi32>
        %add3A_917 = arith.constant 16 : i32
        %add3A_918 = vector.broadcast %add3A_917 : i32 to vector<16xi32>
        %add3A_919 = arith.addi %xor3A_24, %add3A_918 : vector<16xi32>
        %select_n3A_920 = arith.select %lt3A_916, %add3A_919, %xor3A_24 : vector<16xi1>, vector<16xi32>
        %broadcast_in_dim3A_921 = vector.shape_cast %select_n3A_920 : vector<16xi32> to vector<16x1xi32>
        %gather3A_922 = vector.shape_cast %broadcast_in_dim3A_921 : vector<16x1xi32> to vector<16xi32>
        %gather3A_923 = tpu.dynamic_gather %select_n3A_913[%gather3A_922] in [0] : vector<16xf32>, vector<16xi32> -> vector<16xf32>
        %add3A_924 = arith.addf %select_n3A_912, %gather3A_923 : vector<16xf32>
        %select_n3A_925 = arith.select %ne3A_37, %add3A_481, %add3A_439 : vector<16xi1>, vector<16xf32>
        %select_n3A_926 = arith.select %ne3A_37, %add3A_439, %add3A_481 : vector<16xi1>, vector<16xf32>
        %lt3A_927 = arith.constant 0 : i32
        %lt3A_928 = vector.broadcast %lt3A_927 : i32 to vector<16xi32>
        %lt3A_929 = arith.cmpi slt, %xor3A_24, %lt3A_928 : vector<16xi32>
        %add3A_930 = arith.constant 16 : i32
        %add3A_931 = vector.broadcast %add3A_930 : i32 to vector<16xi32>
        %add3A_932 = arith.addi %xor3A_24, %add3A_931 : vector<16xi32>
        %select_n3A_933 = arith.select %lt3A_929, %add3A_932, %xor3A_24 : vector<16xi1>, vector<16xi32>
        %broadcast_in_dim3A_934 = vector.shape_cast %select_n3A_933 : vector<16xi32> to vector<16x1xi32>
        %gather3A_935 = vector.shape_cast %broadcast_in_dim3A_934 : vector<16x1xi32> to vector<16xi32>
        %gather3A_936 = tpu.dynamic_gather %select_n3A_926[%gather3A_935] in [0] : vector<16xf32>, vector<16xi32> -> vector<16xf32>
        %add3A_937 = arith.addf %select_n3A_925, %gather3A_936 : vector<16xf32>
        %select_n3A_938 = arith.select %ne3A_37, %add3A_565, %add3A_523 : vector<16xi1>, vector<16xf32>
        %select_n3A_939 = arith.select %ne3A_37, %add3A_523, %add3A_565 : vector<16xi1>, vector<16xf32>
        %lt3A_940 = arith.constant 0 : i32
        %lt3A_941 = vector.broadcast %lt3A_940 : i32 to vector<16xi32>
        %lt3A_942 = arith.cmpi slt, %xor3A_24, %lt3A_941 : vector<16xi32>
        %add3A_943 = arith.constant 16 : i32
        %add3A_944 = vector.broadcast %add3A_943 : i32 to vector<16xi32>
        %add3A_945 = arith.addi %xor3A_24, %add3A_944 : vector<16xi32>
        %select_n3A_946 = arith.select %lt3A_942, %add3A_945, %xor3A_24 : vector<16xi1>, vector<16xi32>
        %broadcast_in_dim3A_947 = vector.shape_cast %select_n3A_946 : vector<16xi32> to vector<16x1xi32>
        %gather3A_948 = vector.shape_cast %broadcast_in_dim3A_947 : vector<16x1xi32> to vector<16xi32>
        %gather3A_949 = tpu.dynamic_gather %select_n3A_939[%gather3A_948] in [0] : vector<16xf32>, vector<16xi32> -> vector<16xf32>
        %add3A_950 = arith.addf %select_n3A_938, %gather3A_949 : vector<16xf32>
        %select_n3A_951 = arith.select %ne3A_37, %add3A_649, %add3A_607 : vector<16xi1>, vector<16xf32>
        %select_n3A_952 = arith.select %ne3A_37, %add3A_607, %add3A_649 : vector<16xi1>, vector<16xf32>
        %lt3A_953 = arith.constant 0 : i32
        %lt3A_954 = vector.broadcast %lt3A_953 : i32 to vector<16xi32>
        %lt3A_955 = arith.cmpi slt, %xor3A_24, %lt3A_954 : vector<16xi32>
        %add3A_956 = arith.constant 16 : i32
        %add3A_957 = vector.broadcast %add3A_956 : i32 to vector<16xi32>
        %add3A_958 = arith.addi %xor3A_24, %add3A_957 : vector<16xi32>
        %select_n3A_959 = arith.select %lt3A_955, %add3A_958, %xor3A_24 : vector<16xi1>, vector<16xi32>
        %broadcast_in_dim3A_960 = vector.shape_cast %select_n3A_959 : vector<16xi32> to vector<16x1xi32>
        %gather3A_961 = vector.shape_cast %broadcast_in_dim3A_960 : vector<16x1xi32> to vector<16xi32>
        %gather3A_962 = tpu.dynamic_gather %select_n3A_952[%gather3A_961] in [0] : vector<16xf32>, vector<16xi32> -> vector<16xf32>
        %add3A_963 = arith.addf %select_n3A_951, %gather3A_962 : vector<16xf32>
        %select_n3A_964 = arith.select %ne3A_37, %add3A_733, %add3A_691 : vector<16xi1>, vector<16xf32>
        %select_n3A_965 = arith.select %ne3A_37, %add3A_691, %add3A_733 : vector<16xi1>, vector<16xf32>
        %lt3A_966 = arith.constant 0 : i32
        %lt3A_967 = vector.broadcast %lt3A_966 : i32 to vector<16xi32>
        %lt3A_968 = arith.cmpi slt, %xor3A_24, %lt3A_967 : vector<16xi32>
        %add3A_969 = arith.constant 16 : i32
        %add3A_970 = vector.broadcast %add3A_969 : i32 to vector<16xi32>
        %add3A_971 = arith.addi %xor3A_24, %add3A_970 : vector<16xi32>
        %select_n3A_972 = arith.select %lt3A_968, %add3A_971, %xor3A_24 : vector<16xi1>, vector<16xi32>
        %broadcast_in_dim3A_973 = vector.shape_cast %select_n3A_972 : vector<16xi32> to vector<16x1xi32>
        %gather3A_974 = vector.shape_cast %broadcast_in_dim3A_973 : vector<16x1xi32> to vector<16xi32>
        %gather3A_975 = tpu.dynamic_gather %select_n3A_965[%gather3A_974] in [0] : vector<16xf32>, vector<16xi32> -> vector<16xf32>
        %add3A_976 = arith.addf %select_n3A_964, %gather3A_975 : vector<16xf32>
        %select_n3A_977 = arith.select %ne3A_37, %add3A_817, %add3A_775 : vector<16xi1>, vector<16xf32>
        %select_n3A_978 = arith.select %ne3A_37, %add3A_775, %add3A_817 : vector<16xi1>, vector<16xf32>
        %lt3A_979 = arith.constant 0 : i32
        %lt3A_980 = vector.broadcast %lt3A_979 : i32 to vector<16xi32>
        %lt3A_981 = arith.cmpi slt, %xor3A_24, %lt3A_980 : vector<16xi32>
        %add3A_982 = arith.constant 16 : i32
        %add3A_983 = vector.broadcast %add3A_982 : i32 to vector<16xi32>
        %add3A_984 = arith.addi %xor3A_24, %add3A_983 : vector<16xi32>
        %select_n3A_985 = arith.select %lt3A_981, %add3A_984, %xor3A_24 : vector<16xi1>, vector<16xi32>
        %broadcast_in_dim3A_986 = vector.shape_cast %select_n3A_985 : vector<16xi32> to vector<16x1xi32>
        %gather3A_987 = vector.shape_cast %broadcast_in_dim3A_986 : vector<16x1xi32> to vector<16xi32>
        %gather3A_988 = tpu.dynamic_gather %select_n3A_978[%gather3A_987] in [0] : vector<16xf32>, vector<16xi32> -> vector<16xf32>
        %add3A_989 = arith.addf %select_n3A_977, %gather3A_988 : vector<16xf32>
        %select_n3A_990 = arith.select %ne3A_37, %add3A_901, %add3A_859 : vector<16xi1>, vector<16xf32>
        %select_n3A_991 = arith.select %ne3A_37, %add3A_859, %add3A_901 : vector<16xi1>, vector<16xf32>
        %lt3A_992 = arith.constant 0 : i32
        %lt3A_993 = vector.broadcast %lt3A_992 : i32 to vector<16xi32>
        %lt3A_994 = arith.cmpi slt, %xor3A_24, %lt3A_993 : vector<16xi32>
        %add3A_995 = arith.constant 16 : i32
        %add3A_996 = vector.broadcast %add3A_995 : i32 to vector<16xi32>
        %add3A_997 = arith.addi %xor3A_24, %add3A_996 : vector<16xi32>
        %select_n3A_998 = arith.select %lt3A_994, %add3A_997, %xor3A_24 : vector<16xi1>, vector<16xi32>
        %broadcast_in_dim3A_999 = vector.shape_cast %select_n3A_998 : vector<16xi32> to vector<16x1xi32>
        %gather3A_1000 = vector.shape_cast %broadcast_in_dim3A_999 : vector<16x1xi32> to vector<16xi32>
        %gather3A_1001 = tpu.dynamic_gather %select_n3A_991[%gather3A_1000] in [0] : vector<16xf32>, vector<16xi32> -> vector<16xf32>
        %add3A_1002 = arith.addf %select_n3A_990, %gather3A_1001 : vector<16xf32>
        %select_n3A_1003 = arith.select %ne3A_43, %add3A_924, %add3A_911 : vector<16xi1>, vector<16xf32>
        %select_n3A_1004 = arith.select %ne3A_43, %add3A_911, %add3A_924 : vector<16xi1>, vector<16xf32>
        %lt3A_1005 = arith.constant 0 : i32
        %lt3A_1006 = vector.broadcast %lt3A_1005 : i32 to vector<16xi32>
        %lt3A_1007 = arith.cmpi slt, %xor3A_27, %lt3A_1006 : vector<16xi32>
        %add3A_1008 = arith.constant 16 : i32
        %add3A_1009 = vector.broadcast %add3A_1008 : i32 to vector<16xi32>
        %add3A_1010 = arith.addi %xor3A_27, %add3A_1009 : vector<16xi32>
        %select_n3A_1011 = arith.select %lt3A_1007, %add3A_1010, %xor3A_27 : vector<16xi1>, vector<16xi32>
        %broadcast_in_dim3A_1012 = vector.shape_cast %select_n3A_1011 : vector<16xi32> to vector<16x1xi32>
        %gather3A_1013 = vector.shape_cast %broadcast_in_dim3A_1012 : vector<16x1xi32> to vector<16xi32>
        %gather3A_1014 = tpu.dynamic_gather %select_n3A_1004[%gather3A_1013] in [0] : vector<16xf32>, vector<16xi32> -> vector<16xf32>
        %add3A_1015 = arith.addf %select_n3A_1003, %gather3A_1014 : vector<16xf32>
        %select_n3A_1016 = arith.select %ne3A_43, %add3A_950, %add3A_937 : vector<16xi1>, vector<16xf32>
        %select_n3A_1017 = arith.select %ne3A_43, %add3A_937, %add3A_950 : vector<16xi1>, vector<16xf32>
        %lt3A_1018 = arith.constant 0 : i32
        %lt3A_1019 = vector.broadcast %lt3A_1018 : i32 to vector<16xi32>
        %lt3A_1020 = arith.cmpi slt, %xor3A_27, %lt3A_1019 : vector<16xi32>
        %add3A_1021 = arith.constant 16 : i32
        %add3A_1022 = vector.broadcast %add3A_1021 : i32 to vector<16xi32>
        %add3A_1023 = arith.addi %xor3A_27, %add3A_1022 : vector<16xi32>
        %select_n3A_1024 = arith.select %lt3A_1020, %add3A_1023, %xor3A_27 : vector<16xi1>, vector<16xi32>
        %broadcast_in_dim3A_1025 = vector.shape_cast %select_n3A_1024 : vector<16xi32> to vector<16x1xi32>
        %gather3A_1026 = vector.shape_cast %broadcast_in_dim3A_1025 : vector<16x1xi32> to vector<16xi32>
        %gather3A_1027 = tpu.dynamic_gather %select_n3A_1017[%gather3A_1026] in [0] : vector<16xf32>, vector<16xi32> -> vector<16xf32>
        %add3A_1028 = arith.addf %select_n3A_1016, %gather3A_1027 : vector<16xf32>
        %select_n3A_1029 = arith.select %ne3A_43, %add3A_976, %add3A_963 : vector<16xi1>, vector<16xf32>
        %select_n3A_1030 = arith.select %ne3A_43, %add3A_963, %add3A_976 : vector<16xi1>, vector<16xf32>
        %lt3A_1031 = arith.constant 0 : i32
        %lt3A_1032 = vector.broadcast %lt3A_1031 : i32 to vector<16xi32>
        %lt3A_1033 = arith.cmpi slt, %xor3A_27, %lt3A_1032 : vector<16xi32>
        %add3A_1034 = arith.constant 16 : i32
        %add3A_1035 = vector.broadcast %add3A_1034 : i32 to vector<16xi32>
        %add3A_1036 = arith.addi %xor3A_27, %add3A_1035 : vector<16xi32>
        %select_n3A_1037 = arith.select %lt3A_1033, %add3A_1036, %xor3A_27 : vector<16xi1>, vector<16xi32>
        %broadcast_in_dim3A_1038 = vector.shape_cast %select_n3A_1037 : vector<16xi32> to vector<16x1xi32>
        %gather3A_1039 = vector.shape_cast %broadcast_in_dim3A_1038 : vector<16x1xi32> to vector<16xi32>
        %gather3A_1040 = tpu.dynamic_gather %select_n3A_1030[%gather3A_1039] in [0] : vector<16xf32>, vector<16xi32> -> vector<16xf32>
        %add3A_1041 = arith.addf %select_n3A_1029, %gather3A_1040 : vector<16xf32>
        %select_n3A_1042 = arith.select %ne3A_43, %add3A_1002, %add3A_989 : vector<16xi1>, vector<16xf32>
        %select_n3A_1043 = arith.select %ne3A_43, %add3A_989, %add3A_1002 : vector<16xi1>, vector<16xf32>
        %lt3A_1044 = arith.constant 0 : i32
        %lt3A_1045 = vector.broadcast %lt3A_1044 : i32 to vector<16xi32>
        %lt3A_1046 = arith.cmpi slt, %xor3A_27, %lt3A_1045 : vector<16xi32>
        %add3A_1047 = arith.constant 16 : i32
        %add3A_1048 = vector.broadcast %add3A_1047 : i32 to vector<16xi32>
        %add3A_1049 = arith.addi %xor3A_27, %add3A_1048 : vector<16xi32>
        %select_n3A_1050 = arith.select %lt3A_1046, %add3A_1049, %xor3A_27 : vector<16xi1>, vector<16xi32>
        %broadcast_in_dim3A_1051 = vector.shape_cast %select_n3A_1050 : vector<16xi32> to vector<16x1xi32>
        %gather3A_1052 = vector.shape_cast %broadcast_in_dim3A_1051 : vector<16x1xi32> to vector<16xi32>
        %gather3A_1053 = tpu.dynamic_gather %select_n3A_1043[%gather3A_1052] in [0] : vector<16xf32>, vector<16xi32> -> vector<16xf32>
        %add3A_1054 = arith.addf %select_n3A_1042, %gather3A_1053 : vector<16xf32>
        %select_n3A_1055 = arith.select %ne3A_49, %add3A_1028, %add3A_1015 : vector<16xi1>, vector<16xf32>
        %select_n3A_1056 = arith.select %ne3A_49, %add3A_1015, %add3A_1028 : vector<16xi1>, vector<16xf32>
        %lt3A_1057 = arith.constant 0 : i32
        %lt3A_1058 = vector.broadcast %lt3A_1057 : i32 to vector<16xi32>
        %lt3A_1059 = arith.cmpi slt, %xor3A_30, %lt3A_1058 : vector<16xi32>
        %add3A_1060 = arith.constant 16 : i32
        %add3A_1061 = vector.broadcast %add3A_1060 : i32 to vector<16xi32>
        %add3A_1062 = arith.addi %xor3A_30, %add3A_1061 : vector<16xi32>
        %select_n3A_1063 = arith.select %lt3A_1059, %add3A_1062, %xor3A_30 : vector<16xi1>, vector<16xi32>
        %broadcast_in_dim3A_1064 = vector.shape_cast %select_n3A_1063 : vector<16xi32> to vector<16x1xi32>
        %gather3A_1065 = vector.shape_cast %broadcast_in_dim3A_1064 : vector<16x1xi32> to vector<16xi32>
        %gather3A_1066 = tpu.dynamic_gather %select_n3A_1056[%gather3A_1065] in [0] : vector<16xf32>, vector<16xi32> -> vector<16xf32>
        %add3A_1067 = arith.addf %select_n3A_1055, %gather3A_1066 : vector<16xf32>
        %select_n3A_1068 = arith.select %ne3A_49, %add3A_1054, %add3A_1041 : vector<16xi1>, vector<16xf32>
        %select_n3A_1069 = arith.select %ne3A_49, %add3A_1041, %add3A_1054 : vector<16xi1>, vector<16xf32>
        %lt3A_1070 = arith.constant 0 : i32
        %lt3A_1071 = vector.broadcast %lt3A_1070 : i32 to vector<16xi32>
        %lt3A_1072 = arith.cmpi slt, %xor3A_30, %lt3A_1071 : vector<16xi32>
        %add3A_1073 = arith.constant 16 : i32
        %add3A_1074 = vector.broadcast %add3A_1073 : i32 to vector<16xi32>
        %add3A_1075 = arith.addi %xor3A_30, %add3A_1074 : vector<16xi32>
        %select_n3A_1076 = arith.select %lt3A_1072, %add3A_1075, %xor3A_30 : vector<16xi1>, vector<16xi32>
        %broadcast_in_dim3A_1077 = vector.shape_cast %select_n3A_1076 : vector<16xi32> to vector<16x1xi32>
        %gather3A_1078 = vector.shape_cast %broadcast_in_dim3A_1077 : vector<16x1xi32> to vector<16xi32>
        %gather3A_1079 = tpu.dynamic_gather %select_n3A_1069[%gather3A_1078] in [0] : vector<16xf32>, vector<16xi32> -> vector<16xf32>
        %add3A_1080 = arith.addf %select_n3A_1068, %gather3A_1079 : vector<16xf32>
        %select_n3A_1081 = arith.select %ne3A_55, %add3A_1080, %add3A_1067 : vector<16xi1>, vector<16xf32>
        %select_n3A_1082 = arith.select %ne3A_55, %add3A_1067, %add3A_1080 : vector<16xi1>, vector<16xf32>
        %lt3A_1083 = arith.constant 0 : i32
        %lt3A_1084 = vector.broadcast %lt3A_1083 : i32 to vector<16xi32>
        %lt3A_1085 = arith.cmpi slt, %xor3A_33, %lt3A_1084 : vector<16xi32>
        %add3A_1086 = arith.constant 16 : i32
        %add3A_1087 = vector.broadcast %add3A_1086 : i32 to vector<16xi32>
        %add3A_1088 = arith.addi %xor3A_33, %add3A_1087 : vector<16xi32>
        %select_n3A_1089 = arith.select %lt3A_1085, %add3A_1088, %xor3A_33 : vector<16xi1>, vector<16xi32>
        %broadcast_in_dim3A_1090 = vector.shape_cast %select_n3A_1089 : vector<16xi32> to vector<16x1xi32>
        %gather3A_1091 = vector.shape_cast %broadcast_in_dim3A_1090 : vector<16x1xi32> to vector<16xi32>
        %gather3A_1092 = tpu.dynamic_gather %select_n3A_1082[%gather3A_1091] in [0] : vector<16xf32>, vector<16xi32> -> vector<16xf32>
        %add3A_1093 = arith.addf %select_n3A_1081, %gather3A_1092 : vector<16xf32>
        %add3A_1094 = arith.addf %add3A_1093, %get3A_22 : vector<16xf32>
        %mul3A_1095 = arith.constant 80 : i32
        %mul3A_1096 = arith.muli %add3A_185, %mul3A_1095 : i32
        %add3A_1097 = arith.addi %mul3A_1096, %mul3A_232 : i32
        %swap3A = arith.index_cast %add3A_1097 : i32 to index
        %swap3A_1098 = tpu.vector_load %arg18[%swap3A] {strides = array<i32>} : memref<10000xf32, #tpu.memory_space<vmem>>, vector<16xf32>,
        tpu.vector_store %arg18[%swap3A], %add3A_1094 {strides = array<i32>} : memref<10000xf32, #tpu.memory_space<vmem>>, vector<16xf32>,
      }
      %scan3A_191 = arith.constant 5 : i32
      %add3A_192 = arith.constant 2 : i32
      %add3A_193 = arith.addi %mul3A_115, %add3A_192 : i32
      %mul3A_194 = arith.constant 80 : i32
      %mul3A_195 = arith.muli %add3A_193, %mul3A_194 : i32
      %dma_wait3A_196 = tpu.memref_slice %arg9[%mul3A_195] : memref<10000xi32, #tpu.memory_space<vmem>> -> memref<80xi32, #tpu.memory_space<vmem>>
      %dma_wait3A_197 = arith.constant 0 : i32
      %dma_wait3A_198 = arith.constant 0 : i32
      %dma_wait3A_199 = tpu.memref_slice %arg7[%dma_wait3A_197, %dma_wait3A_198] : memref<10000x64xbf16, #tpu.memory_space<vmem_shared>> -> memref<10000x64xbf16, #tpu.memory_space<vmem_shared>>
      tpu.wait_indirect_dma semaphore(%arg23 : memref<!tpu.dma_semaphore, #tpu.memory_space<semaphore_mem>>) src(%dma_wait3A_199 : memref<10000x64xbf16, #tpu.memory_space<vmem_shared>>) dst(%arg15 : memref<80x64xbf16, #tpu.memory_space<vmem>>)
      %mul3A_200 = arith.constant 80 : i32
      %mul3A_201 = arith.muli %add3A_193, %mul3A_200 : i32
      %dma_wait3A_202 = tpu.memref_slice %arg10[%mul3A_201] : memref<10000xi32, #tpu.memory_space<vmem>> -> memref<80xi32, #tpu.memory_space<vmem>>
      %dma_wait3A_203 = arith.constant 0 : i32
      %dma_wait3A_204 = arith.constant 0 : i32
      %dma_wait3A_205 = tpu.memref_slice %arg8[%dma_wait3A_203, %dma_wait3A_204] : memref<10000x64xbf16, #tpu.memory_space<vmem_shared>> -> memref<10000x64xbf16, #tpu.memory_space<vmem_shared>>
      tpu.wait_indirect_dma semaphore(%arg24 : memref<!tpu.dma_semaphore, #tpu.memory_space<semaphore_mem>>) src(%dma_wait3A_205 : memref<10000x64xbf16, #tpu.memory_space<vmem_shared>>) dst(%arg16 : memref<80x64xbf16, #tpu.memory_space<vmem>>)
      %add3A_206 = arith.constant 2 : i32
      %add3A_207 = arith.addi %mul3A_115, %add3A_206 : i32
      %add3A_208 = arith.constant 2 : i32
      %add3A_209 = arith.addi %add3A_207, %add3A_208 : i32
      %mul3A_210 = arith.constant 80 : i32
      %mul3A_211 = arith.muli %add3A_209, %mul3A_210 : i32
      %dma_start3A_212 = tpu.memref_slice %arg9[%mul3A_211] : memref<10000xi32, #tpu.memory_space<vmem>> -> memref<80xi32, #tpu.memory_space<vmem>>
      %dma_start3A_213 = arith.constant 0 : i32
      %dma_start3A_214 = arith.constant 0 : i32
      %dma_start3A_215 = tpu.memref_slice %arg7[%dma_start3A_213, %dma_start3A_214] : memref<10000x64xbf16, #tpu.memory_space<vmem_shared>> -> memref<10000x64xbf16, #tpu.memory_space<vmem_shared>>
      tpu.enqueue_indirect_dma source(%dma_start3A_215 : memref<10000x64xbf16, #tpu.memory_space<vmem_shared>>) target(%arg13 : memref<80x64xbf16, #tpu.memory_space<vmem>>) offsets(%dma_start3A_212 : memref<80xi32, #tpu.memory_space<vmem>>) semaphore(%arg21 : memref<!tpu.dma_semaphore, #tpu.memory_space<semaphore_mem>>)
      %mul3A_216 = arith.constant 80 : i32
      %mul3A_217 = arith.muli %add3A_209, %mul3A_216 : i32
      %dma_start3A_218 = tpu.memref_slice %arg10[%mul3A_217] : memref<10000xi32, #tpu.memory_space<vmem>> -> memref<80xi32, #tpu.memory_space<vmem>>
      %dma_start3A_219 = arith.constant 0 : i32
      %dma_start3A_220 = arith.constant 0 : i32
      %dma_start3A_221 = tpu.memref_slice %arg8[%dma_start3A_219, %dma_start3A_220] : memref<10000x64xbf16, #tpu.memory_space<vmem_shared>> -> memref<10000x64xbf16, #tpu.memory_space<vmem_shared>>
      tpu.enqueue_indirect_dma source(%dma_start3A_221 : memref<10000x64xbf16, #tpu.memory_space<vmem_shared>>) target(%arg14 : memref<80x64xbf16, #tpu.memory_space<vmem>>) offsets(%dma_start3A_218 : memref<80xi32, #tpu.memory_space<vmem>>) semaphore(%arg22 : memref<!tpu.dma_semaphore, #tpu.memory_space<semaphore_mem>>)
      %add3A_222 = arith.constant 2 : i32
      %add3A_223 = arith.addi %mul3A_115, %add3A_222 : i32
      %scan3A_224 = arith.constant 0 : i32
      %scan3A_225 = arith.constant 0 : i32
      %scan3A_226 = arith.constant 5 : i32
      %scan3A_227 = arith.addi %scan3A_225, %scan3A_226 : i32
      %scan3A_228 = arith.constant 1 : i32
      scf.for %scan3A_230 = %scan3A_225 to %scan3A_227 step %scan3A_228  : i32 {
        %mul3A_231 = arith.constant 16 : i32
        %mul3A_232 = arith.muli %scan3A_230, %mul3A_231 : i32
        %add3A_233 = arith.constant 0 : i32
        %add3A_234 = arith.addi %mul3A_232, %add3A_233 : i32
        %broadcast_in_dim3A = arith.constant 0.000000e+00 : f32
        %broadcast_in_dim3A_235 = vector.broadcast %broadcast_in_dim3A : f32 to vector<16xf32>
        %get3A_236 = arith.index_cast %add3A_234 : i32 to index
        %get3A_237 = arith.constant 0 : index
        %get3A_238 = tpu.vector_load %arg15[%get3A_236, %get3A_237] {strides = array<i32>} : memref<80x64xbf16, #tpu.memory_space<vmem>>, vector<32xbf16>,
        %get3A_239 = arith.index_cast %add3A_234 : i32 to index
        %get3A_240 = arith.constant 0 : index
        %get3A_241 = tpu.vector_load %arg16[%get3A_239, %get3A_240] {strides = array<i32>} : memref<80x64xbf16, #tpu.memory_space<vmem>>, vector<32xbf16>,
        %add3A_242 = arith.addf %get3A_238, %get3A_241 : vector<32xbf16>
        %unpack3A = tpu.unpack_subelements %add3A_242, 0 {pack_format = #tpu.pack_format<interleaved>} : vector<32xbf16> -> vector<16xf32>
        %unpack3A_243 = tpu.unpack_subelements %add3A_242, 1 {pack_format = #tpu.pack_format<interleaved>} : vector<32xbf16> -> vector<16xf32>
        %max3A = arith.constant 0.000000e+00 : f32
        %max3A_244 = vector.broadcast %max3A : f32 to vector<16xf32>
        %max3A_245 = arith.maximumf %unpack3A, %max3A_244 : vector<16xf32>
        %mul3A_246 = arith.mulf %max3A_245, %get3A_14 : vector<16xf32>
        %add3A_247 = arith.addf %broadcast_in_dim3A_235, %mul3A_246 : vector<16xf32>
        %max3A_248 = arith.constant 0.000000e+00 : f32
        %max3A_249 = vector.broadcast %max3A_248 : f32 to vector<16xf32>
        %max3A_250 = arith.maximumf %unpack3A_243, %max3A_249 : vector<16xf32>
        %mul3A_251 = arith.mulf %max3A_250, %get3A_16 : vector<16xf32>
        %add3A_252 = arith.addf %add3A_247, %mul3A_251 : vector<16xf32>
        %get3A_253 = arith.index_cast %add3A_234 : i32 to index
        %get3A_254 = arith.constant 32 : index
        %get3A_255 = tpu.vector_load %arg15[%get3A_253, %get3A_254] {strides = array<i32>} : memref<80x64xbf16, #tpu.memory_space<vmem>>, vector<32xbf16>,
        %get3A_256 = arith.index_cast %add3A_234 : i32 to index
        %get3A_257 = arith.constant 32 : index
        %get3A_258 = tpu.vector_load %arg16[%get3A_256, %get3A_257] {strides = array<i32>} : memref<80x64xbf16, #tpu.memory_space<vmem>>, vector<32xbf16>,
        %add3A_259 = arith.addf %get3A_255, %get3A_258 : vector<32xbf16>
        %unpack3A_260 = tpu.unpack_subelements %add3A_259, 0 {pack_format = #tpu.pack_format<interleaved>} : vector<32xbf16> -> vector<16xf32>
        %unpack3A_261 = tpu.unpack_subelements %add3A_259, 1 {pack_format = #tpu.pack_format<interleaved>} : vector<32xbf16> -> vector<16xf32>
        %max3A_262 = arith.constant 0.000000e+00 : f32
        %max3A_263 = vector.broadcast %max3A_262 : f32 to vector<16xf32>
        %max3A_264 = arith.maximumf %unpack3A_260, %max3A_263 : vector<16xf32>
        %mul3A_265 = arith.mulf %max3A_264, %get3A_18 : vector<16xf32>
        %add3A_266 = arith.addf %add3A_252, %mul3A_265 : vector<16xf32>
        %max3A_267 = arith.constant 0.000000e+00 : f32
        %max3A_268 = vector.broadcast %max3A_267 : f32 to vector<16xf32>
        %max3A_269 = arith.maximumf %unpack3A_261, %max3A_268 : vector<16xf32>
        %mul3A_270 = arith.mulf %max3A_269, %get3A_20 : vector<16xf32>
        %add3A_271 = arith.addf %add3A_266, %mul3A_270 : vector<16xf32>
        %add3A_272 = arith.constant 1 : i32
        %add3A_273 = arith.addi %mul3A_232, %add3A_272 : i32
        %broadcast_in_dim3A_274 = arith.constant 0.000000e+00 : f32
        %broadcast_in_dim3A_275 = vector.broadcast %broadcast_in_dim3A_274 : f32 to vector<16xf32>
        %get3A_276 = arith.index_cast %add3A_273 : i32 to index
        %get3A_277 = arith.constant 0 : index
        %get3A_278 = tpu.vector_load %arg15[%get3A_276, %get3A_277] {strides = array<i32>} : memref<80x64xbf16, #tpu.memory_space<vmem>>, vector<32xbf16>,
        %get3A_279 = arith.index_cast %add3A_273 : i32 to index
        %get3A_280 = arith.constant 0 : index
        %get3A_281 = tpu.vector_load %arg16[%get3A_279, %get3A_280] {strides = array<i32>} : memref<80x64xbf16, #tpu.memory_space<vmem>>, vector<32xbf16>,
        %add3A_282 = arith.addf %get3A_278, %get3A_281 : vector<32xbf16>
        %unpack3A_283 = tpu.unpack_subelements %add3A_282, 0 {pack_format = #tpu.pack_format<interleaved>} : vector<32xbf16> -> vector<16xf32>
        %unpack3A_284 = tpu.unpack_subelements %add3A_282, 1 {pack_format = #tpu.pack_format<interleaved>} : vector<32xbf16> -> vector<16xf32>
        %max3A_285 = arith.constant 0.000000e+00 : f32
        %max3A_286 = vector.broadcast %max3A_285 : f32 to vector<16xf32>
        %max3A_287 = arith.maximumf %unpack3A_283, %max3A_286 : vector<16xf32>
        %mul3A_288 = arith.mulf %max3A_287, %get3A_14 : vector<16xf32>
        %add3A_289 = arith.addf %broadcast_in_dim3A_275, %mul3A_288 : vector<16xf32>
        %max3A_290 = arith.constant 0.000000e+00 : f32
        %max3A_291 = vector.broadcast %max3A_290 : f32 to vector<16xf32>
        %max3A_292 = arith.maximumf %unpack3A_284, %max3A_291 : vector<16xf32>
        %mul3A_293 = arith.mulf %max3A_292, %get3A_16 : vector<16xf32>
        %add3A_294 = arith.addf %add3A_289, %mul3A_293 : vector<16xf32>
        %get3A_295 = arith.index_cast %add3A_273 : i32 to index
        %get3A_296 = arith.constant 32 : index
        %get3A_297 = tpu.vector_load %arg15[%get3A_295, %get3A_296] {strides = array<i32>} : memref<80x64xbf16, #tpu.memory_space<vmem>>, vector<32xbf16>,
        %get3A_298 = arith.index_cast %add3A_273 : i32 to index
        %get3A_299 = arith.constant 32 : index
        %get3A_300 = tpu.vector_load %arg16[%get3A_298, %get3A_299] {strides = array<i32>} : memref<80x64xbf16, #tpu.memory_space<vmem>>, vector<32xbf16>,
        %add3A_301 = arith.addf %get3A_297, %get3A_300 : vector<32xbf16>
        %unpack3A_302 = tpu.unpack_subelements %add3A_301, 0 {pack_format = #tpu.pack_format<interleaved>} : vector<32xbf16> -> vector<16xf32>
        %unpack3A_303 = tpu.unpack_subelements %add3A_301, 1 {pack_format = #tpu.pack_format<interleaved>} : vector<32xbf16> -> vector<16xf32>
        %max3A_304 = arith.constant 0.000000e+00 : f32
        %max3A_305 = vector.broadcast %max3A_304 : f32 to vector<16xf32>
        %max3A_306 = arith.maximumf %unpack3A_302, %max3A_305 : vector<16xf32>
        %mul3A_307 = arith.mulf %max3A_306, %get3A_18 : vector<16xf32>
        %add3A_308 = arith.addf %add3A_294, %mul3A_307 : vector<16xf32>
        %max3A_309 = arith.constant 0.000000e+00 : f32
        %max3A_310 = vector.broadcast %max3A_309 : f32 to vector<16xf32>
        %max3A_311 = arith.maximumf %unpack3A_303, %max3A_310 : vector<16xf32>
        %mul3A_312 = arith.mulf %max3A_311, %get3A_20 : vector<16xf32>
        %add3A_313 = arith.addf %add3A_308, %mul3A_312 : vector<16xf32>
        %add3A_314 = arith.constant 2 : i32
        %add3A_315 = arith.addi %mul3A_232, %add3A_314 : i32
        %broadcast_in_dim3A_316 = arith.constant 0.000000e+00 : f32
        %broadcast_in_dim3A_317 = vector.broadcast %broadcast_in_dim3A_316 : f32 to vector<16xf32>
        %get3A_318 = arith.index_cast %add3A_315 : i32 to index
        %get3A_319 = arith.constant 0 : index
        %get3A_320 = tpu.vector_load %arg15[%get3A_318, %get3A_319] {strides = array<i32>} : memref<80x64xbf16, #tpu.memory_space<vmem>>, vector<32xbf16>,
        %get3A_321 = arith.index_cast %add3A_315 : i32 to index
        %get3A_322 = arith.constant 0 : index
        %get3A_323 = tpu.vector_load %arg16[%get3A_321, %get3A_322] {strides = array<i32>} : memref<80x64xbf16, #tpu.memory_space<vmem>>, vector<32xbf16>,
        %add3A_324 = arith.addf %get3A_320, %get3A_323 : vector<32xbf16>
        %unpack3A_325 = tpu.unpack_subelements %add3A_324, 0 {pack_format = #tpu.pack_format<interleaved>} : vector<32xbf16> -> vector<16xf32>
        %unpack3A_326 = tpu.unpack_subelements %add3A_324, 1 {pack_format = #tpu.pack_format<interleaved>} : vector<32xbf16> -> vector<16xf32>
        %max3A_327 = arith.constant 0.000000e+00 : f32
        %max3A_328 = vector.broadcast %max3A_327 : f32 to vector<16xf32>
        %max3A_329 = arith.maximumf %unpack3A_325, %max3A_328 : vector<16xf32>
        %mul3A_330 = arith.mulf %max3A_329, %get3A_14 : vector<16xf32>
        %add3A_331 = arith.addf %broadcast_in_dim3A_317, %mul3A_330 : vector<16xf32>
        %max3A_332 = arith.constant 0.000000e+00 : f32
        %max3A_333 = vector.broadcast %max3A_332 : f32 to vector<16xf32>
        %max3A_334 = arith.maximumf %unpack3A_326, %max3A_333 : vector<16xf32>
        %mul3A_335 = arith.mulf %max3A_334, %get3A_16 : vector<16xf32>
        %add3A_336 = arith.addf %add3A_331, %mul3A_335 : vector<16xf32>
        %get3A_337 = arith.index_cast %add3A_315 : i32 to index
        %get3A_338 = arith.constant 32 : index
        %get3A_339 = tpu.vector_load %arg15[%get3A_337, %get3A_338] {strides = array<i32>} : memref<80x64xbf16, #tpu.memory_space<vmem>>, vector<32xbf16>,
        %get3A_340 = arith.index_cast %add3A_315 : i32 to index
        %get3A_341 = arith.constant 32 : index
        %get3A_342 = tpu.vector_load %arg16[%get3A_340, %get3A_341] {strides = array<i32>} : memref<80x64xbf16, #tpu.memory_space<vmem>>, vector<32xbf16>,
        %add3A_343 = arith.addf %get3A_339, %get3A_342 : vector<32xbf16>
        %unpack3A_344 = tpu.unpack_subelements %add3A_343, 0 {pack_format = #tpu.pack_format<interleaved>} : vector<32xbf16> -> vector<16xf32>
        %unpack3A_345 = tpu.unpack_subelements %add3A_343, 1 {pack_format = #tpu.pack_format<interleaved>} : vector<32xbf16> -> vector<16xf32>
        %max3A_346 = arith.constant 0.000000e+00 : f32
        %max3A_347 = vector.broadcast %max3A_346 : f32 to vector<16xf32>
        %max3A_348 = arith.maximumf %unpack3A_344, %max3A_347 : vector<16xf32>
        %mul3A_349 = arith.mulf %max3A_348, %get3A_18 : vector<16xf32>
        %add3A_350 = arith.addf %add3A_336, %mul3A_349 : vector<16xf32>
        %max3A_351 = arith.constant 0.000000e+00 : f32
        %max3A_352 = vector.broadcast %max3A_351 : f32 to vector<16xf32>
        %max3A_353 = arith.maximumf %unpack3A_345, %max3A_352 : vector<16xf32>
        %mul3A_354 = arith.mulf %max3A_353, %get3A_20 : vector<16xf32>
        %add3A_355 = arith.addf %add3A_350, %mul3A_354 : vector<16xf32>
        %add3A_356 = arith.constant 3 : i32
        %add3A_357 = arith.addi %mul3A_232, %add3A_356 : i32
        %broadcast_in_dim3A_358 = arith.constant 0.000000e+00 : f32
        %broadcast_in_dim3A_359 = vector.broadcast %broadcast_in_dim3A_358 : f32 to vector<16xf32>
        %get3A_360 = arith.index_cast %add3A_357 : i32 to index
        %get3A_361 = arith.constant 0 : index
        %get3A_362 = tpu.vector_load %arg15[%get3A_360, %get3A_361] {strides = array<i32>} : memref<80x64xbf16, #tpu.memory_space<vmem>>, vector<32xbf16>,
        %get3A_363 = arith.index_cast %add3A_357 : i32 to index
        %get3A_364 = arith.constant 0 : index
        %get3A_365 = tpu.vector_load %arg16[%get3A_363, %get3A_364] {strides = array<i32>} : memref<80x64xbf16, #tpu.memory_space<vmem>>, vector<32xbf16>,
        %add3A_366 = arith.addf %get3A_362, %get3A_365 : vector<32xbf16>
        %unpack3A_367 = tpu.unpack_subelements %add3A_366, 0 {pack_format = #tpu.pack_format<interleaved>} : vector<32xbf16> -> vector<16xf32>
        %unpack3A_368 = tpu.unpack_subelements %add3A_366, 1 {pack_format = #tpu.pack_format<interleaved>} : vector<32xbf16> -> vector<16xf32>
        %max3A_369 = arith.constant 0.000000e+00 : f32
        %max3A_370 = vector.broadcast %max3A_369 : f32 to vector<16xf32>
        %max3A_371 = arith.maximumf %unpack3A_367, %max3A_370 : vector<16xf32>
        %mul3A_372 = arith.mulf %max3A_371, %get3A_14 : vector<16xf32>
        %add3A_373 = arith.addf %broadcast_in_dim3A_359, %mul3A_372 : vector<16xf32>
        %max3A_374 = arith.constant 0.000000e+00 : f32
        %max3A_375 = vector.broadcast %max3A_374 : f32 to vector<16xf32>
        %max3A_376 = arith.maximumf %unpack3A_368, %max3A_375 : vector<16xf32>
        %mul3A_377 = arith.mulf %max3A_376, %get3A_16 : vector<16xf32>
        %add3A_378 = arith.addf %add3A_373, %mul3A_377 : vector<16xf32>
        %get3A_379 = arith.index_cast %add3A_357 : i32 to index
        %get3A_380 = arith.constant 32 : index
        %get3A_381 = tpu.vector_load %arg15[%get3A_379, %get3A_380] {strides = array<i32>} : memref<80x64xbf16, #tpu.memory_space<vmem>>, vector<32xbf16>,
        %get3A_382 = arith.index_cast %add3A_357 : i32 to index
        %get3A_383 = arith.constant 32 : index
        %get3A_384 = tpu.vector_load %arg16[%get3A_382, %get3A_383] {strides = array<i32>} : memref<80x64xbf16, #tpu.memory_space<vmem>>, vector<32xbf16>,
        %add3A_385 = arith.addf %get3A_381, %get3A_384 : vector<32xbf16>
        %unpack3A_386 = tpu.unpack_subelements %add3A_385, 0 {pack_format = #tpu.pack_format<interleaved>} : vector<32xbf16> -> vector<16xf32>
        %unpack3A_387 = tpu.unpack_subelements %add3A_385, 1 {pack_format = #tpu.pack_format<interleaved>} : vector<32xbf16> -> vector<16xf32>
        %max3A_388 = arith.constant 0.000000e+00 : f32
        %max3A_389 = vector.broadcast %max3A_388 : f32 to vector<16xf32>
        %max3A_390 = arith.maximumf %unpack3A_386, %max3A_389 : vector<16xf32>
        %mul3A_391 = arith.mulf %max3A_390, %get3A_18 : vector<16xf32>
        %add3A_392 = arith.addf %add3A_378, %mul3A_391 : vector<16xf32>
        %max3A_393 = arith.constant 0.000000e+00 : f32
        %max3A_394 = vector.broadcast %max3A_393 : f32 to vector<16xf32>
        %max3A_395 = arith.maximumf %unpack3A_387, %max3A_394 : vector<16xf32>
        %mul3A_396 = arith.mulf %max3A_395, %get3A_20 : vector<16xf32>
        %add3A_397 = arith.addf %add3A_392, %mul3A_396 : vector<16xf32>
        %add3A_398 = arith.constant 4 : i32
        %add3A_399 = arith.addi %mul3A_232, %add3A_398 : i32
        %broadcast_in_dim3A_400 = arith.constant 0.000000e+00 : f32
        %broadcast_in_dim3A_401 = vector.broadcast %broadcast_in_dim3A_400 : f32 to vector<16xf32>
        %get3A_402 = arith.index_cast %add3A_399 : i32 to index
        %get3A_403 = arith.constant 0 : index
        %get3A_404 = tpu.vector_load %arg15[%get3A_402, %get3A_403] {strides = array<i32>} : memref<80x64xbf16, #tpu.memory_space<vmem>>, vector<32xbf16>,
        %get3A_405 = arith.index_cast %add3A_399 : i32 to index
        %get3A_406 = arith.constant 0 : index
        %get3A_407 = tpu.vector_load %arg16[%get3A_405, %get3A_406] {strides = array<i32>} : memref<80x64xbf16, #tpu.memory_space<vmem>>, vector<32xbf16>,
        %add3A_408 = arith.addf %get3A_404, %get3A_407 : vector<32xbf16>
        %unpack3A_409 = tpu.unpack_subelements %add3A_408, 0 {pack_format = #tpu.pack_format<interleaved>} : vector<32xbf16> -> vector<16xf32>
        %unpack3A_410 = tpu.unpack_subelements %add3A_408, 1 {pack_format = #tpu.pack_format<interleaved>} : vector<32xbf16> -> vector<16xf32>
        %max3A_411 = arith.constant 0.000000e+00 : f32
        %max3A_412 = vector.broadcast %max3A_411 : f32 to vector<16xf32>
        %max3A_413 = arith.maximumf %unpack3A_409, %max3A_412 : vector<16xf32>
        %mul3A_414 = arith.mulf %max3A_413, %get3A_14 : vector<16xf32>
        %add3A_415 = arith.addf %broadcast_in_dim3A_401, %mul3A_414 : vector<16xf32>
        %max3A_416 = arith.constant 0.000000e+00 : f32
        %max3A_417 = vector.broadcast %max3A_416 : f32 to vector<16xf32>
        %max3A_418 = arith.maximumf %unpack3A_410, %max3A_417 : vector<16xf32>
        %mul3A_419 = arith.mulf %max3A_418, %get3A_16 : vector<16xf32>
        %add3A_420 = arith.addf %add3A_415, %mul3A_419 : vector<16xf32>
        %get3A_421 = arith.index_cast %add3A_399 : i32 to index
        %get3A_422 = arith.constant 32 : index
        %get3A_423 = tpu.vector_load %arg15[%get3A_421, %get3A_422] {strides = array<i32>} : memref<80x64xbf16, #tpu.memory_space<vmem>>, vector<32xbf16>,
        %get3A_424 = arith.index_cast %add3A_399 : i32 to index
        %get3A_425 = arith.constant 32 : index
        %get3A_426 = tpu.vector_load %arg16[%get3A_424, %get3A_425] {strides = array<i32>} : memref<80x64xbf16, #tpu.memory_space<vmem>>, vector<32xbf16>,
        %add3A_427 = arith.addf %get3A_423, %get3A_426 : vector<32xbf16>
        %unpack3A_428 = tpu.unpack_subelements %add3A_427, 0 {pack_format = #tpu.pack_format<interleaved>} : vector<32xbf16> -> vector<16xf32>
        %unpack3A_429 = tpu.unpack_subelements %add3A_427, 1 {pack_format = #tpu.pack_format<interleaved>} : vector<32xbf16> -> vector<16xf32>
        %max3A_430 = arith.constant 0.000000e+00 : f32
        %max3A_431 = vector.broadcast %max3A_430 : f32 to vector<16xf32>
        %max3A_432 = arith.maximumf %unpack3A_428, %max3A_431 : vector<16xf32>
        %mul3A_433 = arith.mulf %max3A_432, %get3A_18 : vector<16xf32>
        %add3A_434 = arith.addf %add3A_420, %mul3A_433 : vector<16xf32>
        %max3A_435 = arith.constant 0.000000e+00 : f32
        %max3A_436 = vector.broadcast %max3A_435 : f32 to vector<16xf32>
        %max3A_437 = arith.maximumf %unpack3A_429, %max3A_436 : vector<16xf32>
        %mul3A_438 = arith.mulf %max3A_437, %get3A_20 : vector<16xf32>
        %add3A_439 = arith.addf %add3A_434, %mul3A_438 : vector<16xf32>
        %add3A_440 = arith.constant 5 : i32
        %add3A_441 = arith.addi %mul3A_232, %add3A_440 : i32
        %broadcast_in_dim3A_442 = arith.constant 0.000000e+00 : f32
        %broadcast_in_dim3A_443 = vector.broadcast %broadcast_in_dim3A_442 : f32 to vector<16xf32>
        %get3A_444 = arith.index_cast %add3A_441 : i32 to index
        %get3A_445 = arith.constant 0 : index
        %get3A_446 = tpu.vector_load %arg15[%get3A_444, %get3A_445] {strides = array<i32>} : memref<80x64xbf16, #tpu.memory_space<vmem>>, vector<32xbf16>,
        %get3A_447 = arith.index_cast %add3A_441 : i32 to index
        %get3A_448 = arith.constant 0 : index
        %get3A_449 = tpu.vector_load %arg16[%get3A_447, %get3A_448] {strides = array<i32>} : memref<80x64xbf16, #tpu.memory_space<vmem>>, vector<32xbf16>,
        %add3A_450 = arith.addf %get3A_446, %get3A_449 : vector<32xbf16>
        %unpack3A_451 = tpu.unpack_subelements %add3A_450, 0 {pack_format = #tpu.pack_format<interleaved>} : vector<32xbf16> -> vector<16xf32>
        %unpack3A_452 = tpu.unpack_subelements %add3A_450, 1 {pack_format = #tpu.pack_format<interleaved>} : vector<32xbf16> -> vector<16xf32>
        %max3A_453 = arith.constant 0.000000e+00 : f32
        %max3A_454 = vector.broadcast %max3A_453 : f32 to vector<16xf32>
        %max3A_455 = arith.maximumf %unpack3A_451, %max3A_454 : vector<16xf32>
        %mul3A_456 = arith.mulf %max3A_455, %get3A_14 : vector<16xf32>
        %add3A_457 = arith.addf %broadcast_in_dim3A_443, %mul3A_456 : vector<16xf32>
        %max3A_458 = arith.constant 0.000000e+00 : f32
        %max3A_459 = vector.broadcast %max3A_458 : f32 to vector<16xf32>
        %max3A_460 = arith.maximumf %unpack3A_452, %max3A_459 : vector<16xf32>
        %mul3A_461 = arith.mulf %max3A_460, %get3A_16 : vector<16xf32>
        %add3A_462 = arith.addf %add3A_457, %mul3A_461 : vector<16xf32>
        %get3A_463 = arith.index_cast %add3A_441 : i32 to index
        %get3A_464 = arith.constant 32 : index
        %get3A_465 = tpu.vector_load %arg15[%get3A_463, %get3A_464] {strides = array<i32>} : memref<80x64xbf16, #tpu.memory_space<vmem>>, vector<32xbf16>,
        %get3A_466 = arith.index_cast %add3A_441 : i32 to index
        %get3A_467 = arith.constant 32 : index
        %get3A_468 = tpu.vector_load %arg16[%get3A_466, %get3A_467] {strides = array<i32>} : memref<80x64xbf16, #tpu.memory_space<vmem>>, vector<32xbf16>,
        %add3A_469 = arith.addf %get3A_465, %get3A_468 : vector<32xbf16>
        %unpack3A_470 = tpu.unpack_subelements %add3A_469, 0 {pack_format = #tpu.pack_format<interleaved>} : vector<32xbf16> -> vector<16xf32>
        %unpack3A_471 = tpu.unpack_subelements %add3A_469, 1 {pack_format = #tpu.pack_format<interleaved>} : vector<32xbf16> -> vector<16xf32>
        %max3A_472 = arith.constant 0.000000e+00 : f32
        %max3A_473 = vector.broadcast %max3A_472 : f32 to vector<16xf32>
        %max3A_474 = arith.maximumf %unpack3A_470, %max3A_473 : vector<16xf32>
        %mul3A_475 = arith.mulf %max3A_474, %get3A_18 : vector<16xf32>
        %add3A_476 = arith.addf %add3A_462, %mul3A_475 : vector<16xf32>
        %max3A_477 = arith.constant 0.000000e+00 : f32
        %max3A_478 = vector.broadcast %max3A_477 : f32 to vector<16xf32>
        %max3A_479 = arith.maximumf %unpack3A_471, %max3A_478 : vector<16xf32>
        %mul3A_480 = arith.mulf %max3A_479, %get3A_20 : vector<16xf32>
        %add3A_481 = arith.addf %add3A_476, %mul3A_480 : vector<16xf32>
        %add3A_482 = arith.constant 6 : i32
        %add3A_483 = arith.addi %mul3A_232, %add3A_482 : i32
        %broadcast_in_dim3A_484 = arith.constant 0.000000e+00 : f32
        %broadcast_in_dim3A_485 = vector.broadcast %broadcast_in_dim3A_484 : f32 to vector<16xf32>
        %get3A_486 = arith.index_cast %add3A_483 : i32 to index
        %get3A_487 = arith.constant 0 : index
        %get3A_488 = tpu.vector_load %arg15[%get3A_486, %get3A_487] {strides = array<i32>} : memref<80x64xbf16, #tpu.memory_space<vmem>>, vector<32xbf16>,
        %get3A_489 = arith.index_cast %add3A_483 : i32 to index
        %get3A_490 = arith.constant 0 : index
        %get3A_491 = tpu.vector_load %arg16[%get3A_489, %get3A_490] {strides = array<i32>} : memref<80x64xbf16, #tpu.memory_space<vmem>>, vector<32xbf16>,
        %add3A_492 = arith.addf %get3A_488, %get3A_491 : vector<32xbf16>
        %unpack3A_493 = tpu.unpack_subelements %add3A_492, 0 {pack_format = #tpu.pack_format<interleaved>} : vector<32xbf16> -> vector<16xf32>
        %unpack3A_494 = tpu.unpack_subelements %add3A_492, 1 {pack_format = #tpu.pack_format<interleaved>} : vector<32xbf16> -> vector<16xf32>
        %max3A_495 = arith.constant 0.000000e+00 : f32
        %max3A_496 = vector.broadcast %max3A_495 : f32 to vector<16xf32>
        %max3A_497 = arith.maximumf %unpack3A_493, %max3A_496 : vector<16xf32>
        %mul3A_498 = arith.mulf %max3A_497, %get3A_14 : vector<16xf32>
        %add3A_499 = arith.addf %broadcast_in_dim3A_485, %mul3A_498 : vector<16xf32>
        %max3A_500 = arith.constant 0.000000e+00 : f32
        %max3A_501 = vector.broadcast %max3A_500 : f32 to vector<16xf32>
        %max3A_502 = arith.maximumf %unpack3A_494, %max3A_501 : vector<16xf32>
        %mul3A_503 = arith.mulf %max3A_502, %get3A_16 : vector<16xf32>
        %add3A_504 = arith.addf %add3A_499, %mul3A_503 : vector<16xf32>
        %get3A_505 = arith.index_cast %add3A_483 : i32 to index
        %get3A_506 = arith.constant 32 : index
        %get3A_507 = tpu.vector_load %arg15[%get3A_505, %get3A_506] {strides = array<i32>} : memref<80x64xbf16, #tpu.memory_space<vmem>>, vector<32xbf16>,
        %get3A_508 = arith.index_cast %add3A_483 : i32 to index
        %get3A_509 = arith.constant 32 : index
        %get3A_510 = tpu.vector_load %arg16[%get3A_508, %get3A_509] {strides = array<i32>} : memref<80x64xbf16, #tpu.memory_space<vmem>>, vector<32xbf16>,
        %add3A_511 = arith.addf %get3A_507, %get3A_510 : vector<32xbf16>
        %unpack3A_512 = tpu.unpack_subelements %add3A_511, 0 {pack_format = #tpu.pack_format<interleaved>} : vector<32xbf16> -> vector<16xf32>
        %unpack3A_513 = tpu.unpack_subelements %add3A_511, 1 {pack_format = #tpu.pack_format<interleaved>} : vector<32xbf16> -> vector<16xf32>
        %max3A_514 = arith.constant 0.000000e+00 : f32
        %max3A_515 = vector.broadcast %max3A_514 : f32 to vector<16xf32>
        %max3A_516 = arith.maximumf %unpack3A_512, %max3A_515 : vector<16xf32>
        %mul3A_517 = arith.mulf %max3A_516, %get3A_18 : vector<16xf32>
        %add3A_518 = arith.addf %add3A_504, %mul3A_517 : vector<16xf32>
        %max3A_519 = arith.constant 0.000000e+00 : f32
        %max3A_520 = vector.broadcast %max3A_519 : f32 to vector<16xf32>
        %max3A_521 = arith.maximumf %unpack3A_513, %max3A_520 : vector<16xf32>
        %mul3A_522 = arith.mulf %max3A_521, %get3A_20 : vector<16xf32>
        %add3A_523 = arith.addf %add3A_518, %mul3A_522 : vector<16xf32>
        %add3A_524 = arith.constant 7 : i32
        %add3A_525 = arith.addi %mul3A_232, %add3A_524 : i32
        %broadcast_in_dim3A_526 = arith.constant 0.000000e+00 : f32
        %broadcast_in_dim3A_527 = vector.broadcast %broadcast_in_dim3A_526 : f32 to vector<16xf32>
        %get3A_528 = arith.index_cast %add3A_525 : i32 to index
        %get3A_529 = arith.constant 0 : index
        %get3A_530 = tpu.vector_load %arg15[%get3A_528, %get3A_529] {strides = array<i32>} : memref<80x64xbf16, #tpu.memory_space<vmem>>, vector<32xbf16>,
        %get3A_531 = arith.index_cast %add3A_525 : i32 to index
        %get3A_532 = arith.constant 0 : index
        %get3A_533 = tpu.vector_load %arg16[%get3A_531, %get3A_532] {strides = array<i32>} : memref<80x64xbf16, #tpu.memory_space<vmem>>, vector<32xbf16>,
        %add3A_534 = arith.addf %get3A_530, %get3A_533 : vector<32xbf16>
        %unpack3A_535 = tpu.unpack_subelements %add3A_534, 0 {pack_format = #tpu.pack_format<interleaved>} : vector<32xbf16> -> vector<16xf32>
        %unpack3A_536 = tpu.unpack_subelements %add3A_534, 1 {pack_format = #tpu.pack_format<interleaved>} : vector<32xbf16> -> vector<16xf32>
        %max3A_537 = arith.constant 0.000000e+00 : f32
        %max3A_538 = vector.broadcast %max3A_537 : f32 to vector<16xf32>
        %max3A_539 = arith.maximumf %unpack3A_535, %max3A_538 : vector<16xf32>
        %mul3A_540 = arith.mulf %max3A_539, %get3A_14 : vector<16xf32>
        %add3A_541 = arith.addf %broadcast_in_dim3A_527, %mul3A_540 : vector<16xf32>
        %max3A_542 = arith.constant 0.000000e+00 : f32
        %max3A_543 = vector.broadcast %max3A_542 : f32 to vector<16xf32>
        %max3A_544 = arith.maximumf %unpack3A_536, %max3A_543 : vector<16xf32>
        %mul3A_545 = arith.mulf %max3A_544, %get3A_16 : vector<16xf32>
        %add3A_546 = arith.addf %add3A_541, %mul3A_545 : vector<16xf32>
        %get3A_547 = arith.index_cast %add3A_525 : i32 to index
        %get3A_548 = arith.constant 32 : index
        %get3A_549 = tpu.vector_load %arg15[%get3A_547, %get3A_548] {strides = array<i32>} : memref<80x64xbf16, #tpu.memory_space<vmem>>, vector<32xbf16>,
        %get3A_550 = arith.index_cast %add3A_525 : i32 to index
        %get3A_551 = arith.constant 32 : index
        %get3A_552 = tpu.vector_load %arg16[%get3A_550, %get3A_551] {strides = array<i32>} : memref<80x64xbf16, #tpu.memory_space<vmem>>, vector<32xbf16>,
        %add3A_553 = arith.addf %get3A_549, %get3A_552 : vector<32xbf16>
        %unpack3A_554 = tpu.unpack_subelements %add3A_553, 0 {pack_format = #tpu.pack_format<interleaved>} : vector<32xbf16> -> vector<16xf32>
        %unpack3A_555 = tpu.unpack_subelements %add3A_553, 1 {pack_format = #tpu.pack_format<interleaved>} : vector<32xbf16> -> vector<16xf32>
        %max3A_556 = arith.constant 0.000000e+00 : f32
        %max3A_557 = vector.broadcast %max3A_556 : f32 to vector<16xf32>
        %max3A_558 = arith.maximumf %unpack3A_554, %max3A_557 : vector<16xf32>
        %mul3A_559 = arith.mulf %max3A_558, %get3A_18 : vector<16xf32>
        %add3A_560 = arith.addf %add3A_546, %mul3A_559 : vector<16xf32>
        %max3A_561 = arith.constant 0.000000e+00 : f32
        %max3A_562 = vector.broadcast %max3A_561 : f32 to vector<16xf32>
        %max3A_563 = arith.maximumf %unpack3A_555, %max3A_562 : vector<16xf32>
        %mul3A_564 = arith.mulf %max3A_563, %get3A_20 : vector<16xf32>
        %add3A_565 = arith.addf %add3A_560, %mul3A_564 : vector<16xf32>
        %add3A_566 = arith.constant 8 : i32
        %add3A_567 = arith.addi %mul3A_232, %add3A_566 : i32
        %broadcast_in_dim3A_568 = arith.constant 0.000000e+00 : f32
        %broadcast_in_dim3A_569 = vector.broadcast %broadcast_in_dim3A_568 : f32 to vector<16xf32>
        %get3A_570 = arith.index_cast %add3A_567 : i32 to index
        %get3A_571 = arith.constant 0 : index
        %get3A_572 = tpu.vector_load %arg15[%get3A_570, %get3A_571] {strides = array<i32>} : memref<80x64xbf16, #tpu.memory_space<vmem>>, vector<32xbf16>,
        %get3A_573 = arith.index_cast %add3A_567 : i32 to index
        %get3A_574 = arith.constant 0 : index
        %get3A_575 = tpu.vector_load %arg16[%get3A_573, %get3A_574] {strides = array<i32>} : memref<80x64xbf16, #tpu.memory_space<vmem>>, vector<32xbf16>,
        %add3A_576 = arith.addf %get3A_572, %get3A_575 : vector<32xbf16>
        %unpack3A_577 = tpu.unpack_subelements %add3A_576, 0 {pack_format = #tpu.pack_format<interleaved>} : vector<32xbf16> -> vector<16xf32>
        %unpack3A_578 = tpu.unpack_subelements %add3A_576, 1 {pack_format = #tpu.pack_format<interleaved>} : vector<32xbf16> -> vector<16xf32>
        %max3A_579 = arith.constant 0.000000e+00 : f32
        %max3A_580 = vector.broadcast %max3A_579 : f32 to vector<16xf32>
        %max3A_581 = arith.maximumf %unpack3A_577, %max3A_580 : vector<16xf32>
        %mul3A_582 = arith.mulf %max3A_581, %get3A_14 : vector<16xf32>
        %add3A_583 = arith.addf %broadcast_in_dim3A_569, %mul3A_582 : vector<16xf32>
        %max3A_584 = arith.constant 0.000000e+00 : f32
        %max3A_585 = vector.broadcast %max3A_584 : f32 to vector<16xf32>
        %max3A_586 = arith.maximumf %unpack3A_578, %max3A_585 : vector<16xf32>
        %mul3A_587 = arith.mulf %max3A_586, %get3A_16 : vector<16xf32>
        %add3A_588 = arith.addf %add3A_583, %mul3A_587 : vector<16xf32>
        %get3A_589 = arith.index_cast %add3A_567 : i32 to index
        %get3A_590 = arith.constant 32 : index
        %get3A_591 = tpu.vector_load %arg15[%get3A_589, %get3A_590] {strides = array<i32>} : memref<80x64xbf16, #tpu.memory_space<vmem>>, vector<32xbf16>,
        %get3A_592 = arith.index_cast %add3A_567 : i32 to index
        %get3A_593 = arith.constant 32 : index
        %get3A_594 = tpu.vector_load %arg16[%get3A_592, %get3A_593] {strides = array<i32>} : memref<80x64xbf16, #tpu.memory_space<vmem>>, vector<32xbf16>,
        %add3A_595 = arith.addf %get3A_591, %get3A_594 : vector<32xbf16>
        %unpack3A_596 = tpu.unpack_subelements %add3A_595, 0 {pack_format = #tpu.pack_format<interleaved>} : vector<32xbf16> -> vector<16xf32>
        %unpack3A_597 = tpu.unpack_subelements %add3A_595, 1 {pack_format = #tpu.pack_format<interleaved>} : vector<32xbf16> -> vector<16xf32>
        %max3A_598 = arith.constant 0.000000e+00 : f32
        %max3A_599 = vector.broadcast %max3A_598 : f32 to vector<16xf32>
        %max3A_600 = arith.maximumf %unpack3A_596, %max3A_599 : vector<16xf32>
        %mul3A_601 = arith.mulf %max3A_600, %get3A_18 : vector<16xf32>
        %add3A_602 = arith.addf %add3A_588, %mul3A_601 : vector<16xf32>
        %max3A_603 = arith.constant 0.000000e+00 : f32
        %max3A_604 = vector.broadcast %max3A_603 : f32 to vector<16xf32>
        %max3A_605 = arith.maximumf %unpack3A_597, %max3A_604 : vector<16xf32>
        %mul3A_606 = arith.mulf %max3A_605, %get3A_20 : vector<16xf32>
        %add3A_607 = arith.addf %add3A_602, %mul3A_606 : vector<16xf32>
        %add3A_608 = arith.constant 9 : i32
        %add3A_609 = arith.addi %mul3A_232, %add3A_608 : i32
        %broadcast_in_dim3A_610 = arith.constant 0.000000e+00 : f32
        %broadcast_in_dim3A_611 = vector.broadcast %broadcast_in_dim3A_610 : f32 to vector<16xf32>
        %get3A_612 = arith.index_cast %add3A_609 : i32 to index
        %get3A_613 = arith.constant 0 : index
        %get3A_614 = tpu.vector_load %arg15[%get3A_612, %get3A_613] {strides = array<i32>} : memref<80x64xbf16, #tpu.memory_space<vmem>>, vector<32xbf16>,
        %get3A_615 = arith.index_cast %add3A_609 : i32 to index
        %get3A_616 = arith.constant 0 : index
        %get3A_617 = tpu.vector_load %arg16[%get3A_615, %get3A_616] {strides = array<i32>} : memref<80x64xbf16, #tpu.memory_space<vmem>>, vector<32xbf16>,
        %add3A_618 = arith.addf %get3A_614, %get3A_617 : vector<32xbf16>
        %unpack3A_619 = tpu.unpack_subelements %add3A_618, 0 {pack_format = #tpu.pack_format<interleaved>} : vector<32xbf16> -> vector<16xf32>
        %unpack3A_620 = tpu.unpack_subelements %add3A_618, 1 {pack_format = #tpu.pack_format<interleaved>} : vector<32xbf16> -> vector<16xf32>
        %max3A_621 = arith.constant 0.000000e+00 : f32
        %max3A_622 = vector.broadcast %max3A_621 : f32 to vector<16xf32>
        %max3A_623 = arith.maximumf %unpack3A_619, %max3A_622 : vector<16xf32>
        %mul3A_624 = arith.mulf %max3A_623, %get3A_14 : vector<16xf32>
        %add3A_625 = arith.addf %broadcast_in_dim3A_611, %mul3A_624 : vector<16xf32>
        %max3A_626 = arith.constant 0.000000e+00 : f32
        %max3A_627 = vector.broadcast %max3A_626 : f32 to vector<16xf32>
        %max3A_628 = arith.maximumf %unpack3A_620, %max3A_627 : vector<16xf32>
        %mul3A_629 = arith.mulf %max3A_628, %get3A_16 : vector<16xf32>
        %add3A_630 = arith.addf %add3A_625, %mul3A_629 : vector<16xf32>
        %get3A_631 = arith.index_cast %add3A_609 : i32 to index
        %get3A_632 = arith.constant 32 : index
        %get3A_633 = tpu.vector_load %arg15[%get3A_631, %get3A_632] {strides = array<i32>} : memref<80x64xbf16, #tpu.memory_space<vmem>>, vector<32xbf16>,
        %get3A_634 = arith.index_cast %add3A_609 : i32 to index
        %get3A_635 = arith.constant 32 : index
        %get3A_636 = tpu.vector_load %arg16[%get3A_634, %get3A_635] {strides = array<i32>} : memref<80x64xbf16, #tpu.memory_space<vmem>>, vector<32xbf16>,
        %add3A_637 = arith.addf %get3A_633, %get3A_636 : vector<32xbf16>
        %unpack3A_638 = tpu.unpack_subelements %add3A_637, 0 {pack_format = #tpu.pack_format<interleaved>} : vector<32xbf16> -> vector<16xf32>
        %unpack3A_639 = tpu.unpack_subelements %add3A_637, 1 {pack_format = #tpu.pack_format<interleaved>} : vector<32xbf16> -> vector<16xf32>
        %max3A_640 = arith.constant 0.000000e+00 : f32
        %max3A_641 = vector.broadcast %max3A_640 : f32 to vector<16xf32>
        %max3A_642 = arith.maximumf %unpack3A_638, %max3A_641 : vector<16xf32>
        %mul3A_643 = arith.mulf %max3A_642, %get3A_18 : vector<16xf32>
        %add3A_644 = arith.addf %add3A_630, %mul3A_643 : vector<16xf32>
        %max3A_645 = arith.constant 0.000000e+00 : f32
        %max3A_646 = vector.broadcast %max3A_645 : f32 to vector<16xf32>
        %max3A_647 = arith.maximumf %unpack3A_639, %max3A_646 : vector<16xf32>
        %mul3A_648 = arith.mulf %max3A_647, %get3A_20 : vector<16xf32>
        %add3A_649 = arith.addf %add3A_644, %mul3A_648 : vector<16xf32>
        %add3A_650 = arith.constant 10 : i32
        %add3A_651 = arith.addi %mul3A_232, %add3A_650 : i32
        %broadcast_in_dim3A_652 = arith.constant 0.000000e+00 : f32
        %broadcast_in_dim3A_653 = vector.broadcast %broadcast_in_dim3A_652 : f32 to vector<16xf32>
        %get3A_654 = arith.index_cast %add3A_651 : i32 to index
        %get3A_655 = arith.constant 0 : index
        %get3A_656 = tpu.vector_load %arg15[%get3A_654, %get3A_655] {strides = array<i32>} : memref<80x64xbf16, #tpu.memory_space<vmem>>, vector<32xbf16>,
        %get3A_657 = arith.index_cast %add3A_651 : i32 to index
        %get3A_658 = arith.constant 0 : index
        %get3A_659 = tpu.vector_load %arg16[%get3A_657, %get3A_658] {strides = array<i32>} : memref<80x64xbf16, #tpu.memory_space<vmem>>, vector<32xbf16>,
        %add3A_660 = arith.addf %get3A_656, %get3A_659 : vector<32xbf16>
        %unpack3A_661 = tpu.unpack_subelements %add3A_660, 0 {pack_format = #tpu.pack_format<interleaved>} : vector<32xbf16> -> vector<16xf32>
        %unpack3A_662 = tpu.unpack_subelements %add3A_660, 1 {pack_format = #tpu.pack_format<interleaved>} : vector<32xbf16> -> vector<16xf32>
        %max3A_663 = arith.constant 0.000000e+00 : f32
        %max3A_664 = vector.broadcast %max3A_663 : f32 to vector<16xf32>
        %max3A_665 = arith.maximumf %unpack3A_661, %max3A_664 : vector<16xf32>
        %mul3A_666 = arith.mulf %max3A_665, %get3A_14 : vector<16xf32>
        %add3A_667 = arith.addf %broadcast_in_dim3A_653, %mul3A_666 : vector<16xf32>
        %max3A_668 = arith.constant 0.000000e+00 : f32
        %max3A_669 = vector.broadcast %max3A_668 : f32 to vector<16xf32>
        %max3A_670 = arith.maximumf %unpack3A_662, %max3A_669 : vector<16xf32>
        %mul3A_671 = arith.mulf %max3A_670, %get3A_16 : vector<16xf32>
        %add3A_672 = arith.addf %add3A_667, %mul3A_671 : vector<16xf32>
        %get3A_673 = arith.index_cast %add3A_651 : i32 to index
        %get3A_674 = arith.constant 32 : index
        %get3A_675 = tpu.vector_load %arg15[%get3A_673, %get3A_674] {strides = array<i32>} : memref<80x64xbf16, #tpu.memory_space<vmem>>, vector<32xbf16>,
        %get3A_676 = arith.index_cast %add3A_651 : i32 to index
        %get3A_677 = arith.constant 32 : index
        %get3A_678 = tpu.vector_load %arg16[%get3A_676, %get3A_677] {strides = array<i32>} : memref<80x64xbf16, #tpu.memory_space<vmem>>, vector<32xbf16>,
        %add3A_679 = arith.addf %get3A_675, %get3A_678 : vector<32xbf16>
        %unpack3A_680 = tpu.unpack_subelements %add3A_679, 0 {pack_format = #tpu.pack_format<interleaved>} : vector<32xbf16> -> vector<16xf32>
        %unpack3A_681 = tpu.unpack_subelements %add3A_679, 1 {pack_format = #tpu.pack_format<interleaved>} : vector<32xbf16> -> vector<16xf32>
        %max3A_682 = arith.constant 0.000000e+00 : f32
        %max3A_683 = vector.broadcast %max3A_682 : f32 to vector<16xf32>
        %max3A_684 = arith.maximumf %unpack3A_680, %max3A_683 : vector<16xf32>
        %mul3A_685 = arith.mulf %max3A_684, %get3A_18 : vector<16xf32>
        %add3A_686 = arith.addf %add3A_672, %mul3A_685 : vector<16xf32>
        %max3A_687 = arith.constant 0.000000e+00 : f32
        %max3A_688 = vector.broadcast %max3A_687 : f32 to vector<16xf32>
        %max3A_689 = arith.maximumf %unpack3A_681, %max3A_688 : vector<16xf32>
        %mul3A_690 = arith.mulf %max3A_689, %get3A_20 : vector<16xf32>
        %add3A_691 = arith.addf %add3A_686, %mul3A_690 : vector<16xf32>
        %add3A_692 = arith.constant 11 : i32
        %add3A_693 = arith.addi %mul3A_232, %add3A_692 : i32
        %broadcast_in_dim3A_694 = arith.constant 0.000000e+00 : f32
        %broadcast_in_dim3A_695 = vector.broadcast %broadcast_in_dim3A_694 : f32 to vector<16xf32>
        %get3A_696 = arith.index_cast %add3A_693 : i32 to index
        %get3A_697 = arith.constant 0 : index
        %get3A_698 = tpu.vector_load %arg15[%get3A_696, %get3A_697] {strides = array<i32>} : memref<80x64xbf16, #tpu.memory_space<vmem>>, vector<32xbf16>,
        %get3A_699 = arith.index_cast %add3A_693 : i32 to index
        %get3A_700 = arith.constant 0 : index
        %get3A_701 = tpu.vector_load %arg16[%get3A_699, %get3A_700] {strides = array<i32>} : memref<80x64xbf16, #tpu.memory_space<vmem>>, vector<32xbf16>,
        %add3A_702 = arith.addf %get3A_698, %get3A_701 : vector<32xbf16>
        %unpack3A_703 = tpu.unpack_subelements %add3A_702, 0 {pack_format = #tpu.pack_format<interleaved>} : vector<32xbf16> -> vector<16xf32>
        %unpack3A_704 = tpu.unpack_subelements %add3A_702, 1 {pack_format = #tpu.pack_format<interleaved>} : vector<32xbf16> -> vector<16xf32>
        %max3A_705 = arith.constant 0.000000e+00 : f32
        %max3A_706 = vector.broadcast %max3A_705 : f32 to vector<16xf32>
        %max3A_707 = arith.maximumf %unpack3A_703, %max3A_706 : vector<16xf32>
        %mul3A_708 = arith.mulf %max3A_707, %get3A_14 : vector<16xf32>
        %add3A_709 = arith.addf %broadcast_in_dim3A_695, %mul3A_708 : vector<16xf32>
        %max3A_710 = arith.constant 0.000000e+00 : f32
        %max3A_711 = vector.broadcast %max3A_710 : f32 to vector<16xf32>
        %max3A_712 = arith.maximumf %unpack3A_704, %max3A_711 : vector<16xf32>
        %mul3A_713 = arith.mulf %max3A_712, %get3A_16 : vector<16xf32>
        %add3A_714 = arith.addf %add3A_709, %mul3A_713 : vector<16xf32>
        %get3A_715 = arith.index_cast %add3A_693 : i32 to index
        %get3A_716 = arith.constant 32 : index
        %get3A_717 = tpu.vector_load %arg15[%get3A_715, %get3A_716] {strides = array<i32>} : memref<80x64xbf16, #tpu.memory_space<vmem>>, vector<32xbf16>,
        %get3A_718 = arith.index_cast %add3A_693 : i32 to index
        %get3A_719 = arith.constant 32 : index
        %get3A_720 = tpu.vector_load %arg16[%get3A_718, %get3A_719] {strides = array<i32>} : memref<80x64xbf16, #tpu.memory_space<vmem>>, vector<32xbf16>,
        %add3A_721 = arith.addf %get3A_717, %get3A_720 : vector<32xbf16>
        %unpack3A_722 = tpu.unpack_subelements %add3A_721, 0 {pack_format = #tpu.pack_format<interleaved>} : vector<32xbf16> -> vector<16xf32>
        %unpack3A_723 = tpu.unpack_subelements %add3A_721, 1 {pack_format = #tpu.pack_format<interleaved>} : vector<32xbf16> -> vector<16xf32>
        %max3A_724 = arith.constant 0.000000e+00 : f32
        %max3A_725 = vector.broadcast %max3A_724 : f32 to vector<16xf32>
        %max3A_726 = arith.maximumf %unpack3A_722, %max3A_725 : vector<16xf32>
        %mul3A_727 = arith.mulf %max3A_726, %get3A_18 : vector<16xf32>
        %add3A_728 = arith.addf %add3A_714, %mul3A_727 : vector<16xf32>
        %max3A_729 = arith.constant 0.000000e+00 : f32
        %max3A_730 = vector.broadcast %max3A_729 : f32 to vector<16xf32>
        %max3A_731 = arith.maximumf %unpack3A_723, %max3A_730 : vector<16xf32>
        %mul3A_732 = arith.mulf %max3A_731, %get3A_20 : vector<16xf32>
        %add3A_733 = arith.addf %add3A_728, %mul3A_732 : vector<16xf32>
        %add3A_734 = arith.constant 12 : i32
        %add3A_735 = arith.addi %mul3A_232, %add3A_734 : i32
        %broadcast_in_dim3A_736 = arith.constant 0.000000e+00 : f32
        %broadcast_in_dim3A_737 = vector.broadcast %broadcast_in_dim3A_736 : f32 to vector<16xf32>
        %get3A_738 = arith.index_cast %add3A_735 : i32 to index
        %get3A_739 = arith.constant 0 : index
        %get3A_740 = tpu.vector_load %arg15[%get3A_738, %get3A_739] {strides = array<i32>} : memref<80x64xbf16, #tpu.memory_space<vmem>>, vector<32xbf16>,
        %get3A_741 = arith.index_cast %add3A_735 : i32 to index
        %get3A_742 = arith.constant 0 : index
        %get3A_743 = tpu.vector_load %arg16[%get3A_741, %get3A_742] {strides = array<i32>} : memref<80x64xbf16, #tpu.memory_space<vmem>>, vector<32xbf16>,
        %add3A_744 = arith.addf %get3A_740, %get3A_743 : vector<32xbf16>
        %unpack3A_745 = tpu.unpack_subelements %add3A_744, 0 {pack_format = #tpu.pack_format<interleaved>} : vector<32xbf16> -> vector<16xf32>
        %unpack3A_746 = tpu.unpack_subelements %add3A_744, 1 {pack_format = #tpu.pack_format<interleaved>} : vector<32xbf16> -> vector<16xf32>
        %max3A_747 = arith.constant 0.000000e+00 : f32
        %max3A_748 = vector.broadcast %max3A_747 : f32 to vector<16xf32>
        %max3A_749 = arith.maximumf %unpack3A_745, %max3A_748 : vector<16xf32>
        %mul3A_750 = arith.mulf %max3A_749, %get3A_14 : vector<16xf32>
        %add3A_751 = arith.addf %broadcast_in_dim3A_737, %mul3A_750 : vector<16xf32>
        %max3A_752 = arith.constant 0.000000e+00 : f32
        %max3A_753 = vector.broadcast %max3A_752 : f32 to vector<16xf32>
        %max3A_754 = arith.maximumf %unpack3A_746, %max3A_753 : vector<16xf32>
        %mul3A_755 = arith.mulf %max3A_754, %get3A_16 : vector<16xf32>
        %add3A_756 = arith.addf %add3A_751, %mul3A_755 : vector<16xf32>
        %get3A_757 = arith.index_cast %add3A_735 : i32 to index
        %get3A_758 = arith.constant 32 : index
        %get3A_759 = tpu.vector_load %arg15[%get3A_757, %get3A_758] {strides = array<i32>} : memref<80x64xbf16, #tpu.memory_space<vmem>>, vector<32xbf16>,
        %get3A_760 = arith.index_cast %add3A_735 : i32 to index
        %get3A_761 = arith.constant 32 : index
        %get3A_762 = tpu.vector_load %arg16[%get3A_760, %get3A_761] {strides = array<i32>} : memref<80x64xbf16, #tpu.memory_space<vmem>>, vector<32xbf16>,
        %add3A_763 = arith.addf %get3A_759, %get3A_762 : vector<32xbf16>
        %unpack3A_764 = tpu.unpack_subelements %add3A_763, 0 {pack_format = #tpu.pack_format<interleaved>} : vector<32xbf16> -> vector<16xf32>
        %unpack3A_765 = tpu.unpack_subelements %add3A_763, 1 {pack_format = #tpu.pack_format<interleaved>} : vector<32xbf16> -> vector<16xf32>
        %max3A_766 = arith.constant 0.000000e+00 : f32
        %max3A_767 = vector.broadcast %max3A_766 : f32 to vector<16xf32>
        %max3A_768 = arith.maximumf %unpack3A_764, %max3A_767 : vector<16xf32>
        %mul3A_769 = arith.mulf %max3A_768, %get3A_18 : vector<16xf32>
        %add3A_770 = arith.addf %add3A_756, %mul3A_769 : vector<16xf32>
        %max3A_771 = arith.constant 0.000000e+00 : f32
        %max3A_772 = vector.broadcast %max3A_771 : f32 to vector<16xf32>
        %max3A_773 = arith.maximumf %unpack3A_765, %max3A_772 : vector<16xf32>
        %mul3A_774 = arith.mulf %max3A_773, %get3A_20 : vector<16xf32>
        %add3A_775 = arith.addf %add3A_770, %mul3A_774 : vector<16xf32>
        %add3A_776 = arith.constant 13 : i32
        %add3A_777 = arith.addi %mul3A_232, %add3A_776 : i32
        %broadcast_in_dim3A_778 = arith.constant 0.000000e+00 : f32
        %broadcast_in_dim3A_779 = vector.broadcast %broadcast_in_dim3A_778 : f32 to vector<16xf32>
        %get3A_780 = arith.index_cast %add3A_777 : i32 to index
        %get3A_781 = arith.constant 0 : index
        %get3A_782 = tpu.vector_load %arg15[%get3A_780, %get3A_781] {strides = array<i32>} : memref<80x64xbf16, #tpu.memory_space<vmem>>, vector<32xbf16>,
        %get3A_783 = arith.index_cast %add3A_777 : i32 to index
        %get3A_784 = arith.constant 0 : index
        %get3A_785 = tpu.vector_load %arg16[%get3A_783, %get3A_784] {strides = array<i32>} : memref<80x64xbf16, #tpu.memory_space<vmem>>, vector<32xbf16>,
        %add3A_786 = arith.addf %get3A_782, %get3A_785 : vector<32xbf16>
        %unpack3A_787 = tpu.unpack_subelements %add3A_786, 0 {pack_format = #tpu.pack_format<interleaved>} : vector<32xbf16> -> vector<16xf32>
        %unpack3A_788 = tpu.unpack_subelements %add3A_786, 1 {pack_format = #tpu.pack_format<interleaved>} : vector<32xbf16> -> vector<16xf32>
        %max3A_789 = arith.constant 0.000000e+00 : f32
        %max3A_790 = vector.broadcast %max3A_789 : f32 to vector<16xf32>
        %max3A_791 = arith.maximumf %unpack3A_787, %max3A_790 : vector<16xf32>
        %mul3A_792 = arith.mulf %max3A_791, %get3A_14 : vector<16xf32>
        %add3A_793 = arith.addf %broadcast_in_dim3A_779, %mul3A_792 : vector<16xf32>
        %max3A_794 = arith.constant 0.000000e+00 : f32
        %max3A_795 = vector.broadcast %max3A_794 : f32 to vector<16xf32>
        %max3A_796 = arith.maximumf %unpack3A_788, %max3A_795 : vector<16xf32>
        %mul3A_797 = arith.mulf %max3A_796, %get3A_16 : vector<16xf32>
        %add3A_798 = arith.addf %add3A_793, %mul3A_797 : vector<16xf32>
        %get3A_799 = arith.index_cast %add3A_777 : i32 to index
        %get3A_800 = arith.constant 32 : index
        %get3A_801 = tpu.vector_load %arg15[%get3A_799, %get3A_800] {strides = array<i32>} : memref<80x64xbf16, #tpu.memory_space<vmem>>, vector<32xbf16>,
        %get3A_802 = arith.index_cast %add3A_777 : i32 to index
        %get3A_803 = arith.constant 32 : index
        %get3A_804 = tpu.vector_load %arg16[%get3A_802, %get3A_803] {strides = array<i32>} : memref<80x64xbf16, #tpu.memory_space<vmem>>, vector<32xbf16>,
        %add3A_805 = arith.addf %get3A_801, %get3A_804 : vector<32xbf16>
        %unpack3A_806 = tpu.unpack_subelements %add3A_805, 0 {pack_format = #tpu.pack_format<interleaved>} : vector<32xbf16> -> vector<16xf32>
        %unpack3A_807 = tpu.unpack_subelements %add3A_805, 1 {pack_format = #tpu.pack_format<interleaved>} : vector<32xbf16> -> vector<16xf32>
        %max3A_808 = arith.constant 0.000000e+00 : f32
        %max3A_809 = vector.broadcast %max3A_808 : f32 to vector<16xf32>
        %max3A_810 = arith.maximumf %unpack3A_806, %max3A_809 : vector<16xf32>
        %mul3A_811 = arith.mulf %max3A_810, %get3A_18 : vector<16xf32>
        %add3A_812 = arith.addf %add3A_798, %mul3A_811 : vector<16xf32>
        %max3A_813 = arith.constant 0.000000e+00 : f32
        %max3A_814 = vector.broadcast %max3A_813 : f32 to vector<16xf32>
        %max3A_815 = arith.maximumf %unpack3A_807, %max3A_814 : vector<16xf32>
        %mul3A_816 = arith.mulf %max3A_815, %get3A_20 : vector<16xf32>
        %add3A_817 = arith.addf %add3A_812, %mul3A_816 : vector<16xf32>
        %add3A_818 = arith.constant 14 : i32
        %add3A_819 = arith.addi %mul3A_232, %add3A_818 : i32
        %broadcast_in_dim3A_820 = arith.constant 0.000000e+00 : f32
        %broadcast_in_dim3A_821 = vector.broadcast %broadcast_in_dim3A_820 : f32 to vector<16xf32>
        %get3A_822 = arith.index_cast %add3A_819 : i32 to index
        %get3A_823 = arith.constant 0 : index
        %get3A_824 = tpu.vector_load %arg15[%get3A_822, %get3A_823] {strides = array<i32>} : memref<80x64xbf16, #tpu.memory_space<vmem>>, vector<32xbf16>,
        %get3A_825 = arith.index_cast %add3A_819 : i32 to index
        %get3A_826 = arith.constant 0 : index
        %get3A_827 = tpu.vector_load %arg16[%get3A_825, %get3A_826] {strides = array<i32>} : memref<80x64xbf16, #tpu.memory_space<vmem>>, vector<32xbf16>,
        %add3A_828 = arith.addf %get3A_824, %get3A_827 : vector<32xbf16>
        %unpack3A_829 = tpu.unpack_subelements %add3A_828, 0 {pack_format = #tpu.pack_format<interleaved>} : vector<32xbf16> -> vector<16xf32>
        %unpack3A_830 = tpu.unpack_subelements %add3A_828, 1 {pack_format = #tpu.pack_format<interleaved>} : vector<32xbf16> -> vector<16xf32>
        %max3A_831 = arith.constant 0.000000e+00 : f32
        %max3A_832 = vector.broadcast %max3A_831 : f32 to vector<16xf32>
        %max3A_833 = arith.maximumf %unpack3A_829, %max3A_832 : vector<16xf32>
        %mul3A_834 = arith.mulf %max3A_833, %get3A_14 : vector<16xf32>
        %add3A_835 = arith.addf %broadcast_in_dim3A_821, %mul3A_834 : vector<16xf32>
        %max3A_836 = arith.constant 0.000000e+00 : f32
        %max3A_837 = vector.broadcast %max3A_836 : f32 to vector<16xf32>
        %max3A_838 = arith.maximumf %unpack3A_830, %max3A_837 : vector<16xf32>
        %mul3A_839 = arith.mulf %max3A_838, %get3A_16 : vector<16xf32>
        %add3A_840 = arith.addf %add3A_835, %mul3A_839 : vector<16xf32>
        %get3A_841 = arith.index_cast %add3A_819 : i32 to index
        %get3A_842 = arith.constant 32 : index
        %get3A_843 = tpu.vector_load %arg15[%get3A_841, %get3A_842] {strides = array<i32>} : memref<80x64xbf16, #tpu.memory_space<vmem>>, vector<32xbf16>,
        %get3A_844 = arith.index_cast %add3A_819 : i32 to index
        %get3A_845 = arith.constant 32 : index
        %get3A_846 = tpu.vector_load %arg16[%get3A_844, %get3A_845] {strides = array<i32>} : memref<80x64xbf16, #tpu.memory_space<vmem>>, vector<32xbf16>,
        %add3A_847 = arith.addf %get3A_843, %get3A_846 : vector<32xbf16>
        %unpack3A_848 = tpu.unpack_subelements %add3A_847, 0 {pack_format = #tpu.pack_format<interleaved>} : vector<32xbf16> -> vector<16xf32>
        %unpack3A_849 = tpu.unpack_subelements %add3A_847, 1 {pack_format = #tpu.pack_format<interleaved>} : vector<32xbf16> -> vector<16xf32>
        %max3A_850 = arith.constant 0.000000e+00 : f32
        %max3A_851 = vector.broadcast %max3A_850 : f32 to vector<16xf32>
        %max3A_852 = arith.maximumf %unpack3A_848, %max3A_851 : vector<16xf32>
        %mul3A_853 = arith.mulf %max3A_852, %get3A_18 : vector<16xf32>
        %add3A_854 = arith.addf %add3A_840, %mul3A_853 : vector<16xf32>
        %max3A_855 = arith.constant 0.000000e+00 : f32
        %max3A_856 = vector.broadcast %max3A_855 : f32 to vector<16xf32>
        %max3A_857 = arith.maximumf %unpack3A_849, %max3A_856 : vector<16xf32>
        %mul3A_858 = arith.mulf %max3A_857, %get3A_20 : vector<16xf32>
        %add3A_859 = arith.addf %add3A_854, %mul3A_858 : vector<16xf32>
        %add3A_860 = arith.constant 15 : i32
        %add3A_861 = arith.addi %mul3A_232, %add3A_860 : i32
        %broadcast_in_dim3A_862 = arith.constant 0.000000e+00 : f32
        %broadcast_in_dim3A_863 = vector.broadcast %broadcast_in_dim3A_862 : f32 to vector<16xf32>
        %get3A_864 = arith.index_cast %add3A_861 : i32 to index
        %get3A_865 = arith.constant 0 : index
        %get3A_866 = tpu.vector_load %arg15[%get3A_864, %get3A_865] {strides = array<i32>} : memref<80x64xbf16, #tpu.memory_space<vmem>>, vector<32xbf16>,
        %get3A_867 = arith.index_cast %add3A_861 : i32 to index
        %get3A_868 = arith.constant 0 : index
        %get3A_869 = tpu.vector_load %arg16[%get3A_867, %get3A_868] {strides = array<i32>} : memref<80x64xbf16, #tpu.memory_space<vmem>>, vector<32xbf16>,
        %add3A_870 = arith.addf %get3A_866, %get3A_869 : vector<32xbf16>
        %unpack3A_871 = tpu.unpack_subelements %add3A_870, 0 {pack_format = #tpu.pack_format<interleaved>} : vector<32xbf16> -> vector<16xf32>
        %unpack3A_872 = tpu.unpack_subelements %add3A_870, 1 {pack_format = #tpu.pack_format<interleaved>} : vector<32xbf16> -> vector<16xf32>
        %max3A_873 = arith.constant 0.000000e+00 : f32
        %max3A_874 = vector.broadcast %max3A_873 : f32 to vector<16xf32>
        %max3A_875 = arith.maximumf %unpack3A_871, %max3A_874 : vector<16xf32>
        %mul3A_876 = arith.mulf %max3A_875, %get3A_14 : vector<16xf32>
        %add3A_877 = arith.addf %broadcast_in_dim3A_863, %mul3A_876 : vector<16xf32>
        %max3A_878 = arith.constant 0.000000e+00 : f32
        %max3A_879 = vector.broadcast %max3A_878 : f32 to vector<16xf32>
        %max3A_880 = arith.maximumf %unpack3A_872, %max3A_879 : vector<16xf32>
        %mul3A_881 = arith.mulf %max3A_880, %get3A_16 : vector<16xf32>
        %add3A_882 = arith.addf %add3A_877, %mul3A_881 : vector<16xf32>
        %get3A_883 = arith.index_cast %add3A_861 : i32 to index
        %get3A_884 = arith.constant 32 : index
        %get3A_885 = tpu.vector_load %arg15[%get3A_883, %get3A_884] {strides = array<i32>} : memref<80x64xbf16, #tpu.memory_space<vmem>>, vector<32xbf16>,
        %get3A_886 = arith.index_cast %add3A_861 : i32 to index
        %get3A_887 = arith.constant 32 : index
        %get3A_888 = tpu.vector_load %arg16[%get3A_886, %get3A_887] {strides = array<i32>} : memref<80x64xbf16, #tpu.memory_space<vmem>>, vector<32xbf16>,
        %add3A_889 = arith.addf %get3A_885, %get3A_888 : vector<32xbf16>
        %unpack3A_890 = tpu.unpack_subelements %add3A_889, 0 {pack_format = #tpu.pack_format<interleaved>} : vector<32xbf16> -> vector<16xf32>
        %unpack3A_891 = tpu.unpack_subelements %add3A_889, 1 {pack_format = #tpu.pack_format<interleaved>} : vector<32xbf16> -> vector<16xf32>
        %max3A_892 = arith.constant 0.000000e+00 : f32
        %max3A_893 = vector.broadcast %max3A_892 : f32 to vector<16xf32>
        %max3A_894 = arith.maximumf %unpack3A_890, %max3A_893 : vector<16xf32>
        %mul3A_895 = arith.mulf %max3A_894, %get3A_18 : vector<16xf32>
        %add3A_896 = arith.addf %add3A_882, %mul3A_895 : vector<16xf32>
        %max3A_897 = arith.constant 0.000000e+00 : f32
        %max3A_898 = vector.broadcast %max3A_897 : f32 to vector<16xf32>
        %max3A_899 = arith.maximumf %unpack3A_891, %max3A_898 : vector<16xf32>
        %mul3A_900 = arith.mulf %max3A_899, %get3A_20 : vector<16xf32>
        %add3A_901 = arith.addf %add3A_896, %mul3A_900 : vector<16xf32>
        %select_n3A = arith.select %ne3A_37, %add3A_313, %add3A_271 : vector<16xi1>, vector<16xf32>
        %select_n3A_902 = arith.select %ne3A_37, %add3A_271, %add3A_313 : vector<16xi1>, vector<16xf32>
        %lt3A = arith.constant 0 : i32
        %lt3A_903 = vector.broadcast %lt3A : i32 to vector<16xi32>
        %lt3A_904 = arith.cmpi slt, %xor3A_24, %lt3A_903 : vector<16xi32>
        %add3A_905 = arith.constant 16 : i32
        %add3A_906 = vector.broadcast %add3A_905 : i32 to vector<16xi32>
        %add3A_907 = arith.addi %xor3A_24, %add3A_906 : vector<16xi32>
        %select_n3A_908 = arith.select %lt3A_904, %add3A_907, %xor3A_24 : vector<16xi1>, vector<16xi32>
        %broadcast_in_dim3A_909 = vector.shape_cast %select_n3A_908 : vector<16xi32> to vector<16x1xi32>
        %gather3A = vector.shape_cast %broadcast_in_dim3A_909 : vector<16x1xi32> to vector<16xi32>
        %gather3A_910 = tpu.dynamic_gather %select_n3A_902[%gather3A] in [0] : vector<16xf32>, vector<16xi32> -> vector<16xf32>
        %add3A_911 = arith.addf %select_n3A, %gather3A_910 : vector<16xf32>
        %select_n3A_912 = arith.select %ne3A_37, %add3A_397, %add3A_355 : vector<16xi1>, vector<16xf32>
        %select_n3A_913 = arith.select %ne3A_37, %add3A_355, %add3A_397 : vector<16xi1>, vector<16xf32>
        %lt3A_914 = arith.constant 0 : i32
        %lt3A_915 = vector.broadcast %lt3A_914 : i32 to vector<16xi32>
        %lt3A_916 = arith.cmpi slt, %xor3A_24, %lt3A_915 : vector<16xi32>
        %add3A_917 = arith.constant 16 : i32
        %add3A_918 = vector.broadcast %add3A_917 : i32 to vector<16xi32>
        %add3A_919 = arith.addi %xor3A_24, %add3A_918 : vector<16xi32>
        %select_n3A_920 = arith.select %lt3A_916, %add3A_919, %xor3A_24 : vector<16xi1>, vector<16xi32>
        %broadcast_in_dim3A_921 = vector.shape_cast %select_n3A_920 : vector<16xi32> to vector<16x1xi32>
        %gather3A_922 = vector.shape_cast %broadcast_in_dim3A_921 : vector<16x1xi32> to vector<16xi32>
        %gather3A_923 = tpu.dynamic_gather %select_n3A_913[%gather3A_922] in [0] : vector<16xf32>, vector<16xi32> -> vector<16xf32>
        %add3A_924 = arith.addf %select_n3A_912, %gather3A_923 : vector<16xf32>
        %select_n3A_925 = arith.select %ne3A_37, %add3A_481, %add3A_439 : vector<16xi1>, vector<16xf32>
        %select_n3A_926 = arith.select %ne3A_37, %add3A_439, %add3A_481 : vector<16xi1>, vector<16xf32>
        %lt3A_927 = arith.constant 0 : i32
        %lt3A_928 = vector.broadcast %lt3A_927 : i32 to vector<16xi32>
        %lt3A_929 = arith.cmpi slt, %xor3A_24, %lt3A_928 : vector<16xi32>
        %add3A_930 = arith.constant 16 : i32
        %add3A_931 = vector.broadcast %add3A_930 : i32 to vector<16xi32>
        %add3A_932 = arith.addi %xor3A_24, %add3A_931 : vector<16xi32>
        %select_n3A_933 = arith.select %lt3A_929, %add3A_932, %xor3A_24 : vector<16xi1>, vector<16xi32>
        %broadcast_in_dim3A_934 = vector.shape_cast %select_n3A_933 : vector<16xi32> to vector<16x1xi32>
        %gather3A_935 = vector.shape_cast %broadcast_in_dim3A_934 : vector<16x1xi32> to vector<16xi32>
        %gather3A_936 = tpu.dynamic_gather %select_n3A_926[%gather3A_935] in [0] : vector<16xf32>, vector<16xi32> -> vector<16xf32>
        %add3A_937 = arith.addf %select_n3A_925, %gather3A_936 : vector<16xf32>
        %select_n3A_938 = arith.select %ne3A_37, %add3A_565, %add3A_523 : vector<16xi1>, vector<16xf32>
        %select_n3A_939 = arith.select %ne3A_37, %add3A_523, %add3A_565 : vector<16xi1>, vector<16xf32>
        %lt3A_940 = arith.constant 0 : i32
        %lt3A_941 = vector.broadcast %lt3A_940 : i32 to vector<16xi32>
        %lt3A_942 = arith.cmpi slt, %xor3A_24, %lt3A_941 : vector<16xi32>
        %add3A_943 = arith.constant 16 : i32
        %add3A_944 = vector.broadcast %add3A_943 : i32 to vector<16xi32>
        %add3A_945 = arith.addi %xor3A_24, %add3A_944 : vector<16xi32>
        %select_n3A_946 = arith.select %lt3A_942, %add3A_945, %xor3A_24 : vector<16xi1>, vector<16xi32>
        %broadcast_in_dim3A_947 = vector.shape_cast %select_n3A_946 : vector<16xi32> to vector<16x1xi32>
        %gather3A_948 = vector.shape_cast %broadcast_in_dim3A_947 : vector<16x1xi32> to vector<16xi32>
        %gather3A_949 = tpu.dynamic_gather %select_n3A_939[%gather3A_948] in [0] : vector<16xf32>, vector<16xi32> -> vector<16xf32>
        %add3A_950 = arith.addf %select_n3A_938, %gather3A_949 : vector<16xf32>
        %select_n3A_951 = arith.select %ne3A_37, %add3A_649, %add3A_607 : vector<16xi1>, vector<16xf32>
        %select_n3A_952 = arith.select %ne3A_37, %add3A_607, %add3A_649 : vector<16xi1>, vector<16xf32>
        %lt3A_953 = arith.constant 0 : i32
        %lt3A_954 = vector.broadcast %lt3A_953 : i32 to vector<16xi32>
        %lt3A_955 = arith.cmpi slt, %xor3A_24, %lt3A_954 : vector<16xi32>
        %add3A_956 = arith.constant 16 : i32
        %add3A_957 = vector.broadcast %add3A_956 : i32 to vector<16xi32>
        %add3A_958 = arith.addi %xor3A_24, %add3A_957 : vector<16xi32>
        %select_n3A_959 = arith.select %lt3A_955, %add3A_958, %xor3A_24 : vector<16xi1>, vector<16xi32>
        %broadcast_in_dim3A_960 = vector.shape_cast %select_n3A_959 : vector<16xi32> to vector<16x1xi32>
        %gather3A_961 = vector.shape_cast %broadcast_in_dim3A_960 : vector<16x1xi32> to vector<16xi32>
        %gather3A_962 = tpu.dynamic_gather %select_n3A_952[%gather3A_961] in [0] : vector<16xf32>, vector<16xi32> -> vector<16xf32>
        %add3A_963 = arith.addf %select_n3A_951, %gather3A_962 : vector<16xf32>
        %select_n3A_964 = arith.select %ne3A_37, %add3A_733, %add3A_691 : vector<16xi1>, vector<16xf32>
        %select_n3A_965 = arith.select %ne3A_37, %add3A_691, %add3A_733 : vector<16xi1>, vector<16xf32>
        %lt3A_966 = arith.constant 0 : i32
        %lt3A_967 = vector.broadcast %lt3A_966 : i32 to vector<16xi32>
        %lt3A_968 = arith.cmpi slt, %xor3A_24, %lt3A_967 : vector<16xi32>
        %add3A_969 = arith.constant 16 : i32
        %add3A_970 = vector.broadcast %add3A_969 : i32 to vector<16xi32>
        %add3A_971 = arith.addi %xor3A_24, %add3A_970 : vector<16xi32>
        %select_n3A_972 = arith.select %lt3A_968, %add3A_971, %xor3A_24 : vector<16xi1>, vector<16xi32>
        %broadcast_in_dim3A_973 = vector.shape_cast %select_n3A_972 : vector<16xi32> to vector<16x1xi32>
        %gather3A_974 = vector.shape_cast %broadcast_in_dim3A_973 : vector<16x1xi32> to vector<16xi32>
        %gather3A_975 = tpu.dynamic_gather %select_n3A_965[%gather3A_974] in [0] : vector<16xf32>, vector<16xi32> -> vector<16xf32>
        %add3A_976 = arith.addf %select_n3A_964, %gather3A_975 : vector<16xf32>
        %select_n3A_977 = arith.select %ne3A_37, %add3A_817, %add3A_775 : vector<16xi1>, vector<16xf32>
        %select_n3A_978 = arith.select %ne3A_37, %add3A_775, %add3A_817 : vector<16xi1>, vector<16xf32>
        %lt3A_979 = arith.constant 0 : i32
        %lt3A_980 = vector.broadcast %lt3A_979 : i32 to vector<16xi32>
        %lt3A_981 = arith.cmpi slt, %xor3A_24, %lt3A_980 : vector<16xi32>
        %add3A_982 = arith.constant 16 : i32
        %add3A_983 = vector.broadcast %add3A_982 : i32 to vector<16xi32>
        %add3A_984 = arith.addi %xor3A_24, %add3A_983 : vector<16xi32>
        %select_n3A_985 = arith.select %lt3A_981, %add3A_984, %xor3A_24 : vector<16xi1>, vector<16xi32>
        %broadcast_in_dim3A_986 = vector.shape_cast %select_n3A_985 : vector<16xi32> to vector<16x1xi32>
        %gather3A_987 = vector.shape_cast %broadcast_in_dim3A_986 : vector<16x1xi32> to vector<16xi32>
        %gather3A_988 = tpu.dynamic_gather %select_n3A_978[%gather3A_987] in [0] : vector<16xf32>, vector<16xi32> -> vector<16xf32>
        %add3A_989 = arith.addf %select_n3A_977, %gather3A_988 : vector<16xf32>
        %select_n3A_990 = arith.select %ne3A_37, %add3A_901, %add3A_859 : vector<16xi1>, vector<16xf32>
        %select_n3A_991 = arith.select %ne3A_37, %add3A_859, %add3A_901 : vector<16xi1>, vector<16xf32>
        %lt3A_992 = arith.constant 0 : i32
        %lt3A_993 = vector.broadcast %lt3A_992 : i32 to vector<16xi32>
        %lt3A_994 = arith.cmpi slt, %xor3A_24, %lt3A_993 : vector<16xi32>
        %add3A_995 = arith.constant 16 : i32
        %add3A_996 = vector.broadcast %add3A_995 : i32 to vector<16xi32>
        %add3A_997 = arith.addi %xor3A_24, %add3A_996 : vector<16xi32>
        %select_n3A_998 = arith.select %lt3A_994, %add3A_997, %xor3A_24 : vector<16xi1>, vector<16xi32>
        %broadcast_in_dim3A_999 = vector.shape_cast %select_n3A_998 : vector<16xi32> to vector<16x1xi32>
        %gather3A_1000 = vector.shape_cast %broadcast_in_dim3A_999 : vector<16x1xi32> to vector<16xi32>
        %gather3A_1001 = tpu.dynamic_gather %select_n3A_991[%gather3A_1000] in [0] : vector<16xf32>, vector<16xi32> -> vector<16xf32>
        %add3A_1002 = arith.addf %select_n3A_990, %gather3A_1001 : vector<16xf32>
        %select_n3A_1003 = arith.select %ne3A_43, %add3A_924, %add3A_911 : vector<16xi1>, vector<16xf32>
        %select_n3A_1004 = arith.select %ne3A_43, %add3A_911, %add3A_924 : vector<16xi1>, vector<16xf32>
        %lt3A_1005 = arith.constant 0 : i32
        %lt3A_1006 = vector.broadcast %lt3A_1005 : i32 to vector<16xi32>
        %lt3A_1007 = arith.cmpi slt, %xor3A_27, %lt3A_1006 : vector<16xi32>
        %add3A_1008 = arith.constant 16 : i32
        %add3A_1009 = vector.broadcast %add3A_1008 : i32 to vector<16xi32>
        %add3A_1010 = arith.addi %xor3A_27, %add3A_1009 : vector<16xi32>
        %select_n3A_1011 = arith.select %lt3A_1007, %add3A_1010, %xor3A_27 : vector<16xi1>, vector<16xi32>
        %broadcast_in_dim3A_1012 = vector.shape_cast %select_n3A_1011 : vector<16xi32> to vector<16x1xi32>
        %gather3A_1013 = vector.shape_cast %broadcast_in_dim3A_1012 : vector<16x1xi32> to vector<16xi32>
        %gather3A_1014 = tpu.dynamic_gather %select_n3A_1004[%gather3A_1013] in [0] : vector<16xf32>, vector<16xi32> -> vector<16xf32>
        %add3A_1015 = arith.addf %select_n3A_1003, %gather3A_1014 : vector<16xf32>
        %select_n3A_1016 = arith.select %ne3A_43, %add3A_950, %add3A_937 : vector<16xi1>, vector<16xf32>
        %select_n3A_1017 = arith.select %ne3A_43, %add3A_937, %add3A_950 : vector<16xi1>, vector<16xf32>
        %lt3A_1018 = arith.constant 0 : i32
        %lt3A_1019 = vector.broadcast %lt3A_1018 : i32 to vector<16xi32>
        %lt3A_1020 = arith.cmpi slt, %xor3A_27, %lt3A_1019 : vector<16xi32>
        %add3A_1021 = arith.constant 16 : i32
        %add3A_1022 = vector.broadcast %add3A_1021 : i32 to vector<16xi32>
        %add3A_1023 = arith.addi %xor3A_27, %add3A_1022 : vector<16xi32>
        %select_n3A_1024 = arith.select %lt3A_1020, %add3A_1023, %xor3A_27 : vector<16xi1>, vector<16xi32>
        %broadcast_in_dim3A_1025 = vector.shape_cast %select_n3A_1024 : vector<16xi32> to vector<16x1xi32>
        %gather3A_1026 = vector.shape_cast %broadcast_in_dim3A_1025 : vector<16x1xi32> to vector<16xi32>
        %gather3A_1027 = tpu.dynamic_gather %select_n3A_1017[%gather3A_1026] in [0] : vector<16xf32>, vector<16xi32> -> vector<16xf32>
        %add3A_1028 = arith.addf %select_n3A_1016, %gather3A_1027 : vector<16xf32>
        %select_n3A_1029 = arith.select %ne3A_43, %add3A_976, %add3A_963 : vector<16xi1>, vector<16xf32>
        %select_n3A_1030 = arith.select %ne3A_43, %add3A_963, %add3A_976 : vector<16xi1>, vector<16xf32>
        %lt3A_1031 = arith.constant 0 : i32
        %lt3A_1032 = vector.broadcast %lt3A_1031 : i32 to vector<16xi32>
        %lt3A_1033 = arith.cmpi slt, %xor3A_27, %lt3A_1032 : vector<16xi32>
        %add3A_1034 = arith.constant 16 : i32
        %add3A_1035 = vector.broadcast %add3A_1034 : i32 to vector<16xi32>
        %add3A_1036 = arith.addi %xor3A_27, %add3A_1035 : vector<16xi32>
        %select_n3A_1037 = arith.select %lt3A_1033, %add3A_1036, %xor3A_27 : vector<16xi1>, vector<16xi32>
        %broadcast_in_dim3A_1038 = vector.shape_cast %select_n3A_1037 : vector<16xi32> to vector<16x1xi32>
        %gather3A_1039 = vector.shape_cast %broadcast_in_dim3A_1038 : vector<16x1xi32> to vector<16xi32>
        %gather3A_1040 = tpu.dynamic_gather %select_n3A_1030[%gather3A_1039] in [0] : vector<16xf32>, vector<16xi32> -> vector<16xf32>
        %add3A_1041 = arith.addf %select_n3A_1029, %gather3A_1040 : vector<16xf32>
        %select_n3A_1042 = arith.select %ne3A_43, %add3A_1002, %add3A_989 : vector<16xi1>, vector<16xf32>
        %select_n3A_1043 = arith.select %ne3A_43, %add3A_989, %add3A_1002 : vector<16xi1>, vector<16xf32>
        %lt3A_1044 = arith.constant 0 : i32
        %lt3A_1045 = vector.broadcast %lt3A_1044 : i32 to vector<16xi32>
        %lt3A_1046 = arith.cmpi slt, %xor3A_27, %lt3A_1045 : vector<16xi32>
        %add3A_1047 = arith.constant 16 : i32
        %add3A_1048 = vector.broadcast %add3A_1047 : i32 to vector<16xi32>
        %add3A_1049 = arith.addi %xor3A_27, %add3A_1048 : vector<16xi32>
        %select_n3A_1050 = arith.select %lt3A_1046, %add3A_1049, %xor3A_27 : vector<16xi1>, vector<16xi32>
        %broadcast_in_dim3A_1051 = vector.shape_cast %select_n3A_1050 : vector<16xi32> to vector<16x1xi32>
        %gather3A_1052 = vector.shape_cast %broadcast_in_dim3A_1051 : vector<16x1xi32> to vector<16xi32>
        %gather3A_1053 = tpu.dynamic_gather %select_n3A_1043[%gather3A_1052] in [0] : vector<16xf32>, vector<16xi32> -> vector<16xf32>
        %add3A_1054 = arith.addf %select_n3A_1042, %gather3A_1053 : vector<16xf32>
        %select_n3A_1055 = arith.select %ne3A_49, %add3A_1028, %add3A_1015 : vector<16xi1>, vector<16xf32>
        %select_n3A_1056 = arith.select %ne3A_49, %add3A_1015, %add3A_1028 : vector<16xi1>, vector<16xf32>
        %lt3A_1057 = arith.constant 0 : i32
        %lt3A_1058 = vector.broadcast %lt3A_1057 : i32 to vector<16xi32>
        %lt3A_1059 = arith.cmpi slt, %xor3A_30, %lt3A_1058 : vector<16xi32>
        %add3A_1060 = arith.constant 16 : i32
        %add3A_1061 = vector.broadcast %add3A_1060 : i32 to vector<16xi32>
        %add3A_1062 = arith.addi %xor3A_30, %add3A_1061 : vector<16xi32>
        %select_n3A_1063 = arith.select %lt3A_1059, %add3A_1062, %xor3A_30 : vector<16xi1>, vector<16xi32>
        %broadcast_in_dim3A_1064 = vector.shape_cast %select_n3A_1063 : vector<16xi32> to vector<16x1xi32>
        %gather3A_1065 = vector.shape_cast %broadcast_in_dim3A_1064 : vector<16x1xi32> to vector<16xi32>
        %gather3A_1066 = tpu.dynamic_gather %select_n3A_1056[%gather3A_1065] in [0] : vector<16xf32>, vector<16xi32> -> vector<16xf32>
        %add3A_1067 = arith.addf %select_n3A_1055, %gather3A_1066 : vector<16xf32>
        %select_n3A_1068 = arith.select %ne3A_49, %add3A_1054, %add3A_1041 : vector<16xi1>, vector<16xf32>
        %select_n3A_1069 = arith.select %ne3A_49, %add3A_1041, %add3A_1054 : vector<16xi1>, vector<16xf32>
        %lt3A_1070 = arith.constant 0 : i32
        %lt3A_1071 = vector.broadcast %lt3A_1070 : i32 to vector<16xi32>
        %lt3A_1072 = arith.cmpi slt, %xor3A_30, %lt3A_1071 : vector<16xi32>
        %add3A_1073 = arith.constant 16 : i32
        %add3A_1074 = vector.broadcast %add3A_1073 : i32 to vector<16xi32>
        %add3A_1075 = arith.addi %xor3A_30, %add3A_1074 : vector<16xi32>
        %select_n3A_1076 = arith.select %lt3A_1072, %add3A_1075, %xor3A_30 : vector<16xi1>, vector<16xi32>
        %broadcast_in_dim3A_1077 = vector.shape_cast %select_n3A_1076 : vector<16xi32> to vector<16x1xi32>
        %gather3A_1078 = vector.shape_cast %broadcast_in_dim3A_1077 : vector<16x1xi32> to vector<16xi32>
        %gather3A_1079 = tpu.dynamic_gather %select_n3A_1069[%gather3A_1078] in [0] : vector<16xf32>, vector<16xi32> -> vector<16xf32>
        %add3A_1080 = arith.addf %select_n3A_1068, %gather3A_1079 : vector<16xf32>
        %select_n3A_1081 = arith.select %ne3A_55, %add3A_1080, %add3A_1067 : vector<16xi1>, vector<16xf32>
        %select_n3A_1082 = arith.select %ne3A_55, %add3A_1067, %add3A_1080 : vector<16xi1>, vector<16xf32>
        %lt3A_1083 = arith.constant 0 : i32
        %lt3A_1084 = vector.broadcast %lt3A_1083 : i32 to vector<16xi32>
        %lt3A_1085 = arith.cmpi slt, %xor3A_33, %lt3A_1084 : vector<16xi32>
        %add3A_1086 = arith.constant 16 : i32
        %add3A_1087 = vector.broadcast %add3A_1086 : i32 to vector<16xi32>
        %add3A_1088 = arith.addi %xor3A_33, %add3A_1087 : vector<16xi32>
        %select_n3A_1089 = arith.select %lt3A_1085, %add3A_1088, %xor3A_33 : vector<16xi1>, vector<16xi32>
        %broadcast_in_dim3A_1090 = vector.shape_cast %select_n3A_1089 : vector<16xi32> to vector<16x1xi32>
        %gather3A_1091 = vector.shape_cast %broadcast_in_dim3A_1090 : vector<16x1xi32> to vector<16xi32>
        %gather3A_1092 = tpu.dynamic_gather %select_n3A_1082[%gather3A_1091] in [0] : vector<16xf32>, vector<16xi32> -> vector<16xf32>
        %add3A_1093 = arith.addf %select_n3A_1081, %gather3A_1092 : vector<16xf32>
        %add3A_1094 = arith.addf %add3A_1093, %get3A_22 : vector<16xf32>
        %mul3A_1095 = arith.constant 80 : i32
        %mul3A_1096 = arith.muli %add3A_223, %mul3A_1095 : i32
        %add3A_1097 = arith.addi %mul3A_1096, %mul3A_232 : i32
        %swap3A = arith.index_cast %add3A_1097 : i32 to index
        %swap3A_1098 = tpu.vector_load %arg18[%swap3A] {strides = array<i32>} : memref<10000xf32, #tpu.memory_space<vmem>>, vector<16xf32>,
        tpu.vector_store %arg18[%swap3A], %add3A_1094 {strides = array<i32>} : memref<10000xf32, #tpu.memory_space<vmem>>, vector<16xf32>,
      }
      %scan3A_229 = arith.constant 5 : i32
    }
    %scan3A_79 = arith.constant 41 : i32
    %dma_wait3A = arith.constant 9840 : i32
    %dma_wait3A_80 = tpu.memref_slice %arg9[%dma_wait3A] : memref<10000xi32, #tpu.memory_space<vmem>> -> memref<80xi32, #tpu.memory_space<vmem>>
    %dma_wait3A_81 = arith.constant 0 : i32
    %dma_wait3A_82 = arith.constant 0 : i32
    %dma_wait3A_83 = tpu.memref_slice %arg7[%dma_wait3A_81, %dma_wait3A_82] : memref<10000x64xbf16, #tpu.memory_space<vmem_shared>> -> memref<10000x64xbf16, #tpu.memory_space<vmem_shared>>
    tpu.wait_indirect_dma semaphore(%arg19 : memref<!tpu.dma_semaphore, #tpu.memory_space<semaphore_mem>>) src(%dma_wait3A_83 : memref<10000x64xbf16, #tpu.memory_space<vmem_shared>>) dst(%arg11 : memref<80x64xbf16, #tpu.memory_space<vmem>>)
    %dma_wait3A_84 = arith.constant 9840 : i32
    %dma_wait3A_85 = tpu.memref_slice %arg10[%dma_wait3A_84] : memref<10000xi32, #tpu.memory_space<vmem>> -> memref<80xi32, #tpu.memory_space<vmem>>
    %dma_wait3A_86 = arith.constant 0 : i32
    %dma_wait3A_87 = arith.constant 0 : i32
    %dma_wait3A_88 = tpu.memref_slice %arg8[%dma_wait3A_86, %dma_wait3A_87] : memref<10000x64xbf16, #tpu.memory_space<vmem_shared>> -> memref<10000x64xbf16, #tpu.memory_space<vmem_shared>>
    tpu.wait_indirect_dma semaphore(%arg20 : memref<!tpu.dma_semaphore, #tpu.memory_space<semaphore_mem>>) src(%dma_wait3A_88 : memref<10000x64xbf16, #tpu.memory_space<vmem_shared>>) dst(%arg12 : memref<80x64xbf16, #tpu.memory_space<vmem>>)
    %scan3A_89 = arith.constant 0 : i32
    %scan3A_90 = arith.constant 0 : i32
    %scan3A_91 = arith.constant 5 : i32
    %scan3A_92 = arith.addi %scan3A_90, %scan3A_91 : i32
    %scan3A_93 = arith.constant 1 : i32
    scf.for %scan3A_113 = %scan3A_90 to %scan3A_92 step %scan3A_93  : i32 {
      %mul3A_114 = arith.constant 16 : i32
      %mul3A_115 = arith.muli %scan3A_113, %mul3A_114 : i32
      %add3A_116 = arith.constant 0 : i32
      %add3A_117 = arith.addi %mul3A_115, %add3A_116 : i32
      %broadcast_in_dim3A = arith.constant 0.000000e+00 : f32
      %broadcast_in_dim3A_118 = vector.broadcast %broadcast_in_dim3A : f32 to vector<16xf32>
      %get3A_119 = arith.index_cast %add3A_117 : i32 to index
      %get3A_120 = arith.constant 0 : index
      %get3A_121 = tpu.vector_load %arg11[%get3A_119, %get3A_120] {strides = array<i32>} : memref<80x64xbf16, #tpu.memory_space<vmem>>, vector<32xbf16>,
      %get3A_122 = arith.index_cast %add3A_117 : i32 to index
      %get3A_123 = arith.constant 0 : index
      %get3A_124 = tpu.vector_load %arg12[%get3A_122, %get3A_123] {strides = array<i32>} : memref<80x64xbf16, #tpu.memory_space<vmem>>, vector<32xbf16>,
      %add3A_125 = arith.addf %get3A_121, %get3A_124 : vector<32xbf16>
      %unpack3A = tpu.unpack_subelements %add3A_125, 0 {pack_format = #tpu.pack_format<interleaved>} : vector<32xbf16> -> vector<16xf32>
      %unpack3A_126 = tpu.unpack_subelements %add3A_125, 1 {pack_format = #tpu.pack_format<interleaved>} : vector<32xbf16> -> vector<16xf32>
      %max3A = arith.constant 0.000000e+00 : f32
      %max3A_127 = vector.broadcast %max3A : f32 to vector<16xf32>
      %max3A_128 = arith.maximumf %unpack3A, %max3A_127 : vector<16xf32>
      %mul3A_129 = arith.mulf %max3A_128, %get3A_14 : vector<16xf32>
      %add3A_130 = arith.addf %broadcast_in_dim3A_118, %mul3A_129 : vector<16xf32>
      %max3A_131 = arith.constant 0.000000e+00 : f32
      %max3A_132 = vector.broadcast %max3A_131 : f32 to vector<16xf32>
      %max3A_133 = arith.maximumf %unpack3A_126, %max3A_132 : vector<16xf32>
      %mul3A_134 = arith.mulf %max3A_133, %get3A_16 : vector<16xf32>
      %add3A_135 = arith.addf %add3A_130, %mul3A_134 : vector<16xf32>
      %get3A_136 = arith.index_cast %add3A_117 : i32 to index
      %get3A_137 = arith.constant 32 : index
      %get3A_138 = tpu.vector_load %arg11[%get3A_136, %get3A_137] {strides = array<i32>} : memref<80x64xbf16, #tpu.memory_space<vmem>>, vector<32xbf16>,
      %get3A_139 = arith.index_cast %add3A_117 : i32 to index
      %get3A_140 = arith.constant 32 : index
      %get3A_141 = tpu.vector_load %arg12[%get3A_139, %get3A_140] {strides = array<i32>} : memref<80x64xbf16, #tpu.memory_space<vmem>>, vector<32xbf16>,
      %add3A_142 = arith.addf %get3A_138, %get3A_141 : vector<32xbf16>
      %unpack3A_143 = tpu.unpack_subelements %add3A_142, 0 {pack_format = #tpu.pack_format<interleaved>} : vector<32xbf16> -> vector<16xf32>
      %unpack3A_144 = tpu.unpack_subelements %add3A_142, 1 {pack_format = #tpu.pack_format<interleaved>} : vector<32xbf16> -> vector<16xf32>
      %max3A_145 = arith.constant 0.000000e+00 : f32
      %max3A_146 = vector.broadcast %max3A_145 : f32 to vector<16xf32>
      %max3A_147 = arith.maximumf %unpack3A_143, %max3A_146 : vector<16xf32>
      %mul3A_148 = arith.mulf %max3A_147, %get3A_18 : vector<16xf32>
      %add3A_149 = arith.addf %add3A_135, %mul3A_148 : vector<16xf32>
      %max3A_150 = arith.constant 0.000000e+00 : f32
      %max3A_151 = vector.broadcast %max3A_150 : f32 to vector<16xf32>
      %max3A_152 = arith.maximumf %unpack3A_144, %max3A_151 : vector<16xf32>
      %mul3A_153 = arith.mulf %max3A_152, %get3A_20 : vector<16xf32>
      %add3A_154 = arith.addf %add3A_149, %mul3A_153 : vector<16xf32>
      %add3A_155 = arith.constant 1 : i32
      %add3A_156 = arith.addi %mul3A_115, %add3A_155 : i32
      %broadcast_in_dim3A_157 = arith.constant 0.000000e+00 : f32
      %broadcast_in_dim3A_158 = vector.broadcast %broadcast_in_dim3A_157 : f32 to vector<16xf32>
      %get3A_159 = arith.index_cast %add3A_156 : i32 to index
      %get3A_160 = arith.constant 0 : index
      %get3A_161 = tpu.vector_load %arg11[%get3A_159, %get3A_160] {strides = array<i32>} : memref<80x64xbf16, #tpu.memory_space<vmem>>, vector<32xbf16>,
      %get3A_162 = arith.index_cast %add3A_156 : i32 to index
      %get3A_163 = arith.constant 0 : index
      %get3A_164 = tpu.vector_load %arg12[%get3A_162, %get3A_163] {strides = array<i32>} : memref<80x64xbf16, #tpu.memory_space<vmem>>, vector<32xbf16>,
      %add3A_165 = arith.addf %get3A_161, %get3A_164 : vector<32xbf16>
      %unpack3A_166 = tpu.unpack_subelements %add3A_165, 0 {pack_format = #tpu.pack_format<interleaved>} : vector<32xbf16> -> vector<16xf32>
      %unpack3A_167 = tpu.unpack_subelements %add3A_165, 1 {pack_format = #tpu.pack_format<interleaved>} : vector<32xbf16> -> vector<16xf32>
      %max3A_168 = arith.constant 0.000000e+00 : f32
      %max3A_169 = vector.broadcast %max3A_168 : f32 to vector<16xf32>
      %max3A_170 = arith.maximumf %unpack3A_166, %max3A_169 : vector<16xf32>
      %mul3A_171 = arith.mulf %max3A_170, %get3A_14 : vector<16xf32>
      %add3A_172 = arith.addf %broadcast_in_dim3A_158, %mul3A_171 : vector<16xf32>
      %max3A_173 = arith.constant 0.000000e+00 : f32
      %max3A_174 = vector.broadcast %max3A_173 : f32 to vector<16xf32>
      %max3A_175 = arith.maximumf %unpack3A_167, %max3A_174 : vector<16xf32>
      %mul3A_176 = arith.mulf %max3A_175, %get3A_16 : vector<16xf32>
      %add3A_177 = arith.addf %add3A_172, %mul3A_176 : vector<16xf32>
      %get3A_178 = arith.index_cast %add3A_156 : i32 to index
      %get3A_179 = arith.constant 32 : index
      %get3A_180 = tpu.vector_load %arg11[%get3A_178, %get3A_179] {strides = array<i32>} : memref<80x64xbf16, #tpu.memory_space<vmem>>, vector<32xbf16>,
      %get3A_181 = arith.index_cast %add3A_156 : i32 to index
      %get3A_182 = arith.constant 32 : index
      %get3A_183 = tpu.vector_load %arg12[%get3A_181, %get3A_182] {strides = array<i32>} : memref<80x64xbf16, #tpu.memory_space<vmem>>, vector<32xbf16>,
      %add3A_184 = arith.addf %get3A_180, %get3A_183 : vector<32xbf16>
      %unpack3A_185 = tpu.unpack_subelements %add3A_184, 0 {pack_format = #tpu.pack_format<interleaved>} : vector<32xbf16> -> vector<16xf32>
      %unpack3A_186 = tpu.unpack_subelements %add3A_184, 1 {pack_format = #tpu.pack_format<interleaved>} : vector<32xbf16> -> vector<16xf32>
      %max3A_187 = arith.constant 0.000000e+00 : f32
      %max3A_188 = vector.broadcast %max3A_187 : f32 to vector<16xf32>
      %max3A_189 = arith.maximumf %unpack3A_185, %max3A_188 : vector<16xf32>
      %mul3A_190 = arith.mulf %max3A_189, %get3A_18 : vector<16xf32>
      %add3A_191 = arith.addf %add3A_177, %mul3A_190 : vector<16xf32>
      %max3A_192 = arith.constant 0.000000e+00 : f32
      %max3A_193 = vector.broadcast %max3A_192 : f32 to vector<16xf32>
      %max3A_194 = arith.maximumf %unpack3A_186, %max3A_193 : vector<16xf32>
      %mul3A_195 = arith.mulf %max3A_194, %get3A_20 : vector<16xf32>
      %add3A_196 = arith.addf %add3A_191, %mul3A_195 : vector<16xf32>
      %add3A_197 = arith.constant 2 : i32
      %add3A_198 = arith.addi %mul3A_115, %add3A_197 : i32
      %broadcast_in_dim3A_199 = arith.constant 0.000000e+00 : f32
      %broadcast_in_dim3A_200 = vector.broadcast %broadcast_in_dim3A_199 : f32 to vector<16xf32>
      %get3A_201 = arith.index_cast %add3A_198 : i32 to index
      %get3A_202 = arith.constant 0 : index
      %get3A_203 = tpu.vector_load %arg11[%get3A_201, %get3A_202] {strides = array<i32>} : memref<80x64xbf16, #tpu.memory_space<vmem>>, vector<32xbf16>,
      %get3A_204 = arith.index_cast %add3A_198 : i32 to index
      %get3A_205 = arith.constant 0 : index
      %get3A_206 = tpu.vector_load %arg12[%get3A_204, %get3A_205] {strides = array<i32>} : memref<80x64xbf16, #tpu.memory_space<vmem>>, vector<32xbf16>,
      %add3A_207 = arith.addf %get3A_203, %get3A_206 : vector<32xbf16>
      %unpack3A_208 = tpu.unpack_subelements %add3A_207, 0 {pack_format = #tpu.pack_format<interleaved>} : vector<32xbf16> -> vector<16xf32>
      %unpack3A_209 = tpu.unpack_subelements %add3A_207, 1 {pack_format = #tpu.pack_format<interleaved>} : vector<32xbf16> -> vector<16xf32>
      %max3A_210 = arith.constant 0.000000e+00 : f32
      %max3A_211 = vector.broadcast %max3A_210 : f32 to vector<16xf32>
      %max3A_212 = arith.maximumf %unpack3A_208, %max3A_211 : vector<16xf32>
      %mul3A_213 = arith.mulf %max3A_212, %get3A_14 : vector<16xf32>
      %add3A_214 = arith.addf %broadcast_in_dim3A_200, %mul3A_213 : vector<16xf32>
      %max3A_215 = arith.constant 0.000000e+00 : f32
      %max3A_216 = vector.broadcast %max3A_215 : f32 to vector<16xf32>
      %max3A_217 = arith.maximumf %unpack3A_209, %max3A_216 : vector<16xf32>
      %mul3A_218 = arith.mulf %max3A_217, %get3A_16 : vector<16xf32>
      %add3A_219 = arith.addf %add3A_214, %mul3A_218 : vector<16xf32>
      %get3A_220 = arith.index_cast %add3A_198 : i32 to index
      %get3A_221 = arith.constant 32 : index
      %get3A_222 = tpu.vector_load %arg11[%get3A_220, %get3A_221] {strides = array<i32>} : memref<80x64xbf16, #tpu.memory_space<vmem>>, vector<32xbf16>,
      %get3A_223 = arith.index_cast %add3A_198 : i32 to index
      %get3A_224 = arith.constant 32 : index
      %get3A_225 = tpu.vector_load %arg12[%get3A_223, %get3A_224] {strides = array<i32>} : memref<80x64xbf16, #tpu.memory_space<vmem>>, vector<32xbf16>,
      %add3A_226 = arith.addf %get3A_222, %get3A_225 : vector<32xbf16>
      %unpack3A_227 = tpu.unpack_subelements %add3A_226, 0 {pack_format = #tpu.pack_format<interleaved>} : vector<32xbf16> -> vector<16xf32>
      %unpack3A_228 = tpu.unpack_subelements %add3A_226, 1 {pack_format = #tpu.pack_format<interleaved>} : vector<32xbf16> -> vector<16xf32>
      %max3A_229 = arith.constant 0.000000e+00 : f32
      %max3A_230 = vector.broadcast %max3A_229 : f32 to vector<16xf32>
      %max3A_231 = arith.maximumf %unpack3A_227, %max3A_230 : vector<16xf32>
      %mul3A_232 = arith.mulf %max3A_231, %get3A_18 : vector<16xf32>
      %add3A_233 = arith.addf %add3A_219, %mul3A_232 : vector<16xf32>
      %max3A_234 = arith.constant 0.000000e+00 : f32
      %max3A_235 = vector.broadcast %max3A_234 : f32 to vector<16xf32>
      %max3A_236 = arith.maximumf %unpack3A_228, %max3A_235 : vector<16xf32>
      %mul3A_237 = arith.mulf %max3A_236, %get3A_20 : vector<16xf32>
      %add3A_238 = arith.addf %add3A_233, %mul3A_237 : vector<16xf32>
      %add3A_239 = arith.constant 3 : i32
      %add3A_240 = arith.addi %mul3A_115, %add3A_239 : i32
      %broadcast_in_dim3A_241 = arith.constant 0.000000e+00 : f32
      %broadcast_in_dim3A_242 = vector.broadcast %broadcast_in_dim3A_241 : f32 to vector<16xf32>
      %get3A_243 = arith.index_cast %add3A_240 : i32 to index
      %get3A_244 = arith.constant 0 : index
      %get3A_245 = tpu.vector_load %arg11[%get3A_243, %get3A_244] {strides = array<i32>} : memref<80x64xbf16, #tpu.memory_space<vmem>>, vector<32xbf16>,
      %get3A_246 = arith.index_cast %add3A_240 : i32 to index
      %get3A_247 = arith.constant 0 : index
      %get3A_248 = tpu.vector_load %arg12[%get3A_246, %get3A_247] {strides = array<i32>} : memref<80x64xbf16, #tpu.memory_space<vmem>>, vector<32xbf16>,
      %add3A_249 = arith.addf %get3A_245, %get3A_248 : vector<32xbf16>
      %unpack3A_250 = tpu.unpack_subelements %add3A_249, 0 {pack_format = #tpu.pack_format<interleaved>} : vector<32xbf16> -> vector<16xf32>
      %unpack3A_251 = tpu.unpack_subelements %add3A_249, 1 {pack_format = #tpu.pack_format<interleaved>} : vector<32xbf16> -> vector<16xf32>
      %max3A_252 = arith.constant 0.000000e+00 : f32
      %max3A_253 = vector.broadcast %max3A_252 : f32 to vector<16xf32>
      %max3A_254 = arith.maximumf %unpack3A_250, %max3A_253 : vector<16xf32>
      %mul3A_255 = arith.mulf %max3A_254, %get3A_14 : vector<16xf32>
      %add3A_256 = arith.addf %broadcast_in_dim3A_242, %mul3A_255 : vector<16xf32>
      %max3A_257 = arith.constant 0.000000e+00 : f32
      %max3A_258 = vector.broadcast %max3A_257 : f32 to vector<16xf32>
      %max3A_259 = arith.maximumf %unpack3A_251, %max3A_258 : vector<16xf32>
      %mul3A_260 = arith.mulf %max3A_259, %get3A_16 : vector<16xf32>
      %add3A_261 = arith.addf %add3A_256, %mul3A_260 : vector<16xf32>
      %get3A_262 = arith.index_cast %add3A_240 : i32 to index
      %get3A_263 = arith.constant 32 : index
      %get3A_264 = tpu.vector_load %arg11[%get3A_262, %get3A_263] {strides = array<i32>} : memref<80x64xbf16, #tpu.memory_space<vmem>>, vector<32xbf16>,
      %get3A_265 = arith.index_cast %add3A_240 : i32 to index
      %get3A_266 = arith.constant 32 : index
      %get3A_267 = tpu.vector_load %arg12[%get3A_265, %get3A_266] {strides = array<i32>} : memref<80x64xbf16, #tpu.memory_space<vmem>>, vector<32xbf16>,
      %add3A_268 = arith.addf %get3A_264, %get3A_267 : vector<32xbf16>
      %unpack3A_269 = tpu.unpack_subelements %add3A_268, 0 {pack_format = #tpu.pack_format<interleaved>} : vector<32xbf16> -> vector<16xf32>
      %unpack3A_270 = tpu.unpack_subelements %add3A_268, 1 {pack_format = #tpu.pack_format<interleaved>} : vector<32xbf16> -> vector<16xf32>
      %max3A_271 = arith.constant 0.000000e+00 : f32
      %max3A_272 = vector.broadcast %max3A_271 : f32 to vector<16xf32>
      %max3A_273 = arith.maximumf %unpack3A_269, %max3A_272 : vector<16xf32>
      %mul3A_274 = arith.mulf %max3A_273, %get3A_18 : vector<16xf32>
      %add3A_275 = arith.addf %add3A_261, %mul3A_274 : vector<16xf32>
      %max3A_276 = arith.constant 0.000000e+00 : f32
      %max3A_277 = vector.broadcast %max3A_276 : f32 to vector<16xf32>
      %max3A_278 = arith.maximumf %unpack3A_270, %max3A_277 : vector<16xf32>
      %mul3A_279 = arith.mulf %max3A_278, %get3A_20 : vector<16xf32>
      %add3A_280 = arith.addf %add3A_275, %mul3A_279 : vector<16xf32>
      %add3A_281 = arith.constant 4 : i32
      %add3A_282 = arith.addi %mul3A_115, %add3A_281 : i32
      %broadcast_in_dim3A_283 = arith.constant 0.000000e+00 : f32
      %broadcast_in_dim3A_284 = vector.broadcast %broadcast_in_dim3A_283 : f32 to vector<16xf32>
      %get3A_285 = arith.index_cast %add3A_282 : i32 to index
      %get3A_286 = arith.constant 0 : index
      %get3A_287 = tpu.vector_load %arg11[%get3A_285, %get3A_286] {strides = array<i32>} : memref<80x64xbf16, #tpu.memory_space<vmem>>, vector<32xbf16>,
      %get3A_288 = arith.index_cast %add3A_282 : i32 to index
      %get3A_289 = arith.constant 0 : index
      %get3A_290 = tpu.vector_load %arg12[%get3A_288, %get3A_289] {strides = array<i32>} : memref<80x64xbf16, #tpu.memory_space<vmem>>, vector<32xbf16>,
      %add3A_291 = arith.addf %get3A_287, %get3A_290 : vector<32xbf16>
      %unpack3A_292 = tpu.unpack_subelements %add3A_291, 0 {pack_format = #tpu.pack_format<interleaved>} : vector<32xbf16> -> vector<16xf32>
      %unpack3A_293 = tpu.unpack_subelements %add3A_291, 1 {pack_format = #tpu.pack_format<interleaved>} : vector<32xbf16> -> vector<16xf32>
      %max3A_294 = arith.constant 0.000000e+00 : f32
      %max3A_295 = vector.broadcast %max3A_294 : f32 to vector<16xf32>
      %max3A_296 = arith.maximumf %unpack3A_292, %max3A_295 : vector<16xf32>
      %mul3A_297 = arith.mulf %max3A_296, %get3A_14 : vector<16xf32>
      %add3A_298 = arith.addf %broadcast_in_dim3A_284, %mul3A_297 : vector<16xf32>
      %max3A_299 = arith.constant 0.000000e+00 : f32
      %max3A_300 = vector.broadcast %max3A_299 : f32 to vector<16xf32>
      %max3A_301 = arith.maximumf %unpack3A_293, %max3A_300 : vector<16xf32>
      %mul3A_302 = arith.mulf %max3A_301, %get3A_16 : vector<16xf32>
      %add3A_303 = arith.addf %add3A_298, %mul3A_302 : vector<16xf32>
      %get3A_304 = arith.index_cast %add3A_282 : i32 to index
      %get3A_305 = arith.constant 32 : index
      %get3A_306 = tpu.vector_load %arg11[%get3A_304, %get3A_305] {strides = array<i32>} : memref<80x64xbf16, #tpu.memory_space<vmem>>, vector<32xbf16>,
      %get3A_307 = arith.index_cast %add3A_282 : i32 to index
      %get3A_308 = arith.constant 32 : index
      %get3A_309 = tpu.vector_load %arg12[%get3A_307, %get3A_308] {strides = array<i32>} : memref<80x64xbf16, #tpu.memory_space<vmem>>, vector<32xbf16>,
      %add3A_310 = arith.addf %get3A_306, %get3A_309 : vector<32xbf16>
      %unpack3A_311 = tpu.unpack_subelements %add3A_310, 0 {pack_format = #tpu.pack_format<interleaved>} : vector<32xbf16> -> vector<16xf32>
      %unpack3A_312 = tpu.unpack_subelements %add3A_310, 1 {pack_format = #tpu.pack_format<interleaved>} : vector<32xbf16> -> vector<16xf32>
      %max3A_313 = arith.constant 0.000000e+00 : f32
      %max3A_314 = vector.broadcast %max3A_313 : f32 to vector<16xf32>
      %max3A_315 = arith.maximumf %unpack3A_311, %max3A_314 : vector<16xf32>
      %mul3A_316 = arith.mulf %max3A_315, %get3A_18 : vector<16xf32>
      %add3A_317 = arith.addf %add3A_303, %mul3A_316 : vector<16xf32>
      %max3A_318 = arith.constant 0.000000e+00 : f32
      %max3A_319 = vector.broadcast %max3A_318 : f32 to vector<16xf32>
      %max3A_320 = arith.maximumf %unpack3A_312, %max3A_319 : vector<16xf32>
      %mul3A_321 = arith.mulf %max3A_320, %get3A_20 : vector<16xf32>
      %add3A_322 = arith.addf %add3A_317, %mul3A_321 : vector<16xf32>
      %add3A_323 = arith.constant 5 : i32
      %add3A_324 = arith.addi %mul3A_115, %add3A_323 : i32
      %broadcast_in_dim3A_325 = arith.constant 0.000000e+00 : f32
      %broadcast_in_dim3A_326 = vector.broadcast %broadcast_in_dim3A_325 : f32 to vector<16xf32>
      %get3A_327 = arith.index_cast %add3A_324 : i32 to index
      %get3A_328 = arith.constant 0 : index
      %get3A_329 = tpu.vector_load %arg11[%get3A_327, %get3A_328] {strides = array<i32>} : memref<80x64xbf16, #tpu.memory_space<vmem>>, vector<32xbf16>,
      %get3A_330 = arith.index_cast %add3A_324 : i32 to index
      %get3A_331 = arith.constant 0 : index
      %get3A_332 = tpu.vector_load %arg12[%get3A_330, %get3A_331] {strides = array<i32>} : memref<80x64xbf16, #tpu.memory_space<vmem>>, vector<32xbf16>,
      %add3A_333 = arith.addf %get3A_329, %get3A_332 : vector<32xbf16>
      %unpack3A_334 = tpu.unpack_subelements %add3A_333, 0 {pack_format = #tpu.pack_format<interleaved>} : vector<32xbf16> -> vector<16xf32>
      %unpack3A_335 = tpu.unpack_subelements %add3A_333, 1 {pack_format = #tpu.pack_format<interleaved>} : vector<32xbf16> -> vector<16xf32>
      %max3A_336 = arith.constant 0.000000e+00 : f32
      %max3A_337 = vector.broadcast %max3A_336 : f32 to vector<16xf32>
      %max3A_338 = arith.maximumf %unpack3A_334, %max3A_337 : vector<16xf32>
      %mul3A_339 = arith.mulf %max3A_338, %get3A_14 : vector<16xf32>
      %add3A_340 = arith.addf %broadcast_in_dim3A_326, %mul3A_339 : vector<16xf32>
      %max3A_341 = arith.constant 0.000000e+00 : f32
      %max3A_342 = vector.broadcast %max3A_341 : f32 to vector<16xf32>
      %max3A_343 = arith.maximumf %unpack3A_335, %max3A_342 : vector<16xf32>
      %mul3A_344 = arith.mulf %max3A_343, %get3A_16 : vector<16xf32>
      %add3A_345 = arith.addf %add3A_340, %mul3A_344 : vector<16xf32>
      %get3A_346 = arith.index_cast %add3A_324 : i32 to index
      %get3A_347 = arith.constant 32 : index
      %get3A_348 = tpu.vector_load %arg11[%get3A_346, %get3A_347] {strides = array<i32>} : memref<80x64xbf16, #tpu.memory_space<vmem>>, vector<32xbf16>,
      %get3A_349 = arith.index_cast %add3A_324 : i32 to index
      %get3A_350 = arith.constant 32 : index
      %get3A_351 = tpu.vector_load %arg12[%get3A_349, %get3A_350] {strides = array<i32>} : memref<80x64xbf16, #tpu.memory_space<vmem>>, vector<32xbf16>,
      %add3A_352 = arith.addf %get3A_348, %get3A_351 : vector<32xbf16>
      %unpack3A_353 = tpu.unpack_subelements %add3A_352, 0 {pack_format = #tpu.pack_format<interleaved>} : vector<32xbf16> -> vector<16xf32>
      %unpack3A_354 = tpu.unpack_subelements %add3A_352, 1 {pack_format = #tpu.pack_format<interleaved>} : vector<32xbf16> -> vector<16xf32>
      %max3A_355 = arith.constant 0.000000e+00 : f32
      %max3A_356 = vector.broadcast %max3A_355 : f32 to vector<16xf32>
      %max3A_357 = arith.maximumf %unpack3A_353, %max3A_356 : vector<16xf32>
      %mul3A_358 = arith.mulf %max3A_357, %get3A_18 : vector<16xf32>
      %add3A_359 = arith.addf %add3A_345, %mul3A_358 : vector<16xf32>
      %max3A_360 = arith.constant 0.000000e+00 : f32
      %max3A_361 = vector.broadcast %max3A_360 : f32 to vector<16xf32>
      %max3A_362 = arith.maximumf %unpack3A_354, %max3A_361 : vector<16xf32>
      %mul3A_363 = arith.mulf %max3A_362, %get3A_20 : vector<16xf32>
      %add3A_364 = arith.addf %add3A_359, %mul3A_363 : vector<16xf32>
      %add3A_365 = arith.constant 6 : i32
      %add3A_366 = arith.addi %mul3A_115, %add3A_365 : i32
      %broadcast_in_dim3A_367 = arith.constant 0.000000e+00 : f32
      %broadcast_in_dim3A_368 = vector.broadcast %broadcast_in_dim3A_367 : f32 to vector<16xf32>
      %get3A_369 = arith.index_cast %add3A_366 : i32 to index
      %get3A_370 = arith.constant 0 : index
      %get3A_371 = tpu.vector_load %arg11[%get3A_369, %get3A_370] {strides = array<i32>} : memref<80x64xbf16, #tpu.memory_space<vmem>>, vector<32xbf16>,
      %get3A_372 = arith.index_cast %add3A_366 : i32 to index
      %get3A_373 = arith.constant 0 : index
      %get3A_374 = tpu.vector_load %arg12[%get3A_372, %get3A_373] {strides = array<i32>} : memref<80x64xbf16, #tpu.memory_space<vmem>>, vector<32xbf16>,
      %add3A_375 = arith.addf %get3A_371, %get3A_374 : vector<32xbf16>
      %unpack3A_376 = tpu.unpack_subelements %add3A_375, 0 {pack_format = #tpu.pack_format<interleaved>} : vector<32xbf16> -> vector<16xf32>
      %unpack3A_377 = tpu.unpack_subelements %add3A_375, 1 {pack_format = #tpu.pack_format<interleaved>} : vector<32xbf16> -> vector<16xf32>
      %max3A_378 = arith.constant 0.000000e+00 : f32
      %max3A_379 = vector.broadcast %max3A_378 : f32 to vector<16xf32>
      %max3A_380 = arith.maximumf %unpack3A_376, %max3A_379 : vector<16xf32>
      %mul3A_381 = arith.mulf %max3A_380, %get3A_14 : vector<16xf32>
      %add3A_382 = arith.addf %broadcast_in_dim3A_368, %mul3A_381 : vector<16xf32>
      %max3A_383 = arith.constant 0.000000e+00 : f32
      %max3A_384 = vector.broadcast %max3A_383 : f32 to vector<16xf32>
      %max3A_385 = arith.maximumf %unpack3A_377, %max3A_384 : vector<16xf32>
      %mul3A_386 = arith.mulf %max3A_385, %get3A_16 : vector<16xf32>
      %add3A_387 = arith.addf %add3A_382, %mul3A_386 : vector<16xf32>
      %get3A_388 = arith.index_cast %add3A_366 : i32 to index
      %get3A_389 = arith.constant 32 : index
      %get3A_390 = tpu.vector_load %arg11[%get3A_388, %get3A_389] {strides = array<i32>} : memref<80x64xbf16, #tpu.memory_space<vmem>>, vector<32xbf16>,
      %get3A_391 = arith.index_cast %add3A_366 : i32 to index
      %get3A_392 = arith.constant 32 : index
      %get3A_393 = tpu.vector_load %arg12[%get3A_391, %get3A_392] {strides = array<i32>} : memref<80x64xbf16, #tpu.memory_space<vmem>>, vector<32xbf16>,
      %add3A_394 = arith.addf %get3A_390, %get3A_393 : vector<32xbf16>
      %unpack3A_395 = tpu.unpack_subelements %add3A_394, 0 {pack_format = #tpu.pack_format<interleaved>} : vector<32xbf16> -> vector<16xf32>
      %unpack3A_396 = tpu.unpack_subelements %add3A_394, 1 {pack_format = #tpu.pack_format<interleaved>} : vector<32xbf16> -> vector<16xf32>
      %max3A_397 = arith.constant 0.000000e+00 : f32
      %max3A_398 = vector.broadcast %max3A_397 : f32 to vector<16xf32>
      %max3A_399 = arith.maximumf %unpack3A_395, %max3A_398 : vector<16xf32>
      %mul3A_400 = arith.mulf %max3A_399, %get3A_18 : vector<16xf32>
      %add3A_401 = arith.addf %add3A_387, %mul3A_400 : vector<16xf32>
      %max3A_402 = arith.constant 0.000000e+00 : f32
      %max3A_403 = vector.broadcast %max3A_402 : f32 to vector<16xf32>
      %max3A_404 = arith.maximumf %unpack3A_396, %max3A_403 : vector<16xf32>
      %mul3A_405 = arith.mulf %max3A_404, %get3A_20 : vector<16xf32>
      %add3A_406 = arith.addf %add3A_401, %mul3A_405 : vector<16xf32>
      %add3A_407 = arith.constant 7 : i32
      %add3A_408 = arith.addi %mul3A_115, %add3A_407 : i32
      %broadcast_in_dim3A_409 = arith.constant 0.000000e+00 : f32
      %broadcast_in_dim3A_410 = vector.broadcast %broadcast_in_dim3A_409 : f32 to vector<16xf32>
      %get3A_411 = arith.index_cast %add3A_408 : i32 to index
      %get3A_412 = arith.constant 0 : index
      %get3A_413 = tpu.vector_load %arg11[%get3A_411, %get3A_412] {strides = array<i32>} : memref<80x64xbf16, #tpu.memory_space<vmem>>, vector<32xbf16>,
      %get3A_414 = arith.index_cast %add3A_408 : i32 to index
      %get3A_415 = arith.constant 0 : index
      %get3A_416 = tpu.vector_load %arg12[%get3A_414, %get3A_415] {strides = array<i32>} : memref<80x64xbf16, #tpu.memory_space<vmem>>, vector<32xbf16>,
      %add3A_417 = arith.addf %get3A_413, %get3A_416 : vector<32xbf16>
      %unpack3A_418 = tpu.unpack_subelements %add3A_417, 0 {pack_format = #tpu.pack_format<interleaved>} : vector<32xbf16> -> vector<16xf32>
      %unpack3A_419 = tpu.unpack_subelements %add3A_417, 1 {pack_format = #tpu.pack_format<interleaved>} : vector<32xbf16> -> vector<16xf32>
      %max3A_420 = arith.constant 0.000000e+00 : f32
      %max3A_421 = vector.broadcast %max3A_420 : f32 to vector<16xf32>
      %max3A_422 = arith.maximumf %unpack3A_418, %max3A_421 : vector<16xf32>
      %mul3A_423 = arith.mulf %max3A_422, %get3A_14 : vector<16xf32>
      %add3A_424 = arith.addf %broadcast_in_dim3A_410, %mul3A_423 : vector<16xf32>
      %max3A_425 = arith.constant 0.000000e+00 : f32
      %max3A_426 = vector.broadcast %max3A_425 : f32 to vector<16xf32>
      %max3A_427 = arith.maximumf %unpack3A_419, %max3A_426 : vector<16xf32>
      %mul3A_428 = arith.mulf %max3A_427, %get3A_16 : vector<16xf32>
      %add3A_429 = arith.addf %add3A_424, %mul3A_428 : vector<16xf32>
      %get3A_430 = arith.index_cast %add3A_408 : i32 to index
      %get3A_431 = arith.constant 32 : index
      %get3A_432 = tpu.vector_load %arg11[%get3A_430, %get3A_431] {strides = array<i32>} : memref<80x64xbf16, #tpu.memory_space<vmem>>, vector<32xbf16>,
      %get3A_433 = arith.index_cast %add3A_408 : i32 to index
      %get3A_434 = arith.constant 32 : index
      %get3A_435 = tpu.vector_load %arg12[%get3A_433, %get3A_434] {strides = array<i32>} : memref<80x64xbf16, #tpu.memory_space<vmem>>, vector<32xbf16>,
      %add3A_436 = arith.addf %get3A_432, %get3A_435 : vector<32xbf16>
      %unpack3A_437 = tpu.unpack_subelements %add3A_436, 0 {pack_format = #tpu.pack_format<interleaved>} : vector<32xbf16> -> vector<16xf32>
      %unpack3A_438 = tpu.unpack_subelements %add3A_436, 1 {pack_format = #tpu.pack_format<interleaved>} : vector<32xbf16> -> vector<16xf32>
      %max3A_439 = arith.constant 0.000000e+00 : f32
      %max3A_440 = vector.broadcast %max3A_439 : f32 to vector<16xf32>
      %max3A_441 = arith.maximumf %unpack3A_437, %max3A_440 : vector<16xf32>
      %mul3A_442 = arith.mulf %max3A_441, %get3A_18 : vector<16xf32>
      %add3A_443 = arith.addf %add3A_429, %mul3A_442 : vector<16xf32>
      %max3A_444 = arith.constant 0.000000e+00 : f32
      %max3A_445 = vector.broadcast %max3A_444 : f32 to vector<16xf32>
      %max3A_446 = arith.maximumf %unpack3A_438, %max3A_445 : vector<16xf32>
      %mul3A_447 = arith.mulf %max3A_446, %get3A_20 : vector<16xf32>
      %add3A_448 = arith.addf %add3A_443, %mul3A_447 : vector<16xf32>
      %add3A_449 = arith.constant 8 : i32
      %add3A_450 = arith.addi %mul3A_115, %add3A_449 : i32
      %broadcast_in_dim3A_451 = arith.constant 0.000000e+00 : f32
      %broadcast_in_dim3A_452 = vector.broadcast %broadcast_in_dim3A_451 : f32 to vector<16xf32>
      %get3A_453 = arith.index_cast %add3A_450 : i32 to index
      %get3A_454 = arith.constant 0 : index
      %get3A_455 = tpu.vector_load %arg11[%get3A_453, %get3A_454] {strides = array<i32>} : memref<80x64xbf16, #tpu.memory_space<vmem>>, vector<32xbf16>,
      %get3A_456 = arith.index_cast %add3A_450 : i32 to index
      %get3A_457 = arith.constant 0 : index
      %get3A_458 = tpu.vector_load %arg12[%get3A_456, %get3A_457] {strides = array<i32>} : memref<80x64xbf16, #tpu.memory_space<vmem>>, vector<32xbf16>,
      %add3A_459 = arith.addf %get3A_455, %get3A_458 : vector<32xbf16>
      %unpack3A_460 = tpu.unpack_subelements %add3A_459, 0 {pack_format = #tpu.pack_format<interleaved>} : vector<32xbf16> -> vector<16xf32>
      %unpack3A_461 = tpu.unpack_subelements %add3A_459, 1 {pack_format = #tpu.pack_format<interleaved>} : vector<32xbf16> -> vector<16xf32>
      %max3A_462 = arith.constant 0.000000e+00 : f32
      %max3A_463 = vector.broadcast %max3A_462 : f32 to vector<16xf32>
      %max3A_464 = arith.maximumf %unpack3A_460, %max3A_463 : vector<16xf32>
      %mul3A_465 = arith.mulf %max3A_464, %get3A_14 : vector<16xf32>
      %add3A_466 = arith.addf %broadcast_in_dim3A_452, %mul3A_465 : vector<16xf32>
      %max3A_467 = arith.constant 0.000000e+00 : f32
      %max3A_468 = vector.broadcast %max3A_467 : f32 to vector<16xf32>
      %max3A_469 = arith.maximumf %unpack3A_461, %max3A_468 : vector<16xf32>
      %mul3A_470 = arith.mulf %max3A_469, %get3A_16 : vector<16xf32>
      %add3A_471 = arith.addf %add3A_466, %mul3A_470 : vector<16xf32>
      %get3A_472 = arith.index_cast %add3A_450 : i32 to index
      %get3A_473 = arith.constant 32 : index
      %get3A_474 = tpu.vector_load %arg11[%get3A_472, %get3A_473] {strides = array<i32>} : memref<80x64xbf16, #tpu.memory_space<vmem>>, vector<32xbf16>,
      %get3A_475 = arith.index_cast %add3A_450 : i32 to index
      %get3A_476 = arith.constant 32 : index
      %get3A_477 = tpu.vector_load %arg12[%get3A_475, %get3A_476] {strides = array<i32>} : memref<80x64xbf16, #tpu.memory_space<vmem>>, vector<32xbf16>,
      %add3A_478 = arith.addf %get3A_474, %get3A_477 : vector<32xbf16>
      %unpack3A_479 = tpu.unpack_subelements %add3A_478, 0 {pack_format = #tpu.pack_format<interleaved>} : vector<32xbf16> -> vector<16xf32>
      %unpack3A_480 = tpu.unpack_subelements %add3A_478, 1 {pack_format = #tpu.pack_format<interleaved>} : vector<32xbf16> -> vector<16xf32>
      %max3A_481 = arith.constant 0.000000e+00 : f32
      %max3A_482 = vector.broadcast %max3A_481 : f32 to vector<16xf32>
      %max3A_483 = arith.maximumf %unpack3A_479, %max3A_482 : vector<16xf32>
      %mul3A_484 = arith.mulf %max3A_483, %get3A_18 : vector<16xf32>
      %add3A_485 = arith.addf %add3A_471, %mul3A_484 : vector<16xf32>
      %max3A_486 = arith.constant 0.000000e+00 : f32
      %max3A_487 = vector.broadcast %max3A_486 : f32 to vector<16xf32>
      %max3A_488 = arith.maximumf %unpack3A_480, %max3A_487 : vector<16xf32>
      %mul3A_489 = arith.mulf %max3A_488, %get3A_20 : vector<16xf32>
      %add3A_490 = arith.addf %add3A_485, %mul3A_489 : vector<16xf32>
      %add3A_491 = arith.constant 9 : i32
      %add3A_492 = arith.addi %mul3A_115, %add3A_491 : i32
      %broadcast_in_dim3A_493 = arith.constant 0.000000e+00 : f32
      %broadcast_in_dim3A_494 = vector.broadcast %broadcast_in_dim3A_493 : f32 to vector<16xf32>
      %get3A_495 = arith.index_cast %add3A_492 : i32 to index
      %get3A_496 = arith.constant 0 : index
      %get3A_497 = tpu.vector_load %arg11[%get3A_495, %get3A_496] {strides = array<i32>} : memref<80x64xbf16, #tpu.memory_space<vmem>>, vector<32xbf16>,
      %get3A_498 = arith.index_cast %add3A_492 : i32 to index
      %get3A_499 = arith.constant 0 : index
      %get3A_500 = tpu.vector_load %arg12[%get3A_498, %get3A_499] {strides = array<i32>} : memref<80x64xbf16, #tpu.memory_space<vmem>>, vector<32xbf16>,
      %add3A_501 = arith.addf %get3A_497, %get3A_500 : vector<32xbf16>
      %unpack3A_502 = tpu.unpack_subelements %add3A_501, 0 {pack_format = #tpu.pack_format<interleaved>} : vector<32xbf16> -> vector<16xf32>
      %unpack3A_503 = tpu.unpack_subelements %add3A_501, 1 {pack_format = #tpu.pack_format<interleaved>} : vector<32xbf16> -> vector<16xf32>
      %max3A_504 = arith.constant 0.000000e+00 : f32
      %max3A_505 = vector.broadcast %max3A_504 : f32 to vector<16xf32>
      %max3A_506 = arith.maximumf %unpack3A_502, %max3A_505 : vector<16xf32>
      %mul3A_507 = arith.mulf %max3A_506, %get3A_14 : vector<16xf32>
      %add3A_508 = arith.addf %broadcast_in_dim3A_494, %mul3A_507 : vector<16xf32>
      %max3A_509 = arith.constant 0.000000e+00 : f32
      %max3A_510 = vector.broadcast %max3A_509 : f32 to vector<16xf32>
      %max3A_511 = arith.maximumf %unpack3A_503, %max3A_510 : vector<16xf32>
      %mul3A_512 = arith.mulf %max3A_511, %get3A_16 : vector<16xf32>
      %add3A_513 = arith.addf %add3A_508, %mul3A_512 : vector<16xf32>
      %get3A_514 = arith.index_cast %add3A_492 : i32 to index
      %get3A_515 = arith.constant 32 : index
      %get3A_516 = tpu.vector_load %arg11[%get3A_514, %get3A_515] {strides = array<i32>} : memref<80x64xbf16, #tpu.memory_space<vmem>>, vector<32xbf16>,
      %get3A_517 = arith.index_cast %add3A_492 : i32 to index
      %get3A_518 = arith.constant 32 : index
      %get3A_519 = tpu.vector_load %arg12[%get3A_517, %get3A_518] {strides = array<i32>} : memref<80x64xbf16, #tpu.memory_space<vmem>>, vector<32xbf16>,
      %add3A_520 = arith.addf %get3A_516, %get3A_519 : vector<32xbf16>
      %unpack3A_521 = tpu.unpack_subelements %add3A_520, 0 {pack_format = #tpu.pack_format<interleaved>} : vector<32xbf16> -> vector<16xf32>
      %unpack3A_522 = tpu.unpack_subelements %add3A_520, 1 {pack_format = #tpu.pack_format<interleaved>} : vector<32xbf16> -> vector<16xf32>
      %max3A_523 = arith.constant 0.000000e+00 : f32
      %max3A_524 = vector.broadcast %max3A_523 : f32 to vector<16xf32>
      %max3A_525 = arith.maximumf %unpack3A_521, %max3A_524 : vector<16xf32>
      %mul3A_526 = arith.mulf %max3A_525, %get3A_18 : vector<16xf32>
      %add3A_527 = arith.addf %add3A_513, %mul3A_526 : vector<16xf32>
      %max3A_528 = arith.constant 0.000000e+00 : f32
      %max3A_529 = vector.broadcast %max3A_528 : f32 to vector<16xf32>
      %max3A_530 = arith.maximumf %unpack3A_522, %max3A_529 : vector<16xf32>
      %mul3A_531 = arith.mulf %max3A_530, %get3A_20 : vector<16xf32>
      %add3A_532 = arith.addf %add3A_527, %mul3A_531 : vector<16xf32>
      %add3A_533 = arith.constant 10 : i32
      %add3A_534 = arith.addi %mul3A_115, %add3A_533 : i32
      %broadcast_in_dim3A_535 = arith.constant 0.000000e+00 : f32
      %broadcast_in_dim3A_536 = vector.broadcast %broadcast_in_dim3A_535 : f32 to vector<16xf32>
      %get3A_537 = arith.index_cast %add3A_534 : i32 to index
      %get3A_538 = arith.constant 0 : index
      %get3A_539 = tpu.vector_load %arg11[%get3A_537, %get3A_538] {strides = array<i32>} : memref<80x64xbf16, #tpu.memory_space<vmem>>, vector<32xbf16>,
      %get3A_540 = arith.index_cast %add3A_534 : i32 to index
      %get3A_541 = arith.constant 0 : index
      %get3A_542 = tpu.vector_load %arg12[%get3A_540, %get3A_541] {strides = array<i32>} : memref<80x64xbf16, #tpu.memory_space<vmem>>, vector<32xbf16>,
      %add3A_543 = arith.addf %get3A_539, %get3A_542 : vector<32xbf16>
      %unpack3A_544 = tpu.unpack_subelements %add3A_543, 0 {pack_format = #tpu.pack_format<interleaved>} : vector<32xbf16> -> vector<16xf32>
      %unpack3A_545 = tpu.unpack_subelements %add3A_543, 1 {pack_format = #tpu.pack_format<interleaved>} : vector<32xbf16> -> vector<16xf32>
      %max3A_546 = arith.constant 0.000000e+00 : f32
      %max3A_547 = vector.broadcast %max3A_546 : f32 to vector<16xf32>
      %max3A_548 = arith.maximumf %unpack3A_544, %max3A_547 : vector<16xf32>
      %mul3A_549 = arith.mulf %max3A_548, %get3A_14 : vector<16xf32>
      %add3A_550 = arith.addf %broadcast_in_dim3A_536, %mul3A_549 : vector<16xf32>
      %max3A_551 = arith.constant 0.000000e+00 : f32
      %max3A_552 = vector.broadcast %max3A_551 : f32 to vector<16xf32>
      %max3A_553 = arith.maximumf %unpack3A_545, %max3A_552 : vector<16xf32>
      %mul3A_554 = arith.mulf %max3A_553, %get3A_16 : vector<16xf32>
      %add3A_555 = arith.addf %add3A_550, %mul3A_554 : vector<16xf32>
      %get3A_556 = arith.index_cast %add3A_534 : i32 to index
      %get3A_557 = arith.constant 32 : index
      %get3A_558 = tpu.vector_load %arg11[%get3A_556, %get3A_557] {strides = array<i32>} : memref<80x64xbf16, #tpu.memory_space<vmem>>, vector<32xbf16>,
      %get3A_559 = arith.index_cast %add3A_534 : i32 to index
      %get3A_560 = arith.constant 32 : index
      %get3A_561 = tpu.vector_load %arg12[%get3A_559, %get3A_560] {strides = array<i32>} : memref<80x64xbf16, #tpu.memory_space<vmem>>, vector<32xbf16>,
      %add3A_562 = arith.addf %get3A_558, %get3A_561 : vector<32xbf16>
      %unpack3A_563 = tpu.unpack_subelements %add3A_562, 0 {pack_format = #tpu.pack_format<interleaved>} : vector<32xbf16> -> vector<16xf32>
      %unpack3A_564 = tpu.unpack_subelements %add3A_562, 1 {pack_format = #tpu.pack_format<interleaved>} : vector<32xbf16> -> vector<16xf32>
      %max3A_565 = arith.constant 0.000000e+00 : f32
      %max3A_566 = vector.broadcast %max3A_565 : f32 to vector<16xf32>
      %max3A_567 = arith.maximumf %unpack3A_563, %max3A_566 : vector<16xf32>
      %mul3A_568 = arith.mulf %max3A_567, %get3A_18 : vector<16xf32>
      %add3A_569 = arith.addf %add3A_555, %mul3A_568 : vector<16xf32>
      %max3A_570 = arith.constant 0.000000e+00 : f32
      %max3A_571 = vector.broadcast %max3A_570 : f32 to vector<16xf32>
      %max3A_572 = arith.maximumf %unpack3A_564, %max3A_571 : vector<16xf32>
      %mul3A_573 = arith.mulf %max3A_572, %get3A_20 : vector<16xf32>
      %add3A_574 = arith.addf %add3A_569, %mul3A_573 : vector<16xf32>
      %add3A_575 = arith.constant 11 : i32
      %add3A_576 = arith.addi %mul3A_115, %add3A_575 : i32
      %broadcast_in_dim3A_577 = arith.constant 0.000000e+00 : f32
      %broadcast_in_dim3A_578 = vector.broadcast %broadcast_in_dim3A_577 : f32 to vector<16xf32>
      %get3A_579 = arith.index_cast %add3A_576 : i32 to index
      %get3A_580 = arith.constant 0 : index
      %get3A_581 = tpu.vector_load %arg11[%get3A_579, %get3A_580] {strides = array<i32>} : memref<80x64xbf16, #tpu.memory_space<vmem>>, vector<32xbf16>,
      %get3A_582 = arith.index_cast %add3A_576 : i32 to index
      %get3A_583 = arith.constant 0 : index
      %get3A_584 = tpu.vector_load %arg12[%get3A_582, %get3A_583] {strides = array<i32>} : memref<80x64xbf16, #tpu.memory_space<vmem>>, vector<32xbf16>,
      %add3A_585 = arith.addf %get3A_581, %get3A_584 : vector<32xbf16>
      %unpack3A_586 = tpu.unpack_subelements %add3A_585, 0 {pack_format = #tpu.pack_format<interleaved>} : vector<32xbf16> -> vector<16xf32>
      %unpack3A_587 = tpu.unpack_subelements %add3A_585, 1 {pack_format = #tpu.pack_format<interleaved>} : vector<32xbf16> -> vector<16xf32>
      %max3A_588 = arith.constant 0.000000e+00 : f32
      %max3A_589 = vector.broadcast %max3A_588 : f32 to vector<16xf32>
      %max3A_590 = arith.maximumf %unpack3A_586, %max3A_589 : vector<16xf32>
      %mul3A_591 = arith.mulf %max3A_590, %get3A_14 : vector<16xf32>
      %add3A_592 = arith.addf %broadcast_in_dim3A_578, %mul3A_591 : vector<16xf32>
      %max3A_593 = arith.constant 0.000000e+00 : f32
      %max3A_594 = vector.broadcast %max3A_593 : f32 to vector<16xf32>
      %max3A_595 = arith.maximumf %unpack3A_587, %max3A_594 : vector<16xf32>
      %mul3A_596 = arith.mulf %max3A_595, %get3A_16 : vector<16xf32>
      %add3A_597 = arith.addf %add3A_592, %mul3A_596 : vector<16xf32>
      %get3A_598 = arith.index_cast %add3A_576 : i32 to index
      %get3A_599 = arith.constant 32 : index
      %get3A_600 = tpu.vector_load %arg11[%get3A_598, %get3A_599] {strides = array<i32>} : memref<80x64xbf16, #tpu.memory_space<vmem>>, vector<32xbf16>,
      %get3A_601 = arith.index_cast %add3A_576 : i32 to index
      %get3A_602 = arith.constant 32 : index
      %get3A_603 = tpu.vector_load %arg12[%get3A_601, %get3A_602] {strides = array<i32>} : memref<80x64xbf16, #tpu.memory_space<vmem>>, vector<32xbf16>,
      %add3A_604 = arith.addf %get3A_600, %get3A_603 : vector<32xbf16>
      %unpack3A_605 = tpu.unpack_subelements %add3A_604, 0 {pack_format = #tpu.pack_format<interleaved>} : vector<32xbf16> -> vector<16xf32>
      %unpack3A_606 = tpu.unpack_subelements %add3A_604, 1 {pack_format = #tpu.pack_format<interleaved>} : vector<32xbf16> -> vector<16xf32>
      %max3A_607 = arith.constant 0.000000e+00 : f32
      %max3A_608 = vector.broadcast %max3A_607 : f32 to vector<16xf32>
      %max3A_609 = arith.maximumf %unpack3A_605, %max3A_608 : vector<16xf32>
      %mul3A_610 = arith.mulf %max3A_609, %get3A_18 : vector<16xf32>
      %add3A_611 = arith.addf %add3A_597, %mul3A_610 : vector<16xf32>
      %max3A_612 = arith.constant 0.000000e+00 : f32
      %max3A_613 = vector.broadcast %max3A_612 : f32 to vector<16xf32>
      %max3A_614 = arith.maximumf %unpack3A_606, %max3A_613 : vector<16xf32>
      %mul3A_615 = arith.mulf %max3A_614, %get3A_20 : vector<16xf32>
      %add3A_616 = arith.addf %add3A_611, %mul3A_615 : vector<16xf32>
      %add3A_617 = arith.constant 12 : i32
      %add3A_618 = arith.addi %mul3A_115, %add3A_617 : i32
      %broadcast_in_dim3A_619 = arith.constant 0.000000e+00 : f32
      %broadcast_in_dim3A_620 = vector.broadcast %broadcast_in_dim3A_619 : f32 to vector<16xf32>
      %get3A_621 = arith.index_cast %add3A_618 : i32 to index
      %get3A_622 = arith.constant 0 : index
      %get3A_623 = tpu.vector_load %arg11[%get3A_621, %get3A_622] {strides = array<i32>} : memref<80x64xbf16, #tpu.memory_space<vmem>>, vector<32xbf16>,
      %get3A_624 = arith.index_cast %add3A_618 : i32 to index
      %get3A_625 = arith.constant 0 : index
      %get3A_626 = tpu.vector_load %arg12[%get3A_624, %get3A_625] {strides = array<i32>} : memref<80x64xbf16, #tpu.memory_space<vmem>>, vector<32xbf16>,
      %add3A_627 = arith.addf %get3A_623, %get3A_626 : vector<32xbf16>
      %unpack3A_628 = tpu.unpack_subelements %add3A_627, 0 {pack_format = #tpu.pack_format<interleaved>} : vector<32xbf16> -> vector<16xf32>
      %unpack3A_629 = tpu.unpack_subelements %add3A_627, 1 {pack_format = #tpu.pack_format<interleaved>} : vector<32xbf16> -> vector<16xf32>
      %max3A_630 = arith.constant 0.000000e+00 : f32
      %max3A_631 = vector.broadcast %max3A_630 : f32 to vector<16xf32>
      %max3A_632 = arith.maximumf %unpack3A_628, %max3A_631 : vector<16xf32>
      %mul3A_633 = arith.mulf %max3A_632, %get3A_14 : vector<16xf32>
      %add3A_634 = arith.addf %broadcast_in_dim3A_620, %mul3A_633 : vector<16xf32>
      %max3A_635 = arith.constant 0.000000e+00 : f32
      %max3A_636 = vector.broadcast %max3A_635 : f32 to vector<16xf32>
      %max3A_637 = arith.maximumf %unpack3A_629, %max3A_636 : vector<16xf32>
      %mul3A_638 = arith.mulf %max3A_637, %get3A_16 : vector<16xf32>
      %add3A_639 = arith.addf %add3A_634, %mul3A_638 : vector<16xf32>
      %get3A_640 = arith.index_cast %add3A_618 : i32 to index
      %get3A_641 = arith.constant 32 : index
      %get3A_642 = tpu.vector_load %arg11[%get3A_640, %get3A_641] {strides = array<i32>} : memref<80x64xbf16, #tpu.memory_space<vmem>>, vector<32xbf16>,
      %get3A_643 = arith.index_cast %add3A_618 : i32 to index
      %get3A_644 = arith.constant 32 : index
      %get3A_645 = tpu.vector_load %arg12[%get3A_643, %get3A_644] {strides = array<i32>} : memref<80x64xbf16, #tpu.memory_space<vmem>>, vector<32xbf16>,
      %add3A_646 = arith.addf %get3A_642, %get3A_645 : vector<32xbf16>
      %unpack3A_647 = tpu.unpack_subelements %add3A_646, 0 {pack_format = #tpu.pack_format<interleaved>} : vector<32xbf16> -> vector<16xf32>
      %unpack3A_648 = tpu.unpack_subelements %add3A_646, 1 {pack_format = #tpu.pack_format<interleaved>} : vector<32xbf16> -> vector<16xf32>
      %max3A_649 = arith.constant 0.000000e+00 : f32
      %max3A_650 = vector.broadcast %max3A_649 : f32 to vector<16xf32>
      %max3A_651 = arith.maximumf %unpack3A_647, %max3A_650 : vector<16xf32>
      %mul3A_652 = arith.mulf %max3A_651, %get3A_18 : vector<16xf32>
      %add3A_653 = arith.addf %add3A_639, %mul3A_652 : vector<16xf32>
      %max3A_654 = arith.constant 0.000000e+00 : f32
      %max3A_655 = vector.broadcast %max3A_654 : f32 to vector<16xf32>
      %max3A_656 = arith.maximumf %unpack3A_648, %max3A_655 : vector<16xf32>
      %mul3A_657 = arith.mulf %max3A_656, %get3A_20 : vector<16xf32>
      %add3A_658 = arith.addf %add3A_653, %mul3A_657 : vector<16xf32>
      %add3A_659 = arith.constant 13 : i32
      %add3A_660 = arith.addi %mul3A_115, %add3A_659 : i32
      %broadcast_in_dim3A_661 = arith.constant 0.000000e+00 : f32
      %broadcast_in_dim3A_662 = vector.broadcast %broadcast_in_dim3A_661 : f32 to vector<16xf32>
      %get3A_663 = arith.index_cast %add3A_660 : i32 to index
      %get3A_664 = arith.constant 0 : index
      %get3A_665 = tpu.vector_load %arg11[%get3A_663, %get3A_664] {strides = array<i32>} : memref<80x64xbf16, #tpu.memory_space<vmem>>, vector<32xbf16>,
      %get3A_666 = arith.index_cast %add3A_660 : i32 to index
      %get3A_667 = arith.constant 0 : index
      %get3A_668 = tpu.vector_load %arg12[%get3A_666, %get3A_667] {strides = array<i32>} : memref<80x64xbf16, #tpu.memory_space<vmem>>, vector<32xbf16>,
      %add3A_669 = arith.addf %get3A_665, %get3A_668 : vector<32xbf16>
      %unpack3A_670 = tpu.unpack_subelements %add3A_669, 0 {pack_format = #tpu.pack_format<interleaved>} : vector<32xbf16> -> vector<16xf32>
      %unpack3A_671 = tpu.unpack_subelements %add3A_669, 1 {pack_format = #tpu.pack_format<interleaved>} : vector<32xbf16> -> vector<16xf32>
      %max3A_672 = arith.constant 0.000000e+00 : f32
      %max3A_673 = vector.broadcast %max3A_672 : f32 to vector<16xf32>
      %max3A_674 = arith.maximumf %unpack3A_670, %max3A_673 : vector<16xf32>
      %mul3A_675 = arith.mulf %max3A_674, %get3A_14 : vector<16xf32>
      %add3A_676 = arith.addf %broadcast_in_dim3A_662, %mul3A_675 : vector<16xf32>
      %max3A_677 = arith.constant 0.000000e+00 : f32
      %max3A_678 = vector.broadcast %max3A_677 : f32 to vector<16xf32>
      %max3A_679 = arith.maximumf %unpack3A_671, %max3A_678 : vector<16xf32>
      %mul3A_680 = arith.mulf %max3A_679, %get3A_16 : vector<16xf32>
      %add3A_681 = arith.addf %add3A_676, %mul3A_680 : vector<16xf32>
      %get3A_682 = arith.index_cast %add3A_660 : i32 to index
      %get3A_683 = arith.constant 32 : index
      %get3A_684 = tpu.vector_load %arg11[%get3A_682, %get3A_683] {strides = array<i32>} : memref<80x64xbf16, #tpu.memory_space<vmem>>, vector<32xbf16>,
      %get3A_685 = arith.index_cast %add3A_660 : i32 to index
      %get3A_686 = arith.constant 32 : index
      %get3A_687 = tpu.vector_load %arg12[%get3A_685, %get3A_686] {strides = array<i32>} : memref<80x64xbf16, #tpu.memory_space<vmem>>, vector<32xbf16>,
      %add3A_688 = arith.addf %get3A_684, %get3A_687 : vector<32xbf16>
      %unpack3A_689 = tpu.unpack_subelements %add3A_688, 0 {pack_format = #tpu.pack_format<interleaved>} : vector<32xbf16> -> vector<16xf32>
      %unpack3A_690 = tpu.unpack_subelements %add3A_688, 1 {pack_format = #tpu.pack_format<interleaved>} : vector<32xbf16> -> vector<16xf32>
      %max3A_691 = arith.constant 0.000000e+00 : f32
      %max3A_692 = vector.broadcast %max3A_691 : f32 to vector<16xf32>
      %max3A_693 = arith.maximumf %unpack3A_689, %max3A_692 : vector<16xf32>
      %mul3A_694 = arith.mulf %max3A_693, %get3A_18 : vector<16xf32>
      %add3A_695 = arith.addf %add3A_681, %mul3A_694 : vector<16xf32>
      %max3A_696 = arith.constant 0.000000e+00 : f32
      %max3A_697 = vector.broadcast %max3A_696 : f32 to vector<16xf32>
      %max3A_698 = arith.maximumf %unpack3A_690, %max3A_697 : vector<16xf32>
      %mul3A_699 = arith.mulf %max3A_698, %get3A_20 : vector<16xf32>
      %add3A_700 = arith.addf %add3A_695, %mul3A_699 : vector<16xf32>
      %add3A_701 = arith.constant 14 : i32
      %add3A_702 = arith.addi %mul3A_115, %add3A_701 : i32
      %broadcast_in_dim3A_703 = arith.constant 0.000000e+00 : f32
      %broadcast_in_dim3A_704 = vector.broadcast %broadcast_in_dim3A_703 : f32 to vector<16xf32>
      %get3A_705 = arith.index_cast %add3A_702 : i32 to index
      %get3A_706 = arith.constant 0 : index
      %get3A_707 = tpu.vector_load %arg11[%get3A_705, %get3A_706] {strides = array<i32>} : memref<80x64xbf16, #tpu.memory_space<vmem>>, vector<32xbf16>,
      %get3A_708 = arith.index_cast %add3A_702 : i32 to index
      %get3A_709 = arith.constant 0 : index
      %get3A_710 = tpu.vector_load %arg12[%get3A_708, %get3A_709] {strides = array<i32>} : memref<80x64xbf16, #tpu.memory_space<vmem>>, vector<32xbf16>,
      %add3A_711 = arith.addf %get3A_707, %get3A_710 : vector<32xbf16>
      %unpack3A_712 = tpu.unpack_subelements %add3A_711, 0 {pack_format = #tpu.pack_format<interleaved>} : vector<32xbf16> -> vector<16xf32>
      %unpack3A_713 = tpu.unpack_subelements %add3A_711, 1 {pack_format = #tpu.pack_format<interleaved>} : vector<32xbf16> -> vector<16xf32>
      %max3A_714 = arith.constant 0.000000e+00 : f32
      %max3A_715 = vector.broadcast %max3A_714 : f32 to vector<16xf32>
      %max3A_716 = arith.maximumf %unpack3A_712, %max3A_715 : vector<16xf32>
      %mul3A_717 = arith.mulf %max3A_716, %get3A_14 : vector<16xf32>
      %add3A_718 = arith.addf %broadcast_in_dim3A_704, %mul3A_717 : vector<16xf32>
      %max3A_719 = arith.constant 0.000000e+00 : f32
      %max3A_720 = vector.broadcast %max3A_719 : f32 to vector<16xf32>
      %max3A_721 = arith.maximumf %unpack3A_713, %max3A_720 : vector<16xf32>
      %mul3A_722 = arith.mulf %max3A_721, %get3A_16 : vector<16xf32>
      %add3A_723 = arith.addf %add3A_718, %mul3A_722 : vector<16xf32>
      %get3A_724 = arith.index_cast %add3A_702 : i32 to index
      %get3A_725 = arith.constant 32 : index
      %get3A_726 = tpu.vector_load %arg11[%get3A_724, %get3A_725] {strides = array<i32>} : memref<80x64xbf16, #tpu.memory_space<vmem>>, vector<32xbf16>,
      %get3A_727 = arith.index_cast %add3A_702 : i32 to index
      %get3A_728 = arith.constant 32 : index
      %get3A_729 = tpu.vector_load %arg12[%get3A_727, %get3A_728] {strides = array<i32>} : memref<80x64xbf16, #tpu.memory_space<vmem>>, vector<32xbf16>,
      %add3A_730 = arith.addf %get3A_726, %get3A_729 : vector<32xbf16>
      %unpack3A_731 = tpu.unpack_subelements %add3A_730, 0 {pack_format = #tpu.pack_format<interleaved>} : vector<32xbf16> -> vector<16xf32>
      %unpack3A_732 = tpu.unpack_subelements %add3A_730, 1 {pack_format = #tpu.pack_format<interleaved>} : vector<32xbf16> -> vector<16xf32>
      %max3A_733 = arith.constant 0.000000e+00 : f32
      %max3A_734 = vector.broadcast %max3A_733 : f32 to vector<16xf32>
      %max3A_735 = arith.maximumf %unpack3A_731, %max3A_734 : vector<16xf32>
      %mul3A_736 = arith.mulf %max3A_735, %get3A_18 : vector<16xf32>
      %add3A_737 = arith.addf %add3A_723, %mul3A_736 : vector<16xf32>
      %max3A_738 = arith.constant 0.000000e+00 : f32
      %max3A_739 = vector.broadcast %max3A_738 : f32 to vector<16xf32>
      %max3A_740 = arith.maximumf %unpack3A_732, %max3A_739 : vector<16xf32>
      %mul3A_741 = arith.mulf %max3A_740, %get3A_20 : vector<16xf32>
      %add3A_742 = arith.addf %add3A_737, %mul3A_741 : vector<16xf32>
      %add3A_743 = arith.constant 15 : i32
      %add3A_744 = arith.addi %mul3A_115, %add3A_743 : i32
      %broadcast_in_dim3A_745 = arith.constant 0.000000e+00 : f32
      %broadcast_in_dim3A_746 = vector.broadcast %broadcast_in_dim3A_745 : f32 to vector<16xf32>
      %get3A_747 = arith.index_cast %add3A_744 : i32 to index
      %get3A_748 = arith.constant 0 : index
      %get3A_749 = tpu.vector_load %arg11[%get3A_747, %get3A_748] {strides = array<i32>} : memref<80x64xbf16, #tpu.memory_space<vmem>>, vector<32xbf16>,
      %get3A_750 = arith.index_cast %add3A_744 : i32 to index
      %get3A_751 = arith.constant 0 : index
      %get3A_752 = tpu.vector_load %arg12[%get3A_750, %get3A_751] {strides = array<i32>} : memref<80x64xbf16, #tpu.memory_space<vmem>>, vector<32xbf16>,
      %add3A_753 = arith.addf %get3A_749, %get3A_752 : vector<32xbf16>
      %unpack3A_754 = tpu.unpack_subelements %add3A_753, 0 {pack_format = #tpu.pack_format<interleaved>} : vector<32xbf16> -> vector<16xf32>
      %unpack3A_755 = tpu.unpack_subelements %add3A_753, 1 {pack_format = #tpu.pack_format<interleaved>} : vector<32xbf16> -> vector<16xf32>
      %max3A_756 = arith.constant 0.000000e+00 : f32
      %max3A_757 = vector.broadcast %max3A_756 : f32 to vector<16xf32>
      %max3A_758 = arith.maximumf %unpack3A_754, %max3A_757 : vector<16xf32>
      %mul3A_759 = arith.mulf %max3A_758, %get3A_14 : vector<16xf32>
      %add3A_760 = arith.addf %broadcast_in_dim3A_746, %mul3A_759 : vector<16xf32>
      %max3A_761 = arith.constant 0.000000e+00 : f32
      %max3A_762 = vector.broadcast %max3A_761 : f32 to vector<16xf32>
      %max3A_763 = arith.maximumf %unpack3A_755, %max3A_762 : vector<16xf32>
      %mul3A_764 = arith.mulf %max3A_763, %get3A_16 : vector<16xf32>
      %add3A_765 = arith.addf %add3A_760, %mul3A_764 : vector<16xf32>
      %get3A_766 = arith.index_cast %add3A_744 : i32 to index
      %get3A_767 = arith.constant 32 : index
      %get3A_768 = tpu.vector_load %arg11[%get3A_766, %get3A_767] {strides = array<i32>} : memref<80x64xbf16, #tpu.memory_space<vmem>>, vector<32xbf16>,
      %get3A_769 = arith.index_cast %add3A_744 : i32 to index
      %get3A_770 = arith.constant 32 : index
      %get3A_771 = tpu.vector_load %arg12[%get3A_769, %get3A_770] {strides = array<i32>} : memref<80x64xbf16, #tpu.memory_space<vmem>>, vector<32xbf16>,
      %add3A_772 = arith.addf %get3A_768, %get3A_771 : vector<32xbf16>
      %unpack3A_773 = tpu.unpack_subelements %add3A_772, 0 {pack_format = #tpu.pack_format<interleaved>} : vector<32xbf16> -> vector<16xf32>
      %unpack3A_774 = tpu.unpack_subelements %add3A_772, 1 {pack_format = #tpu.pack_format<interleaved>} : vector<32xbf16> -> vector<16xf32>
      %max3A_775 = arith.constant 0.000000e+00 : f32
      %max3A_776 = vector.broadcast %max3A_775 : f32 to vector<16xf32>
      %max3A_777 = arith.maximumf %unpack3A_773, %max3A_776 : vector<16xf32>
      %mul3A_778 = arith.mulf %max3A_777, %get3A_18 : vector<16xf32>
      %add3A_779 = arith.addf %add3A_765, %mul3A_778 : vector<16xf32>
      %max3A_780 = arith.constant 0.000000e+00 : f32
      %max3A_781 = vector.broadcast %max3A_780 : f32 to vector<16xf32>
      %max3A_782 = arith.maximumf %unpack3A_774, %max3A_781 : vector<16xf32>
      %mul3A_783 = arith.mulf %max3A_782, %get3A_20 : vector<16xf32>
      %add3A_784 = arith.addf %add3A_779, %mul3A_783 : vector<16xf32>
      %select_n3A = arith.select %ne3A_37, %add3A_196, %add3A_154 : vector<16xi1>, vector<16xf32>
      %select_n3A_785 = arith.select %ne3A_37, %add3A_154, %add3A_196 : vector<16xi1>, vector<16xf32>
      %lt3A = arith.constant 0 : i32
      %lt3A_786 = vector.broadcast %lt3A : i32 to vector<16xi32>
      %lt3A_787 = arith.cmpi slt, %xor3A_24, %lt3A_786 : vector<16xi32>
      %add3A_788 = arith.constant 16 : i32
      %add3A_789 = vector.broadcast %add3A_788 : i32 to vector<16xi32>
      %add3A_790 = arith.addi %xor3A_24, %add3A_789 : vector<16xi32>
      %select_n3A_791 = arith.select %lt3A_787, %add3A_790, %xor3A_24 : vector<16xi1>, vector<16xi32>
      %broadcast_in_dim3A_792 = vector.shape_cast %select_n3A_791 : vector<16xi32> to vector<16x1xi32>
      %gather3A = vector.shape_cast %broadcast_in_dim3A_792 : vector<16x1xi32> to vector<16xi32>
      %gather3A_793 = tpu.dynamic_gather %select_n3A_785[%gather3A] in [0] : vector<16xf32>, vector<16xi32> -> vector<16xf32>
      %add3A_794 = arith.addf %select_n3A, %gather3A_793 : vector<16xf32>
      %select_n3A_795 = arith.select %ne3A_37, %add3A_280, %add3A_238 : vector<16xi1>, vector<16xf32>
      %select_n3A_796 = arith.select %ne3A_37, %add3A_238, %add3A_280 : vector<16xi1>, vector<16xf32>
      %lt3A_797 = arith.constant 0 : i32
      %lt3A_798 = vector.broadcast %lt3A_797 : i32 to vector<16xi32>
      %lt3A_799 = arith.cmpi slt, %xor3A_24, %lt3A_798 : vector<16xi32>
      %add3A_800 = arith.constant 16 : i32
      %add3A_801 = vector.broadcast %add3A_800 : i32 to vector<16xi32>
      %add3A_802 = arith.addi %xor3A_24, %add3A_801 : vector<16xi32>
      %select_n3A_803 = arith.select %lt3A_799, %add3A_802, %xor3A_24 : vector<16xi1>, vector<16xi32>
      %broadcast_in_dim3A_804 = vector.shape_cast %select_n3A_803 : vector<16xi32> to vector<16x1xi32>
      %gather3A_805 = vector.shape_cast %broadcast_in_dim3A_804 : vector<16x1xi32> to vector<16xi32>
      %gather3A_806 = tpu.dynamic_gather %select_n3A_796[%gather3A_805] in [0] : vector<16xf32>, vector<16xi32> -> vector<16xf32>
      %add3A_807 = arith.addf %select_n3A_795, %gather3A_806 : vector<16xf32>
      %select_n3A_808 = arith.select %ne3A_37, %add3A_364, %add3A_322 : vector<16xi1>, vector<16xf32>
      %select_n3A_809 = arith.select %ne3A_37, %add3A_322, %add3A_364 : vector<16xi1>, vector<16xf32>
      %lt3A_810 = arith.constant 0 : i32
      %lt3A_811 = vector.broadcast %lt3A_810 : i32 to vector<16xi32>
      %lt3A_812 = arith.cmpi slt, %xor3A_24, %lt3A_811 : vector<16xi32>
      %add3A_813 = arith.constant 16 : i32
      %add3A_814 = vector.broadcast %add3A_813 : i32 to vector<16xi32>
      %add3A_815 = arith.addi %xor3A_24, %add3A_814 : vector<16xi32>
      %select_n3A_816 = arith.select %lt3A_812, %add3A_815, %xor3A_24 : vector<16xi1>, vector<16xi32>
      %broadcast_in_dim3A_817 = vector.shape_cast %select_n3A_816 : vector<16xi32> to vector<16x1xi32>
      %gather3A_818 = vector.shape_cast %broadcast_in_dim3A_817 : vector<16x1xi32> to vector<16xi32>
      %gather3A_819 = tpu.dynamic_gather %select_n3A_809[%gather3A_818] in [0] : vector<16xf32>, vector<16xi32> -> vector<16xf32>
      %add3A_820 = arith.addf %select_n3A_808, %gather3A_819 : vector<16xf32>
      %select_n3A_821 = arith.select %ne3A_37, %add3A_448, %add3A_406 : vector<16xi1>, vector<16xf32>
      %select_n3A_822 = arith.select %ne3A_37, %add3A_406, %add3A_448 : vector<16xi1>, vector<16xf32>
      %lt3A_823 = arith.constant 0 : i32
      %lt3A_824 = vector.broadcast %lt3A_823 : i32 to vector<16xi32>
      %lt3A_825 = arith.cmpi slt, %xor3A_24, %lt3A_824 : vector<16xi32>
      %add3A_826 = arith.constant 16 : i32
      %add3A_827 = vector.broadcast %add3A_826 : i32 to vector<16xi32>
      %add3A_828 = arith.addi %xor3A_24, %add3A_827 : vector<16xi32>
      %select_n3A_829 = arith.select %lt3A_825, %add3A_828, %xor3A_24 : vector<16xi1>, vector<16xi32>
      %broadcast_in_dim3A_830 = vector.shape_cast %select_n3A_829 : vector<16xi32> to vector<16x1xi32>
      %gather3A_831 = vector.shape_cast %broadcast_in_dim3A_830 : vector<16x1xi32> to vector<16xi32>
      %gather3A_832 = tpu.dynamic_gather %select_n3A_822[%gather3A_831] in [0] : vector<16xf32>, vector<16xi32> -> vector<16xf32>
      %add3A_833 = arith.addf %select_n3A_821, %gather3A_832 : vector<16xf32>
      %select_n3A_834 = arith.select %ne3A_37, %add3A_532, %add3A_490 : vector<16xi1>, vector<16xf32>
      %select_n3A_835 = arith.select %ne3A_37, %add3A_490, %add3A_532 : vector<16xi1>, vector<16xf32>
      %lt3A_836 = arith.constant 0 : i32
      %lt3A_837 = vector.broadcast %lt3A_836 : i32 to vector<16xi32>
      %lt3A_838 = arith.cmpi slt, %xor3A_24, %lt3A_837 : vector<16xi32>
      %add3A_839 = arith.constant 16 : i32
      %add3A_840 = vector.broadcast %add3A_839 : i32 to vector<16xi32>
      %add3A_841 = arith.addi %xor3A_24, %add3A_840 : vector<16xi32>
      %select_n3A_842 = arith.select %lt3A_838, %add3A_841, %xor3A_24 : vector<16xi1>, vector<16xi32>
      %broadcast_in_dim3A_843 = vector.shape_cast %select_n3A_842 : vector<16xi32> to vector<16x1xi32>
      %gather3A_844 = vector.shape_cast %broadcast_in_dim3A_843 : vector<16x1xi32> to vector<16xi32>
      %gather3A_845 = tpu.dynamic_gather %select_n3A_835[%gather3A_844] in [0] : vector<16xf32>, vector<16xi32> -> vector<16xf32>
      %add3A_846 = arith.addf %select_n3A_834, %gather3A_845 : vector<16xf32>
      %select_n3A_847 = arith.select %ne3A_37, %add3A_616, %add3A_574 : vector<16xi1>, vector<16xf32>
      %select_n3A_848 = arith.select %ne3A_37, %add3A_574, %add3A_616 : vector<16xi1>, vector<16xf32>
      %lt3A_849 = arith.constant 0 : i32
      %lt3A_850 = vector.broadcast %lt3A_849 : i32 to vector<16xi32>
      %lt3A_851 = arith.cmpi slt, %xor3A_24, %lt3A_850 : vector<16xi32>
      %add3A_852 = arith.constant 16 : i32
      %add3A_853 = vector.broadcast %add3A_852 : i32 to vector<16xi32>
      %add3A_854 = arith.addi %xor3A_24, %add3A_853 : vector<16xi32>
      %select_n3A_855 = arith.select %lt3A_851, %add3A_854, %xor3A_24 : vector<16xi1>, vector<16xi32>
      %broadcast_in_dim3A_856 = vector.shape_cast %select_n3A_855 : vector<16xi32> to vector<16x1xi32>
      %gather3A_857 = vector.shape_cast %broadcast_in_dim3A_856 : vector<16x1xi32> to vector<16xi32>
      %gather3A_858 = tpu.dynamic_gather %select_n3A_848[%gather3A_857] in [0] : vector<16xf32>, vector<16xi32> -> vector<16xf32>
      %add3A_859 = arith.addf %select_n3A_847, %gather3A_858 : vector<16xf32>
      %select_n3A_860 = arith.select %ne3A_37, %add3A_700, %add3A_658 : vector<16xi1>, vector<16xf32>
      %select_n3A_861 = arith.select %ne3A_37, %add3A_658, %add3A_700 : vector<16xi1>, vector<16xf32>
      %lt3A_862 = arith.constant 0 : i32
      %lt3A_863 = vector.broadcast %lt3A_862 : i32 to vector<16xi32>
      %lt3A_864 = arith.cmpi slt, %xor3A_24, %lt3A_863 : vector<16xi32>
      %add3A_865 = arith.constant 16 : i32
      %add3A_866 = vector.broadcast %add3A_865 : i32 to vector<16xi32>
      %add3A_867 = arith.addi %xor3A_24, %add3A_866 : vector<16xi32>
      %select_n3A_868 = arith.select %lt3A_864, %add3A_867, %xor3A_24 : vector<16xi1>, vector<16xi32>
      %broadcast_in_dim3A_869 = vector.shape_cast %select_n3A_868 : vector<16xi32> to vector<16x1xi32>
      %gather3A_870 = vector.shape_cast %broadcast_in_dim3A_869 : vector<16x1xi32> to vector<16xi32>
      %gather3A_871 = tpu.dynamic_gather %select_n3A_861[%gather3A_870] in [0] : vector<16xf32>, vector<16xi32> -> vector<16xf32>
      %add3A_872 = arith.addf %select_n3A_860, %gather3A_871 : vector<16xf32>
      %select_n3A_873 = arith.select %ne3A_37, %add3A_784, %add3A_742 : vector<16xi1>, vector<16xf32>
      %select_n3A_874 = arith.select %ne3A_37, %add3A_742, %add3A_784 : vector<16xi1>, vector<16xf32>
      %lt3A_875 = arith.constant 0 : i32
      %lt3A_876 = vector.broadcast %lt3A_875 : i32 to vector<16xi32>
      %lt3A_877 = arith.cmpi slt, %xor3A_24, %lt3A_876 : vector<16xi32>
      %add3A_878 = arith.constant 16 : i32
      %add3A_879 = vector.broadcast %add3A_878 : i32 to vector<16xi32>
      %add3A_880 = arith.addi %xor3A_24, %add3A_879 : vector<16xi32>
      %select_n3A_881 = arith.select %lt3A_877, %add3A_880, %xor3A_24 : vector<16xi1>, vector<16xi32>
      %broadcast_in_dim3A_882 = vector.shape_cast %select_n3A_881 : vector<16xi32> to vector<16x1xi32>
      %gather3A_883 = vector.shape_cast %broadcast_in_dim3A_882 : vector<16x1xi32> to vector<16xi32>
      %gather3A_884 = tpu.dynamic_gather %select_n3A_874[%gather3A_883] in [0] : vector<16xf32>, vector<16xi32> -> vector<16xf32>
      %add3A_885 = arith.addf %select_n3A_873, %gather3A_884 : vector<16xf32>
      %select_n3A_886 = arith.select %ne3A_43, %add3A_807, %add3A_794 : vector<16xi1>, vector<16xf32>
      %select_n3A_887 = arith.select %ne3A_43, %add3A_794, %add3A_807 : vector<16xi1>, vector<16xf32>
      %lt3A_888 = arith.constant 0 : i32
      %lt3A_889 = vector.broadcast %lt3A_888 : i32 to vector<16xi32>
      %lt3A_890 = arith.cmpi slt, %xor3A_27, %lt3A_889 : vector<16xi32>
      %add3A_891 = arith.constant 16 : i32
      %add3A_892 = vector.broadcast %add3A_891 : i32 to vector<16xi32>
      %add3A_893 = arith.addi %xor3A_27, %add3A_892 : vector<16xi32>
      %select_n3A_894 = arith.select %lt3A_890, %add3A_893, %xor3A_27 : vector<16xi1>, vector<16xi32>
      %broadcast_in_dim3A_895 = vector.shape_cast %select_n3A_894 : vector<16xi32> to vector<16x1xi32>
      %gather3A_896 = vector.shape_cast %broadcast_in_dim3A_895 : vector<16x1xi32> to vector<16xi32>
      %gather3A_897 = tpu.dynamic_gather %select_n3A_887[%gather3A_896] in [0] : vector<16xf32>, vector<16xi32> -> vector<16xf32>
      %add3A_898 = arith.addf %select_n3A_886, %gather3A_897 : vector<16xf32>
      %select_n3A_899 = arith.select %ne3A_43, %add3A_833, %add3A_820 : vector<16xi1>, vector<16xf32>
      %select_n3A_900 = arith.select %ne3A_43, %add3A_820, %add3A_833 : vector<16xi1>, vector<16xf32>
      %lt3A_901 = arith.constant 0 : i32
      %lt3A_902 = vector.broadcast %lt3A_901 : i32 to vector<16xi32>
      %lt3A_903 = arith.cmpi slt, %xor3A_27, %lt3A_902 : vector<16xi32>
      %add3A_904 = arith.constant 16 : i32
      %add3A_905 = vector.broadcast %add3A_904 : i32 to vector<16xi32>
      %add3A_906 = arith.addi %xor3A_27, %add3A_905 : vector<16xi32>
      %select_n3A_907 = arith.select %lt3A_903, %add3A_906, %xor3A_27 : vector<16xi1>, vector<16xi32>
      %broadcast_in_dim3A_908 = vector.shape_cast %select_n3A_907 : vector<16xi32> to vector<16x1xi32>
      %gather3A_909 = vector.shape_cast %broadcast_in_dim3A_908 : vector<16x1xi32> to vector<16xi32>
      %gather3A_910 = tpu.dynamic_gather %select_n3A_900[%gather3A_909] in [0] : vector<16xf32>, vector<16xi32> -> vector<16xf32>
      %add3A_911 = arith.addf %select_n3A_899, %gather3A_910 : vector<16xf32>
      %select_n3A_912 = arith.select %ne3A_43, %add3A_859, %add3A_846 : vector<16xi1>, vector<16xf32>
      %select_n3A_913 = arith.select %ne3A_43, %add3A_846, %add3A_859 : vector<16xi1>, vector<16xf32>
      %lt3A_914 = arith.constant 0 : i32
      %lt3A_915 = vector.broadcast %lt3A_914 : i32 to vector<16xi32>
      %lt3A_916 = arith.cmpi slt, %xor3A_27, %lt3A_915 : vector<16xi32>
      %add3A_917 = arith.constant 16 : i32
      %add3A_918 = vector.broadcast %add3A_917 : i32 to vector<16xi32>
      %add3A_919 = arith.addi %xor3A_27, %add3A_918 : vector<16xi32>
      %select_n3A_920 = arith.select %lt3A_916, %add3A_919, %xor3A_27 : vector<16xi1>, vector<16xi32>
      %broadcast_in_dim3A_921 = vector.shape_cast %select_n3A_920 : vector<16xi32> to vector<16x1xi32>
      %gather3A_922 = vector.shape_cast %broadcast_in_dim3A_921 : vector<16x1xi32> to vector<16xi32>
      %gather3A_923 = tpu.dynamic_gather %select_n3A_913[%gather3A_922] in [0] : vector<16xf32>, vector<16xi32> -> vector<16xf32>
      %add3A_924 = arith.addf %select_n3A_912, %gather3A_923 : vector<16xf32>
      %select_n3A_925 = arith.select %ne3A_43, %add3A_885, %add3A_872 : vector<16xi1>, vector<16xf32>
      %select_n3A_926 = arith.select %ne3A_43, %add3A_872, %add3A_885 : vector<16xi1>, vector<16xf32>
      %lt3A_927 = arith.constant 0 : i32
      %lt3A_928 = vector.broadcast %lt3A_927 : i32 to vector<16xi32>
      %lt3A_929 = arith.cmpi slt, %xor3A_27, %lt3A_928 : vector<16xi32>
      %add3A_930 = arith.constant 16 : i32
      %add3A_931 = vector.broadcast %add3A_930 : i32 to vector<16xi32>
      %add3A_932 = arith.addi %xor3A_27, %add3A_931 : vector<16xi32>
      %select_n3A_933 = arith.select %lt3A_929, %add3A_932, %xor3A_27 : vector<16xi1>, vector<16xi32>
      %broadcast_in_dim3A_934 = vector.shape_cast %select_n3A_933 : vector<16xi32> to vector<16x1xi32>
      %gather3A_935 = vector.shape_cast %broadcast_in_dim3A_934 : vector<16x1xi32> to vector<16xi32>
      %gather3A_936 = tpu.dynamic_gather %select_n3A_926[%gather3A_935] in [0] : vector<16xf32>, vector<16xi32> -> vector<16xf32>
      %add3A_937 = arith.addf %select_n3A_925, %gather3A_936 : vector<16xf32>
      %select_n3A_938 = arith.select %ne3A_49, %add3A_911, %add3A_898 : vector<16xi1>, vector<16xf32>
      %select_n3A_939 = arith.select %ne3A_49, %add3A_898, %add3A_911 : vector<16xi1>, vector<16xf32>
      %lt3A_940 = arith.constant 0 : i32
      %lt3A_941 = vector.broadcast %lt3A_940 : i32 to vector<16xi32>
      %lt3A_942 = arith.cmpi slt, %xor3A_30, %lt3A_941 : vector<16xi32>
      %add3A_943 = arith.constant 16 : i32
      %add3A_944 = vector.broadcast %add3A_943 : i32 to vector<16xi32>
      %add3A_945 = arith.addi %xor3A_30, %add3A_944 : vector<16xi32>
      %select_n3A_946 = arith.select %lt3A_942, %add3A_945, %xor3A_30 : vector<16xi1>, vector<16xi32>
      %broadcast_in_dim3A_947 = vector.shape_cast %select_n3A_946 : vector<16xi32> to vector<16x1xi32>
      %gather3A_948 = vector.shape_cast %broadcast_in_dim3A_947 : vector<16x1xi32> to vector<16xi32>
      %gather3A_949 = tpu.dynamic_gather %select_n3A_939[%gather3A_948] in [0] : vector<16xf32>, vector<16xi32> -> vector<16xf32>
      %add3A_950 = arith.addf %select_n3A_938, %gather3A_949 : vector<16xf32>
      %select_n3A_951 = arith.select %ne3A_49, %add3A_937, %add3A_924 : vector<16xi1>, vector<16xf32>
      %select_n3A_952 = arith.select %ne3A_49, %add3A_924, %add3A_937 : vector<16xi1>, vector<16xf32>
      %lt3A_953 = arith.constant 0 : i32
      %lt3A_954 = vector.broadcast %lt3A_953 : i32 to vector<16xi32>
      %lt3A_955 = arith.cmpi slt, %xor3A_30, %lt3A_954 : vector<16xi32>
      %add3A_956 = arith.constant 16 : i32
      %add3A_957 = vector.broadcast %add3A_956 : i32 to vector<16xi32>
      %add3A_958 = arith.addi %xor3A_30, %add3A_957 : vector<16xi32>
      %select_n3A_959 = arith.select %lt3A_955, %add3A_958, %xor3A_30 : vector<16xi1>, vector<16xi32>
      %broadcast_in_dim3A_960 = vector.shape_cast %select_n3A_959 : vector<16xi32> to vector<16x1xi32>
      %gather3A_961 = vector.shape_cast %broadcast_in_dim3A_960 : vector<16x1xi32> to vector<16xi32>
      %gather3A_962 = tpu.dynamic_gather %select_n3A_952[%gather3A_961] in [0] : vector<16xf32>, vector<16xi32> -> vector<16xf32>
      %add3A_963 = arith.addf %select_n3A_951, %gather3A_962 : vector<16xf32>
      %select_n3A_964 = arith.select %ne3A_55, %add3A_963, %add3A_950 : vector<16xi1>, vector<16xf32>
      %select_n3A_965 = arith.select %ne3A_55, %add3A_950, %add3A_963 : vector<16xi1>, vector<16xf32>
      %lt3A_966 = arith.constant 0 : i32
      %lt3A_967 = vector.broadcast %lt3A_966 : i32 to vector<16xi32>
      %lt3A_968 = arith.cmpi slt, %xor3A_33, %lt3A_967 : vector<16xi32>
      %add3A_969 = arith.constant 16 : i32
      %add3A_970 = vector.broadcast %add3A_969 : i32 to vector<16xi32>
      %add3A_971 = arith.addi %xor3A_33, %add3A_970 : vector<16xi32>
      %select_n3A_972 = arith.select %lt3A_968, %add3A_971, %xor3A_33 : vector<16xi1>, vector<16xi32>
      %broadcast_in_dim3A_973 = vector.shape_cast %select_n3A_972 : vector<16xi32> to vector<16x1xi32>
      %gather3A_974 = vector.shape_cast %broadcast_in_dim3A_973 : vector<16x1xi32> to vector<16xi32>
      %gather3A_975 = tpu.dynamic_gather %select_n3A_965[%gather3A_974] in [0] : vector<16xf32>, vector<16xi32> -> vector<16xf32>
      %add3A_976 = arith.addf %select_n3A_964, %gather3A_975 : vector<16xf32>
      %add3A_977 = arith.addf %add3A_976, %get3A_22 : vector<16xf32>
      %add3A_978 = arith.constant 9840 : i32
      %add3A_979 = arith.addi %add3A_978, %mul3A_115 : i32
      %swap3A = arith.index_cast %add3A_979 : i32 to index
      %swap3A_980 = tpu.vector_load %arg18[%swap3A] {strides = array<i32>} : memref<10000xf32, #tpu.memory_space<vmem>>, vector<16xf32>,
      tpu.vector_store %arg18[%swap3A], %add3A_977 {strides = array<i32>} : memref<10000xf32, #tpu.memory_space<vmem>>, vector<16xf32>,
    }
    %scan3A_94 = arith.constant 5 : i32
    %dma_wait3A_95 = arith.constant 9920 : i32
    %dma_wait3A_96 = tpu.memref_slice %arg9[%dma_wait3A_95] : memref<10000xi32, #tpu.memory_space<vmem>> -> memref<80xi32, #tpu.memory_space<vmem>>
    %dma_wait3A_97 = arith.constant 0 : i32
    %dma_wait3A_98 = arith.constant 0 : i32
    %dma_wait3A_99 = tpu.memref_slice %arg7[%dma_wait3A_97, %dma_wait3A_98] : memref<10000x64xbf16, #tpu.memory_space<vmem_shared>> -> memref<10000x64xbf16, #tpu.memory_space<vmem_shared>>
    tpu.wait_indirect_dma semaphore(%arg21 : memref<!tpu.dma_semaphore, #tpu.memory_space<semaphore_mem>>) src(%dma_wait3A_99 : memref<10000x64xbf16, #tpu.memory_space<vmem_shared>>) dst(%arg13 : memref<80x64xbf16, #tpu.memory_space<vmem>>)
    %dma_wait3A_100 = arith.constant 9920 : i32
    %dma_wait3A_101 = tpu.memref_slice %arg10[%dma_wait3A_100] : memref<10000xi32, #tpu.memory_space<vmem>> -> memref<80xi32, #tpu.memory_space<vmem>>
    %dma_wait3A_102 = arith.constant 0 : i32
    %dma_wait3A_103 = arith.constant 0 : i32
    %dma_wait3A_104 = tpu.memref_slice %arg8[%dma_wait3A_102, %dma_wait3A_103] : memref<10000x64xbf16, #tpu.memory_space<vmem_shared>> -> memref<10000x64xbf16, #tpu.memory_space<vmem_shared>>
    tpu.wait_indirect_dma semaphore(%arg22 : memref<!tpu.dma_semaphore, #tpu.memory_space<semaphore_mem>>) src(%dma_wait3A_104 : memref<10000x64xbf16, #tpu.memory_space<vmem_shared>>) dst(%arg14 : memref<80x64xbf16, #tpu.memory_space<vmem>>)
    %scan3A_105 = arith.constant 0 : i32
    %scan3A_106 = arith.constant 0 : i32
    %scan3A_107 = arith.constant 5 : i32
    %scan3A_108 = arith.addi %scan3A_106, %scan3A_107 : i32
    %scan3A_109 = arith.constant 1 : i32
    scf.for %scan3A_113 = %scan3A_106 to %scan3A_108 step %scan3A_109  : i32 {
      %mul3A_114 = arith.constant 16 : i32
      %mul3A_115 = arith.muli %scan3A_113, %mul3A_114 : i32
      %add3A_116 = arith.constant 0 : i32
      %add3A_117 = arith.addi %mul3A_115, %add3A_116 : i32
      %broadcast_in_dim3A = arith.constant 0.000000e+00 : f32
      %broadcast_in_dim3A_118 = vector.broadcast %broadcast_in_dim3A : f32 to vector<16xf32>
      %get3A_119 = arith.index_cast %add3A_117 : i32 to index
      %get3A_120 = arith.constant 0 : index
      %get3A_121 = tpu.vector_load %arg13[%get3A_119, %get3A_120] {strides = array<i32>} : memref<80x64xbf16, #tpu.memory_space<vmem>>, vector<32xbf16>,
      %get3A_122 = arith.index_cast %add3A_117 : i32 to index
      %get3A_123 = arith.constant 0 : index
      %get3A_124 = tpu.vector_load %arg14[%get3A_122, %get3A_123] {strides = array<i32>} : memref<80x64xbf16, #tpu.memory_space<vmem>>, vector<32xbf16>,
      %add3A_125 = arith.addf %get3A_121, %get3A_124 : vector<32xbf16>
      %unpack3A = tpu.unpack_subelements %add3A_125, 0 {pack_format = #tpu.pack_format<interleaved>} : vector<32xbf16> -> vector<16xf32>
      %unpack3A_126 = tpu.unpack_subelements %add3A_125, 1 {pack_format = #tpu.pack_format<interleaved>} : vector<32xbf16> -> vector<16xf32>
      %max3A = arith.constant 0.000000e+00 : f32
      %max3A_127 = vector.broadcast %max3A : f32 to vector<16xf32>
      %max3A_128 = arith.maximumf %unpack3A, %max3A_127 : vector<16xf32>
      %mul3A_129 = arith.mulf %max3A_128, %get3A_14 : vector<16xf32>
      %add3A_130 = arith.addf %broadcast_in_dim3A_118, %mul3A_129 : vector<16xf32>
      %max3A_131 = arith.constant 0.000000e+00 : f32
      %max3A_132 = vector.broadcast %max3A_131 : f32 to vector<16xf32>
      %max3A_133 = arith.maximumf %unpack3A_126, %max3A_132 : vector<16xf32>
      %mul3A_134 = arith.mulf %max3A_133, %get3A_16 : vector<16xf32>
      %add3A_135 = arith.addf %add3A_130, %mul3A_134 : vector<16xf32>
      %get3A_136 = arith.index_cast %add3A_117 : i32 to index
      %get3A_137 = arith.constant 32 : index
      %get3A_138 = tpu.vector_load %arg13[%get3A_136, %get3A_137] {strides = array<i32>} : memref<80x64xbf16, #tpu.memory_space<vmem>>, vector<32xbf16>,
      %get3A_139 = arith.index_cast %add3A_117 : i32 to index
      %get3A_140 = arith.constant 32 : index
      %get3A_141 = tpu.vector_load %arg14[%get3A_139, %get3A_140] {strides = array<i32>} : memref<80x64xbf16, #tpu.memory_space<vmem>>, vector<32xbf16>,
      %add3A_142 = arith.addf %get3A_138, %get3A_141 : vector<32xbf16>
      %unpack3A_143 = tpu.unpack_subelements %add3A_142, 0 {pack_format = #tpu.pack_format<interleaved>} : vector<32xbf16> -> vector<16xf32>
      %unpack3A_144 = tpu.unpack_subelements %add3A_142, 1 {pack_format = #tpu.pack_format<interleaved>} : vector<32xbf16> -> vector<16xf32>
      %max3A_145 = arith.constant 0.000000e+00 : f32
      %max3A_146 = vector.broadcast %max3A_145 : f32 to vector<16xf32>
      %max3A_147 = arith.maximumf %unpack3A_143, %max3A_146 : vector<16xf32>
      %mul3A_148 = arith.mulf %max3A_147, %get3A_18 : vector<16xf32>
      %add3A_149 = arith.addf %add3A_135, %mul3A_148 : vector<16xf32>
      %max3A_150 = arith.constant 0.000000e+00 : f32
      %max3A_151 = vector.broadcast %max3A_150 : f32 to vector<16xf32>
      %max3A_152 = arith.maximumf %unpack3A_144, %max3A_151 : vector<16xf32>
      %mul3A_153 = arith.mulf %max3A_152, %get3A_20 : vector<16xf32>
      %add3A_154 = arith.addf %add3A_149, %mul3A_153 : vector<16xf32>
      %add3A_155 = arith.constant 1 : i32
      %add3A_156 = arith.addi %mul3A_115, %add3A_155 : i32
      %broadcast_in_dim3A_157 = arith.constant 0.000000e+00 : f32
      %broadcast_in_dim3A_158 = vector.broadcast %broadcast_in_dim3A_157 : f32 to vector<16xf32>
      %get3A_159 = arith.index_cast %add3A_156 : i32 to index
      %get3A_160 = arith.constant 0 : index
      %get3A_161 = tpu.vector_load %arg13[%get3A_159, %get3A_160] {strides = array<i32>} : memref<80x64xbf16, #tpu.memory_space<vmem>>, vector<32xbf16>,
      %get3A_162 = arith.index_cast %add3A_156 : i32 to index
      %get3A_163 = arith.constant 0 : index
      %get3A_164 = tpu.vector_load %arg14[%get3A_162, %get3A_163] {strides = array<i32>} : memref<80x64xbf16, #tpu.memory_space<vmem>>, vector<32xbf16>,
      %add3A_165 = arith.addf %get3A_161, %get3A_164 : vector<32xbf16>
      %unpack3A_166 = tpu.unpack_subelements %add3A_165, 0 {pack_format = #tpu.pack_format<interleaved>} : vector<32xbf16> -> vector<16xf32>
      %unpack3A_167 = tpu.unpack_subelements %add3A_165, 1 {pack_format = #tpu.pack_format<interleaved>} : vector<32xbf16> -> vector<16xf32>
      %max3A_168 = arith.constant 0.000000e+00 : f32
      %max3A_169 = vector.broadcast %max3A_168 : f32 to vector<16xf32>
      %max3A_170 = arith.maximumf %unpack3A_166, %max3A_169 : vector<16xf32>
      %mul3A_171 = arith.mulf %max3A_170, %get3A_14 : vector<16xf32>
      %add3A_172 = arith.addf %broadcast_in_dim3A_158, %mul3A_171 : vector<16xf32>
      %max3A_173 = arith.constant 0.000000e+00 : f32
      %max3A_174 = vector.broadcast %max3A_173 : f32 to vector<16xf32>
      %max3A_175 = arith.maximumf %unpack3A_167, %max3A_174 : vector<16xf32>
      %mul3A_176 = arith.mulf %max3A_175, %get3A_16 : vector<16xf32>
      %add3A_177 = arith.addf %add3A_172, %mul3A_176 : vector<16xf32>
      %get3A_178 = arith.index_cast %add3A_156 : i32 to index
      %get3A_179 = arith.constant 32 : index
      %get3A_180 = tpu.vector_load %arg13[%get3A_178, %get3A_179] {strides = array<i32>} : memref<80x64xbf16, #tpu.memory_space<vmem>>, vector<32xbf16>,
      %get3A_181 = arith.index_cast %add3A_156 : i32 to index
      %get3A_182 = arith.constant 32 : index
      %get3A_183 = tpu.vector_load %arg14[%get3A_181, %get3A_182] {strides = array<i32>} : memref<80x64xbf16, #tpu.memory_space<vmem>>, vector<32xbf16>,
      %add3A_184 = arith.addf %get3A_180, %get3A_183 : vector<32xbf16>
      %unpack3A_185 = tpu.unpack_subelements %add3A_184, 0 {pack_format = #tpu.pack_format<interleaved>} : vector<32xbf16> -> vector<16xf32>
      %unpack3A_186 = tpu.unpack_subelements %add3A_184, 1 {pack_format = #tpu.pack_format<interleaved>} : vector<32xbf16> -> vector<16xf32>
      %max3A_187 = arith.constant 0.000000e+00 : f32
      %max3A_188 = vector.broadcast %max3A_187 : f32 to vector<16xf32>
      %max3A_189 = arith.maximumf %unpack3A_185, %max3A_188 : vector<16xf32>
      %mul3A_190 = arith.mulf %max3A_189, %get3A_18 : vector<16xf32>
      %add3A_191 = arith.addf %add3A_177, %mul3A_190 : vector<16xf32>
      %max3A_192 = arith.constant 0.000000e+00 : f32
      %max3A_193 = vector.broadcast %max3A_192 : f32 to vector<16xf32>
      %max3A_194 = arith.maximumf %unpack3A_186, %max3A_193 : vector<16xf32>
      %mul3A_195 = arith.mulf %max3A_194, %get3A_20 : vector<16xf32>
      %add3A_196 = arith.addf %add3A_191, %mul3A_195 : vector<16xf32>
      %add3A_197 = arith.constant 2 : i32
      %add3A_198 = arith.addi %mul3A_115, %add3A_197 : i32
      %broadcast_in_dim3A_199 = arith.constant 0.000000e+00 : f32
      %broadcast_in_dim3A_200 = vector.broadcast %broadcast_in_dim3A_199 : f32 to vector<16xf32>
      %get3A_201 = arith.index_cast %add3A_198 : i32 to index
      %get3A_202 = arith.constant 0 : index
      %get3A_203 = tpu.vector_load %arg13[%get3A_201, %get3A_202] {strides = array<i32>} : memref<80x64xbf16, #tpu.memory_space<vmem>>, vector<32xbf16>,
      %get3A_204 = arith.index_cast %add3A_198 : i32 to index
      %get3A_205 = arith.constant 0 : index
      %get3A_206 = tpu.vector_load %arg14[%get3A_204, %get3A_205] {strides = array<i32>} : memref<80x64xbf16, #tpu.memory_space<vmem>>, vector<32xbf16>,
      %add3A_207 = arith.addf %get3A_203, %get3A_206 : vector<32xbf16>
      %unpack3A_208 = tpu.unpack_subelements %add3A_207, 0 {pack_format = #tpu.pack_format<interleaved>} : vector<32xbf16> -> vector<16xf32>
      %unpack3A_209 = tpu.unpack_subelements %add3A_207, 1 {pack_format = #tpu.pack_format<interleaved>} : vector<32xbf16> -> vector<16xf32>
      %max3A_210 = arith.constant 0.000000e+00 : f32
      %max3A_211 = vector.broadcast %max3A_210 : f32 to vector<16xf32>
      %max3A_212 = arith.maximumf %unpack3A_208, %max3A_211 : vector<16xf32>
      %mul3A_213 = arith.mulf %max3A_212, %get3A_14 : vector<16xf32>
      %add3A_214 = arith.addf %broadcast_in_dim3A_200, %mul3A_213 : vector<16xf32>
      %max3A_215 = arith.constant 0.000000e+00 : f32
      %max3A_216 = vector.broadcast %max3A_215 : f32 to vector<16xf32>
      %max3A_217 = arith.maximumf %unpack3A_209, %max3A_216 : vector<16xf32>
      %mul3A_218 = arith.mulf %max3A_217, %get3A_16 : vector<16xf32>
      %add3A_219 = arith.addf %add3A_214, %mul3A_218 : vector<16xf32>
      %get3A_220 = arith.index_cast %add3A_198 : i32 to index
      %get3A_221 = arith.constant 32 : index
      %get3A_222 = tpu.vector_load %arg13[%get3A_220, %get3A_221] {strides = array<i32>} : memref<80x64xbf16, #tpu.memory_space<vmem>>, vector<32xbf16>,
      %get3A_223 = arith.index_cast %add3A_198 : i32 to index
      %get3A_224 = arith.constant 32 : index
      %get3A_225 = tpu.vector_load %arg14[%get3A_223, %get3A_224] {strides = array<i32>} : memref<80x64xbf16, #tpu.memory_space<vmem>>, vector<32xbf16>,
      %add3A_226 = arith.addf %get3A_222, %get3A_225 : vector<32xbf16>
      %unpack3A_227 = tpu.unpack_subelements %add3A_226, 0 {pack_format = #tpu.pack_format<interleaved>} : vector<32xbf16> -> vector<16xf32>
      %unpack3A_228 = tpu.unpack_subelements %add3A_226, 1 {pack_format = #tpu.pack_format<interleaved>} : vector<32xbf16> -> vector<16xf32>
      %max3A_229 = arith.constant 0.000000e+00 : f32
      %max3A_230 = vector.broadcast %max3A_229 : f32 to vector<16xf32>
      %max3A_231 = arith.maximumf %unpack3A_227, %max3A_230 : vector<16xf32>
      %mul3A_232 = arith.mulf %max3A_231, %get3A_18 : vector<16xf32>
      %add3A_233 = arith.addf %add3A_219, %mul3A_232 : vector<16xf32>
      %max3A_234 = arith.constant 0.000000e+00 : f32
      %max3A_235 = vector.broadcast %max3A_234 : f32 to vector<16xf32>
      %max3A_236 = arith.maximumf %unpack3A_228, %max3A_235 : vector<16xf32>
      %mul3A_237 = arith.mulf %max3A_236, %get3A_20 : vector<16xf32>
      %add3A_238 = arith.addf %add3A_233, %mul3A_237 : vector<16xf32>
      %add3A_239 = arith.constant 3 : i32
      %add3A_240 = arith.addi %mul3A_115, %add3A_239 : i32
      %broadcast_in_dim3A_241 = arith.constant 0.000000e+00 : f32
      %broadcast_in_dim3A_242 = vector.broadcast %broadcast_in_dim3A_241 : f32 to vector<16xf32>
      %get3A_243 = arith.index_cast %add3A_240 : i32 to index
      %get3A_244 = arith.constant 0 : index
      %get3A_245 = tpu.vector_load %arg13[%get3A_243, %get3A_244] {strides = array<i32>} : memref<80x64xbf16, #tpu.memory_space<vmem>>, vector<32xbf16>,
      %get3A_246 = arith.index_cast %add3A_240 : i32 to index
      %get3A_247 = arith.constant 0 : index
      %get3A_248 = tpu.vector_load %arg14[%get3A_246, %get3A_247] {strides = array<i32>} : memref<80x64xbf16, #tpu.memory_space<vmem>>, vector<32xbf16>,
      %add3A_249 = arith.addf %get3A_245, %get3A_248 : vector<32xbf16>
      %unpack3A_250 = tpu.unpack_subelements %add3A_249, 0 {pack_format = #tpu.pack_format<interleaved>} : vector<32xbf16> -> vector<16xf32>
      %unpack3A_251 = tpu.unpack_subelements %add3A_249, 1 {pack_format = #tpu.pack_format<interleaved>} : vector<32xbf16> -> vector<16xf32>
      %max3A_252 = arith.constant 0.000000e+00 : f32
      %max3A_253 = vector.broadcast %max3A_252 : f32 to vector<16xf32>
      %max3A_254 = arith.maximumf %unpack3A_250, %max3A_253 : vector<16xf32>
      %mul3A_255 = arith.mulf %max3A_254, %get3A_14 : vector<16xf32>
      %add3A_256 = arith.addf %broadcast_in_dim3A_242, %mul3A_255 : vector<16xf32>
      %max3A_257 = arith.constant 0.000000e+00 : f32
      %max3A_258 = vector.broadcast %max3A_257 : f32 to vector<16xf32>
      %max3A_259 = arith.maximumf %unpack3A_251, %max3A_258 : vector<16xf32>
      %mul3A_260 = arith.mulf %max3A_259, %get3A_16 : vector<16xf32>
      %add3A_261 = arith.addf %add3A_256, %mul3A_260 : vector<16xf32>
      %get3A_262 = arith.index_cast %add3A_240 : i32 to index
      %get3A_263 = arith.constant 32 : index
      %get3A_264 = tpu.vector_load %arg13[%get3A_262, %get3A_263] {strides = array<i32>} : memref<80x64xbf16, #tpu.memory_space<vmem>>, vector<32xbf16>,
      %get3A_265 = arith.index_cast %add3A_240 : i32 to index
      %get3A_266 = arith.constant 32 : index
      %get3A_267 = tpu.vector_load %arg14[%get3A_265, %get3A_266] {strides = array<i32>} : memref<80x64xbf16, #tpu.memory_space<vmem>>, vector<32xbf16>,
      %add3A_268 = arith.addf %get3A_264, %get3A_267 : vector<32xbf16>
      %unpack3A_269 = tpu.unpack_subelements %add3A_268, 0 {pack_format = #tpu.pack_format<interleaved>} : vector<32xbf16> -> vector<16xf32>
      %unpack3A_270 = tpu.unpack_subelements %add3A_268, 1 {pack_format = #tpu.pack_format<interleaved>} : vector<32xbf16> -> vector<16xf32>
      %max3A_271 = arith.constant 0.000000e+00 : f32
      %max3A_272 = vector.broadcast %max3A_271 : f32 to vector<16xf32>
      %max3A_273 = arith.maximumf %unpack3A_269, %max3A_272 : vector<16xf32>
      %mul3A_274 = arith.mulf %max3A_273, %get3A_18 : vector<16xf32>
      %add3A_275 = arith.addf %add3A_261, %mul3A_274 : vector<16xf32>
      %max3A_276 = arith.constant 0.000000e+00 : f32
      %max3A_277 = vector.broadcast %max3A_276 : f32 to vector<16xf32>
      %max3A_278 = arith.maximumf %unpack3A_270, %max3A_277 : vector<16xf32>
      %mul3A_279 = arith.mulf %max3A_278, %get3A_20 : vector<16xf32>
      %add3A_280 = arith.addf %add3A_275, %mul3A_279 : vector<16xf32>
      %add3A_281 = arith.constant 4 : i32
      %add3A_282 = arith.addi %mul3A_115, %add3A_281 : i32
      %broadcast_in_dim3A_283 = arith.constant 0.000000e+00 : f32
      %broadcast_in_dim3A_284 = vector.broadcast %broadcast_in_dim3A_283 : f32 to vector<16xf32>
      %get3A_285 = arith.index_cast %add3A_282 : i32 to index
      %get3A_286 = arith.constant 0 : index
      %get3A_287 = tpu.vector_load %arg13[%get3A_285, %get3A_286] {strides = array<i32>} : memref<80x64xbf16, #tpu.memory_space<vmem>>, vector<32xbf16>,
      %get3A_288 = arith.index_cast %add3A_282 : i32 to index
      %get3A_289 = arith.constant 0 : index
      %get3A_290 = tpu.vector_load %arg14[%get3A_288, %get3A_289] {strides = array<i32>} : memref<80x64xbf16, #tpu.memory_space<vmem>>, vector<32xbf16>,
      %add3A_291 = arith.addf %get3A_287, %get3A_290 : vector<32xbf16>
      %unpack3A_292 = tpu.unpack_subelements %add3A_291, 0 {pack_format = #tpu.pack_format<interleaved>} : vector<32xbf16> -> vector<16xf32>
      %unpack3A_293 = tpu.unpack_subelements %add3A_291, 1 {pack_format = #tpu.pack_format<interleaved>} : vector<32xbf16> -> vector<16xf32>
      %max3A_294 = arith.constant 0.000000e+00 : f32
      %max3A_295 = vector.broadcast %max3A_294 : f32 to vector<16xf32>
      %max3A_296 = arith.maximumf %unpack3A_292, %max3A_295 : vector<16xf32>
      %mul3A_297 = arith.mulf %max3A_296, %get3A_14 : vector<16xf32>
      %add3A_298 = arith.addf %broadcast_in_dim3A_284, %mul3A_297 : vector<16xf32>
      %max3A_299 = arith.constant 0.000000e+00 : f32
      %max3A_300 = vector.broadcast %max3A_299 : f32 to vector<16xf32>
      %max3A_301 = arith.maximumf %unpack3A_293, %max3A_300 : vector<16xf32>
      %mul3A_302 = arith.mulf %max3A_301, %get3A_16 : vector<16xf32>
      %add3A_303 = arith.addf %add3A_298, %mul3A_302 : vector<16xf32>
      %get3A_304 = arith.index_cast %add3A_282 : i32 to index
      %get3A_305 = arith.constant 32 : index
      %get3A_306 = tpu.vector_load %arg13[%get3A_304, %get3A_305] {strides = array<i32>} : memref<80x64xbf16, #tpu.memory_space<vmem>>, vector<32xbf16>,
      %get3A_307 = arith.index_cast %add3A_282 : i32 to index
      %get3A_308 = arith.constant 32 : index
      %get3A_309 = tpu.vector_load %arg14[%get3A_307, %get3A_308] {strides = array<i32>} : memref<80x64xbf16, #tpu.memory_space<vmem>>, vector<32xbf16>,
      %add3A_310 = arith.addf %get3A_306, %get3A_309 : vector<32xbf16>
      %unpack3A_311 = tpu.unpack_subelements %add3A_310, 0 {pack_format = #tpu.pack_format<interleaved>} : vector<32xbf16> -> vector<16xf32>
      %unpack3A_312 = tpu.unpack_subelements %add3A_310, 1 {pack_format = #tpu.pack_format<interleaved>} : vector<32xbf16> -> vector<16xf32>
      %max3A_313 = arith.constant 0.000000e+00 : f32
      %max3A_314 = vector.broadcast %max3A_313 : f32 to vector<16xf32>
      %max3A_315 = arith.maximumf %unpack3A_311, %max3A_314 : vector<16xf32>
      %mul3A_316 = arith.mulf %max3A_315, %get3A_18 : vector<16xf32>
      %add3A_317 = arith.addf %add3A_303, %mul3A_316 : vector<16xf32>
      %max3A_318 = arith.constant 0.000000e+00 : f32
      %max3A_319 = vector.broadcast %max3A_318 : f32 to vector<16xf32>
      %max3A_320 = arith.maximumf %unpack3A_312, %max3A_319 : vector<16xf32>
      %mul3A_321 = arith.mulf %max3A_320, %get3A_20 : vector<16xf32>
      %add3A_322 = arith.addf %add3A_317, %mul3A_321 : vector<16xf32>
      %add3A_323 = arith.constant 5 : i32
      %add3A_324 = arith.addi %mul3A_115, %add3A_323 : i32
      %broadcast_in_dim3A_325 = arith.constant 0.000000e+00 : f32
      %broadcast_in_dim3A_326 = vector.broadcast %broadcast_in_dim3A_325 : f32 to vector<16xf32>
      %get3A_327 = arith.index_cast %add3A_324 : i32 to index
      %get3A_328 = arith.constant 0 : index
      %get3A_329 = tpu.vector_load %arg13[%get3A_327, %get3A_328] {strides = array<i32>} : memref<80x64xbf16, #tpu.memory_space<vmem>>, vector<32xbf16>,
      %get3A_330 = arith.index_cast %add3A_324 : i32 to index
      %get3A_331 = arith.constant 0 : index
      %get3A_332 = tpu.vector_load %arg14[%get3A_330, %get3A_331] {strides = array<i32>} : memref<80x64xbf16, #tpu.memory_space<vmem>>, vector<32xbf16>,
      %add3A_333 = arith.addf %get3A_329, %get3A_332 : vector<32xbf16>
      %unpack3A_334 = tpu.unpack_subelements %add3A_333, 0 {pack_format = #tpu.pack_format<interleaved>} : vector<32xbf16> -> vector<16xf32>
      %unpack3A_335 = tpu.unpack_subelements %add3A_333, 1 {pack_format = #tpu.pack_format<interleaved>} : vector<32xbf16> -> vector<16xf32>
      %max3A_336 = arith.constant 0.000000e+00 : f32
      %max3A_337 = vector.broadcast %max3A_336 : f32 to vector<16xf32>
      %max3A_338 = arith.maximumf %unpack3A_334, %max3A_337 : vector<16xf32>
      %mul3A_339 = arith.mulf %max3A_338, %get3A_14 : vector<16xf32>
      %add3A_340 = arith.addf %broadcast_in_dim3A_326, %mul3A_339 : vector<16xf32>
      %max3A_341 = arith.constant 0.000000e+00 : f32
      %max3A_342 = vector.broadcast %max3A_341 : f32 to vector<16xf32>
      %max3A_343 = arith.maximumf %unpack3A_335, %max3A_342 : vector<16xf32>
      %mul3A_344 = arith.mulf %max3A_343, %get3A_16 : vector<16xf32>
      %add3A_345 = arith.addf %add3A_340, %mul3A_344 : vector<16xf32>
      %get3A_346 = arith.index_cast %add3A_324 : i32 to index
      %get3A_347 = arith.constant 32 : index
      %get3A_348 = tpu.vector_load %arg13[%get3A_346, %get3A_347] {strides = array<i32>} : memref<80x64xbf16, #tpu.memory_space<vmem>>, vector<32xbf16>,
      %get3A_349 = arith.index_cast %add3A_324 : i32 to index
      %get3A_350 = arith.constant 32 : index
      %get3A_351 = tpu.vector_load %arg14[%get3A_349, %get3A_350] {strides = array<i32>} : memref<80x64xbf16, #tpu.memory_space<vmem>>, vector<32xbf16>,
      %add3A_352 = arith.addf %get3A_348, %get3A_351 : vector<32xbf16>
      %unpack3A_353 = tpu.unpack_subelements %add3A_352, 0 {pack_format = #tpu.pack_format<interleaved>} : vector<32xbf16> -> vector<16xf32>
      %unpack3A_354 = tpu.unpack_subelements %add3A_352, 1 {pack_format = #tpu.pack_format<interleaved>} : vector<32xbf16> -> vector<16xf32>
      %max3A_355 = arith.constant 0.000000e+00 : f32
      %max3A_356 = vector.broadcast %max3A_355 : f32 to vector<16xf32>
      %max3A_357 = arith.maximumf %unpack3A_353, %max3A_356 : vector<16xf32>
      %mul3A_358 = arith.mulf %max3A_357, %get3A_18 : vector<16xf32>
      %add3A_359 = arith.addf %add3A_345, %mul3A_358 : vector<16xf32>
      %max3A_360 = arith.constant 0.000000e+00 : f32
      %max3A_361 = vector.broadcast %max3A_360 : f32 to vector<16xf32>
      %max3A_362 = arith.maximumf %unpack3A_354, %max3A_361 : vector<16xf32>
      %mul3A_363 = arith.mulf %max3A_362, %get3A_20 : vector<16xf32>
      %add3A_364 = arith.addf %add3A_359, %mul3A_363 : vector<16xf32>
      %add3A_365 = arith.constant 6 : i32
      %add3A_366 = arith.addi %mul3A_115, %add3A_365 : i32
      %broadcast_in_dim3A_367 = arith.constant 0.000000e+00 : f32
      %broadcast_in_dim3A_368 = vector.broadcast %broadcast_in_dim3A_367 : f32 to vector<16xf32>
      %get3A_369 = arith.index_cast %add3A_366 : i32 to index
      %get3A_370 = arith.constant 0 : index
      %get3A_371 = tpu.vector_load %arg13[%get3A_369, %get3A_370] {strides = array<i32>} : memref<80x64xbf16, #tpu.memory_space<vmem>>, vector<32xbf16>,
      %get3A_372 = arith.index_cast %add3A_366 : i32 to index
      %get3A_373 = arith.constant 0 : index
      %get3A_374 = tpu.vector_load %arg14[%get3A_372, %get3A_373] {strides = array<i32>} : memref<80x64xbf16, #tpu.memory_space<vmem>>, vector<32xbf16>,
      %add3A_375 = arith.addf %get3A_371, %get3A_374 : vector<32xbf16>
      %unpack3A_376 = tpu.unpack_subelements %add3A_375, 0 {pack_format = #tpu.pack_format<interleaved>} : vector<32xbf16> -> vector<16xf32>
      %unpack3A_377 = tpu.unpack_subelements %add3A_375, 1 {pack_format = #tpu.pack_format<interleaved>} : vector<32xbf16> -> vector<16xf32>
      %max3A_378 = arith.constant 0.000000e+00 : f32
      %max3A_379 = vector.broadcast %max3A_378 : f32 to vector<16xf32>
      %max3A_380 = arith.maximumf %unpack3A_376, %max3A_379 : vector<16xf32>
      %mul3A_381 = arith.mulf %max3A_380, %get3A_14 : vector<16xf32>
      %add3A_382 = arith.addf %broadcast_in_dim3A_368, %mul3A_381 : vector<16xf32>
      %max3A_383 = arith.constant 0.000000e+00 : f32
      %max3A_384 = vector.broadcast %max3A_383 : f32 to vector<16xf32>
      %max3A_385 = arith.maximumf %unpack3A_377, %max3A_384 : vector<16xf32>
      %mul3A_386 = arith.mulf %max3A_385, %get3A_16 : vector<16xf32>
      %add3A_387 = arith.addf %add3A_382, %mul3A_386 : vector<16xf32>
      %get3A_388 = arith.index_cast %add3A_366 : i32 to index
      %get3A_389 = arith.constant 32 : index
      %get3A_390 = tpu.vector_load %arg13[%get3A_388, %get3A_389] {strides = array<i32>} : memref<80x64xbf16, #tpu.memory_space<vmem>>, vector<32xbf16>,
      %get3A_391 = arith.index_cast %add3A_366 : i32 to index
      %get3A_392 = arith.constant 32 : index
      %get3A_393 = tpu.vector_load %arg14[%get3A_391, %get3A_392] {strides = array<i32>} : memref<80x64xbf16, #tpu.memory_space<vmem>>, vector<32xbf16>,
      %add3A_394 = arith.addf %get3A_390, %get3A_393 : vector<32xbf16>
      %unpack3A_395 = tpu.unpack_subelements %add3A_394, 0 {pack_format = #tpu.pack_format<interleaved>} : vector<32xbf16> -> vector<16xf32>
      %unpack3A_396 = tpu.unpack_subelements %add3A_394, 1 {pack_format = #tpu.pack_format<interleaved>} : vector<32xbf16> -> vector<16xf32>
      %max3A_397 = arith.constant 0.000000e+00 : f32
      %max3A_398 = vector.broadcast %max3A_397 : f32 to vector<16xf32>
      %max3A_399 = arith.maximumf %unpack3A_395, %max3A_398 : vector<16xf32>
      %mul3A_400 = arith.mulf %max3A_399, %get3A_18 : vector<16xf32>
      %add3A_401 = arith.addf %add3A_387, %mul3A_400 : vector<16xf32>
      %max3A_402 = arith.constant 0.000000e+00 : f32
      %max3A_403 = vector.broadcast %max3A_402 : f32 to vector<16xf32>
      %max3A_404 = arith.maximumf %unpack3A_396, %max3A_403 : vector<16xf32>
      %mul3A_405 = arith.mulf %max3A_404, %get3A_20 : vector<16xf32>
      %add3A_406 = arith.addf %add3A_401, %mul3A_405 : vector<16xf32>
      %add3A_407 = arith.constant 7 : i32
      %add3A_408 = arith.addi %mul3A_115, %add3A_407 : i32
      %broadcast_in_dim3A_409 = arith.constant 0.000000e+00 : f32
      %broadcast_in_dim3A_410 = vector.broadcast %broadcast_in_dim3A_409 : f32 to vector<16xf32>
      %get3A_411 = arith.index_cast %add3A_408 : i32 to index
      %get3A_412 = arith.constant 0 : index
      %get3A_413 = tpu.vector_load %arg13[%get3A_411, %get3A_412] {strides = array<i32>} : memref<80x64xbf16, #tpu.memory_space<vmem>>, vector<32xbf16>,
      %get3A_414 = arith.index_cast %add3A_408 : i32 to index
      %get3A_415 = arith.constant 0 : index
      %get3A_416 = tpu.vector_load %arg14[%get3A_414, %get3A_415] {strides = array<i32>} : memref<80x64xbf16, #tpu.memory_space<vmem>>, vector<32xbf16>,
      %add3A_417 = arith.addf %get3A_413, %get3A_416 : vector<32xbf16>
      %unpack3A_418 = tpu.unpack_subelements %add3A_417, 0 {pack_format = #tpu.pack_format<interleaved>} : vector<32xbf16> -> vector<16xf32>
      %unpack3A_419 = tpu.unpack_subelements %add3A_417, 1 {pack_format = #tpu.pack_format<interleaved>} : vector<32xbf16> -> vector<16xf32>
      %max3A_420 = arith.constant 0.000000e+00 : f32
      %max3A_421 = vector.broadcast %max3A_420 : f32 to vector<16xf32>
      %max3A_422 = arith.maximumf %unpack3A_418, %max3A_421 : vector<16xf32>
      %mul3A_423 = arith.mulf %max3A_422, %get3A_14 : vector<16xf32>
      %add3A_424 = arith.addf %broadcast_in_dim3A_410, %mul3A_423 : vector<16xf32>
      %max3A_425 = arith.constant 0.000000e+00 : f32
      %max3A_426 = vector.broadcast %max3A_425 : f32 to vector<16xf32>
      %max3A_427 = arith.maximumf %unpack3A_419, %max3A_426 : vector<16xf32>
      %mul3A_428 = arith.mulf %max3A_427, %get3A_16 : vector<16xf32>
      %add3A_429 = arith.addf %add3A_424, %mul3A_428 : vector<16xf32>
      %get3A_430 = arith.index_cast %add3A_408 : i32 to index
      %get3A_431 = arith.constant 32 : index
      %get3A_432 = tpu.vector_load %arg13[%get3A_430, %get3A_431] {strides = array<i32>} : memref<80x64xbf16, #tpu.memory_space<vmem>>, vector<32xbf16>,
      %get3A_433 = arith.index_cast %add3A_408 : i32 to index
      %get3A_434 = arith.constant 32 : index
      %get3A_435 = tpu.vector_load %arg14[%get3A_433, %get3A_434] {strides = array<i32>} : memref<80x64xbf16, #tpu.memory_space<vmem>>, vector<32xbf16>,
      %add3A_436 = arith.addf %get3A_432, %get3A_435 : vector<32xbf16>
      %unpack3A_437 = tpu.unpack_subelements %add3A_436, 0 {pack_format = #tpu.pack_format<interleaved>} : vector<32xbf16> -> vector<16xf32>
      %unpack3A_438 = tpu.unpack_subelements %add3A_436, 1 {pack_format = #tpu.pack_format<interleaved>} : vector<32xbf16> -> vector<16xf32>
      %max3A_439 = arith.constant 0.000000e+00 : f32
      %max3A_440 = vector.broadcast %max3A_439 : f32 to vector<16xf32>
      %max3A_441 = arith.maximumf %unpack3A_437, %max3A_440 : vector<16xf32>
      %mul3A_442 = arith.mulf %max3A_441, %get3A_18 : vector<16xf32>
      %add3A_443 = arith.addf %add3A_429, %mul3A_442 : vector<16xf32>
      %max3A_444 = arith.constant 0.000000e+00 : f32
      %max3A_445 = vector.broadcast %max3A_444 : f32 to vector<16xf32>
      %max3A_446 = arith.maximumf %unpack3A_438, %max3A_445 : vector<16xf32>
      %mul3A_447 = arith.mulf %max3A_446, %get3A_20 : vector<16xf32>
      %add3A_448 = arith.addf %add3A_443, %mul3A_447 : vector<16xf32>
      %add3A_449 = arith.constant 8 : i32
      %add3A_450 = arith.addi %mul3A_115, %add3A_449 : i32
      %broadcast_in_dim3A_451 = arith.constant 0.000000e+00 : f32
      %broadcast_in_dim3A_452 = vector.broadcast %broadcast_in_dim3A_451 : f32 to vector<16xf32>
      %get3A_453 = arith.index_cast %add3A_450 : i32 to index
      %get3A_454 = arith.constant 0 : index
      %get3A_455 = tpu.vector_load %arg13[%get3A_453, %get3A_454] {strides = array<i32>} : memref<80x64xbf16, #tpu.memory_space<vmem>>, vector<32xbf16>,
      %get3A_456 = arith.index_cast %add3A_450 : i32 to index
      %get3A_457 = arith.constant 0 : index
      %get3A_458 = tpu.vector_load %arg14[%get3A_456, %get3A_457] {strides = array<i32>} : memref<80x64xbf16, #tpu.memory_space<vmem>>, vector<32xbf16>,
      %add3A_459 = arith.addf %get3A_455, %get3A_458 : vector<32xbf16>
      %unpack3A_460 = tpu.unpack_subelements %add3A_459, 0 {pack_format = #tpu.pack_format<interleaved>} : vector<32xbf16> -> vector<16xf32>
      %unpack3A_461 = tpu.unpack_subelements %add3A_459, 1 {pack_format = #tpu.pack_format<interleaved>} : vector<32xbf16> -> vector<16xf32>
      %max3A_462 = arith.constant 0.000000e+00 : f32
      %max3A_463 = vector.broadcast %max3A_462 : f32 to vector<16xf32>
      %max3A_464 = arith.maximumf %unpack3A_460, %max3A_463 : vector<16xf32>
      %mul3A_465 = arith.mulf %max3A_464, %get3A_14 : vector<16xf32>
      %add3A_466 = arith.addf %broadcast_in_dim3A_452, %mul3A_465 : vector<16xf32>
      %max3A_467 = arith.constant 0.000000e+00 : f32
      %max3A_468 = vector.broadcast %max3A_467 : f32 to vector<16xf32>
      %max3A_469 = arith.maximumf %unpack3A_461, %max3A_468 : vector<16xf32>
      %mul3A_470 = arith.mulf %max3A_469, %get3A_16 : vector<16xf32>
      %add3A_471 = arith.addf %add3A_466, %mul3A_470 : vector<16xf32>
      %get3A_472 = arith.index_cast %add3A_450 : i32 to index
      %get3A_473 = arith.constant 32 : index
      %get3A_474 = tpu.vector_load %arg13[%get3A_472, %get3A_473] {strides = array<i32>} : memref<80x64xbf16, #tpu.memory_space<vmem>>, vector<32xbf16>,
      %get3A_475 = arith.index_cast %add3A_450 : i32 to index
      %get3A_476 = arith.constant 32 : index
      %get3A_477 = tpu.vector_load %arg14[%get3A_475, %get3A_476] {strides = array<i32>} : memref<80x64xbf16, #tpu.memory_space<vmem>>, vector<32xbf16>,
      %add3A_478 = arith.addf %get3A_474, %get3A_477 : vector<32xbf16>
      %unpack3A_479 = tpu.unpack_subelements %add3A_478, 0 {pack_format = #tpu.pack_format<interleaved>} : vector<32xbf16> -> vector<16xf32>
      %unpack3A_480 = tpu.unpack_subelements %add3A_478, 1 {pack_format = #tpu.pack_format<interleaved>} : vector<32xbf16> -> vector<16xf32>
      %max3A_481 = arith.constant 0.000000e+00 : f32
      %max3A_482 = vector.broadcast %max3A_481 : f32 to vector<16xf32>
      %max3A_483 = arith.maximumf %unpack3A_479, %max3A_482 : vector<16xf32>
      %mul3A_484 = arith.mulf %max3A_483, %get3A_18 : vector<16xf32>
      %add3A_485 = arith.addf %add3A_471, %mul3A_484 : vector<16xf32>
      %max3A_486 = arith.constant 0.000000e+00 : f32
      %max3A_487 = vector.broadcast %max3A_486 : f32 to vector<16xf32>
      %max3A_488 = arith.maximumf %unpack3A_480, %max3A_487 : vector<16xf32>
      %mul3A_489 = arith.mulf %max3A_488, %get3A_20 : vector<16xf32>
      %add3A_490 = arith.addf %add3A_485, %mul3A_489 : vector<16xf32>
      %add3A_491 = arith.constant 9 : i32
      %add3A_492 = arith.addi %mul3A_115, %add3A_491 : i32
      %broadcast_in_dim3A_493 = arith.constant 0.000000e+00 : f32
      %broadcast_in_dim3A_494 = vector.broadcast %broadcast_in_dim3A_493 : f32 to vector<16xf32>
      %get3A_495 = arith.index_cast %add3A_492 : i32 to index
      %get3A_496 = arith.constant 0 : index
      %get3A_497 = tpu.vector_load %arg13[%get3A_495, %get3A_496] {strides = array<i32>} : memref<80x64xbf16, #tpu.memory_space<vmem>>, vector<32xbf16>,
      %get3A_498 = arith.index_cast %add3A_492 : i32 to index
      %get3A_499 = arith.constant 0 : index
      %get3A_500 = tpu.vector_load %arg14[%get3A_498, %get3A_499] {strides = array<i32>} : memref<80x64xbf16, #tpu.memory_space<vmem>>, vector<32xbf16>,
      %add3A_501 = arith.addf %get3A_497, %get3A_500 : vector<32xbf16>
      %unpack3A_502 = tpu.unpack_subelements %add3A_501, 0 {pack_format = #tpu.pack_format<interleaved>} : vector<32xbf16> -> vector<16xf32>
      %unpack3A_503 = tpu.unpack_subelements %add3A_501, 1 {pack_format = #tpu.pack_format<interleaved>} : vector<32xbf16> -> vector<16xf32>
      %max3A_504 = arith.constant 0.000000e+00 : f32
      %max3A_505 = vector.broadcast %max3A_504 : f32 to vector<16xf32>
      %max3A_506 = arith.maximumf %unpack3A_502, %max3A_505 : vector<16xf32>
      %mul3A_507 = arith.mulf %max3A_506, %get3A_14 : vector<16xf32>
      %add3A_508 = arith.addf %broadcast_in_dim3A_494, %mul3A_507 : vector<16xf32>
      %max3A_509 = arith.constant 0.000000e+00 : f32
      %max3A_510 = vector.broadcast %max3A_509 : f32 to vector<16xf32>
      %max3A_511 = arith.maximumf %unpack3A_503, %max3A_510 : vector<16xf32>
      %mul3A_512 = arith.mulf %max3A_511, %get3A_16 : vector<16xf32>
      %add3A_513 = arith.addf %add3A_508, %mul3A_512 : vector<16xf32>
      %get3A_514 = arith.index_cast %add3A_492 : i32 to index
      %get3A_515 = arith.constant 32 : index
      %get3A_516 = tpu.vector_load %arg13[%get3A_514, %get3A_515] {strides = array<i32>} : memref<80x64xbf16, #tpu.memory_space<vmem>>, vector<32xbf16>,
      %get3A_517 = arith.index_cast %add3A_492 : i32 to index
      %get3A_518 = arith.constant 32 : index
      %get3A_519 = tpu.vector_load %arg14[%get3A_517, %get3A_518] {strides = array<i32>} : memref<80x64xbf16, #tpu.memory_space<vmem>>, vector<32xbf16>,
      %add3A_520 = arith.addf %get3A_516, %get3A_519 : vector<32xbf16>
      %unpack3A_521 = tpu.unpack_subelements %add3A_520, 0 {pack_format = #tpu.pack_format<interleaved>} : vector<32xbf16> -> vector<16xf32>
      %unpack3A_522 = tpu.unpack_subelements %add3A_520, 1 {pack_format = #tpu.pack_format<interleaved>} : vector<32xbf16> -> vector<16xf32>
      %max3A_523 = arith.constant 0.000000e+00 : f32
      %max3A_524 = vector.broadcast %max3A_523 : f32 to vector<16xf32>
      %max3A_525 = arith.maximumf %unpack3A_521, %max3A_524 : vector<16xf32>
      %mul3A_526 = arith.mulf %max3A_525, %get3A_18 : vector<16xf32>
      %add3A_527 = arith.addf %add3A_513, %mul3A_526 : vector<16xf32>
      %max3A_528 = arith.constant 0.000000e+00 : f32
      %max3A_529 = vector.broadcast %max3A_528 : f32 to vector<16xf32>
      %max3A_530 = arith.maximumf %unpack3A_522, %max3A_529 : vector<16xf32>
      %mul3A_531 = arith.mulf %max3A_530, %get3A_20 : vector<16xf32>
      %add3A_532 = arith.addf %add3A_527, %mul3A_531 : vector<16xf32>
      %add3A_533 = arith.constant 10 : i32
      %add3A_534 = arith.addi %mul3A_115, %add3A_533 : i32
      %broadcast_in_dim3A_535 = arith.constant 0.000000e+00 : f32
      %broadcast_in_dim3A_536 = vector.broadcast %broadcast_in_dim3A_535 : f32 to vector<16xf32>
      %get3A_537 = arith.index_cast %add3A_534 : i32 to index
      %get3A_538 = arith.constant 0 : index
      %get3A_539 = tpu.vector_load %arg13[%get3A_537, %get3A_538] {strides = array<i32>} : memref<80x64xbf16, #tpu.memory_space<vmem>>, vector<32xbf16>,
      %get3A_540 = arith.index_cast %add3A_534 : i32 to index
      %get3A_541 = arith.constant 0 : index
      %get3A_542 = tpu.vector_load %arg14[%get3A_540, %get3A_541] {strides = array<i32>} : memref<80x64xbf16, #tpu.memory_space<vmem>>, vector<32xbf16>,
      %add3A_543 = arith.addf %get3A_539, %get3A_542 : vector<32xbf16>
      %unpack3A_544 = tpu.unpack_subelements %add3A_543, 0 {pack_format = #tpu.pack_format<interleaved>} : vector<32xbf16> -> vector<16xf32>
      %unpack3A_545 = tpu.unpack_subelements %add3A_543, 1 {pack_format = #tpu.pack_format<interleaved>} : vector<32xbf16> -> vector<16xf32>
      %max3A_546 = arith.constant 0.000000e+00 : f32
      %max3A_547 = vector.broadcast %max3A_546 : f32 to vector<16xf32>
      %max3A_548 = arith.maximumf %unpack3A_544, %max3A_547 : vector<16xf32>
      %mul3A_549 = arith.mulf %max3A_548, %get3A_14 : vector<16xf32>
      %add3A_550 = arith.addf %broadcast_in_dim3A_536, %mul3A_549 : vector<16xf32>
      %max3A_551 = arith.constant 0.000000e+00 : f32
      %max3A_552 = vector.broadcast %max3A_551 : f32 to vector<16xf32>
      %max3A_553 = arith.maximumf %unpack3A_545, %max3A_552 : vector<16xf32>
      %mul3A_554 = arith.mulf %max3A_553, %get3A_16 : vector<16xf32>
      %add3A_555 = arith.addf %add3A_550, %mul3A_554 : vector<16xf32>
      %get3A_556 = arith.index_cast %add3A_534 : i32 to index
      %get3A_557 = arith.constant 32 : index
      %get3A_558 = tpu.vector_load %arg13[%get3A_556, %get3A_557] {strides = array<i32>} : memref<80x64xbf16, #tpu.memory_space<vmem>>, vector<32xbf16>,
      %get3A_559 = arith.index_cast %add3A_534 : i32 to index
      %get3A_560 = arith.constant 32 : index
      %get3A_561 = tpu.vector_load %arg14[%get3A_559, %get3A_560] {strides = array<i32>} : memref<80x64xbf16, #tpu.memory_space<vmem>>, vector<32xbf16>,
      %add3A_562 = arith.addf %get3A_558, %get3A_561 : vector<32xbf16>
      %unpack3A_563 = tpu.unpack_subelements %add3A_562, 0 {pack_format = #tpu.pack_format<interleaved>} : vector<32xbf16> -> vector<16xf32>
      %unpack3A_564 = tpu.unpack_subelements %add3A_562, 1 {pack_format = #tpu.pack_format<interleaved>} : vector<32xbf16> -> vector<16xf32>
      %max3A_565 = arith.constant 0.000000e+00 : f32
      %max3A_566 = vector.broadcast %max3A_565 : f32 to vector<16xf32>
      %max3A_567 = arith.maximumf %unpack3A_563, %max3A_566 : vector<16xf32>
      %mul3A_568 = arith.mulf %max3A_567, %get3A_18 : vector<16xf32>
      %add3A_569 = arith.addf %add3A_555, %mul3A_568 : vector<16xf32>
      %max3A_570 = arith.constant 0.000000e+00 : f32
      %max3A_571 = vector.broadcast %max3A_570 : f32 to vector<16xf32>
      %max3A_572 = arith.maximumf %unpack3A_564, %max3A_571 : vector<16xf32>
      %mul3A_573 = arith.mulf %max3A_572, %get3A_20 : vector<16xf32>
      %add3A_574 = arith.addf %add3A_569, %mul3A_573 : vector<16xf32>
      %add3A_575 = arith.constant 11 : i32
      %add3A_576 = arith.addi %mul3A_115, %add3A_575 : i32
      %broadcast_in_dim3A_577 = arith.constant 0.000000e+00 : f32
      %broadcast_in_dim3A_578 = vector.broadcast %broadcast_in_dim3A_577 : f32 to vector<16xf32>
      %get3A_579 = arith.index_cast %add3A_576 : i32 to index
      %get3A_580 = arith.constant 0 : index
      %get3A_581 = tpu.vector_load %arg13[%get3A_579, %get3A_580] {strides = array<i32>} : memref<80x64xbf16, #tpu.memory_space<vmem>>, vector<32xbf16>,
      %get3A_582 = arith.index_cast %add3A_576 : i32 to index
      %get3A_583 = arith.constant 0 : index
      %get3A_584 = tpu.vector_load %arg14[%get3A_582, %get3A_583] {strides = array<i32>} : memref<80x64xbf16, #tpu.memory_space<vmem>>, vector<32xbf16>,
      %add3A_585 = arith.addf %get3A_581, %get3A_584 : vector<32xbf16>
      %unpack3A_586 = tpu.unpack_subelements %add3A_585, 0 {pack_format = #tpu.pack_format<interleaved>} : vector<32xbf16> -> vector<16xf32>
      %unpack3A_587 = tpu.unpack_subelements %add3A_585, 1 {pack_format = #tpu.pack_format<interleaved>} : vector<32xbf16> -> vector<16xf32>
      %max3A_588 = arith.constant 0.000000e+00 : f32
      %max3A_589 = vector.broadcast %max3A_588 : f32 to vector<16xf32>
      %max3A_590 = arith.maximumf %unpack3A_586, %max3A_589 : vector<16xf32>
      %mul3A_591 = arith.mulf %max3A_590, %get3A_14 : vector<16xf32>
      %add3A_592 = arith.addf %broadcast_in_dim3A_578, %mul3A_591 : vector<16xf32>
      %max3A_593 = arith.constant 0.000000e+00 : f32
      %max3A_594 = vector.broadcast %max3A_593 : f32 to vector<16xf32>
      %max3A_595 = arith.maximumf %unpack3A_587, %max3A_594 : vector<16xf32>
      %mul3A_596 = arith.mulf %max3A_595, %get3A_16 : vector<16xf32>
      %add3A_597 = arith.addf %add3A_592, %mul3A_596 : vector<16xf32>
      %get3A_598 = arith.index_cast %add3A_576 : i32 to index
      %get3A_599 = arith.constant 32 : index
      %get3A_600 = tpu.vector_load %arg13[%get3A_598, %get3A_599] {strides = array<i32>} : memref<80x64xbf16, #tpu.memory_space<vmem>>, vector<32xbf16>,
      %get3A_601 = arith.index_cast %add3A_576 : i32 to index
      %get3A_602 = arith.constant 32 : index
      %get3A_603 = tpu.vector_load %arg14[%get3A_601, %get3A_602] {strides = array<i32>} : memref<80x64xbf16, #tpu.memory_space<vmem>>, vector<32xbf16>,
      %add3A_604 = arith.addf %get3A_600, %get3A_603 : vector<32xbf16>
      %unpack3A_605 = tpu.unpack_subelements %add3A_604, 0 {pack_format = #tpu.pack_format<interleaved>} : vector<32xbf16> -> vector<16xf32>
      %unpack3A_606 = tpu.unpack_subelements %add3A_604, 1 {pack_format = #tpu.pack_format<interleaved>} : vector<32xbf16> -> vector<16xf32>
      %max3A_607 = arith.constant 0.000000e+00 : f32
      %max3A_608 = vector.broadcast %max3A_607 : f32 to vector<16xf32>
      %max3A_609 = arith.maximumf %unpack3A_605, %max3A_608 : vector<16xf32>
      %mul3A_610 = arith.mulf %max3A_609, %get3A_18 : vector<16xf32>
      %add3A_611 = arith.addf %add3A_597, %mul3A_610 : vector<16xf32>
      %max3A_612 = arith.constant 0.000000e+00 : f32
      %max3A_613 = vector.broadcast %max3A_612 : f32 to vector<16xf32>
      %max3A_614 = arith.maximumf %unpack3A_606, %max3A_613 : vector<16xf32>
      %mul3A_615 = arith.mulf %max3A_614, %get3A_20 : vector<16xf32>
      %add3A_616 = arith.addf %add3A_611, %mul3A_615 : vector<16xf32>
      %add3A_617 = arith.constant 12 : i32
      %add3A_618 = arith.addi %mul3A_115, %add3A_617 : i32
      %broadcast_in_dim3A_619 = arith.constant 0.000000e+00 : f32
      %broadcast_in_dim3A_620 = vector.broadcast %broadcast_in_dim3A_619 : f32 to vector<16xf32>
      %get3A_621 = arith.index_cast %add3A_618 : i32 to index
      %get3A_622 = arith.constant 0 : index
      %get3A_623 = tpu.vector_load %arg13[%get3A_621, %get3A_622] {strides = array<i32>} : memref<80x64xbf16, #tpu.memory_space<vmem>>, vector<32xbf16>,
      %get3A_624 = arith.index_cast %add3A_618 : i32 to index
      %get3A_625 = arith.constant 0 : index
      %get3A_626 = tpu.vector_load %arg14[%get3A_624, %get3A_625] {strides = array<i32>} : memref<80x64xbf16, #tpu.memory_space<vmem>>, vector<32xbf16>,
      %add3A_627 = arith.addf %get3A_623, %get3A_626 : vector<32xbf16>
      %unpack3A_628 = tpu.unpack_subelements %add3A_627, 0 {pack_format = #tpu.pack_format<interleaved>} : vector<32xbf16> -> vector<16xf32>
      %unpack3A_629 = tpu.unpack_subelements %add3A_627, 1 {pack_format = #tpu.pack_format<interleaved>} : vector<32xbf16> -> vector<16xf32>
      %max3A_630 = arith.constant 0.000000e+00 : f32
      %max3A_631 = vector.broadcast %max3A_630 : f32 to vector<16xf32>
      %max3A_632 = arith.maximumf %unpack3A_628, %max3A_631 : vector<16xf32>
      %mul3A_633 = arith.mulf %max3A_632, %get3A_14 : vector<16xf32>
      %add3A_634 = arith.addf %broadcast_in_dim3A_620, %mul3A_633 : vector<16xf32>
      %max3A_635 = arith.constant 0.000000e+00 : f32
      %max3A_636 = vector.broadcast %max3A_635 : f32 to vector<16xf32>
      %max3A_637 = arith.maximumf %unpack3A_629, %max3A_636 : vector<16xf32>
      %mul3A_638 = arith.mulf %max3A_637, %get3A_16 : vector<16xf32>
      %add3A_639 = arith.addf %add3A_634, %mul3A_638 : vector<16xf32>
      %get3A_640 = arith.index_cast %add3A_618 : i32 to index
      %get3A_641 = arith.constant 32 : index
      %get3A_642 = tpu.vector_load %arg13[%get3A_640, %get3A_641] {strides = array<i32>} : memref<80x64xbf16, #tpu.memory_space<vmem>>, vector<32xbf16>,
      %get3A_643 = arith.index_cast %add3A_618 : i32 to index
      %get3A_644 = arith.constant 32 : index
      %get3A_645 = tpu.vector_load %arg14[%get3A_643, %get3A_644] {strides = array<i32>} : memref<80x64xbf16, #tpu.memory_space<vmem>>, vector<32xbf16>,
      %add3A_646 = arith.addf %get3A_642, %get3A_645 : vector<32xbf16>
      %unpack3A_647 = tpu.unpack_subelements %add3A_646, 0 {pack_format = #tpu.pack_format<interleaved>} : vector<32xbf16> -> vector<16xf32>
      %unpack3A_648 = tpu.unpack_subelements %add3A_646, 1 {pack_format = #tpu.pack_format<interleaved>} : vector<32xbf16> -> vector<16xf32>
      %max3A_649 = arith.constant 0.000000e+00 : f32
      %max3A_650 = vector.broadcast %max3A_649 : f32 to vector<16xf32>
      %max3A_651 = arith.maximumf %unpack3A_647, %max3A_650 : vector<16xf32>
      %mul3A_652 = arith.mulf %max3A_651, %get3A_18 : vector<16xf32>
      %add3A_653 = arith.addf %add3A_639, %mul3A_652 : vector<16xf32>
      %max3A_654 = arith.constant 0.000000e+00 : f32
      %max3A_655 = vector.broadcast %max3A_654 : f32 to vector<16xf32>
      %max3A_656 = arith.maximumf %unpack3A_648, %max3A_655 : vector<16xf32>
      %mul3A_657 = arith.mulf %max3A_656, %get3A_20 : vector<16xf32>
      %add3A_658 = arith.addf %add3A_653, %mul3A_657 : vector<16xf32>
      %add3A_659 = arith.constant 13 : i32
      %add3A_660 = arith.addi %mul3A_115, %add3A_659 : i32
      %broadcast_in_dim3A_661 = arith.constant 0.000000e+00 : f32
      %broadcast_in_dim3A_662 = vector.broadcast %broadcast_in_dim3A_661 : f32 to vector<16xf32>
      %get3A_663 = arith.index_cast %add3A_660 : i32 to index
      %get3A_664 = arith.constant 0 : index
      %get3A_665 = tpu.vector_load %arg13[%get3A_663, %get3A_664] {strides = array<i32>} : memref<80x64xbf16, #tpu.memory_space<vmem>>, vector<32xbf16>,
      %get3A_666 = arith.index_cast %add3A_660 : i32 to index
      %get3A_667 = arith.constant 0 : index
      %get3A_668 = tpu.vector_load %arg14[%get3A_666, %get3A_667] {strides = array<i32>} : memref<80x64xbf16, #tpu.memory_space<vmem>>, vector<32xbf16>,
      %add3A_669 = arith.addf %get3A_665, %get3A_668 : vector<32xbf16>
      %unpack3A_670 = tpu.unpack_subelements %add3A_669, 0 {pack_format = #tpu.pack_format<interleaved>} : vector<32xbf16> -> vector<16xf32>
      %unpack3A_671 = tpu.unpack_subelements %add3A_669, 1 {pack_format = #tpu.pack_format<interleaved>} : vector<32xbf16> -> vector<16xf32>
      %max3A_672 = arith.constant 0.000000e+00 : f32
      %max3A_673 = vector.broadcast %max3A_672 : f32 to vector<16xf32>
      %max3A_674 = arith.maximumf %unpack3A_670, %max3A_673 : vector<16xf32>
      %mul3A_675 = arith.mulf %max3A_674, %get3A_14 : vector<16xf32>
      %add3A_676 = arith.addf %broadcast_in_dim3A_662, %mul3A_675 : vector<16xf32>
      %max3A_677 = arith.constant 0.000000e+00 : f32
      %max3A_678 = vector.broadcast %max3A_677 : f32 to vector<16xf32>
      %max3A_679 = arith.maximumf %unpack3A_671, %max3A_678 : vector<16xf32>
      %mul3A_680 = arith.mulf %max3A_679, %get3A_16 : vector<16xf32>
      %add3A_681 = arith.addf %add3A_676, %mul3A_680 : vector<16xf32>
      %get3A_682 = arith.index_cast %add3A_660 : i32 to index
      %get3A_683 = arith.constant 32 : index
      %get3A_684 = tpu.vector_load %arg13[%get3A_682, %get3A_683] {strides = array<i32>} : memref<80x64xbf16, #tpu.memory_space<vmem>>, vector<32xbf16>,
      %get3A_685 = arith.index_cast %add3A_660 : i32 to index
      %get3A_686 = arith.constant 32 : index
      %get3A_687 = tpu.vector_load %arg14[%get3A_685, %get3A_686] {strides = array<i32>} : memref<80x64xbf16, #tpu.memory_space<vmem>>, vector<32xbf16>,
      %add3A_688 = arith.addf %get3A_684, %get3A_687 : vector<32xbf16>
      %unpack3A_689 = tpu.unpack_subelements %add3A_688, 0 {pack_format = #tpu.pack_format<interleaved>} : vector<32xbf16> -> vector<16xf32>
      %unpack3A_690 = tpu.unpack_subelements %add3A_688, 1 {pack_format = #tpu.pack_format<interleaved>} : vector<32xbf16> -> vector<16xf32>
      %max3A_691 = arith.constant 0.000000e+00 : f32
      %max3A_692 = vector.broadcast %max3A_691 : f32 to vector<16xf32>
      %max3A_693 = arith.maximumf %unpack3A_689, %max3A_692 : vector<16xf32>
      %mul3A_694 = arith.mulf %max3A_693, %get3A_18 : vector<16xf32>
      %add3A_695 = arith.addf %add3A_681, %mul3A_694 : vector<16xf32>
      %max3A_696 = arith.constant 0.000000e+00 : f32
      %max3A_697 = vector.broadcast %max3A_696 : f32 to vector<16xf32>
      %max3A_698 = arith.maximumf %unpack3A_690, %max3A_697 : vector<16xf32>
      %mul3A_699 = arith.mulf %max3A_698, %get3A_20 : vector<16xf32>
      %add3A_700 = arith.addf %add3A_695, %mul3A_699 : vector<16xf32>
      %add3A_701 = arith.constant 14 : i32
      %add3A_702 = arith.addi %mul3A_115, %add3A_701 : i32
      %broadcast_in_dim3A_703 = arith.constant 0.000000e+00 : f32
      %broadcast_in_dim3A_704 = vector.broadcast %broadcast_in_dim3A_703 : f32 to vector<16xf32>
      %get3A_705 = arith.index_cast %add3A_702 : i32 to index
      %get3A_706 = arith.constant 0 : index
      %get3A_707 = tpu.vector_load %arg13[%get3A_705, %get3A_706] {strides = array<i32>} : memref<80x64xbf16, #tpu.memory_space<vmem>>, vector<32xbf16>,
      %get3A_708 = arith.index_cast %add3A_702 : i32 to index
      %get3A_709 = arith.constant 0 : index
      %get3A_710 = tpu.vector_load %arg14[%get3A_708, %get3A_709] {strides = array<i32>} : memref<80x64xbf16, #tpu.memory_space<vmem>>, vector<32xbf16>,
      %add3A_711 = arith.addf %get3A_707, %get3A_710 : vector<32xbf16>
      %unpack3A_712 = tpu.unpack_subelements %add3A_711, 0 {pack_format = #tpu.pack_format<interleaved>} : vector<32xbf16> -> vector<16xf32>
      %unpack3A_713 = tpu.unpack_subelements %add3A_711, 1 {pack_format = #tpu.pack_format<interleaved>} : vector<32xbf16> -> vector<16xf32>
      %max3A_714 = arith.constant 0.000000e+00 : f32
      %max3A_715 = vector.broadcast %max3A_714 : f32 to vector<16xf32>
      %max3A_716 = arith.maximumf %unpack3A_712, %max3A_715 : vector<16xf32>
      %mul3A_717 = arith.mulf %max3A_716, %get3A_14 : vector<16xf32>
      %add3A_718 = arith.addf %broadcast_in_dim3A_704, %mul3A_717 : vector<16xf32>
      %max3A_719 = arith.constant 0.000000e+00 : f32
      %max3A_720 = vector.broadcast %max3A_719 : f32 to vector<16xf32>
      %max3A_721 = arith.maximumf %unpack3A_713, %max3A_720 : vector<16xf32>
      %mul3A_722 = arith.mulf %max3A_721, %get3A_16 : vector<16xf32>
      %add3A_723 = arith.addf %add3A_718, %mul3A_722 : vector<16xf32>
      %get3A_724 = arith.index_cast %add3A_702 : i32 to index
      %get3A_725 = arith.constant 32 : index
      %get3A_726 = tpu.vector_load %arg13[%get3A_724, %get3A_725] {strides = array<i32>} : memref<80x64xbf16, #tpu.memory_space<vmem>>, vector<32xbf16>,
      %get3A_727 = arith.index_cast %add3A_702 : i32 to index
      %get3A_728 = arith.constant 32 : index
      %get3A_729 = tpu.vector_load %arg14[%get3A_727, %get3A_728] {strides = array<i32>} : memref<80x64xbf16, #tpu.memory_space<vmem>>, vector<32xbf16>,
      %add3A_730 = arith.addf %get3A_726, %get3A_729 : vector<32xbf16>
      %unpack3A_731 = tpu.unpack_subelements %add3A_730, 0 {pack_format = #tpu.pack_format<interleaved>} : vector<32xbf16> -> vector<16xf32>
      %unpack3A_732 = tpu.unpack_subelements %add3A_730, 1 {pack_format = #tpu.pack_format<interleaved>} : vector<32xbf16> -> vector<16xf32>
      %max3A_733 = arith.constant 0.000000e+00 : f32
      %max3A_734 = vector.broadcast %max3A_733 : f32 to vector<16xf32>
      %max3A_735 = arith.maximumf %unpack3A_731, %max3A_734 : vector<16xf32>
      %mul3A_736 = arith.mulf %max3A_735, %get3A_18 : vector<16xf32>
      %add3A_737 = arith.addf %add3A_723, %mul3A_736 : vector<16xf32>
      %max3A_738 = arith.constant 0.000000e+00 : f32
      %max3A_739 = vector.broadcast %max3A_738 : f32 to vector<16xf32>
      %max3A_740 = arith.maximumf %unpack3A_732, %max3A_739 : vector<16xf32>
      %mul3A_741 = arith.mulf %max3A_740, %get3A_20 : vector<16xf32>
      %add3A_742 = arith.addf %add3A_737, %mul3A_741 : vector<16xf32>
      %add3A_743 = arith.constant 15 : i32
      %add3A_744 = arith.addi %mul3A_115, %add3A_743 : i32
      %broadcast_in_dim3A_745 = arith.constant 0.000000e+00 : f32
      %broadcast_in_dim3A_746 = vector.broadcast %broadcast_in_dim3A_745 : f32 to vector<16xf32>
      %get3A_747 = arith.index_cast %add3A_744 : i32 to index
      %get3A_748 = arith.constant 0 : index
      %get3A_749 = tpu.vector_load %arg13[%get3A_747, %get3A_748] {strides = array<i32>} : memref<80x64xbf16, #tpu.memory_space<vmem>>, vector<32xbf16>,
      %get3A_750 = arith.index_cast %add3A_744 : i32 to index
      %get3A_751 = arith.constant 0 : index
      %get3A_752 = tpu.vector_load %arg14[%get3A_750, %get3A_751] {strides = array<i32>} : memref<80x64xbf16, #tpu.memory_space<vmem>>, vector<32xbf16>,
      %add3A_753 = arith.addf %get3A_749, %get3A_752 : vector<32xbf16>
      %unpack3A_754 = tpu.unpack_subelements %add3A_753, 0 {pack_format = #tpu.pack_format<interleaved>} : vector<32xbf16> -> vector<16xf32>
      %unpack3A_755 = tpu.unpack_subelements %add3A_753, 1 {pack_format = #tpu.pack_format<interleaved>} : vector<32xbf16> -> vector<16xf32>
      %max3A_756 = arith.constant 0.000000e+00 : f32
      %max3A_757 = vector.broadcast %max3A_756 : f32 to vector<16xf32>
      %max3A_758 = arith.maximumf %unpack3A_754, %max3A_757 : vector<16xf32>
      %mul3A_759 = arith.mulf %max3A_758, %get3A_14 : vector<16xf32>
      %add3A_760 = arith.addf %broadcast_in_dim3A_746, %mul3A_759 : vector<16xf32>
      %max3A_761 = arith.constant 0.000000e+00 : f32
      %max3A_762 = vector.broadcast %max3A_761 : f32 to vector<16xf32>
      %max3A_763 = arith.maximumf %unpack3A_755, %max3A_762 : vector<16xf32>
      %mul3A_764 = arith.mulf %max3A_763, %get3A_16 : vector<16xf32>
      %add3A_765 = arith.addf %add3A_760, %mul3A_764 : vector<16xf32>
      %get3A_766 = arith.index_cast %add3A_744 : i32 to index
      %get3A_767 = arith.constant 32 : index
      %get3A_768 = tpu.vector_load %arg13[%get3A_766, %get3A_767] {strides = array<i32>} : memref<80x64xbf16, #tpu.memory_space<vmem>>, vector<32xbf16>,
      %get3A_769 = arith.index_cast %add3A_744 : i32 to index
      %get3A_770 = arith.constant 32 : index
      %get3A_771 = tpu.vector_load %arg14[%get3A_769, %get3A_770] {strides = array<i32>} : memref<80x64xbf16, #tpu.memory_space<vmem>>, vector<32xbf16>,
      %add3A_772 = arith.addf %get3A_768, %get3A_771 : vector<32xbf16>
      %unpack3A_773 = tpu.unpack_subelements %add3A_772, 0 {pack_format = #tpu.pack_format<interleaved>} : vector<32xbf16> -> vector<16xf32>
      %unpack3A_774 = tpu.unpack_subelements %add3A_772, 1 {pack_format = #tpu.pack_format<interleaved>} : vector<32xbf16> -> vector<16xf32>
      %max3A_775 = arith.constant 0.000000e+00 : f32
      %max3A_776 = vector.broadcast %max3A_775 : f32 to vector<16xf32>
      %max3A_777 = arith.maximumf %unpack3A_773, %max3A_776 : vector<16xf32>
      %mul3A_778 = arith.mulf %max3A_777, %get3A_18 : vector<16xf32>
      %add3A_779 = arith.addf %add3A_765, %mul3A_778 : vector<16xf32>
      %max3A_780 = arith.constant 0.000000e+00 : f32
      %max3A_781 = vector.broadcast %max3A_780 : f32 to vector<16xf32>
      %max3A_782 = arith.maximumf %unpack3A_774, %max3A_781 : vector<16xf32>
      %mul3A_783 = arith.mulf %max3A_782, %get3A_20 : vector<16xf32>
      %add3A_784 = arith.addf %add3A_779, %mul3A_783 : vector<16xf32>
      %select_n3A = arith.select %ne3A_37, %add3A_196, %add3A_154 : vector<16xi1>, vector<16xf32>
      %select_n3A_785 = arith.select %ne3A_37, %add3A_154, %add3A_196 : vector<16xi1>, vector<16xf32>
      %lt3A = arith.constant 0 : i32
      %lt3A_786 = vector.broadcast %lt3A : i32 to vector<16xi32>
      %lt3A_787 = arith.cmpi slt, %xor3A_24, %lt3A_786 : vector<16xi32>
      %add3A_788 = arith.constant 16 : i32
      %add3A_789 = vector.broadcast %add3A_788 : i32 to vector<16xi32>
      %add3A_790 = arith.addi %xor3A_24, %add3A_789 : vector<16xi32>
      %select_n3A_791 = arith.select %lt3A_787, %add3A_790, %xor3A_24 : vector<16xi1>, vector<16xi32>
      %broadcast_in_dim3A_792 = vector.shape_cast %select_n3A_791 : vector<16xi32> to vector<16x1xi32>
      %gather3A = vector.shape_cast %broadcast_in_dim3A_792 : vector<16x1xi32> to vector<16xi32>
      %gather3A_793 = tpu.dynamic_gather %select_n3A_785[%gather3A] in [0] : vector<16xf32>, vector<16xi32> -> vector<16xf32>
      %add3A_794 = arith.addf %select_n3A, %gather3A_793 : vector<16xf32>
      %select_n3A_795 = arith.select %ne3A_37, %add3A_280, %add3A_238 : vector<16xi1>, vector<16xf32>
      %select_n3A_796 = arith.select %ne3A_37, %add3A_238, %add3A_280 : vector<16xi1>, vector<16xf32>
      %lt3A_797 = arith.constant 0 : i32
      %lt3A_798 = vector.broadcast %lt3A_797 : i32 to vector<16xi32>
      %lt3A_799 = arith.cmpi slt, %xor3A_24, %lt3A_798 : vector<16xi32>
      %add3A_800 = arith.constant 16 : i32
      %add3A_801 = vector.broadcast %add3A_800 : i32 to vector<16xi32>
      %add3A_802 = arith.addi %xor3A_24, %add3A_801 : vector<16xi32>
      %select_n3A_803 = arith.select %lt3A_799, %add3A_802, %xor3A_24 : vector<16xi1>, vector<16xi32>
      %broadcast_in_dim3A_804 = vector.shape_cast %select_n3A_803 : vector<16xi32> to vector<16x1xi32>
      %gather3A_805 = vector.shape_cast %broadcast_in_dim3A_804 : vector<16x1xi32> to vector<16xi32>
      %gather3A_806 = tpu.dynamic_gather %select_n3A_796[%gather3A_805] in [0] : vector<16xf32>, vector<16xi32> -> vector<16xf32>
      %add3A_807 = arith.addf %select_n3A_795, %gather3A_806 : vector<16xf32>
      %select_n3A_808 = arith.select %ne3A_37, %add3A_364, %add3A_322 : vector<16xi1>, vector<16xf32>
      %select_n3A_809 = arith.select %ne3A_37, %add3A_322, %add3A_364 : vector<16xi1>, vector<16xf32>
      %lt3A_810 = arith.constant 0 : i32
      %lt3A_811 = vector.broadcast %lt3A_810 : i32 to vector<16xi32>
      %lt3A_812 = arith.cmpi slt, %xor3A_24, %lt3A_811 : vector<16xi32>
      %add3A_813 = arith.constant 16 : i32
      %add3A_814 = vector.broadcast %add3A_813 : i32 to vector<16xi32>
      %add3A_815 = arith.addi %xor3A_24, %add3A_814 : vector<16xi32>
      %select_n3A_816 = arith.select %lt3A_812, %add3A_815, %xor3A_24 : vector<16xi1>, vector<16xi32>
      %broadcast_in_dim3A_817 = vector.shape_cast %select_n3A_816 : vector<16xi32> to vector<16x1xi32>
      %gather3A_818 = vector.shape_cast %broadcast_in_dim3A_817 : vector<16x1xi32> to vector<16xi32>
      %gather3A_819 = tpu.dynamic_gather %select_n3A_809[%gather3A_818] in [0] : vector<16xf32>, vector<16xi32> -> vector<16xf32>
      %add3A_820 = arith.addf %select_n3A_808, %gather3A_819 : vector<16xf32>
      %select_n3A_821 = arith.select %ne3A_37, %add3A_448, %add3A_406 : vector<16xi1>, vector<16xf32>
      %select_n3A_822 = arith.select %ne3A_37, %add3A_406, %add3A_448 : vector<16xi1>, vector<16xf32>
      %lt3A_823 = arith.constant 0 : i32
      %lt3A_824 = vector.broadcast %lt3A_823 : i32 to vector<16xi32>
      %lt3A_825 = arith.cmpi slt, %xor3A_24, %lt3A_824 : vector<16xi32>
      %add3A_826 = arith.constant 16 : i32
      %add3A_827 = vector.broadcast %add3A_826 : i32 to vector<16xi32>
      %add3A_828 = arith.addi %xor3A_24, %add3A_827 : vector<16xi32>
      %select_n3A_829 = arith.select %lt3A_825, %add3A_828, %xor3A_24 : vector<16xi1>, vector<16xi32>
      %broadcast_in_dim3A_830 = vector.shape_cast %select_n3A_829 : vector<16xi32> to vector<16x1xi32>
      %gather3A_831 = vector.shape_cast %broadcast_in_dim3A_830 : vector<16x1xi32> to vector<16xi32>
      %gather3A_832 = tpu.dynamic_gather %select_n3A_822[%gather3A_831] in [0] : vector<16xf32>, vector<16xi32> -> vector<16xf32>
      %add3A_833 = arith.addf %select_n3A_821, %gather3A_832 : vector<16xf32>
      %select_n3A_834 = arith.select %ne3A_37, %add3A_532, %add3A_490 : vector<16xi1>, vector<16xf32>
      %select_n3A_835 = arith.select %ne3A_37, %add3A_490, %add3A_532 : vector<16xi1>, vector<16xf32>
      %lt3A_836 = arith.constant 0 : i32
      %lt3A_837 = vector.broadcast %lt3A_836 : i32 to vector<16xi32>
      %lt3A_838 = arith.cmpi slt, %xor3A_24, %lt3A_837 : vector<16xi32>
      %add3A_839 = arith.constant 16 : i32
      %add3A_840 = vector.broadcast %add3A_839 : i32 to vector<16xi32>
      %add3A_841 = arith.addi %xor3A_24, %add3A_840 : vector<16xi32>
      %select_n3A_842 = arith.select %lt3A_838, %add3A_841, %xor3A_24 : vector<16xi1>, vector<16xi32>
      %broadcast_in_dim3A_843 = vector.shape_cast %select_n3A_842 : vector<16xi32> to vector<16x1xi32>
      %gather3A_844 = vector.shape_cast %broadcast_in_dim3A_843 : vector<16x1xi32> to vector<16xi32>
      %gather3A_845 = tpu.dynamic_gather %select_n3A_835[%gather3A_844] in [0] : vector<16xf32>, vector<16xi32> -> vector<16xf32>
      %add3A_846 = arith.addf %select_n3A_834, %gather3A_845 : vector<16xf32>
      %select_n3A_847 = arith.select %ne3A_37, %add3A_616, %add3A_574 : vector<16xi1>, vector<16xf32>
      %select_n3A_848 = arith.select %ne3A_37, %add3A_574, %add3A_616 : vector<16xi1>, vector<16xf32>
      %lt3A_849 = arith.constant 0 : i32
      %lt3A_850 = vector.broadcast %lt3A_849 : i32 to vector<16xi32>
      %lt3A_851 = arith.cmpi slt, %xor3A_24, %lt3A_850 : vector<16xi32>
      %add3A_852 = arith.constant 16 : i32
      %add3A_853 = vector.broadcast %add3A_852 : i32 to vector<16xi32>
      %add3A_854 = arith.addi %xor3A_24, %add3A_853 : vector<16xi32>
      %select_n3A_855 = arith.select %lt3A_851, %add3A_854, %xor3A_24 : vector<16xi1>, vector<16xi32>
      %broadcast_in_dim3A_856 = vector.shape_cast %select_n3A_855 : vector<16xi32> to vector<16x1xi32>
      %gather3A_857 = vector.shape_cast %broadcast_in_dim3A_856 : vector<16x1xi32> to vector<16xi32>
      %gather3A_858 = tpu.dynamic_gather %select_n3A_848[%gather3A_857] in [0] : vector<16xf32>, vector<16xi32> -> vector<16xf32>
      %add3A_859 = arith.addf %select_n3A_847, %gather3A_858 : vector<16xf32>
      %select_n3A_860 = arith.select %ne3A_37, %add3A_700, %add3A_658 : vector<16xi1>, vector<16xf32>
      %select_n3A_861 = arith.select %ne3A_37, %add3A_658, %add3A_700 : vector<16xi1>, vector<16xf32>
      %lt3A_862 = arith.constant 0 : i32
      %lt3A_863 = vector.broadcast %lt3A_862 : i32 to vector<16xi32>
      %lt3A_864 = arith.cmpi slt, %xor3A_24, %lt3A_863 : vector<16xi32>
      %add3A_865 = arith.constant 16 : i32
      %add3A_866 = vector.broadcast %add3A_865 : i32 to vector<16xi32>
      %add3A_867 = arith.addi %xor3A_24, %add3A_866 : vector<16xi32>
      %select_n3A_868 = arith.select %lt3A_864, %add3A_867, %xor3A_24 : vector<16xi1>, vector<16xi32>
      %broadcast_in_dim3A_869 = vector.shape_cast %select_n3A_868 : vector<16xi32> to vector<16x1xi32>
      %gather3A_870 = vector.shape_cast %broadcast_in_dim3A_869 : vector<16x1xi32> to vector<16xi32>
      %gather3A_871 = tpu.dynamic_gather %select_n3A_861[%gather3A_870] in [0] : vector<16xf32>, vector<16xi32> -> vector<16xf32>
      %add3A_872 = arith.addf %select_n3A_860, %gather3A_871 : vector<16xf32>
      %select_n3A_873 = arith.select %ne3A_37, %add3A_784, %add3A_742 : vector<16xi1>, vector<16xf32>
      %select_n3A_874 = arith.select %ne3A_37, %add3A_742, %add3A_784 : vector<16xi1>, vector<16xf32>
      %lt3A_875 = arith.constant 0 : i32
      %lt3A_876 = vector.broadcast %lt3A_875 : i32 to vector<16xi32>
      %lt3A_877 = arith.cmpi slt, %xor3A_24, %lt3A_876 : vector<16xi32>
      %add3A_878 = arith.constant 16 : i32
      %add3A_879 = vector.broadcast %add3A_878 : i32 to vector<16xi32>
      %add3A_880 = arith.addi %xor3A_24, %add3A_879 : vector<16xi32>
      %select_n3A_881 = arith.select %lt3A_877, %add3A_880, %xor3A_24 : vector<16xi1>, vector<16xi32>
      %broadcast_in_dim3A_882 = vector.shape_cast %select_n3A_881 : vector<16xi32> to vector<16x1xi32>
      %gather3A_883 = vector.shape_cast %broadcast_in_dim3A_882 : vector<16x1xi32> to vector<16xi32>
      %gather3A_884 = tpu.dynamic_gather %select_n3A_874[%gather3A_883] in [0] : vector<16xf32>, vector<16xi32> -> vector<16xf32>
      %add3A_885 = arith.addf %select_n3A_873, %gather3A_884 : vector<16xf32>
      %select_n3A_886 = arith.select %ne3A_43, %add3A_807, %add3A_794 : vector<16xi1>, vector<16xf32>
      %select_n3A_887 = arith.select %ne3A_43, %add3A_794, %add3A_807 : vector<16xi1>, vector<16xf32>
      %lt3A_888 = arith.constant 0 : i32
      %lt3A_889 = vector.broadcast %lt3A_888 : i32 to vector<16xi32>
      %lt3A_890 = arith.cmpi slt, %xor3A_27, %lt3A_889 : vector<16xi32>
      %add3A_891 = arith.constant 16 : i32
      %add3A_892 = vector.broadcast %add3A_891 : i32 to vector<16xi32>
      %add3A_893 = arith.addi %xor3A_27, %add3A_892 : vector<16xi32>
      %select_n3A_894 = arith.select %lt3A_890, %add3A_893, %xor3A_27 : vector<16xi1>, vector<16xi32>
      %broadcast_in_dim3A_895 = vector.shape_cast %select_n3A_894 : vector<16xi32> to vector<16x1xi32>
      %gather3A_896 = vector.shape_cast %broadcast_in_dim3A_895 : vector<16x1xi32> to vector<16xi32>
      %gather3A_897 = tpu.dynamic_gather %select_n3A_887[%gather3A_896] in [0] : vector<16xf32>, vector<16xi32> -> vector<16xf32>
      %add3A_898 = arith.addf %select_n3A_886, %gather3A_897 : vector<16xf32>
      %select_n3A_899 = arith.select %ne3A_43, %add3A_833, %add3A_820 : vector<16xi1>, vector<16xf32>
      %select_n3A_900 = arith.select %ne3A_43, %add3A_820, %add3A_833 : vector<16xi1>, vector<16xf32>
      %lt3A_901 = arith.constant 0 : i32
      %lt3A_902 = vector.broadcast %lt3A_901 : i32 to vector<16xi32>
      %lt3A_903 = arith.cmpi slt, %xor3A_27, %lt3A_902 : vector<16xi32>
      %add3A_904 = arith.constant 16 : i32
      %add3A_905 = vector.broadcast %add3A_904 : i32 to vector<16xi32>
      %add3A_906 = arith.addi %xor3A_27, %add3A_905 : vector<16xi32>
      %select_n3A_907 = arith.select %lt3A_903, %add3A_906, %xor3A_27 : vector<16xi1>, vector<16xi32>
      %broadcast_in_dim3A_908 = vector.shape_cast %select_n3A_907 : vector<16xi32> to vector<16x1xi32>
      %gather3A_909 = vector.shape_cast %broadcast_in_dim3A_908 : vector<16x1xi32> to vector<16xi32>
      %gather3A_910 = tpu.dynamic_gather %select_n3A_900[%gather3A_909] in [0] : vector<16xf32>, vector<16xi32> -> vector<16xf32>
      %add3A_911 = arith.addf %select_n3A_899, %gather3A_910 : vector<16xf32>
      %select_n3A_912 = arith.select %ne3A_43, %add3A_859, %add3A_846 : vector<16xi1>, vector<16xf32>
      %select_n3A_913 = arith.select %ne3A_43, %add3A_846, %add3A_859 : vector<16xi1>, vector<16xf32>
      %lt3A_914 = arith.constant 0 : i32
      %lt3A_915 = vector.broadcast %lt3A_914 : i32 to vector<16xi32>
      %lt3A_916 = arith.cmpi slt, %xor3A_27, %lt3A_915 : vector<16xi32>
      %add3A_917 = arith.constant 16 : i32
      %add3A_918 = vector.broadcast %add3A_917 : i32 to vector<16xi32>
      %add3A_919 = arith.addi %xor3A_27, %add3A_918 : vector<16xi32>
      %select_n3A_920 = arith.select %lt3A_916, %add3A_919, %xor3A_27 : vector<16xi1>, vector<16xi32>
      %broadcast_in_dim3A_921 = vector.shape_cast %select_n3A_920 : vector<16xi32> to vector<16x1xi32>
      %gather3A_922 = vector.shape_cast %broadcast_in_dim3A_921 : vector<16x1xi32> to vector<16xi32>
      %gather3A_923 = tpu.dynamic_gather %select_n3A_913[%gather3A_922] in [0] : vector<16xf32>, vector<16xi32> -> vector<16xf32>
      %add3A_924 = arith.addf %select_n3A_912, %gather3A_923 : vector<16xf32>
      %select_n3A_925 = arith.select %ne3A_43, %add3A_885, %add3A_872 : vector<16xi1>, vector<16xf32>
      %select_n3A_926 = arith.select %ne3A_43, %add3A_872, %add3A_885 : vector<16xi1>, vector<16xf32>
      %lt3A_927 = arith.constant 0 : i32
      %lt3A_928 = vector.broadcast %lt3A_927 : i32 to vector<16xi32>
      %lt3A_929 = arith.cmpi slt, %xor3A_27, %lt3A_928 : vector<16xi32>
      %add3A_930 = arith.constant 16 : i32
      %add3A_931 = vector.broadcast %add3A_930 : i32 to vector<16xi32>
      %add3A_932 = arith.addi %xor3A_27, %add3A_931 : vector<16xi32>
      %select_n3A_933 = arith.select %lt3A_929, %add3A_932, %xor3A_27 : vector<16xi1>, vector<16xi32>
      %broadcast_in_dim3A_934 = vector.shape_cast %select_n3A_933 : vector<16xi32> to vector<16x1xi32>
      %gather3A_935 = vector.shape_cast %broadcast_in_dim3A_934 : vector<16x1xi32> to vector<16xi32>
      %gather3A_936 = tpu.dynamic_gather %select_n3A_926[%gather3A_935] in [0] : vector<16xf32>, vector<16xi32> -> vector<16xf32>
      %add3A_937 = arith.addf %select_n3A_925, %gather3A_936 : vector<16xf32>
      %select_n3A_938 = arith.select %ne3A_49, %add3A_911, %add3A_898 : vector<16xi1>, vector<16xf32>
      %select_n3A_939 = arith.select %ne3A_49, %add3A_898, %add3A_911 : vector<16xi1>, vector<16xf32>
      %lt3A_940 = arith.constant 0 : i32
      %lt3A_941 = vector.broadcast %lt3A_940 : i32 to vector<16xi32>
      %lt3A_942 = arith.cmpi slt, %xor3A_30, %lt3A_941 : vector<16xi32>
      %add3A_943 = arith.constant 16 : i32
      %add3A_944 = vector.broadcast %add3A_943 : i32 to vector<16xi32>
      %add3A_945 = arith.addi %xor3A_30, %add3A_944 : vector<16xi32>
      %select_n3A_946 = arith.select %lt3A_942, %add3A_945, %xor3A_30 : vector<16xi1>, vector<16xi32>
      %broadcast_in_dim3A_947 = vector.shape_cast %select_n3A_946 : vector<16xi32> to vector<16x1xi32>
      %gather3A_948 = vector.shape_cast %broadcast_in_dim3A_947 : vector<16x1xi32> to vector<16xi32>
      %gather3A_949 = tpu.dynamic_gather %select_n3A_939[%gather3A_948] in [0] : vector<16xf32>, vector<16xi32> -> vector<16xf32>
      %add3A_950 = arith.addf %select_n3A_938, %gather3A_949 : vector<16xf32>
      %select_n3A_951 = arith.select %ne3A_49, %add3A_937, %add3A_924 : vector<16xi1>, vector<16xf32>
      %select_n3A_952 = arith.select %ne3A_49, %add3A_924, %add3A_937 : vector<16xi1>, vector<16xf32>
      %lt3A_953 = arith.constant 0 : i32
      %lt3A_954 = vector.broadcast %lt3A_953 : i32 to vector<16xi32>
      %lt3A_955 = arith.cmpi slt, %xor3A_30, %lt3A_954 : vector<16xi32>
      %add3A_956 = arith.constant 16 : i32
      %add3A_957 = vector.broadcast %add3A_956 : i32 to vector<16xi32>
      %add3A_958 = arith.addi %xor3A_30, %add3A_957 : vector<16xi32>
      %select_n3A_959 = arith.select %lt3A_955, %add3A_958, %xor3A_30 : vector<16xi1>, vector<16xi32>
      %broadcast_in_dim3A_960 = vector.shape_cast %select_n3A_959 : vector<16xi32> to vector<16x1xi32>
      %gather3A_961 = vector.shape_cast %broadcast_in_dim3A_960 : vector<16x1xi32> to vector<16xi32>
      %gather3A_962 = tpu.dynamic_gather %select_n3A_952[%gather3A_961] in [0] : vector<16xf32>, vector<16xi32> -> vector<16xf32>
      %add3A_963 = arith.addf %select_n3A_951, %gather3A_962 : vector<16xf32>
      %select_n3A_964 = arith.select %ne3A_55, %add3A_963, %add3A_950 : vector<16xi1>, vector<16xf32>
      %select_n3A_965 = arith.select %ne3A_55, %add3A_950, %add3A_963 : vector<16xi1>, vector<16xf32>
      %lt3A_966 = arith.constant 0 : i32
      %lt3A_967 = vector.broadcast %lt3A_966 : i32 to vector<16xi32>
      %lt3A_968 = arith.cmpi slt, %xor3A_33, %lt3A_967 : vector<16xi32>
      %add3A_969 = arith.constant 16 : i32
      %add3A_970 = vector.broadcast %add3A_969 : i32 to vector<16xi32>
      %add3A_971 = arith.addi %xor3A_33, %add3A_970 : vector<16xi32>
      %select_n3A_972 = arith.select %lt3A_968, %add3A_971, %xor3A_33 : vector<16xi1>, vector<16xi32>
      %broadcast_in_dim3A_973 = vector.shape_cast %select_n3A_972 : vector<16xi32> to vector<16x1xi32>
      %gather3A_974 = vector.shape_cast %broadcast_in_dim3A_973 : vector<16x1xi32> to vector<16xi32>
      %gather3A_975 = tpu.dynamic_gather %select_n3A_965[%gather3A_974] in [0] : vector<16xf32>, vector<16xi32> -> vector<16xf32>
      %add3A_976 = arith.addf %select_n3A_964, %gather3A_975 : vector<16xf32>
      %add3A_977 = arith.addf %add3A_976, %get3A_22 : vector<16xf32>
      %add3A_978 = arith.constant 9920 : i32
      %add3A_979 = arith.addi %add3A_978, %mul3A_115 : i32
      %swap3A = arith.index_cast %add3A_979 : i32 to index
      %swap3A_980 = tpu.vector_load %arg18[%swap3A] {strides = array<i32>} : memref<10000xf32, #tpu.memory_space<vmem>>, vector<16xf32>,
      tpu.vector_store %arg18[%swap3A], %add3A_977 {strides = array<i32>} : memref<10000xf32, #tpu.memory_space<vmem>>, vector<16xf32>,
    }
    %scan3A_110 = arith.constant 5 : i32
    %mul3A_111 = arith.constant 10000 : i32
    %mul3A_112 = arith.muli %add3A, %mul3A_111 : i32
    "tpu.region"() ({
      %run_scoped3A_113 = tpu.sem_alloc : memref<!tpu.dma_semaphore, #tpu.memory_space<semaphore_mem>>
      %dma_start3A_114 = tpu.memref_slice %arg6[%mul3A_112] : memref<320000xf32, #tpu.memory_space<hbm>> -> memref<10000xf32, #tpu.memory_space<hbm>>
      %dma_start3A_115 = tpu.memref_slice %arg6[%mul3A_112] : memref<320000xf32, #tpu.memory_space<hbm>> -> memref<10000xf32, #tpu.memory_space<hbm>>
      tpu.enqueue_dma source(%arg18 : memref<10000xf32, #tpu.memory_space<vmem>>) target(%dma_start3A_115 : memref<10000xf32, #tpu.memory_space<hbm>>) target_semaphore(%run_scoped3A_113 : memref<!tpu.dma_semaphore, #tpu.memory_space<semaphore_mem>>)
      %dma_wait3A_116 = tpu.memref_slice %arg6[%mul3A_112] : memref<320000xf32, #tpu.memory_space<hbm>> -> memref<10000xf32, #tpu.memory_space<hbm>>
      %dma_wait3A_117 = tpu.memref_slice %arg6[%mul3A_112] : memref<320000xf32, #tpu.memory_space<hbm>> -> memref<10000xf32, #tpu.memory_space<hbm>>
      tpu.wait_dma2 semaphore(%run_scoped3A_113 : memref<!tpu.dma_semaphore, #tpu.memory_space<semaphore_mem>>) src(%arg18 : memref<10000xf32, #tpu.memory_space<vmem>>) dst(%dma_wait3A_117 : memref<10000xf32, #tpu.memory_space<hbm>>)
      tpu.yield
    }) : () -> ()
    return
  }
}

module attributes {stable_mosaic.version = 14 : i64} {
  func.func @_proj_body(%arg0: memref<10000x128xf32, #tpu.memory_space<vmem>>, %arg1: memref<256x64xf32, #tpu.memory_space<vmem>>, %arg2: memref<1x64xf32, #tpu.memory_space<vmem>>, %arg3: memref<10000x64xbf16, #tpu.memory_space<vmem>>, %arg4: memref<10000x64xbf16, #tpu.memory_space<vmem>>) attributes {dimension_semantics = [], scalar_prefetch = 0 : i64, scratch_operands = 0 : i64, tpu.core_type = #tpu.core_type<tc>} {
    %get3A = arith.constant 0 : index
    %get3A_0 = arith.constant 0 : index
    %get3A_1 = vector.load %arg0[%get3A, %get3A_0] : memref<10000x128xf32, #tpu.memory_space<vmem>>, vector<10000x128xf32>
    %get3A_2 = arith.constant 0 : index
    %get3A_3 = arith.constant 0 : index
    %get3A_4 = vector.load %arg1[%get3A_2, %get3A_3] : memref<256x64xf32, #tpu.memory_space<vmem>>, vector<128x64xf32>
    %dot_general3A = arith.constant dense<0.000000e+00> : vector<10000x64xf32>
    %dot_general3A_5 = tpu.matmul %get3A_1, %get3A_4, %dot_general3A {dimension_numbers = #tpu.dot_dimension_numbers<[1], [0], [0], [1], [0, 0, 1, 1], [], []>, transpose_lhs_hint = false} : vector<10000x128xf32>, vector<128x64xf32>, vector<10000x64xf32> -> vector<10000x64xf32>
    %get3A_6 = arith.constant 0 : index
    %get3A_7 = arith.constant 0 : index
    %get3A_8 = vector.load %arg2[%get3A_6, %get3A_7] : memref<1x64xf32, #tpu.memory_space<vmem>>, vector<1x64xf32>
    %add3A = vector.broadcast %get3A_8 : vector<1x64xf32> to vector<10000x64xf32>
    %add3A_9 = arith.addf %dot_general3A_5, %add3A : vector<10000x64xf32>
    %convert_element_type3A = arith.truncf %add3A_9 : vector<10000x64xf32> to vector<10000x64xbf16>
    %swap3A = arith.constant 0 : index
    %swap3A_10 = arith.constant 0 : index
    %swap3A_11 = vector.load %arg3[%swap3A, %swap3A_10] : memref<10000x64xbf16, #tpu.memory_space<vmem>>, vector<10000x64xbf16>
    tpu.vector_store %arg3[%swap3A, %swap3A_10], %convert_element_type3A {strides = array<i32>} : memref<10000x64xbf16, #tpu.memory_space<vmem>>, vector<10000x64xbf16>,
    %get3A_12 = arith.constant 128 : index
    %get3A_13 = arith.constant 0 : index
    %get3A_14 = vector.load %arg1[%get3A_12, %get3A_13] : memref<256x64xf32, #tpu.memory_space<vmem>>, vector<128x64xf32>
    %dot_general3A_15 = arith.constant dense<0.000000e+00> : vector<10000x64xf32>
    %dot_general3A_16 = tpu.matmul %get3A_1, %get3A_14, %dot_general3A_15 {dimension_numbers = #tpu.dot_dimension_numbers<[1], [0], [0], [1], [0, 0, 1, 1], [], []>, transpose_lhs_hint = false} : vector<10000x128xf32>, vector<128x64xf32>, vector<10000x64xf32> -> vector<10000x64xf32>
    %convert_element_type3A_17 = arith.truncf %dot_general3A_16 : vector<10000x64xf32> to vector<10000x64xbf16>
    %swap3A_18 = arith.constant 0 : index
    %swap3A_19 = arith.constant 0 : index
    %swap3A_20 = vector.load %arg4[%swap3A_18, %swap3A_19] : memref<10000x64xbf16, #tpu.memory_space<vmem>>, vector<10000x64xbf16>
    tpu.vector_store %arg4[%swap3A_18, %swap3A_19], %convert_element_type3A_17 {strides = array<i32>} : memref<10000x64xbf16, #tpu.memory_space<vmem>>, vector<10000x64xbf16>,
    return
  }
}

</mosaic_0001>

<sc_bundles>
// kernel: kernel.4.cloned.1.call-start
scs
__scs_entry_jumppad:
0x0: {  	(pc) =	sbr.rel $0x88, $3  }
0x1: {  	(tag) =	ssettag $0x0;
	lr =	simm.s32 $0x1  }
0x2: {  	[smem:$0x3F9B] =	sst lr;
	_ =	strace $0xD0000000  }
0x3: {  	_ = 	snop  }
0x4: {  	_ = 	snop  }
0x5: {  	_ = 	snop  }
0x6: {  	_ = 	snop  }
0x7: {  	_ = 	snop  }
__scs_overlays_trampoline_lowered:
0x8: {  	[smem:$0x3FAA] =	sst s0  }
0x9: {  	[smem:$0x3FAB] =	sst s1  }
0xa: {  	[smem:$0x3FAC] =	sst s2  }
0xb: {  	[smem:$0x3FAD] =	sst s3  }
0xc: {  	[smem:$0x3FAE] =	sst s4  }
0xd: {  	[smem:$0x3FAF] =	sst s5  }
0xe: {  	[smem:$0x3FB0] =	sst s6  }
0xf: {  	[smem:$0x3FB1] =	sst s7  }
0x10: {  	[smem:$0x3FB2] =	sst s8  }
0x11: {  	[smem:$0x3FB3] =	sst s9;
	s0 =	simm.s32 @!p0 $0x0  }
0x12: {  	s1 =	sld [smem:$0x3F99];
	s0 =	simm.s32 @p0 $0x1  }
0x13: {  	[smem:$0x3FB4] =	sst s0;
	s0 =	simm.s32 @!p1 $0x0  }
0x14: {  	s2 =	sld [smem:$0x3F98];
	s0 =	simm.s32 @p1 $0x1  }
0x15: {  	[smem:$0x3FB5] =	sst s0;
	s0 =	simm.s32 @!p2 $0x0  }
0x16: {  	s3 =	sld [smem:$0x3FDB];
	s0 =	simm.s32 @p2 $0x1  }
0x17: {  	s4 =	simm.s32 $0x1BF5;
	[smem:$0x3FB7] =	sst s0  }
0x18: {  	s0 =	sld [smem:$0x3F9A];
	_ =	swait.ge [sflag:s4], $0x0  }
0x19: {  	s7 =	sld [smem:$0x3F9B]  }
0x1a: {  	s8 =	sadd.s32 $0xFFFFE003, lr  }
0x1b: {  	s9 =	sadd.s32 $0xFFFFFEF7, lr;
	s5 =	simm.s32 $0xFFFFFFFF;
	p2 =	slt.u32 s8, $0xFFFFF086  }
0x1c: {  	p1 =	slt.u32 s9, $0xF7A;
	s5 =	simm.s32 @!p2 $0x0  }
0x1d: {  	s5 =	simm.s32 @p1 $0x1;
	p0 =	seq.s32 s7, s2  }
0x1e: {  	s7 =	smul.u32 @!p0 $0xF7A, s2;
	p2 =	seq.s32 @!p0 s5, $0x0  }
0x1f: {  	s9 =	smul.u32 $0xF7A, s1;
	s8 =	simm.s32 @!p0 $0x1BF5;
	p2 =	por !p2, p0  }
0x20: {  	[sflag:s8] =	ssyncset.s32 @!p0 $0xFFFFF086;
	s6 =	sadd.s32 @!p0 s3, s7;
	s7 =	simm.s32 @!p0 $0x108  }
0x21: {  	s3 =	sadd.s32 s3, s9;
	s6 =	sadd.s32 @!p0 $0x88, s6;
	s7 =	simm.s32 @p2 $0x1082  }
0x22: {  	[simem:s7], [sflag:s8] =	dma.local @!p0 [hbm:s6], $0xF7A  }
0x23: {  	s9 =	sor.u32 $0xD0000000, s2;
	s6 =	simm.s32 $0x108;
	_ =	swait.ge @!p0 [sflag:s8], $0x0  }
0x24: {  	s3 =	sadd.s32 $0x88, s3;
	s6 =	simm.s32 @!p1 $0x1082;
	[sflag:s4] =	ssyncset.s32 $0xFFFFF086  }
0x25: {  	[simem:s6], [sflag:s4] =	dma.local [hbm:s3], $0xF7A  }
0x26: {  	[smem:$0x3F9B] =	sst s1;
	(tag) =	ssettag s2;
	_ =	strace s9  }
0x27: {  	s1 =	sld [smem:$0x3FAB]  }
0x28: {  	s2 =	sld [smem:$0x3FAC]  }
0x29: {  	s4 =	sld [smem:$0x3FAE]  }
0x2a: {  	p0 =	seq.s32 s5, $0x0;
	s5 =	sld [smem:$0x3FAF]  }
0x2b: {  	s6 =	sld [smem:$0x3FB0]  }
0x2c: {  	s7 =	sld [smem:$0x3FB1]  }
0x2d: {  	s3 =	simm.s32 $0x108;
	s8 =	sld [smem:$0x3FB2]  }
0x2e: {  	s3 =	simm.s32 @!p0 $0x1082;
	s9 =	sld [smem:$0x3FB3]  }
0x2f: {  	lr =	sadd.s32 s0, s3;
	s0 =	sld [smem:$0x3FAA]  }
0x30: {  	s3 =	sld [smem:$0x3FAD]  }
0x31: {  	[smem:$0x3FB6] =	sst s10  }
0x32: {  	s10 =	sld [smem:$0x3FB4];
	_ =	sdelay $0x3  }
0x33: {  	p0 =	seq.s32 s10, $0x1;
	s10 =	sld [smem:$0x3FB6];
	_ =	sdelay $0x3  }
0x34: {  	[smem:$0x3FB6] =	sst s10  }
0x35: {  	s10 =	sld [smem:$0x3FB5];
	_ =	sdelay $0x3  }
0x36: {  	p1 =	seq.s32 s10, $0x1;
	s10 =	sld [smem:$0x3FB6];
	_ =	sdelay $0x3  }
0x37: {  	[smem:$0x3FB6] =	sst s10  }
0x38: {  	s10 =	sld [smem:$0x3FB7]  }
0x39: {  	_ = 	snop;
	(pc) =	sbr.ind lr, $3  }
0x3a: {  	_ = 	snop  }
0x3b: {  	_ = 	snop  }
0x3c: {  	p2 =	seq.s32 s10, $0x1;
	s10 =	sld [smem:$0x3FB6]  }
0x3d: {  	_ =	shalt  }
0x3e: {  	_ =	shalt  }
0x3f: {  	_ =	shalt  }
0x40: {  	_ =	shalt  }
0x41: {  	_ =	shalt  }
0x42: {  	_ =	shalt  }
0x43: {  	_ =	shalt  }
0x44: {  	_ =	shalt  }
0x45: {  	_ =	shalt  }
0x46: {  	_ =	shalt  }
0x47: {  	_ =	shalt  }
0x48: {  	_ =	shalt  }
0x49: {  	_ =	shalt  }
0x4a: {  	_ =	shalt  }
0x4b: {  	_ =	shalt  }
0x4c: {  	_ =	shalt  }
0x4d: {  	_ =	shalt  }
0x4e: {  	_ =	shalt  }
0x4f: {  	_ =	shalt  }
0x50: {  	_ =	shalt  }
0x51: {  	_ =	shalt  }
0x52: {  	_ =	shalt  }
0x53: {  	_ =	shalt  }
0x54: {  	_ =	shalt  }
0x55: {  	_ =	shalt  }
0x56: {  	_ =	shalt  }
0x57: {  	_ =	shalt  }
0x58: {  	_ =	shalt  }
0x59: {  	_ =	shalt  }
0x5a: {  	_ =	shalt  }
0x5b: {  	_ =	shalt  }
0x5c: {  	_ =	shalt  }
0x5d: {  	_ =	shalt  }
0x5e: {  	_ =	shalt  }
0x5f: {  	_ =	shalt  }
0x60: {  	_ =	shalt  }
0x61: {  	_ =	shalt  }
0x62: {  	_ =	shalt  }
0x63: {  	_ =	shalt  }
0x64: {  	_ =	shalt  }
0x65: {  	_ =	shalt  }
0x66: {  	_ =	shalt  }
0x67: {  	_ =	shalt  }
0x68: {  	_ =	shalt  }
0x69: {  	_ =	shalt  }
0x6a: {  	_ =	shalt  }
0x6b: {  	_ =	shalt  }
0x6c: {  	_ =	shalt  }
0x6d: {  	_ =	shalt  }
0x6e: {  	_ =	shalt  }
0x6f: {  	_ =	shalt  }
0x70: {  	_ =	shalt  }
0x71: {  	_ =	shalt  }
0x72: {  	_ =	shalt  }
0x73: {  	_ =	shalt  }
0x74: {  	_ =	shalt  }
0x75: {  	_ =	shalt  }
0x76: {  	_ =	shalt  }
0x77: {  	_ =	shalt  }
0x78: {  	_ =	shalt  }
0x79: {  	_ =	shalt  }
0x7a: {  	_ =	shalt  }
0x7b: {  	_ =	shalt  }
0x7c: {  	_ =	shalt  }
0x7d: {  	_ =	shalt  }
0x7e: {  	_ =	shalt  }
0x7f: {  	_ =	shalt  }
0x80: {  	_ =	shalt  }
0x81: {  	_ =	shalt  }
0x82: {  	_ =	shalt  }
0x83: {  	_ =	shalt  }
0x84: {  	_ =	shalt  }
0x85: {  	_ =	shalt  }
0x86: {  	_ =	shalt  }
0x87: {  	_ =	shalt  }
.Lfunc_end0:
.L_simem_size_0:
called_computation_lowered:
.L_overlay_start_0:
0x88: {  	s2 =	sld [smem:$0x3FD9]  }
0x89: {  	s3 =	sld [smem:$0x3FFE];
	_ =	sdelay $0x1  }
0x8a: {  	s1 =	srdreg.scid  }
0x8b: {  	s0 =	sand.u32 $0x1, s1  }
0x8c: {  	s17 =	sshll.u32 s0, $0xA;
	s2 =	sadd.s32 s3, s2  }
0x8d: {  	s2 =	sadd.s32 s2, s17  }
0x8e: {  	[smem:$0x3FC2] =	sst s2  }
0x8f: {  	_ = 	snop  }
0x90: {  	s2 =	sld [smem:$0x3FD0];
	(tm) =	ssettm $0x1  }
0x91: {  	s18 =	sld [smem:$0x3FFB];
	_ =	sdelay $0x3  }
0x92: {  	_ =	strace s18  }
0x93: {  	s3 =	sld [smem:$0x3FFC];
	_ =	sdelay $0x3  }
0x94: {  	_ =	strace s3  }
0x95: {  	s3 =	sld [smem:$0x3FFD];
	_ =	sdelay $0x3  }
0x96: {  	_ =	strace s3  }
0x97: {  	_ =	strace $0x8FFFFFFF  }
0x98: {  	s19 =	sld [smem:$0x3FDB];
	_ =	sdelay $0x1  }
0x99: {  	s4 =	simm.s32 $_scs_section_size  }
0x9a: {  	s5 =	simm.s32 $_size__tile_overlayer_lowered;
	s6 =	simm.s32 $_tile_overlayer_lowered  }
0x9b: {  	s22 =	simm.s32 $0x1BFF;
	s21 =	sshll.u32 s6, $0x1;
	s3 =	sadd.s32 s4, s19  }
0x9c: {  	s7 =	simm.s32 $0x0;
	s20 =	sshll.u32 s5, $0x1;
	s5 =	sadd.s32 s21, s3  }
0x9d: {  	[timem:s7], [sflag:s22] =	dma.local [hbm:s5], s20  }
0x9e: {  	_ =	swait.ge [sflag:s22], s20  }
0x9f: {  	s4 =	ssub.s32 $0x0, s20;
	[sflag:s22] =	ssyncset.done $0x0  }
0xa0: {  	[sflag:s22] =	ssyncadd.s32 s4;
	_ =	sdelay $0x1  }
0xa1: {  	s23 =	simm.s32 $0x1B8B  }
0xa2: {  	_ =	swait.ge [sflag:s23], $0x1  }
0xa3: {  	[sflag:s23] =	ssyncset.done $0x0  }
0xa4: {  	s25 =	simm.s32 $0x1B8E;
	s24 =	sld [smem:$0x3FFE];
	[sflag:s23] =	ssyncadd.s32 $0xFFFFFFFF  }
0xa5: {  	s26 =	simm.s32 $execute0_lowered;
	[smem:$0x3FD2] =	sst s25  }
0xa6: {  	s5 =	sshll.u32 s26, $0x1;
	_ =	strace $0x80000046;
	[dreg:$0x1] =	wrdreg $0xFFFFFFFF  }
0xa7: {  	s28 =	simm.s32 $_size_execute0_lowered;
	s3 =	sadd.s32 s3, s5;
	[dreg:$0x0] =	wrdreg $0x0  }
0xa8: {  	s5 =	sshll.u32 s28, $0x1;
	[dreg:$0x2] =	wrdreg s3  }
0xa9: {  	[dreg:$0x3] =	wrdreg s5  }
0xaa: {  	[dreg:$0x4] =	wrdreg $0xC0  }
0xab: {  	_ =	task [dreg:s7], $0x5FFFF  }
0xac: {  	[dreg:$0x1] =	wrdreg $0xFFFFFFFF  }
0xad: {  	[dreg:$0x0] =	wrdreg $0x60  }
0xae: {  	[dreg:$0x2] =	wrdreg s2  }
0xaf: {  	[dreg:$0x3] =	wrdreg s24  }
0xb0: {  	[dreg:$0x4] =	wrdreg $0x0  }
0xb1: {  	[dreg:$0x5] =	wrdreg $0x4E200  }
0xb2: {  	[dreg:$0x6] =	wrdreg $0x9  }
0xb3: {  	_ =	task.clear_ibuf [dreg:s7], $0x7FFFF;
	_ =	strace $0x90000046  }
0xb4: {  	s29 =	simm.s32 $0x9;
	_ =	strace $0x80000048  }
0xb5: {  	_ =	swait.ge [sflag:s29], $0x1  }
0xb6: {  	[sflag:s29] =	ssyncadd.s32 $0xFFFFFFFF  }
0xb7: {  	_ =	strace $0x90000048  }
0xb8: {  	_ =	sfence  }
0xb9: {  	s30 =	sld [smem:$0x0];
	_ =	sdelay $0x2  }
0xba: {  	s31 =	sshll.u32 s1, $0xD;
	s1 =	sshrl.u32 s1, $0x2  }
0xbb: {  	s3 =	sand.u32 $0x4000, s31;
	s1 =	sadd.s32 s1, s30  }
0xbc: {  	s0 =	sor.u32 s3, s0;
	s1 =	sshll.u32 s1, $0x11  }
0xbd: {  	s0 =	sor.u32 s1, s0  }
0xbe: {  	s0 =	sadd.s32 $0x8F2B, s0  }
0xbf: {  	[sflag:s0] =	ssyncadd.remote.s32 $0x1  }
0xc0: {  	_ =	sfence.sel $0xFFFF  }
0xc1: {  	[dreg:$0x0] =	wrdreg $0xFFFFFFFF;
	(pc) =	sbr.abs _section_cstart, $3  }
0xc2: {  	[dreg:$0x1] =	wrdreg $0xFFFFFFFF  }
0xc3: {  	_ =	task.clear_ibuf [dreg:s7], $0x2FFFF;
	_ =	strace $0x9FFFFFFF  }
0xc4: {  	(tm) =	ssettm $0x7FFFFFFF  }
0xc5: {  	_ =	shalt  }
tec
execute0_lowered:
.L_overlay_start_1:
0x0: {  	(tag) =	ssettag $0x1  }
0x1: {  	s1 =	rddreg [dreg:$0x0]  }
0x2: {  	vm0 =	vcmask $0xB08;
	s3 =	rddreg [dreg:$0x1]  }
0x3: {  	vm1 =	vcmask $0x300;
	s0 =	rddreg [dreg:$0x2];
	v0 =	vimm.s32 $0xEFCDAB89;
	v1 =	vimm.s32 $0x67452301  }
0x4: {  	s2 =	rddreg [dreg:$0x3];
	v2 =	vimm.s32 $0xDCFE98BA;
	v3 =	vimm.s32 $0xBA98FEDC;
	v4 =	vimm.s32 $0x32107654  }
0x5: {  	s11 =	stileid.u32;
	s4 =	srdreg.scid;
	vm2 =	vcmask $0x700;
	s14 =	simm.s32 $0x7;
	vm0 =	vmor vm1, vm0;
	vm1 =	vcmask $0x1310  }
0x6: {  	s19 =	simm.s32 $0x50;
	s28 =	simm.s32 $0x2;
	s29 =	simm.s32 $0x11260;
	v0 =	vunpack.c.l.s4.s8 v0;
	v1 =	vunpack.c.l.s4.s8 v1;
	v3 =	vunpack.c.l.s4.s8 v3  }
0x7: {  	s30 =	simm.s32 $0x11C60;
	s31 =	simm.s32 $0x3;
	s18 =	simm.s32 $0x6;
	v4 =	vunpack.c.l.s4.s8 v4;
	vm0 =	vmor vm0, vm1;
	vm1 =	vcmask $0x1B18  }
0x8: {  	s5 =	smul.u32 $0x9C40, s11;
	s6 =	sand.u32 $0x1, s4;
	s7 =	sshll.u32 s11, $0x1;
	vm0 =	vmor vm0, vm1;
	v0 =	vunpack.c.0.s8.s32 v0;
	v1 =	vunpack.c.0.s8.s32 v1  }
0x9: {  	s4 =	simm.s32 $0x0;
	s10 =	sadd.s32 $0x1EA00, s3;
	s22 =	sshll.u32 s11, $0x6;
	vm1 =	vcmask $0x2320;
	v3 =	vunpack.c.0.s8.s32 v3;
	v4 =	vunpack.c.0.s8.s32 v4  }
0xa: {  	s7 =	sor.u32 s6, s7;
	[smem:$0x7FF] =	sst s4;
	s6 =	ssub.s32 $0x2, s6;
	v0 =	vcombine.low v1, v0;
	v1 =	vunpack.c.l.s4.s8 v2;
	v2 =	vimm.s32 $0x54761032  }
0xb: {  	s8 =	sshrl.u32 s5, $0x4;
	s7 =	smul.u32 $0x2710, s7;
	_ =	strace $0x80000047;
	vm0 =	vmor vm0, vm1;
	vm1 =	vcmask $0x2B28;
	v2 =	vunpack.c.l.s4.s8 v2  }
0xc: {  	vm3 =	vcmask $0xF00;
	[dreg:$0x5] =	wrdreg s10;
	s20 =	sshrl.u32 s6, $0x1;
	s5 =	sshrl.u32 s5, $0x1;
	vm0 =	vmor vm0, vm1;
	vm1 =	vcmask $0x3330  }
0xd: {  	s9 =	sadd.s32 s8, s3;
	s6 =	ssub.s32 s6, s20;
	s21 =	sadd.s32 s5, s0;
	v3 =	vcombine.low v4, v3;
	v1 =	vunpack.c.0.s8.s32 v1;
	v2 =	vunpack.c.0.s8.s32 v2  }
0xe: {  	s1 =	sadd.s32 s1, s8;
	s23 =	sadd.s32 s5, s2;
	s20 =	simm.s32 $0xEA60;
	v4 =	vimm.s32 $0x76543210;
	vm0 =	vmor vm0, vm1;
	vm1 =	vcmask $0x3B38  }
0xf: {  	s7 =	sshrl.u32 s7, $0x3;
	[dreg:$0x6] =	wrdreg s1;
	s24 =	sadd.s32 $0x1000, s9;
	v4 =	vunpack.c.l.s4.s8 v4;
	v1 =	vcombine.low v2, v1;
	v2 =	vimm.s32 $0xFEDCBA98  }
0x10: {  	s12 =	smax.u32 s6, $0x1;
	s13 =	sshrl.u32 s21, $0x3;
	s15 =	sshrl.u32 s23, $0x3;
	vm0 =	vmor vm0, vm1;
	vm1 =	vcmask $0x1710;
	v2 =	vunpack.c.l.s4.s8 v2  }
0x11: {  	s21 =	simm.s32 $0xF460;
	s23 =	simm.s32 $0xFE60;
	s1 =	simm.s32 $0x5;
	v0 =	vand.u32 $0xF, v0;
	vm1 =	vmor vm2, vm1;
	vm2 =	vcmask $0x2720  }
0x12: {  	s3 =	sadd.s32 s7, s3;
	s7 =	sor.u32 $0x1C07, s22;
	[dreg:$0x7] =	wrdreg s24;
	vm1 =	vmor vm1, vm2;
	vm2 =	vcmask $0x3730;
	v2 =	vunpack.c.0.s8.s32 v2  }
0x13: {  	s24 =	simm.s32 $0x0;
	s25 =	sadd.s32 $0xAE00, s3;
	s26 =	sadd.s32 $0x14A40, s3;
	v4 =	vunpack.c.0.s8.s32 v4;
	vm1 =	vmor vm1, vm2;
	vm2 =	vcmask $0x2F20  }
0x14: {  	s11 =	sadd.s32 $0x1EC00, s3;
	s3 =	simm.s32 $0x4;
	[dreg:$0x8] =	wrdreg s25;
	vm2 =	vmor vm3, vm2;
	vm3 =	vmmov $0xff;
	v5 =	vand.u32 $0xF, v2  }
0x15: {  	[dreg:$0x9] =	wrdreg s26;
	s25 =	simm.s32 $0x10860;
	s26 =	simm.s32 $0x1;
	v1 =	vand.u32 $0xF, v1;
	v2 =	vand.u32 $0xF, v3;
	v3 =	vcombine.low v5, v4  }
.LBB2_1:
0x16: {  	s5 =	rddreg [dreg:$0x6]  }
0x17: {  	[spmem:s13], [sflag:s7] =	dma.local [hbm:s5], $0x9C4  }
0x18: {  	_ =	swait.ge [sflag:s14], $0x9C4  }
0x19: {  	[sflag:s14] =	ssyncset.done $0x0  }
0x1a: {  	s8 =	rddreg [dreg:$0x7];
	[sflag:s14] =	ssyncadd.s32 $0xFFFFF63C  }
0x1b: {  	[spmem:s15], [sflag:s7] =	dma.local [hbm:s8], $0x9C4  }
0x1c: {  	_ =	swait.ge [sflag:s14], $0x9C4  }
0x1d: {  	[sflag:s14] =	ssyncset.done $0x0  }
0x1e: {  	s6 =	simm.s32 $0x9C40;
	s9 =	rddreg [dreg:$0x8];
	[sflag:s14] =	ssyncadd.s32 $0xFFFFF63C  }
0x1f: {  	[tilespmem:s6], [sflag:$0x7] =	stream.linear.gather [hbm4b:s9+s4], $0x2710, $0x38;
	[tilespmem:$0x14DC0] =	vst v63  }
0x20: {  	_ =	swait.ge [sflag:s14], $0x2710  }
0x21: {  	[sflag:s14] =	ssyncset.done $0x0  }
0x22: {  	s8 =	simm.s32 $0xC350;
	s10 =	rddreg [dreg:$0x9];
	[sflag:s14] =	ssyncadd.s32 $0xFFFFD8F0  }
0x23: {  	[tilespmem:s8], [sflag:$0x7] =	stream.linear.gather [hbm4b:s10+s4], $0x2710, $0x38;
	[tilespmem:$0x14DC0] =	vst v63  }
0x24: {  	_ =	swait.ge [sflag:s14], $0x2710  }
0x25: {  	[sflag:s14] =	ssyncset.done $0x0  }
0x26: {  	s9 =	simm.s32 $0x12660;
	s16 =	rddreg [dreg:$0x5];
	[sflag:s14] =	ssyncadd.s32 $0xFFFFD8F0  }
0x27: {  	[tilespmem:s9], [sflag:$0x7] =	stream.linear.gather [hbm4b:s16+s4], $0x50, $0x38;
	[tilespmem:$0x14DC0] =	vst v63  }
0x28: {  	_ =	swait.ge [sflag:s14], $0x50  }
0x29: {  	[sflag:s14] =	ssyncset.done $0x0  }
0x2a: {  	[sflag:s14] =	ssyncadd.s32 $0xFFFFFFB0  }
0x2b: {  	[bflag:$0x0] =	sbarrier.arrive $0xFFFF  }
0x2c: {  	v4 =	vld [tilespmem:$0x12660]  }
0x2d: {  	v5 =	vld [tilespmem:$0x12670]  }
0x2e: {  	v6 =	vld [tilespmem:$0x12680]  }
0x2f: {  	v7 =	vld [tilespmem:$0x12690]  }
0x30: {  	v8 =	vld [tilespmem:$0x126A0];
	[tilespmem:s20], [sflag:$0x1] =	stream.indirect.gather [spmem:s0], $0x20, s6, s19, $0xb8  }
0x31: {  	_ = 	snop  }
0x32: {  	[tilespmem:s21], [sflag:$0x2] =	stream.indirect.gather [spmem:s2], $0x20, s8, s19, $0xb8;
	[tilespmem:$0x14DC0] =	vst v63  }
0x33: {  	s17 =	simm.s32 $0x9C90  }
0x34: {  	[tilespmem:s23], [sflag:$0x3] =	stream.indirect.gather [spmem:s0], $0x20, s17, s19, $0xb8;
	[tilespmem:$0x14DC0] =	vst v63  }
0x35: {  	s22 =	simm.s32 $0xC3A0;
	s5 =	simm.s32 $0x12750  }
0x36: {  	[tilespmem:s25], [sflag:$0x4] =	stream.indirect.gather [spmem:s2], $0x20, s22, s19, $0xb8;
	[tilespmem:$0x14DC0] =	vst v63  }
0x37: {  	s9 =	simm.s32 $0x126B0;
	s17 =	simm.s32 $0x0;
	s22 =	simm.s32 $0x12700  }
.LBB2_2:
0x38: {  	_ =	swait.ge [sflag:s26], $0xA00  }
0x39: {  	[sflag:s26] =	ssyncset.done $0x0  }
0x3a: {  	[sflag:s26] =	ssyncadd.s32 $0xFFFFF600  }
0x3b: {  	s6 =	smul.u32 $0xF0, s17;
	_ =	swait.ge [sflag:s28], $0xA00  }
0x3c: {  	[sflag:s28] =	ssyncset.done $0x0  }
0x3d: {  	s8 =	sadd.s32 $0x9CE0, s6;
	[sflag:s28] =	ssyncadd.s32 $0xFFFFF600  }
0x3e: {  	[tilespmem:s29], [sflag:$0x5] =	stream.indirect.gather [spmem:s0], $0x20, s8, s19, $0xb8;
	[tilespmem:$0x14DC0] =	vst v63  }
0x3f: {  	s16 =	sadd.s32 $0xC3F0, s6  }
0x40: {  	[tilespmem:s30], [sflag:$0x6] =	stream.indirect.gather [spmem:s2], $0x20, s16, s19, $0xb8;
	[tilespmem:$0x14DC0] =	vst v63  }
0x41: {  	s8 =	simm.s32 $0x7C0;
	s16 =	smov.u32 s9  }
.LBB2_3:
0x42: {  	s10 =	sshra.s32 s8, $0x2  }
0x43: {  	v9 =	vld [tilespmem:s10+$0xE870]  }
0x44: {  	v10 =	vld [tilespmem:s10+$0xF270]  }
0x45: {  	v11 =	vld [tilespmem:s10+$0xE880]  }
0x46: {  	v13 =	vld [tilespmem:s10+$0xF280]  }
0x47: {  	v15 =	vld [tilespmem:s10+$0xE8A0]  }
0x48: {  	v16 =	vld [tilespmem:s10+$0xF2A0]  }
0x49: {  	v38 =	vld [tilespmem:s10+$0xE8B0]  }
0x4a: {  	v17 =	vld [tilespmem:s10+$0xF2B0]  }
0x4b: {  	v41 =	vld [tilespmem:s10+$0xE8C0]  }
0x4c: {  	v19 =	vld [tilespmem:s10+$0xE8D0]  }
0x4d: {  	v42 =	vld [tilespmem:s10+$0xF2D0]  }
0x4e: {  	v44 =	vld [tilespmem:s10+$0xF2C0]  }
0x4f: {  	v50 =	vld [tilespmem:s10+$0xE900]  }
0x50: {  	v53 =	vld [tilespmem:s10+$0xF300];
	_ =	sdelay $0x1  }
0x51: {  	v9 =	vadd.bf16 v10, v9  }
0x52: {  	v12 =	vld [tilespmem:s10+$0xE890];
	v11 =	vadd.bf16 v13, v11;
	v15 =	vadd.bf16 v16, v15  }
0x53: {  	v21 =	vld [tilespmem:s10+$0xE910];
	v13 =	vadd.bf16 v17, v38;
	v17 =	vadd.bf16 v42, v19  }
0x54: {  	v51 =	vld [tilespmem:s10+$0xF310];
	v16 =	vadd.bf16 v44, v41;
	v19 =	vadd.bf16 v53, v50  }
0x55: {  	v56 =	vld [tilespmem:s10+$0xE920];
	v14 =	vunpack.i.l.bf16.f32 v9;
	v9 =	vunpack.i.u.bf16.f32 v9;
	v40 =	vunpack.i.l.bf16.f32 v11  }
0x56: {  	v22 =	vld [tilespmem:s10+$0xF320];
	v11 =	vunpack.i.u.bf16.f32 v11;
	v18 =	vunpack.i.l.bf16.f32 v15;
	v45 =	vunpack.i.l.bf16.f32 v13  }
0x57: {  	v62 =	vld [tilespmem:s10+$0xE940];
	v15 =	vunpack.i.u.bf16.f32 v15;
	v13 =	vunpack.i.u.bf16.f32 v13;
	v49 =	vunpack.i.l.bf16.f32 v16  }
0x58: {  	v29 =	vld [tilespmem:s10+$0xF340];
	v16 =	vunpack.i.u.bf16.f32 v16;
	v61 =	vunpack.i.l.bf16.f32 v19;
	v19 =	vunpack.i.u.bf16.f32 v19  }
0x59: {  	v33 =	vld [tilespmem:s10+$0xE960];
	v14 =	vmax.f32 v14, $0.0e+00;
	v9 =	vmax.f32 v9, $0.0e+00;
	v18 =	vmax.f32 v18, $0.0e+00  }
0x5a: {  	v10 =	vld [tilespmem:s10+$0xF290];
	v11 =	vmax.f32 v11, $0.0e+00;
	v15 =	vmax.f32 v15, $0.0e+00;
	v14 =	vmul.f32 v14, v4  }
0x5b: {  	v24 =	vld [tilespmem:s10+$0xF360];
	v13 =	vmax.f32 v13, $0.0e+00;
	v9 =	vmul.f32 v9, v5;
	v43 =	vmul.f32 v18, v6  }
0x5c: {  	v16 =	vmax.f32 v16, $0.0e+00;
	v11 =	vmul.f32 v11, v7;
	v15 =	vmul.f32 v15, v7  }
0x5d: {  	v19 =	vmax.f32 v19, $0.0e+00;
	v13 =	vmul.f32 v13, v5;
	v54 =	vmul.f32 v16, v7  }
0x5e: {  	v18 =	vadd.bf16 v51, v21;
	v16 =	vadd.bf16 v22, v56;
	v30 =	vmul.f32 v19, v7  }
0x5f: {  	v21 =	vadd.bf16 v29, v62;
	v10 =	vadd.bf16 v10, v12;
	v12 =	vmax.f32 v40, $0.0e+00  }
0x60: {  	v19 =	vadd.bf16 v24, v33;
	v37 =	vadd.f32 $0.0e+00, v14;
	v12 =	vmul.f32 v12, v6  }
0x61: {  	v59 =	vunpack.i.l.bf16.f32 v18;
	v18 =	vunpack.i.u.bf16.f32 v18;
	v22 =	vunpack.i.l.bf16.f32 v16  }
0x62: {  	v42 =	vld [tilespmem:s10+$0xE990];
	v16 =	vunpack.i.u.bf16.f32 v16;
	v24 =	vunpack.i.l.bf16.f32 v19;
	v19 =	vunpack.i.u.bf16.f32 v19  }
0x63: {  	v44 =	vld [tilespmem:s10+$0xF390];
	v39 =	vunpack.i.l.bf16.f32 v10;
	v10 =	vunpack.i.u.bf16.f32 v10;
	v18 =	vmax.f32 v18, $0.0e+00  }
0x64: {  	v22 =	vmax.f32 v22, $0.0e+00;
	v16 =	vmax.f32 v16, $0.0e+00;
	v24 =	vmax.f32 v24, $0.0e+00  }
0x65: {  	v19 =	vmax.f32 v19, $0.0e+00;
	v9 =	vadd.f32 v37, v9;
	v14 =	vmax.f32 v39, $0.0e+00  }
0x66: {  	v10 =	vmax.f32 v10, $0.0e+00;
	v18 =	vmul.f32 v18, v5;
	v28 =	vmul.f32 v22, v6  }
0x67: {  	v16 =	vmul.f32 v16, v7;
	v39 =	vunpack.i.l.bf16.f32 v21;
	v21 =	vunpack.i.u.bf16.f32 v21  }
0x68: {  	v46 =	vld [tilespmem:s10+$0xE8E0];
	v19 =	vmul.f32 v19, v7;
	v22 =	vadd.bf16 v44, v42;
	v14 =	vmul.f32 v14, v4  }
0x69: {  	v20 =	vld [tilespmem:s10+$0xF2E0];
	v10 =	vmul.f32 v10, v5;
	v21 =	vmax.f32 v21, $0.0e+00;
	v9 =	vadd.f32 v12, v9  }
0x6a: {  	v47 =	vld [tilespmem:s10+$0xE8F0];
	v12 =	vmax.f32 v45, $0.0e+00;
	v45 =	vmul.f32 v21, v7;
	v53 =	vunpack.i.l.bf16.f32 v22  }
0x6b: {  	v48 =	vld [tilespmem:s10+$0xF2F0];
	v22 =	vunpack.i.u.bf16.f32 v22;
	v14 =	vadd.f32 $0.0e+00, v14;
	v12 =	vmul.f32 v12, v4  }
0x6c: {  	v23 =	vld [tilespmem:s10+$0xE950];
	v56 =	vmax.f32 v22, $0.0e+00;
	v9 =	vadd.f32 v9, v11;
	v11 =	vunpack.i.l.bf16.f32 v17  }
0x6d: {  	v63 =	vld [tilespmem:s10+$0xF350];
	v17 =	vunpack.i.u.bf16.f32 v17;
	v10 =	vadd.f32 v14, v10;
	v12 =	vadd.f32 $0.0e+00, v12  }
0x6e: {  	v41 =	vld [tilespmem:s10+$0xF380];
	v11 =	vmax.f32 v11, $0.0e+00;
	v14 =	vadd.bf16 v20, v46;
	v17 =	vmax.f32 v17, $0.0e+00  }
0x6f: {  	v40 =	vld [tilespmem:s10+$0xE980];
	v11 =	vmul.f32 v11, v4;
	v17 =	vmul.f32 v17, v5;
	v10 =	vadd.f32 v43, v10  }
0x70: {  	v12 =	vadd.f32 v12, v13;
	v13 =	vmax.f32 v49, $0.0e+00;
	v20 =	vunpack.i.l.bf16.f32 v14  }
0x71: {  	v14 =	vunpack.i.u.bf16.f32 v14;
	v43 =	vmul.f32 v24, v6;
	v11 =	vadd.f32 $0.0e+00, v11  }
0x72: {  	v13 =	vmul.f32 v13, v6;
	v20 =	vmax.f32 v20, $0.0e+00;
	v14 =	vmax.f32 v14, $0.0e+00  }
0x73: {  	v10 =	vadd.f32 v10, v15;
	v15 =	vadd.bf16 v48, v47;
	v52 =	vmul.f32 v20, v6  }
0x74: {  	v26 =	vld [tilespmem:s10+$0xF3A0];
	v14 =	vmul.f32 v14, v7;
	v20 =	vadd.bf16 v63, v23;
	v23 =	vadd.bf16 v41, v40  }
0x75: {  	v48 =	vld [tilespmem:s10+$0xE9A0];
	v11 =	vadd.f32 v11, v17;
	v12 =	vadd.f32 v13, v12;
	v13 =	vmax.f32 v59, $0.0e+00  }
0x76: {  	v58 =	vld [tilespmem:s10+$0xE930];
	v55 =	vunpack.i.l.bf16.f32 v15;
	v15 =	vunpack.i.u.bf16.f32 v15;
	v13 =	vmul.f32 v13, v4  }
0x77: {  	v60 =	vld [tilespmem:s10+$0xF330];
	v36 =	vunpack.i.l.bf16.f32 v20;
	v17 =	vadd.f32 v52, v11;
	v11 =	vmax.f32 v55, $0.0e+00  }
0x78: {  	v20 =	vunpack.i.u.bf16.f32 v20;
	v51 =	vunpack.i.l.bf16.f32 v23;
	v11 =	vmul.f32 v11, v4  }
0x79: {  	v50 =	vld [tilespmem:s10+$0xF3B0];
	v15 =	vmax.f32 v15, $0.0e+00;
	v20 =	vmax.f32 v20, $0.0e+00;
	v13 =	vadd.f32 $0.0e+00, v13  }
0x7a: {  	v49 =	vld [tilespmem:s10+$0xE9B0];
	v15 =	vmul.f32 v15, v5;
	v21 =	vadd.bf16 v26, v48;
	v57 =	vadd.f32 $0.0e+00, v11  }
0x7b: {  	v35 =	vld [tilespmem:s10+$0xE970];
	v20 =	vmul.f32 v20, v5;
	v11 =	vadd.f32 v12, v54;
	v12 =	vadd.f32 v17, v14  }
0x7c: {  	v37 =	vld [tilespmem:s10+$0xF370];
	v17 =	vmax.f32 v61, $0.0e+00;
	v14 =	vadd.bf16 v60, v58;
	v13 =	vadd.f32 v13, v18  }
0x7d: {  	v55 =	vld [tilespmem:s10+$0xE9C0];
	v54 =	vunpack.i.u.bf16.f32 v23;
	v17 =	vmul.f32 v17, v6;
	v59 =	vunpack.i.l.bf16.f32 v21  }
0x7e: {  	v58 =	vld [tilespmem:s10+$0xF3C0];
	v21 =	vunpack.i.u.bf16.f32 v21;
	v15 =	vadd.f32 v57, v15;
	v31 =	vunpack.i.l.bf16.f32 v14  }
0x7f: {  	v18 =	vadd.f32 v28, v13;
	v14 =	vunpack.i.u.bf16.f32 v14;
	v57 =	vadd.bf16 v50, v49  }
0x80: {  	v62 =	vld [tilespmem:s10+$0xF3D0];
	v32 =	vmax.f32 v31, $0.0e+00;
	v14 =	vmax.f32 v14, $0.0e+00;
	v15 =	vadd.f32 v17, v15  }
0x81: {  	v33 =	vld [tilespmem:s10+$0xF3E0];
	v13 =	vmul.f32 v32, v4;
	v25 =	vmul.f32 v14, v5;
	v14 =	vadd.f32 v18, v16  }
0x82: {  	v48 =	vld [tilespmem:s10+$0xEA20];
	v18 =	vmax.f32 v39, $0.0e+00;
	v16 =	vadd.bf16 v37, v35;
	v61 =	vunpack.i.l.bf16.f32 v57  }
0x83: {  	v60 =	vld [tilespmem:s10+$0xE9D0];
	v31 =	vunpack.i.u.bf16.f32 v57;
	v18 =	vmul.f32 v18, v6;
	v23 =	vadd.bf16 v58, v55  }
0x84: {  	v50 =	vld [tilespmem:s10+$0xF420];
	v29 =	vmax.f32 v61, $0.0e+00;
	v34 =	vadd.f32 $0.0e+00, v13;
	v13 =	vadd.f32 v15, v30  }
0x85: {  	v32 =	vld [tilespmem:s10+$0xE9E0];
	v15 =	vmax.f32 v36, $0.0e+00;
	v46 =	vunpack.i.l.bf16.f32 v16;
	v16 =	vunpack.i.u.bf16.f32 v16  }
0x86: {  	v30 =	vmax.f32 v21, $0.0e+00;
	v21 =	vmax.f32 v31, $0.0e+00;
	v15 =	vmul.f32 v15, v4  }
0x87: {  	v47 =	vmax.f32 v46, $0.0e+00;
	v16 =	vmax.f32 v16, $0.0e+00;
	v21 =	vmul.f32 v21, v5  }
0x88: {  	v38 =	vadd.f32 v34, v25;
	v28 =	vmul.f32 v16, v5;
	v34 =	vadd.bf16 v62, v60  }
0x89: {  	v25 =	vmax.f32 v59, $0.0e+00;
	v60 =	vadd.bf16 v50, v48;
	v15 =	vadd.f32 $0.0e+00, v15  }
0x8a: {  	v63 =	vmul.f32 v25, v6;
	v25 =	vmul.f32 v29, v4;
	v22 =	vadd.bf16 v33, v32  }
0x8b: {  	v44 =	vld [tilespmem:s10+$0xF410];
	v17 =	vadd.f32 v18, v38;
	v18 =	vmul.f32 v56, v5;
	v38 =	vunpack.i.l.bf16.f32 v23  }
0x8c: {  	v41 =	vld [tilespmem:s10+$0xEA10];
	v23 =	vunpack.i.u.bf16.f32 v23;
	v24 =	vunpack.i.u.bf16.f32 v34;
	v15 =	vadd.f32 v15, v20  }
0x8d: {  	v40 =	vld [tilespmem:s10+$0xEA00];
	v25 =	vadd.f32 $0.0e+00, v25;
	v23 =	vmax.f32 v23, $0.0e+00;
	v24 =	vmax.f32 v24, $0.0e+00  }
0x8e: {  	v29 =	vld [tilespmem:s10+$0xF400];
	v39 =	vunpack.i.l.bf16.f32 v34;
	v24 =	vmul.f32 v24, v5;
	v42 =	vmul.f32 v23, v7  }
0x8f: {  	v20 =	vadd.f32 v43, v15;
	v15 =	vmul.f32 v47, v4;
	v37 =	vadd.f32 v25, v21  }
0x90: {  	v21 =	vmax.f32 v38, $0.0e+00;
	v25 =	vmax.f32 v39, $0.0e+00;
	v43 =	vunpack.i.l.bf16.f32 v22  }
0x91: {  	v22 =	vunpack.i.u.bf16.f32 v22;
	v47 =	vadd.bf16 v44, v41;
	v44 =	vsel vm0, v12, v11  }
0x92: {  	v55 =	vld [tilespmem:s10+$0xEA50];
	v21 =	vmul.f32 v21, v6;
	v25 =	vmul.f32 v25, v4;
	v23 =	vmax.f32 v43, $0.0e+00  }
0x93: {  	v56 =	vld [tilespmem:s10+$0xF450];
	v22 =	vmax.f32 v22, $0.0e+00;
	v49 =	vadd.bf16 v29, v40;
	v43 =	vsel vm0, v10, v9  }
0x94: {  	v9 =	vsel vm0, v9, v10;
	v10 =	vsel vm0, v11, v12;
	v27 =	vadd.f32 $0.0e+00, v15  }
0x95: {  	v15 =	vadd.f32 v17, v45;
	v16 =	vadd.f32 v20, v19;
	v17 =	vmax.f32 v51, $0.0e+00  }
0x96: {  	v19 =	vmax.f32 v53, $0.0e+00;
	v20 =	vmax.f32 v54, $0.0e+00;
	v23 =	vmul.f32 v23, v6  }
0x97: {  	v35 =	vld [tilespmem:s10+$0xE9F0];
	v22 =	vmul.f32 v22, v7;
	v51 =	vunpack.i.l.bf16.f32 v47;
	v17 =	vmul.f32 v17, v6  }
0x98: {  	v59 =	vld [tilespmem:s10+$0xF460];
	v62 =	vadd.bf16 v56, v55;
	v19 =	vmul.f32 v19, v4;
	v20 =	vmul.f32 v20, v7  }
0x99: {  	v34 =	vld [tilespmem:s10+$0xEA60];
	v25 =	vadd.f32 $0.0e+00, v25;
	v53 =	vunpack.i.l.bf16.f32 v49;
	v52 =	vadd.f32 v27, v28  }
0x9a: {  	v36 =	vld [tilespmem:s10+$0xF3F0];
	v28 =	vmax.f32 v53, $0.0e+00;
	v27 =	vunpack.i.u.bf16.f32 v62;
	v19 =	vadd.f32 $0.0e+00, v19  }
0x9b: {  	v31 =	vld [tilespmem:s10+$0xF430];
	v24 =	vadd.f32 v25, v24;
	v27 =	vmax.f32 v27, $0.0e+00;
	v17 =	vadd.f32 v17, v52  }
0x9c: {  	v33 =	vld [tilespmem:s10+$0xF440];
	v28 =	vmul.f32 v28, v6;
	v27 =	vmul.f32 v27, v5;
	v18 =	vadd.f32 v19, v18  }
0x9d: {  	v52 =	vld [tilespmem:s10+$0xEA40];
	v19 =	vmul.f32 v30, v7;
	v23 =	vadd.f32 v23, v24;
	v17 =	vadd.f32 v17, v20  }
0x9e: {  	v30 =	vld [tilespmem:s10+$0xEA30];
	v20 =	vadd.f32 v21, v37;
	v21 =	vunpack.i.u.bf16.f32 v49;
	v37 =	vadd.bf16 v59, v34  }
0x9f: {  	v18 =	vadd.f32 v63, v18;
	v22 =	vadd.f32 v23, v22;
	v23 =	vmax.f32 v51, $0.0e+00  }
0xa0: {  	v21 =	vmax.f32 v21, $0.0e+00;
	v20 =	vadd.f32 v20, v42;
	v23 =	vmul.f32 v23, v4  }
0xa1: {  	v21 =	vmul.f32 v21, v7;
	v39 =	vunpack.i.l.bf16.f32 v37;
	v18 =	vadd.f32 v18, v19  }
0xa2: {  	v40 =	vunpack.i.u.bf16.f32 v37;
	v19 =	vadd.bf16 v36, v35;
	v24 =	vadd.bf16 v33, v52  }
0xa3: {  	v35 =	vunpack.i.l.bf16.f32 v60;
	v36 =	vunpack.i.l.bf16.f32 v62;
	v54 =	vadd.bf16 v31, v30  }
0xa4: {  	v23 =	vadd.f32 $0.0e+00, v23;
	v29 =	vmax.f32 v35, $0.0e+00;
	v49 =	vsel vm0, v22, v20  }
0xa5: {  	v51 =	vsel vm0, v20, v22;
	v45 =	vunpack.i.l.bf16.f32 v19;
	v19 =	vunpack.i.u.bf16.f32 v19  }
0xa6: {  	v38 =	vunpack.i.l.bf16.f32 v24;
	v29 =	vmul.f32 v29, v6;
	v24 =	vunpack.i.u.bf16.f32 v24  }
0xa7: {  	v48 =	vsel vm0, v18, v17;
	v50 =	vsel vm0, v17, v18;
	v25 =	vmax.f32 v45, $0.0e+00  }
0xa8: {  	v19 =	vmax.f32 v19, $0.0e+00;
	v32 =	vunpack.i.l.bf16.f32 v54;
	v25 =	vmul.f32 v25, v4  }
0xa9: {  	v57 =	vunpack.i.u.bf16.f32 v54;
	v31 =	vmax.f32 v38, $0.0e+00;
	v24 =	vmax.f32 v24, $0.0e+00  }
0xaa: {  	v45 =	vsel vm0, v14, v13;
	v19 =	vmul.f32 v19, v5;
	v46 =	vadd.f32 $0.0e+00, v25  }
0xab: {  	v32 =	vmax.f32 v32, $0.0e+00;
	v61 =	vmax.f32 v57, $0.0e+00;
	v31 =	vmul.f32 v31, v6  }
0xac: {  	v24 =	vmul.f32 v24, v7;
	v11 =	vperm.xlane v45, v0;
	v19 =	vadd.f32 v46, v19  }
0xad: {  	v58 =	vmul.f32 v32, v4;
	v26 =	vmul.f32 v61, v5;
	v25 =	vunpack.i.u.bf16.f32 v47  }
0xae: {  	v47 =	vsel vm0, v16, v15;
	v19 =	vadd.f32 v28, v19;
	v28 =	vmax.f32 v36, $0.0e+00  }
0xaf: {  	v25 =	vmax.f32 v25, $0.0e+00;
	v63 =	vadd.f32 $0.0e+00, v58;
	v28 =	vmul.f32 v28, v4  }
0xb0: {  	v15 =	vsel vm0, v15, v16;
	v12 =	vperm.xlane v47, v0;
	v25 =	vmul.f32 v25, v5  }
0xb1: {  	v46 =	vsel vm0, v13, v14;
	v26 =	vadd.f32 v63, v26;
	v28 =	vadd.f32 $0.0e+00, v28  }
0xb2: {  	v13 =	vperm.xlane v48, v0;
	v11 =	vadd.f32 v11, v46;
	v12 =	vadd.f32 v12, v15  }
0xb3: {  	v23 =	vadd.f32 v23, v25;
	v27 =	vadd.f32 v28, v27;
	v28 =	vmax.f32 v39, $0.0e+00  }
0xb4: {  	v25 =	vunpack.i.u.bf16.f32 v60;
	v26 =	vadd.f32 v31, v26;
	v28 =	vmul.f32 v28, v6  }
0xb5: {  	v25 =	vmax.f32 v25, $0.0e+00;
	v23 =	vadd.f32 v29, v23;
	v29 =	vmax.f32 v40, $0.0e+00  }
0xb6: {  	v25 =	vmul.f32 v25, v7;
	v42 =	vmul.f32 v29, v7;
	v41 =	vadd.f32 v28, v27  }
0xb7: {  	v14 =	vperm.xlane v49, v0;
	v19 =	vadd.f32 v19, v21;
	v24 =	vadd.f32 v26, v24  }
0xb8: {  	v26 =	vperm.xlane v44, v0;
	v23 =	vadd.f32 v23, v25;
	v21 =	vadd.f32 v41, v42  }
0xb9: {  	v13 =	vadd.f32 v13, v50;
	v14 =	vadd.f32 v14, v51;
	v25 =	vperm.xlane v43, v0  }
0xba: {  	v10 =	vadd.f32 v26, v10;
	v52 =	vsel vm0, v23, v19;
	v53 =	vsel vm0, v21, v24  }
0xbb: {  	v9 =	vadd.f32 v25, v9;
	v15 =	vperm.xlane v52, v0;
	v16 =	vperm.xlane v53, v0  }
0xbc: {  	v57 =	vsel vm1, v14, v13;
	v55 =	vsel vm0, v19, v23;
	v56 =	vsel vm0, v24, v21  }
0xbd: {  	v54 =	vsel vm1, v10, v9;
	v15 =	vadd.f32 v15, v55;
	v16 =	vadd.f32 v16, v56  }
0xbe: {  	v9 =	vsel vm1, v9, v10;
	v10 =	vsel vm1, v12, v11;
	v17 =	vperm.xlane v54, v1  }
0xbf: {  	v58 =	vperm.xlane v57, v1;
	v10 =	vperm.xlane v10, v1;
	v18 =	vsel vm1, v16, v15  }
0xc0: {  	v11 =	vsel vm1, v11, v12;
	v9 =	vadd.f32 v17, v9;
	v59 =	vperm.xlane v18, v1  }
0xc1: {  	v10 =	vadd.f32 v10, v11;
	v11 =	vsel vm1, v13, v14;
	v60 =	vsel vm1, v15, v16  }
0xc2: {  	v11 =	vadd.f32 v58, v11;
	v61 =	vadd.f32 v59, v60;
	_ =	sdelay $0x1  }
0xc3: {  	v62 =	vsel vm2, v10, v9;
	v63 =	vsel vm2, v61, v11  }
0xc4: {  	v13 =	vperm.xlane v62, v2;
	v14 =	vperm.xlane v63, v2  }
0xc5: {  	v9 =	vsel vm2, v9, v10;
	v10 =	vsel vm2, v11, v61  }
0xc6: {  	v9 =	vadd.f32 v13, v9;
	v10 =	vadd.f32 v14, v10;
	_ =	sdelay $0x1  }
0xc7: {  	v11 =	vsel vm3, v10, v9  }
0xc8: {  	v11 =	vperm.xlane v11, v3  }
0xc9: {  	p0 =	sne.s32 s8, $0x27C0;
	v9 =	vsel vm3, v9, v10  }
.Ltmp0:
0xca: {  	v9 =	vadd.f32 v9, v11;
	(pc) =	sbr.rel @p0 .LBB2_3-.Ltmp0, $3  }
0xcb: {  	_ = 	snop  }
0xcc: {  	v9 =	vadd.f32 v9, v8;
	_ =	sdelay $0x1  }
0xcd: {  	s8 =	sadd.s32 $0x800, s8;
	[tilespmem:s16+$0x0] =	vst v9;
	s16 =	sadd.s32 $0x10, s16  }
0xce: {  	_ =	swait.ge [sflag:s31], $0xA00  }
0xcf: {  	[sflag:s31] =	ssyncset.done $0x0  }
0xd0: {  	[sflag:s31] =	ssyncadd.s32 $0xFFFFF600  }
0xd1: {  	_ =	swait.ge [sflag:s3], $0xA00  }
0xd2: {  	[sflag:s3] =	ssyncset.done $0x0  }
0xd3: {  	s8 =	sadd.s32 $0x9D30, s6;
	[sflag:s3] =	ssyncadd.s32 $0xFFFFF600  }
0xd4: {  	[tilespmem:s20], [sflag:$0x1] =	stream.indirect.gather [spmem:s0], $0x20, s8, s19, $0xb8;
	[tilespmem:$0x14DC0] =	vst v63  }
0xd5: {  	s16 =	sadd.s32 $0xC440, s6  }
0xd6: {  	[tilespmem:s21], [sflag:$0x2] =	stream.indirect.gather [spmem:s2], $0x20, s16, s19, $0xb8;
	[tilespmem:$0x14DC0] =	vst v63  }
0xd7: {  	s8 =	simm.s32 $0x7C0;
	s16 =	smov.u32 s22  }
.LBB2_5:
0xd8: {  	s10 =	sshra.s32 s8, $0x2  }
0xd9: {  	v9 =	vld [tilespmem:s10+$0xFC70]  }
0xda: {  	v10 =	vld [tilespmem:s10+$0x10670]  }
0xdb: {  	v11 =	vld [tilespmem:s10+$0xFC80]  }
0xdc: {  	v13 =	vld [tilespmem:s10+$0x10680]  }
0xdd: {  	v15 =	vld [tilespmem:s10+$0xFCA0]  }
0xde: {  	v16 =	vld [tilespmem:s10+$0x106A0]  }
0xdf: {  	v38 =	vld [tilespmem:s10+$0xFCB0]  }
0xe0: {  	v17 =	vld [tilespmem:s10+$0x106B0]  }
0xe1: {  	v41 =	vld [tilespmem:s10+$0xFCC0]  }
0xe2: {  	v19 =	vld [tilespmem:s10+$0xFCD0]  }
0xe3: {  	v42 =	vld [tilespmem:s10+$0x106D0]  }
0xe4: {  	v44 =	vld [tilespmem:s10+$0x106C0]  }
0xe5: {  	v50 =	vld [tilespmem:s10+$0xFD00]  }
0xe6: {  	v53 =	vld [tilespmem:s10+$0x10700];
	_ =	sdelay $0x1  }
0xe7: {  	v9 =	vadd.bf16 v10, v9  }
0xe8: {  	v12 =	vld [tilespmem:s10+$0xFC90];
	v11 =	vadd.bf16 v13, v11;
	v15 =	vadd.bf16 v16, v15  }
0xe9: {  	v21 =	vld [tilespmem:s10+$0xFD10];
	v13 =	vadd.bf16 v17, v38;
	v17 =	vadd.bf16 v42, v19  }
0xea: {  	v51 =	vld [tilespmem:s10+$0x10710];
	v16 =	vadd.bf16 v44, v41;
	v19 =	vadd.bf16 v53, v50  }
0xeb: {  	v56 =	vld [tilespmem:s10+$0xFD20];
	v14 =	vunpack.i.l.bf16.f32 v9;
	v9 =	vunpack.i.u.bf16.f32 v9;
	v40 =	vunpack.i.l.bf16.f32 v11  }
0xec: {  	v22 =	vld [tilespmem:s10+$0x10720];
	v11 =	vunpack.i.u.bf16.f32 v11;
	v18 =	vunpack.i.l.bf16.f32 v15;
	v45 =	vunpack.i.l.bf16.f32 v13  }
0xed: {  	v62 =	vld [tilespmem:s10+$0xFD40];
	v15 =	vunpack.i.u.bf16.f32 v15;
	v13 =	vunpack.i.u.bf16.f32 v13;
	v49 =	vunpack.i.l.bf16.f32 v16  }
0xee: {  	v29 =	vld [tilespmem:s10+$0x10740];
	v16 =	vunpack.i.u.bf16.f32 v16;
	v61 =	vunpack.i.l.bf16.f32 v19;
	v19 =	vunpack.i.u.bf16.f32 v19  }
0xef: {  	v33 =	vld [tilespmem:s10+$0xFD60];
	v14 =	vmax.f32 v14, $0.0e+00;
	v9 =	vmax.f32 v9, $0.0e+00;
	v18 =	vmax.f32 v18, $0.0e+00  }
0xf0: {  	v10 =	vld [tilespmem:s10+$0x10690];
	v11 =	vmax.f32 v11, $0.0e+00;
	v15 =	vmax.f32 v15, $0.0e+00;
	v14 =	vmul.f32 v14, v4  }
0xf1: {  	v24 =	vld [tilespmem:s10+$0x10760];
	v13 =	vmax.f32 v13, $0.0e+00;
	v9 =	vmul.f32 v9, v5;
	v43 =	vmul.f32 v18, v6  }
0xf2: {  	v16 =	vmax.f32 v16, $0.0e+00;
	v11 =	vmul.f32 v11, v7;
	v15 =	vmul.f32 v15, v7  }
0xf3: {  	v19 =	vmax.f32 v19, $0.0e+00;
	v13 =	vmul.f32 v13, v5;
	v54 =	vmul.f32 v16, v7  }
0xf4: {  	v18 =	vadd.bf16 v51, v21;
	v16 =	vadd.bf16 v22, v56;
	v30 =	vmul.f32 v19, v7  }
0xf5: {  	v21 =	vadd.bf16 v29, v62;
	v10 =	vadd.bf16 v10, v12;
	v12 =	vmax.f32 v40, $0.0e+00  }
0xf6: {  	v19 =	vadd.bf16 v24, v33;
	v37 =	vadd.f32 $0.0e+00, v14;
	v12 =	vmul.f32 v12, v6  }
0xf7: {  	v59 =	vunpack.i.l.bf16.f32 v18;
	v18 =	vunpack.i.u.bf16.f32 v18;
	v22 =	vunpack.i.l.bf16.f32 v16  }
0xf8: {  	v42 =	vld [tilespmem:s10+$0xFD90];
	v16 =	vunpack.i.u.bf16.f32 v16;
	v24 =	vunpack.i.l.bf16.f32 v19;
	v19 =	vunpack.i.u.bf16.f32 v19  }
0xf9: {  	v44 =	vld [tilespmem:s10+$0x10790];
	v39 =	vunpack.i.l.bf16.f32 v10;
	v10 =	vunpack.i.u.bf16.f32 v10;
	v18 =	vmax.f32 v18, $0.0e+00  }
0xfa: {  	v22 =	vmax.f32 v22, $0.0e+00;
	v16 =	vmax.f32 v16, $0.0e+00;
	v24 =	vmax.f32 v24, $0.0e+00  }
0xfb: {  	v19 =	vmax.f32 v19, $0.0e+00;
	v9 =	vadd.f32 v37, v9;
	v14 =	vmax.f32 v39, $0.0e+00  }
0xfc: {  	v10 =	vmax.f32 v10, $0.0e+00;
	v18 =	vmul.f32 v18, v5;
	v28 =	vmul.f32 v22, v6  }
0xfd: {  	v16 =	vmul.f32 v16, v7;
	v39 =	vunpack.i.l.bf16.f32 v21;
	v21 =	vunpack.i.u.bf16.f32 v21  }
0xfe: {  	v46 =	vld [tilespmem:s10+$0xFCE0];
	v19 =	vmul.f32 v19, v7;
	v22 =	vadd.bf16 v44, v42;
	v14 =	vmul.f32 v14, v4  }
0xff: {  	v20 =	vld [tilespmem:s10+$0x106E0];
	v10 =	vmul.f32 v10, v5;
	v21 =	vmax.f32 v21, $0.0e+00;
	v9 =	vadd.f32 v12, v9  }
0x100: {  	v47 =	vld [tilespmem:s10+$0xFCF0];
	v12 =	vmax.f32 v45, $0.0e+00;
	v45 =	vmul.f32 v21, v7;
	v53 =	vunpack.i.l.bf16.f32 v22  }
0x101: {  	v48 =	vld [tilespmem:s10+$0x106F0];
	v22 =	vunpack.i.u.bf16.f32 v22;
	v14 =	vadd.f32 $0.0e+00, v14;
	v12 =	vmul.f32 v12, v4  }
0x102: {  	v23 =	vld [tilespmem:s10+$0xFD50];
	v56 =	vmax.f32 v22, $0.0e+00;
	v9 =	vadd.f32 v9, v11;
	v11 =	vunpack.i.l.bf16.f32 v17  }
0x103: {  	v63 =	vld [tilespmem:s10+$0x10750];
	v17 =	vunpack.i.u.bf16.f32 v17;
	v10 =	vadd.f32 v14, v10;
	v12 =	vadd.f32 $0.0e+00, v12  }
0x104: {  	v41 =	vld [tilespmem:s10+$0x10780];
	v11 =	vmax.f32 v11, $0.0e+00;
	v14 =	vadd.bf16 v20, v46;
	v17 =	vmax.f32 v17, $0.0e+00  }
0x105: {  	v40 =	vld [tilespmem:s10+$0xFD80];
	v11 =	vmul.f32 v11, v4;
	v17 =	vmul.f32 v17, v5;
	v10 =	vadd.f32 v43, v10  }
0x106: {  	v12 =	vadd.f32 v12, v13;
	v13 =	vmax.f32 v49, $0.0e+00;
	v20 =	vunpack.i.l.bf16.f32 v14  }
0x107: {  	v14 =	vunpack.i.u.bf16.f32 v14;
	v43 =	vmul.f32 v24, v6;
	v11 =	vadd.f32 $0.0e+00, v11  }
0x108: {  	v13 =	vmul.f32 v13, v6;
	v20 =	vmax.f32 v20, $0.0e+00;
	v14 =	vmax.f32 v14, $0.0e+00  }
0x109: {  	v10 =	vadd.f32 v10, v15;
	v15 =	vadd.bf16 v48, v47;
	v52 =	vmul.f32 v20, v6  }
0x10a: {  	v26 =	vld [tilespmem:s10+$0x107A0];
	v14 =	vmul.f32 v14, v7;
	v20 =	vadd.bf16 v63, v23;
	v23 =	vadd.bf16 v41, v40  }
0x10b: {  	v48 =	vld [tilespmem:s10+$0xFDA0];
	v11 =	vadd.f32 v11, v17;
	v12 =	vadd.f32 v13, v12;
	v13 =	vmax.f32 v59, $0.0e+00  }
0x10c: {  	v58 =	vld [tilespmem:s10+$0xFD30];
	v55 =	vunpack.i.l.bf16.f32 v15;
	v15 =	vunpack.i.u.bf16.f32 v15;
	v13 =	vmul.f32 v13, v4  }
0x10d: {  	v60 =	vld [tilespmem:s10+$0x10730];
	v36 =	vunpack.i.l.bf16.f32 v20;
	v17 =	vadd.f32 v52, v11;
	v11 =	vmax.f32 v55, $0.0e+00  }
0x10e: {  	v20 =	vunpack.i.u.bf16.f32 v20;
	v51 =	vunpack.i.l.bf16.f32 v23;
	v11 =	vmul.f32 v11, v4  }
0x10f: {  	v50 =	vld [tilespmem:s10+$0x107B0];
	v15 =	vmax.f32 v15, $0.0e+00;
	v20 =	vmax.f32 v20, $0.0e+00;
	v13 =	vadd.f32 $0.0e+00, v13  }
0x110: {  	v49 =	vld [tilespmem:s10+$0xFDB0];
	v15 =	vmul.f32 v15, v5;
	v21 =	vadd.bf16 v26, v48;
	v57 =	vadd.f32 $0.0e+00, v11  }
0x111: {  	v35 =	vld [tilespmem:s10+$0xFD70];
	v20 =	vmul.f32 v20, v5;
	v11 =	vadd.f32 v12, v54;
	v12 =	vadd.f32 v17, v14  }
0x112: {  	v37 =	vld [tilespmem:s10+$0x10770];
	v17 =	vmax.f32 v61, $0.0e+00;
	v14 =	vadd.bf16 v60, v58;
	v13 =	vadd.f32 v13, v18  }
0x113: {  	v55 =	vld [tilespmem:s10+$0xFDC0];
	v54 =	vunpack.i.u.bf16.f32 v23;
	v17 =	vmul.f32 v17, v6;
	v59 =	vunpack.i.l.bf16.f32 v21  }
0x114: {  	v58 =	vld [tilespmem:s10+$0x107C0];
	v21 =	vunpack.i.u.bf16.f32 v21;
	v15 =	vadd.f32 v57, v15;
	v31 =	vunpack.i.l.bf16.f32 v14  }
0x115: {  	v18 =	vadd.f32 v28, v13;
	v14 =	vunpack.i.u.bf16.f32 v14;
	v57 =	vadd.bf16 v50, v49  }
0x116: {  	v62 =	vld [tilespmem:s10+$0x107D0];
	v32 =	vmax.f32 v31, $0.0e+00;
	v14 =	vmax.f32 v14, $0.0e+00;
	v15 =	vadd.f32 v17, v15  }
0x117: {  	v33 =	vld [tilespmem:s10+$0x107E0];
	v13 =	vmul.f32 v32, v4;
	v25 =	vmul.f32 v14, v5;
	v14 =	vadd.f32 v18, v16  }
0x118: {  	v48 =	vld [tilespmem:s10+$0xFE20];
	v18 =	vmax.f32 v39, $0.0e+00;
	v16 =	vadd.bf16 v37, v35;
	v61 =	vunpack.i.l.bf16.f32 v57  }
0x119: {  	v60 =	vld [tilespmem:s10+$0xFDD0];
	v31 =	vunpack.i.u.bf16.f32 v57;
	v18 =	vmul.f32 v18, v6;
	v23 =	vadd.bf16 v58, v55  }
0x11a: {  	v50 =	vld [tilespmem:s10+$0x10820];
	v29 =	vmax.f32 v61, $0.0e+00;
	v34 =	vadd.f32 $0.0e+00, v13;
	v13 =	vadd.f32 v15, v30  }
0x11b: {  	v32 =	vld [tilespmem:s10+$0xFDE0];
	v15 =	vmax.f32 v36, $0.0e+00;
	v46 =	vunpack.i.l.bf16.f32 v16;
	v16 =	vunpack.i.u.bf16.f32 v16  }
0x11c: {  	v30 =	vmax.f32 v21, $0.0e+00;
	v21 =	vmax.f32 v31, $0.0e+00;
	v15 =	vmul.f32 v15, v4  }
0x11d: {  	v47 =	vmax.f32 v46, $0.0e+00;
	v16 =	vmax.f32 v16, $0.0e+00;
	v21 =	vmul.f32 v21, v5  }
0x11e: {  	v38 =	vadd.f32 v34, v25;
	v28 =	vmul.f32 v16, v5;
	v34 =	vadd.bf16 v62, v60  }
0x11f: {  	v25 =	vmax.f32 v59, $0.0e+00;
	v60 =	vadd.bf16 v50, v48;
	v15 =	vadd.f32 $0.0e+00, v15  }
0x120: {  	v63 =	vmul.f32 v25, v6;
	v25 =	vmul.f32 v29, v4;
	v22 =	vadd.bf16 v33, v32  }
0x121: {  	v44 =	vld [tilespmem:s10+$0x10810];
	v17 =	vadd.f32 v18, v38;
	v18 =	vmul.f32 v56, v5;
	v38 =	vunpack.i.l.bf16.f32 v23  }
0x122: {  	v41 =	vld [tilespmem:s10+$0xFE10];
	v23 =	vunpack.i.u.bf16.f32 v23;
	v24 =	vunpack.i.u.bf16.f32 v34;
	v15 =	vadd.f32 v15, v20  }
0x123: {  	v40 =	vld [tilespmem:s10+$0xFE00];
	v25 =	vadd.f32 $0.0e+00, v25;
	v23 =	vmax.f32 v23, $0.0e+00;
	v24 =	vmax.f32 v24, $0.0e+00  }
0x124: {  	v29 =	vld [tilespmem:s10+$0x10800];
	v39 =	vunpack.i.l.bf16.f32 v34;
	v24 =	vmul.f32 v24, v5;
	v42 =	vmul.f32 v23, v7  }
0x125: {  	v20 =	vadd.f32 v43, v15;
	v15 =	vmul.f32 v47, v4;
	v37 =	vadd.f32 v25, v21  }
0x126: {  	v21 =	vmax.f32 v38, $0.0e+00;
	v25 =	vmax.f32 v39, $0.0e+00;
	v43 =	vunpack.i.l.bf16.f32 v22  }
0x127: {  	v22 =	vunpack.i.u.bf16.f32 v22;
	v47 =	vadd.bf16 v44, v41;
	v44 =	vsel vm0, v12, v11  }
0x128: {  	v55 =	vld [tilespmem:s10+$0xFE50];
	v21 =	vmul.f32 v21, v6;
	v25 =	vmul.f32 v25, v4;
	v23 =	vmax.f32 v43, $0.0e+00  }
0x129: {  	v56 =	vld [tilespmem:s10+$0x10850];
	v22 =	vmax.f32 v22, $0.0e+00;
	v49 =	vadd.bf16 v29, v40;
	v43 =	vsel vm0, v10, v9  }
0x12a: {  	v9 =	vsel vm0, v9, v10;
	v10 =	vsel vm0, v11, v12;
	v27 =	vadd.f32 $0.0e+00, v15  }
0x12b: {  	v15 =	vadd.f32 v17, v45;
	v16 =	vadd.f32 v20, v19;
	v17 =	vmax.f32 v51, $0.0e+00  }
0x12c: {  	v19 =	vmax.f32 v53, $0.0e+00;
	v20 =	vmax.f32 v54, $0.0e+00;
	v23 =	vmul.f32 v23, v6  }
0x12d: {  	v35 =	vld [tilespmem:s10+$0xFDF0];
	v22 =	vmul.f32 v22, v7;
	v51 =	vunpack.i.l.bf16.f32 v47;
	v17 =	vmul.f32 v17, v6  }
0x12e: {  	v59 =	vld [tilespmem:s10+$0x10860];
	v62 =	vadd.bf16 v56, v55;
	v19 =	vmul.f32 v19, v4;
	v20 =	vmul.f32 v20, v7  }
0x12f: {  	v34 =	vld [tilespmem:s10+$0xFE60];
	v25 =	vadd.f32 $0.0e+00, v25;
	v53 =	vunpack.i.l.bf16.f32 v49;
	v52 =	vadd.f32 v27, v28  }
0x130: {  	v36 =	vld [tilespmem:s10+$0x107F0];
	v28 =	vmax.f32 v53, $0.0e+00;
	v27 =	vunpack.i.u.bf16.f32 v62;
	v19 =	vadd.f32 $0.0e+00, v19  }
0x131: {  	v31 =	vld [tilespmem:s10+$0x10830];
	v24 =	vadd.f32 v25, v24;
	v27 =	vmax.f32 v27, $0.0e+00;
	v17 =	vadd.f32 v17, v52  }
0x132: {  	v33 =	vld [tilespmem:s10+$0x10840];
	v28 =	vmul.f32 v28, v6;
	v27 =	vmul.f32 v27, v5;
	v18 =	vadd.f32 v19, v18  }
0x133: {  	v52 =	vld [tilespmem:s10+$0xFE40];
	v19 =	vmul.f32 v30, v7;
	v23 =	vadd.f32 v23, v24;
	v17 =	vadd.f32 v17, v20  }
0x134: {  	v30 =	vld [tilespmem:s10+$0xFE30];
	v20 =	vadd.f32 v21, v37;
	v21 =	vunpack.i.u.bf16.f32 v49;
	v37 =	vadd.bf16 v59, v34  }
0x135: {  	v18 =	vadd.f32 v63, v18;
	v22 =	vadd.f32 v23, v22;
	v23 =	vmax.f32 v51, $0.0e+00  }
0x136: {  	v21 =	vmax.f32 v21, $0.0e+00;
	v20 =	vadd.f32 v20, v42;
	v23 =	vmul.f32 v23, v4  }
0x137: {  	v21 =	vmul.f32 v21, v7;
	v39 =	vunpack.i.l.bf16.f32 v37;
	v18 =	vadd.f32 v18, v19  }
0x138: {  	v40 =	vunpack.i.u.bf16.f32 v37;
	v19 =	vadd.bf16 v36, v35;
	v24 =	vadd.bf16 v33, v52  }
0x139: {  	v35 =	vunpack.i.l.bf16.f32 v60;
	v36 =	vunpack.i.l.bf16.f32 v62;
	v54 =	vadd.bf16 v31, v30  }
0x13a: {  	v23 =	vadd.f32 $0.0e+00, v23;
	v29 =	vmax.f32 v35, $0.0e+00;
	v49 =	vsel vm0, v22, v20  }
0x13b: {  	v51 =	vsel vm0, v20, v22;
	v45 =	vunpack.i.l.bf16.f32 v19;
	v19 =	vunpack.i.u.bf16.f32 v19  }
0x13c: {  	v38 =	vunpack.i.l.bf16.f32 v24;
	v29 =	vmul.f32 v29, v6;
	v24 =	vunpack.i.u.bf16.f32 v24  }
0x13d: {  	v48 =	vsel vm0, v18, v17;
	v50 =	vsel vm0, v17, v18;
	v25 =	vmax.f32 v45, $0.0e+00  }
0x13e: {  	v19 =	vmax.f32 v19, $0.0e+00;
	v32 =	vunpack.i.l.bf16.f32 v54;
	v25 =	vmul.f32 v25, v4  }
0x13f: {  	v57 =	vunpack.i.u.bf16.f32 v54;
	v31 =	vmax.f32 v38, $0.0e+00;
	v24 =	vmax.f32 v24, $0.0e+00  }
0x140: {  	v45 =	vsel vm0, v14, v13;
	v19 =	vmul.f32 v19, v5;
	v46 =	vadd.f32 $0.0e+00, v25  }
0x141: {  	v32 =	vmax.f32 v32, $0.0e+00;
	v61 =	vmax.f32 v57, $0.0e+00;
	v31 =	vmul.f32 v31, v6  }
0x142: {  	v24 =	vmul.f32 v24, v7;
	v11 =	vperm.xlane v45, v0;
	v19 =	vadd.f32 v46, v19  }
0x143: {  	v58 =	vmul.f32 v32, v4;
	v26 =	vmul.f32 v61, v5;
	v25 =	vunpack.i.u.bf16.f32 v47  }
0x144: {  	v47 =	vsel vm0, v16, v15;
	v19 =	vadd.f32 v28, v19;
	v28 =	vmax.f32 v36, $0.0e+00  }
0x145: {  	v25 =	vmax.f32 v25, $0.0e+00;
	v63 =	vadd.f32 $0.0e+00, v58;
	v28 =	vmul.f32 v28, v4  }
0x146: {  	v15 =	vsel vm0, v15, v16;
	v12 =	vperm.xlane v47, v0;
	v25 =	vmul.f32 v25, v5  }
0x147: {  	v46 =	vsel vm0, v13, v14;
	v26 =	vadd.f32 v63, v26;
	v28 =	vadd.f32 $0.0e+00, v28  }
0x148: {  	v13 =	vperm.xlane v48, v0;
	v11 =	vadd.f32 v11, v46;
	v12 =	vadd.f32 v12, v15  }
0x149: {  	v23 =	vadd.f32 v23, v25;
	v27 =	vadd.f32 v28, v27;
	v28 =	vmax.f32 v39, $0.0e+00  }
0x14a: {  	v25 =	vunpack.i.u.bf16.f32 v60;
	v26 =	vadd.f32 v31, v26;
	v28 =	vmul.f32 v28, v6  }
0x14b: {  	v25 =	vmax.f32 v25, $0.0e+00;
	v23 =	vadd.f32 v29, v23;
	v29 =	vmax.f32 v40, $0.0e+00  }
0x14c: {  	v25 =	vmul.f32 v25, v7;
	v42 =	vmul.f32 v29, v7;
	v41 =	vadd.f32 v28, v27  }
0x14d: {  	v14 =	vperm.xlane v49, v0;
	v19 =	vadd.f32 v19, v21;
	v24 =	vadd.f32 v26, v24  }
0x14e: {  	v26 =	vperm.xlane v44, v0;
	v23 =	vadd.f32 v23, v25;
	v21 =	vadd.f32 v41, v42  }
0x14f: {  	v13 =	vadd.f32 v13, v50;
	v14 =	vadd.f32 v14, v51;
	v25 =	vperm.xlane v43, v0  }
0x150: {  	v10 =	vadd.f32 v26, v10;
	v52 =	vsel vm0, v23, v19;
	v53 =	vsel vm0, v21, v24  }
0x151: {  	v9 =	vadd.f32 v25, v9;
	v15 =	vperm.xlane v52, v0;
	v16 =	vperm.xlane v53, v0  }
0x152: {  	v57 =	vsel vm1, v14, v13;
	v55 =	vsel vm0, v19, v23;
	v56 =	vsel vm0, v24, v21  }
0x153: {  	v54 =	vsel vm1, v10, v9;
	v15 =	vadd.f32 v15, v55;
	v16 =	vadd.f32 v16, v56  }
0x154: {  	v9 =	vsel vm1, v9, v10;
	v10 =	vsel vm1, v12, v11;
	v17 =	vperm.xlane v54, v1  }
0x155: {  	v58 =	vperm.xlane v57, v1;
	v10 =	vperm.xlane v10, v1;
	v18 =	vsel vm1, v16, v15  }
0x156: {  	v11 =	vsel vm1, v11, v12;
	v9 =	vadd.f32 v17, v9;
	v59 =	vperm.xlane v18, v1  }
0x157: {  	v10 =	vadd.f32 v10, v11;
	v11 =	vsel vm1, v13, v14;
	v60 =	vsel vm1, v15, v16  }
0x158: {  	v11 =	vadd.f32 v58, v11;
	v61 =	vadd.f32 v59, v60;
	_ =	sdelay $0x1  }
0x159: {  	v62 =	vsel vm2, v10, v9;
	v63 =	vsel vm2, v61, v11  }
0x15a: {  	v13 =	vperm.xlane v62, v2;
	v14 =	vperm.xlane v63, v2  }
0x15b: {  	v9 =	vsel vm2, v9, v10;
	v10 =	vsel vm2, v11, v61  }
0x15c: {  	v9 =	vadd.f32 v13, v9;
	v10 =	vadd.f32 v14, v10;
	_ =	sdelay $0x1  }
0x15d: {  	v11 =	vsel vm3, v10, v9  }
0x15e: {  	v11 =	vperm.xlane v11, v3  }
0x15f: {  	p0 =	sne.s32 s8, $0x27C0;
	v9 =	vsel vm3, v9, v10  }
.Ltmp1:
0x160: {  	v9 =	vadd.f32 v9, v11;
	(pc) =	sbr.rel @p0 .LBB2_5-.Ltmp1, $3  }
0x161: {  	_ = 	snop  }
0x162: {  	v9 =	vadd.f32 v9, v8;
	_ =	sdelay $0x1  }
0x163: {  	s8 =	sadd.s32 $0x800, s8;
	[tilespmem:s16+$0x0] =	vst v9;
	s16 =	sadd.s32 $0x10, s16  }
0x164: {  	_ =	swait.ge [sflag:s1], $0xA00  }
0x165: {  	[sflag:s1] =	ssyncset.done $0x0  }
0x166: {  	[sflag:s1] =	ssyncadd.s32 $0xFFFFF600  }
0x167: {  	_ =	swait.ge [sflag:s18], $0xA00  }
0x168: {  	[sflag:s18] =	ssyncset.done $0x0  }
0x169: {  	s8 =	sadd.s32 $0x9D80, s6;
	[sflag:s18] =	ssyncadd.s32 $0xFFFFF600  }
0x16a: {  	[tilespmem:s23], [sflag:$0x3] =	stream.indirect.gather [spmem:s0], $0x20, s8, s19, $0xb8;
	[tilespmem:$0x14DC0] =	vst v63  }
0x16b: {  	s16 =	sadd.s32 $0xC490, s6;
	s6 =	simm.s32 $0x7C0;
	s8 =	smov.u32 s5  }
0x16c: {  	[tilespmem:s25], [sflag:$0x4] =	stream.indirect.gather [spmem:s2], $0x20, s16, s19, $0xb8;
	[tilespmem:$0x14DC0] =	vst v63  }
.LBB2_7:
0x16d: {  	s10 =	sshra.s32 s6, $0x2  }
0x16e: {  	v9 =	vld [tilespmem:s10+$0x11070]  }
0x16f: {  	v10 =	vld [tilespmem:s10+$0x11A70]  }
0x170: {  	v11 =	vld [tilespmem:s10+$0x11080]  }
0x171: {  	v13 =	vld [tilespmem:s10+$0x11A80]  }
0x172: {  	v15 =	vld [tilespmem:s10+$0x110A0]  }
0x173: {  	v16 =	vld [tilespmem:s10+$0x11AA0]  }
0x174: {  	v38 =	vld [tilespmem:s10+$0x110B0]  }
0x175: {  	v17 =	vld [tilespmem:s10+$0x11AB0]  }
0x176: {  	v41 =	vld [tilespmem:s10+$0x110C0]  }
0x177: {  	v19 =	vld [tilespmem:s10+$0x110D0]  }
0x178: {  	v42 =	vld [tilespmem:s10+$0x11AD0]  }
0x179: {  	v44 =	vld [tilespmem:s10+$0x11AC0]  }
0x17a: {  	v50 =	vld [tilespmem:s10+$0x11100]  }
0x17b: {  	v53 =	vld [tilespmem:s10+$0x11B00];
	_ =	sdelay $0x1  }
0x17c: {  	v9 =	vadd.bf16 v10, v9  }
0x17d: {  	v12 =	vld [tilespmem:s10+$0x11090];
	v11 =	vadd.bf16 v13, v11;
	v15 =	vadd.bf16 v16, v15  }
0x17e: {  	v21 =	vld [tilespmem:s10+$0x11110];
	v13 =	vadd.bf16 v17, v38;
	v17 =	vadd.bf16 v42, v19  }
0x17f: {  	v51 =	vld [tilespmem:s10+$0x11B10];
	v16 =	vadd.bf16 v44, v41;
	v19 =	vadd.bf16 v53, v50  }
0x180: {  	v56 =	vld [tilespmem:s10+$0x11120];
	v14 =	vunpack.i.l.bf16.f32 v9;
	v9 =	vunpack.i.u.bf16.f32 v9;
	v40 =	vunpack.i.l.bf16.f32 v11  }
0x181: {  	v22 =	vld [tilespmem:s10+$0x11B20];
	v11 =	vunpack.i.u.bf16.f32 v11;
	v18 =	vunpack.i.l.bf16.f32 v15;
	v45 =	vunpack.i.l.bf16.f32 v13  }
0x182: {  	v62 =	vld [tilespmem:s10+$0x11140];
	v15 =	vunpack.i.u.bf16.f32 v15;
	v13 =	vunpack.i.u.bf16.f32 v13;
	v49 =	vunpack.i.l.bf16.f32 v16  }
0x183: {  	v29 =	vld [tilespmem:s10+$0x11B40];
	v16 =	vunpack.i.u.bf16.f32 v16;
	v61 =	vunpack.i.l.bf16.f32 v19;
	v19 =	vunpack.i.u.bf16.f32 v19  }
0x184: {  	v33 =	vld [tilespmem:s10+$0x11160];
	v14 =	vmax.f32 v14, $0.0e+00;
	v9 =	vmax.f32 v9, $0.0e+00;
	v18 =	vmax.f32 v18, $0.0e+00  }
0x185: {  	v10 =	vld [tilespmem:s10+$0x11A90];
	v11 =	vmax.f32 v11, $0.0e+00;
	v15 =	vmax.f32 v15, $0.0e+00;
	v14 =	vmul.f32 v14, v4  }
0x186: {  	v24 =	vld [tilespmem:s10+$0x11B60];
	v13 =	vmax.f32 v13, $0.0e+00;
	v9 =	vmul.f32 v9, v5;
	v43 =	vmul.f32 v18, v6  }
0x187: {  	v16 =	vmax.f32 v16, $0.0e+00;
	v11 =	vmul.f32 v11, v7;
	v15 =	vmul.f32 v15, v7  }
0x188: {  	v19 =	vmax.f32 v19, $0.0e+00;
	v13 =	vmul.f32 v13, v5;
	v54 =	vmul.f32 v16, v7  }
0x189: {  	v18 =	vadd.bf16 v51, v21;
	v16 =	vadd.bf16 v22, v56;
	v30 =	vmul.f32 v19, v7  }
0x18a: {  	v21 =	vadd.bf16 v29, v62;
	v10 =	vadd.bf16 v10, v12;
	v12 =	vmax.f32 v40, $0.0e+00  }
0x18b: {  	v19 =	vadd.bf16 v24, v33;
	v37 =	vadd.f32 $0.0e+00, v14;
	v12 =	vmul.f32 v12, v6  }
0x18c: {  	v59 =	vunpack.i.l.bf16.f32 v18;
	v18 =	vunpack.i.u.bf16.f32 v18;
	v22 =	vunpack.i.l.bf16.f32 v16  }
0x18d: {  	v42 =	vld [tilespmem:s10+$0x11190];
	v16 =	vunpack.i.u.bf16.f32 v16;
	v24 =	vunpack.i.l.bf16.f32 v19;
	v19 =	vunpack.i.u.bf16.f32 v19  }
0x18e: {  	v44 =	vld [tilespmem:s10+$0x11B90];
	v39 =	vunpack.i.l.bf16.f32 v10;
	v10 =	vunpack.i.u.bf16.f32 v10;
	v18 =	vmax.f32 v18, $0.0e+00  }
0x18f: {  	v22 =	vmax.f32 v22, $0.0e+00;
	v16 =	vmax.f32 v16, $0.0e+00;
	v24 =	vmax.f32 v24, $0.0e+00  }
0x190: {  	v19 =	vmax.f32 v19, $0.0e+00;
	v9 =	vadd.f32 v37, v9;
	v14 =	vmax.f32 v39, $0.0e+00  }
0x191: {  	v10 =	vmax.f32 v10, $0.0e+00;
	v18 =	vmul.f32 v18, v5;
	v28 =	vmul.f32 v22, v6  }
0x192: {  	v16 =	vmul.f32 v16, v7;
	v39 =	vunpack.i.l.bf16.f32 v21;
	v21 =	vunpack.i.u.bf16.f32 v21  }
0x193: {  	v46 =	vld [tilespmem:s10+$0x110E0];
	v19 =	vmul.f32 v19, v7;
	v22 =	vadd.bf16 v44, v42;
	v14 =	vmul.f32 v14, v4  }
0x194: {  	v20 =	vld [tilespmem:s10+$0x11AE0];
	v10 =	vmul.f32 v10, v5;
	v21 =	vmax.f32 v21, $0.0e+00;
	v9 =	vadd.f32 v12, v9  }
0x195: {  	v47 =	vld [tilespmem:s10+$0x110F0];
	v12 =	vmax.f32 v45, $0.0e+00;
	v45 =	vmul.f32 v21, v7;
	v53 =	vunpack.i.l.bf16.f32 v22  }
0x196: {  	v48 =	vld [tilespmem:s10+$0x11AF0];
	v22 =	vunpack.i.u.bf16.f32 v22;
	v14 =	vadd.f32 $0.0e+00, v14;
	v12 =	vmul.f32 v12, v4  }
0x197: {  	v23 =	vld [tilespmem:s10+$0x11150];
	v56 =	vmax.f32 v22, $0.0e+00;
	v9 =	vadd.f32 v9, v11;
	v11 =	vunpack.i.l.bf16.f32 v17  }
0x198: {  	v63 =	vld [tilespmem:s10+$0x11B50];
	v17 =	vunpack.i.u.bf16.f32 v17;
	v10 =	vadd.f32 v14, v10;
	v12 =	vadd.f32 $0.0e+00, v12  }
0x199: {  	v41 =	vld [tilespmem:s10+$0x11B80];
	v11 =	vmax.f32 v11, $0.0e+00;
	v14 =	vadd.bf16 v20, v46;
	v17 =	vmax.f32 v17, $0.0e+00  }
0x19a: {  	v40 =	vld [tilespmem:s10+$0x11180];
	v11 =	vmul.f32 v11, v4;
	v17 =	vmul.f32 v17, v5;
	v10 =	vadd.f32 v43, v10  }
0x19b: {  	v12 =	vadd.f32 v12, v13;
	v13 =	vmax.f32 v49, $0.0e+00;
	v20 =	vunpack.i.l.bf16.f32 v14  }
0x19c: {  	v14 =	vunpack.i.u.bf16.f32 v14;
	v43 =	vmul.f32 v24, v6;
	v11 =	vadd.f32 $0.0e+00, v11  }
0x19d: {  	v13 =	vmul.f32 v13, v6;
	v20 =	vmax.f32 v20, $0.0e+00;
	v14 =	vmax.f32 v14, $0.0e+00  }
0x19e: {  	v10 =	vadd.f32 v10, v15;
	v15 =	vadd.bf16 v48, v47;
	v52 =	vmul.f32 v20, v6  }
0x19f: {  	v26 =	vld [tilespmem:s10+$0x11BA0];
	v14 =	vmul.f32 v14, v7;
	v20 =	vadd.bf16 v63, v23;
	v23 =	vadd.bf16 v41, v40  }
0x1a0: {  	v48 =	vld [tilespmem:s10+$0x111A0];
	v11 =	vadd.f32 v11, v17;
	v12 =	vadd.f32 v13, v12;
	v13 =	vmax.f32 v59, $0.0e+00  }
0x1a1: {  	v58 =	vld [tilespmem:s10+$0x11130];
	v55 =	vunpack.i.l.bf16.f32 v15;
	v15 =	vunpack.i.u.bf16.f32 v15;
	v13 =	vmul.f32 v13, v4  }
0x1a2: {  	v60 =	vld [tilespmem:s10+$0x11B30];
	v36 =	vunpack.i.l.bf16.f32 v20;
	v17 =	vadd.f32 v52, v11;
	v11 =	vmax.f32 v55, $0.0e+00  }
0x1a3: {  	v20 =	vunpack.i.u.bf16.f32 v20;
	v51 =	vunpack.i.l.bf16.f32 v23;
	v11 =	vmul.f32 v11, v4  }
0x1a4: {  	v50 =	vld [tilespmem:s10+$0x11BB0];
	v15 =	vmax.f32 v15, $0.0e+00;
	v20 =	vmax.f32 v20, $0.0e+00;
	v13 =	vadd.f32 $0.0e+00, v13  }
0x1a5: {  	v49 =	vld [tilespmem:s10+$0x111B0];
	v15 =	vmul.f32 v15, v5;
	v21 =	vadd.bf16 v26, v48;
	v57 =	vadd.f32 $0.0e+00, v11  }
0x1a6: {  	v35 =	vld [tilespmem:s10+$0x11170];
	v20 =	vmul.f32 v20, v5;
	v11 =	vadd.f32 v12, v54;
	v12 =	vadd.f32 v17, v14  }
0x1a7: {  	v37 =	vld [tilespmem:s10+$0x11B70];
	v17 =	vmax.f32 v61, $0.0e+00;
	v14 =	vadd.bf16 v60, v58;
	v13 =	vadd.f32 v13, v18  }
0x1a8: {  	v55 =	vld [tilespmem:s10+$0x111C0];
	v54 =	vunpack.i.u.bf16.f32 v23;
	v17 =	vmul.f32 v17, v6;
	v59 =	vunpack.i.l.bf16.f32 v21  }
0x1a9: {  	v58 =	vld [tilespmem:s10+$0x11BC0];
	v21 =	vunpack.i.u.bf16.f32 v21;
	v15 =	vadd.f32 v57, v15;
	v31 =	vunpack.i.l.bf16.f32 v14  }
0x1aa: {  	v18 =	vadd.f32 v28, v13;
	v14 =	vunpack.i.u.bf16.f32 v14;
	v57 =	vadd.bf16 v50, v49  }
0x1ab: {  	v62 =	vld [tilespmem:s10+$0x11BD0];
	v32 =	vmax.f32 v31, $0.0e+00;
	v14 =	vmax.f32 v14, $0.0e+00;
	v15 =	vadd.f32 v17, v15  }
0x1ac: {  	v33 =	vld [tilespmem:s10+$0x11BE0];
	v13 =	vmul.f32 v32, v4;
	v25 =	vmul.f32 v14, v5;
	v14 =	vadd.f32 v18, v16  }
0x1ad: {  	v48 =	vld [tilespmem:s10+$0x11220];
	v18 =	vmax.f32 v39, $0.0e+00;
	v16 =	vadd.bf16 v37, v35;
	v61 =	vunpack.i.l.bf16.f32 v57  }
0x1ae: {  	v60 =	vld [tilespmem:s10+$0x111D0];
	v31 =	vunpack.i.u.bf16.f32 v57;
	v18 =	vmul.f32 v18, v6;
	v23 =	vadd.bf16 v58, v55  }
0x1af: {  	v50 =	vld [tilespmem:s10+$0x11C20];
	v29 =	vmax.f32 v61, $0.0e+00;
	v34 =	vadd.f32 $0.0e+00, v13;
	v13 =	vadd.f32 v15, v30  }
0x1b0: {  	v32 =	vld [tilespmem:s10+$0x111E0];
	v15 =	vmax.f32 v36, $0.0e+00;
	v46 =	vunpack.i.l.bf16.f32 v16;
	v16 =	vunpack.i.u.bf16.f32 v16  }
0x1b1: {  	v30 =	vmax.f32 v21, $0.0e+00;
	v21 =	vmax.f32 v31, $0.0e+00;
	v15 =	vmul.f32 v15, v4  }
0x1b2: {  	v47 =	vmax.f32 v46, $0.0e+00;
	v16 =	vmax.f32 v16, $0.0e+00;
	v21 =	vmul.f32 v21, v5  }
0x1b3: {  	v38 =	vadd.f32 v34, v25;
	v28 =	vmul.f32 v16, v5;
	v34 =	vadd.bf16 v62, v60  }
0x1b4: {  	v25 =	vmax.f32 v59, $0.0e+00;
	v60 =	vadd.bf16 v50, v48;
	v15 =	vadd.f32 $0.0e+00, v15  }
0x1b5: {  	v63 =	vmul.f32 v25, v6;
	v25 =	vmul.f32 v29, v4;
	v22 =	vadd.bf16 v33, v32  }
0x1b6: {  	v44 =	vld [tilespmem:s10+$0x11C10];
	v17 =	vadd.f32 v18, v38;
	v18 =	vmul.f32 v56, v5;
	v38 =	vunpack.i.l.bf16.f32 v23  }
0x1b7: {  	v41 =	vld [tilespmem:s10+$0x11210];
	v23 =	vunpack.i.u.bf16.f32 v23;
	v24 =	vunpack.i.u.bf16.f32 v34;
	v15 =	vadd.f32 v15, v20  }
0x1b8: {  	v40 =	vld [tilespmem:s10+$0x11200];
	v25 =	vadd.f32 $0.0e+00, v25;
	v23 =	vmax.f32 v23, $0.0e+00;
	v24 =	vmax.f32 v24, $0.0e+00  }
0x1b9: {  	v29 =	vld [tilespmem:s10+$0x11C00];
	v39 =	vunpack.i.l.bf16.f32 v34;
	v24 =	vmul.f32 v24, v5;
	v42 =	vmul.f32 v23, v7  }
0x1ba: {  	v20 =	vadd.f32 v43, v15;
	v15 =	vmul.f32 v47, v4;
	v37 =	vadd.f32 v25, v21  }
0x1bb: {  	v21 =	vmax.f32 v38, $0.0e+00;
	v25 =	vmax.f32 v39, $0.0e+00;
	v43 =	vunpack.i.l.bf16.f32 v22  }
0x1bc: {  	v22 =	vunpack.i.u.bf16.f32 v22;
	v47 =	vadd.bf16 v44, v41;
	v44 =	vsel vm0, v12, v11  }
0x1bd: {  	v55 =	vld [tilespmem:s10+$0x11250];
	v21 =	vmul.f32 v21, v6;
	v25 =	vmul.f32 v25, v4;
	v23 =	vmax.f32 v43, $0.0e+00  }
0x1be: {  	v56 =	vld [tilespmem:s10+$0x11C50];
	v22 =	vmax.f32 v22, $0.0e+00;
	v49 =	vadd.bf16 v29, v40;
	v43 =	vsel vm0, v10, v9  }
0x1bf: {  	v9 =	vsel vm0, v9, v10;
	v10 =	vsel vm0, v11, v12;
	v27 =	vadd.f32 $0.0e+00, v15  }
0x1c0: {  	v15 =	vadd.f32 v17, v45;
	v16 =	vadd.f32 v20, v19;
	v17 =	vmax.f32 v51, $0.0e+00  }
0x1c1: {  	v19 =	vmax.f32 v53, $0.0e+00;
	v20 =	vmax.f32 v54, $0.0e+00;
	v23 =	vmul.f32 v23, v6  }
0x1c2: {  	v35 =	vld [tilespmem:s10+$0x111F0];
	v22 =	vmul.f32 v22, v7;
	v51 =	vunpack.i.l.bf16.f32 v47;
	v17 =	vmul.f32 v17, v6  }
0x1c3: {  	v59 =	vld [tilespmem:s10+$0x11C60];
	v62 =	vadd.bf16 v56, v55;
	v19 =	vmul.f32 v19, v4;
	v20 =	vmul.f32 v20, v7  }
0x1c4: {  	v34 =	vld [tilespmem:s10+$0x11260];
	v25 =	vadd.f32 $0.0e+00, v25;
	v53 =	vunpack.i.l.bf16.f32 v49;
	v52 =	vadd.f32 v27, v28  }
0x1c5: {  	v36 =	vld [tilespmem:s10+$0x11BF0];
	v28 =	vmax.f32 v53, $0.0e+00;
	v27 =	vunpack.i.u.bf16.f32 v62;
	v19 =	vadd.f32 $0.0e+00, v19  }
0x1c6: {  	v31 =	vld [tilespmem:s10+$0x11C30];
	v24 =	vadd.f32 v25, v24;
	v27 =	vmax.f32 v27, $0.0e+00;
	v17 =	vadd.f32 v17, v52  }
0x1c7: {  	v33 =	vld [tilespmem:s10+$0x11C40];
	v28 =	vmul.f32 v28, v6;
	v27 =	vmul.f32 v27, v5;
	v18 =	vadd.f32 v19, v18  }
0x1c8: {  	v52 =	vld [tilespmem:s10+$0x11240];
	v19 =	vmul.f32 v30, v7;
	v23 =	vadd.f32 v23, v24;
	v17 =	vadd.f32 v17, v20  }
0x1c9: {  	v30 =	vld [tilespmem:s10+$0x11230];
	v20 =	vadd.f32 v21, v37;
	v21 =	vunpack.i.u.bf16.f32 v49;
	v37 =	vadd.bf16 v59, v34  }
0x1ca: {  	v18 =	vadd.f32 v63, v18;
	v22 =	vadd.f32 v23, v22;
	v23 =	vmax.f32 v51, $0.0e+00  }
0x1cb: {  	v21 =	vmax.f32 v21, $0.0e+00;
	v20 =	vadd.f32 v20, v42;
	v23 =	vmul.f32 v23, v4  }
0x1cc: {  	v21 =	vmul.f32 v21, v7;
	v39 =	vunpack.i.l.bf16.f32 v37;
	v18 =	vadd.f32 v18, v19  }
0x1cd: {  	v40 =	vunpack.i.u.bf16.f32 v37;
	v19 =	vadd.bf16 v36, v35;
	v24 =	vadd.bf16 v33, v52  }
0x1ce: {  	v35 =	vunpack.i.l.bf16.f32 v60;
	v36 =	vunpack.i.l.bf16.f32 v62;
	v54 =	vadd.bf16 v31, v30  }
0x1cf: {  	v23 =	vadd.f32 $0.0e+00, v23;
	v29 =	vmax.f32 v35, $0.0e+00;
	v49 =	vsel vm0, v22, v20  }
0x1d0: {  	v51 =	vsel vm0, v20, v22;
	v45 =	vunpack.i.l.bf16.f32 v19;
	v19 =	vunpack.i.u.bf16.f32 v19  }
0x1d1: {  	v38 =	vunpack.i.l.bf16.f32 v24;
	v29 =	vmul.f32 v29, v6;
	v24 =	vunpack.i.u.bf16.f32 v24  }
0x1d2: {  	v48 =	vsel vm0, v18, v17;
	v50 =	vsel vm0, v17, v18;
	v25 =	vmax.f32 v45, $0.0e+00  }
0x1d3: {  	v19 =	vmax.f32 v19, $0.0e+00;
	v32 =	vunpack.i.l.bf16.f32 v54;
	v25 =	vmul.f32 v25, v4  }
0x1d4: {  	v57 =	vunpack.i.u.bf16.f32 v54;
	v31 =	vmax.f32 v38, $0.0e+00;
	v24 =	vmax.f32 v24, $0.0e+00  }
0x1d5: {  	v45 =	vsel vm0, v14, v13;
	v19 =	vmul.f32 v19, v5;
	v46 =	vadd.f32 $0.0e+00, v25  }
0x1d6: {  	v32 =	vmax.f32 v32, $0.0e+00;
	v61 =	vmax.f32 v57, $0.0e+00;
	v31 =	vmul.f32 v31, v6  }
0x1d7: {  	v24 =	vmul.f32 v24, v7;
	v11 =	vperm.xlane v45, v0;
	v19 =	vadd.f32 v46, v19  }
0x1d8: {  	v58 =	vmul.f32 v32, v4;
	v26 =	vmul.f32 v61, v5;
	v25 =	vunpack.i.u.bf16.f32 v47  }
0x1d9: {  	v47 =	vsel vm0, v16, v15;
	v19 =	vadd.f32 v28, v19;
	v28 =	vmax.f32 v36, $0.0e+00  }
0x1da: {  	v25 =	vmax.f32 v25, $0.0e+00;
	v63 =	vadd.f32 $0.0e+00, v58;
	v28 =	vmul.f32 v28, v4  }
0x1db: {  	v15 =	vsel vm0, v15, v16;
	v12 =	vperm.xlane v47, v0;
	v25 =	vmul.f32 v25, v5  }
0x1dc: {  	v46 =	vsel vm0, v13, v14;
	v26 =	vadd.f32 v63, v26;
	v28 =	vadd.f32 $0.0e+00, v28  }
0x1dd: {  	v13 =	vperm.xlane v48, v0;
	v11 =	vadd.f32 v11, v46;
	v12 =	vadd.f32 v12, v15  }
0x1de: {  	v23 =	vadd.f32 v23, v25;
	v27 =	vadd.f32 v28, v27;
	v28 =	vmax.f32 v39, $0.0e+00  }
0x1df: {  	v25 =	vunpack.i.u.bf16.f32 v60;
	v26 =	vadd.f32 v31, v26;
	v28 =	vmul.f32 v28, v6  }
0x1e0: {  	v25 =	vmax.f32 v25, $0.0e+00;
	v23 =	vadd.f32 v29, v23;
	v29 =	vmax.f32 v40, $0.0e+00  }
0x1e1: {  	v25 =	vmul.f32 v25, v7;
	v42 =	vmul.f32 v29, v7;
	v41 =	vadd.f32 v28, v27  }
0x1e2: {  	v14 =	vperm.xlane v49, v0;
	v19 =	vadd.f32 v19, v21;
	v24 =	vadd.f32 v26, v24  }
0x1e3: {  	v26 =	vperm.xlane v44, v0;
	v23 =	vadd.f32 v23, v25;
	v21 =	vadd.f32 v41, v42  }
0x1e4: {  	v13 =	vadd.f32 v13, v50;
	v14 =	vadd.f32 v14, v51;
	v25 =	vperm.xlane v43, v0  }
0x1e5: {  	v10 =	vadd.f32 v26, v10;
	v52 =	vsel vm0, v23, v19;
	v53 =	vsel vm0, v21, v24  }
0x1e6: {  	v9 =	vadd.f32 v25, v9;
	v15 =	vperm.xlane v52, v0;
	v16 =	vperm.xlane v53, v0  }
0x1e7: {  	v57 =	vsel vm1, v14, v13;
	v55 =	vsel vm0, v19, v23;
	v56 =	vsel vm0, v24, v21  }
0x1e8: {  	v54 =	vsel vm1, v10, v9;
	v15 =	vadd.f32 v15, v55;
	v16 =	vadd.f32 v16, v56  }
0x1e9: {  	v9 =	vsel vm1, v9, v10;
	v10 =	vsel vm1, v12, v11;
	v17 =	vperm.xlane v54, v1  }
0x1ea: {  	v58 =	vperm.xlane v57, v1;
	v10 =	vperm.xlane v10, v1;
	v18 =	vsel vm1, v16, v15  }
0x1eb: {  	v11 =	vsel vm1, v11, v12;
	v9 =	vadd.f32 v17, v9;
	v59 =	vperm.xlane v18, v1  }
0x1ec: {  	v10 =	vadd.f32 v10, v11;
	v11 =	vsel vm1, v13, v14;
	v60 =	vsel vm1, v15, v16  }
0x1ed: {  	v11 =	vadd.f32 v58, v11;
	v61 =	vadd.f32 v59, v60;
	_ =	sdelay $0x1  }
0x1ee: {  	v62 =	vsel vm2, v10, v9;
	v63 =	vsel vm2, v61, v11  }
0x1ef: {  	v13 =	vperm.xlane v62, v2;
	v14 =	vperm.xlane v63, v2  }
0x1f0: {  	v9 =	vsel vm2, v9, v10;
	v10 =	vsel vm2, v11, v61  }
0x1f1: {  	v9 =	vadd.f32 v13, v9;
	v10 =	vadd.f32 v14, v10;
	_ =	sdelay $0x1  }
0x1f2: {  	v11 =	vsel vm3, v10, v9  }
0x1f3: {  	v11 =	vperm.xlane v11, v3  }
0x1f4: {  	p0 =	sne.s32 s6, $0x27C0;
	v9 =	vsel vm3, v9, v10  }
.Ltmp2:
0x1f5: {  	v9 =	vadd.f32 v9, v11;
	(pc) =	sbr.rel @p0 .LBB2_7-.Ltmp2, $3  }
0x1f6: {  	_ = 	snop  }
0x1f7: {  	v9 =	vadd.f32 v9, v8;
	_ =	sdelay $0x1  }
0x1f8: {  	s6 =	sadd.s32 $0x800, s6;
	[tilespmem:s8+$0x0] =	vst v9;
	s8 =	sadd.s32 $0x10, s8  }
0x1f9: {  	s17 =	sadd.s32 $0x1, s17  }
0x1fa: {  	p0 =	sne.s32 s17, $0x29  }
.Ltmp3:
0x1fb: {  	_ = 	snop;
	(pc) =	sbr.rel @p0 .LBB2_2-.Ltmp3, $2  }
0x1fc: {  	_ =	sdelay $0x2  }
0x1fd: {  	s9 =	sadd.s32 $0xF0, s9;
	s22 =	sadd.s32 $0xF0, s22;
	s5 =	sadd.s32 $0xF0, s5  }
0x1fe: {  	_ =	swait.ge [sflag:s26], $0xA00  }
0x1ff: {  	[sflag:s26] =	ssyncset.done $0x0  }
0x200: {  	[sflag:s26] =	ssyncadd.s32 $0xFFFFF600  }
0x201: {  	_ =	swait.ge [sflag:s28], $0xA00  }
0x202: {  	[sflag:s28] =	ssyncset.done $0x0  }
0x203: {  	s5 =	simm.s32 $0x7C0;
	s6 =	simm.s32 $0x14D20;
	[sflag:s28] =	ssyncadd.s32 $0xFFFFF600  }
.LBB2_10:
0x204: {  	s8 =	sshra.s32 s5, $0x2  }
0x205: {  	v9 =	vld [tilespmem:s8+$0xE870]  }
0x206: {  	v10 =	vld [tilespmem:s8+$0xF270]  }
0x207: {  	v11 =	vld [tilespmem:s8+$0xE880]  }
0x208: {  	v13 =	vld [tilespmem:s8+$0xF280]  }
0x209: {  	v15 =	vld [tilespmem:s8+$0xE8A0]  }
0x20a: {  	v16 =	vld [tilespmem:s8+$0xF2A0]  }
0x20b: {  	v38 =	vld [tilespmem:s8+$0xE8B0]  }
0x20c: {  	v17 =	vld [tilespmem:s8+$0xF2B0]  }
0x20d: {  	v41 =	vld [tilespmem:s8+$0xE8C0]  }
0x20e: {  	v19 =	vld [tilespmem:s8+$0xE8D0]  }
0x20f: {  	v42 =	vld [tilespmem:s8+$0xF2D0]  }
0x210: {  	v44 =	vld [tilespmem:s8+$0xF2C0]  }
0x211: {  	v50 =	vld [tilespmem:s8+$0xE900]  }
0x212: {  	v53 =	vld [tilespmem:s8+$0xF300];
	_ =	sdelay $0x1  }
0x213: {  	v9 =	vadd.bf16 v10, v9  }
0x214: {  	v12 =	vld [tilespmem:s8+$0xE890];
	v11 =	vadd.bf16 v13, v11;
	v15 =	vadd.bf16 v16, v15  }
0x215: {  	v21 =	vld [tilespmem:s8+$0xE910];
	v13 =	vadd.bf16 v17, v38;
	v17 =	vadd.bf16 v42, v19  }
0x216: {  	v51 =	vld [tilespmem:s8+$0xF310];
	v16 =	vadd.bf16 v44, v41;
	v19 =	vadd.bf16 v53, v50  }
0x217: {  	v56 =	vld [tilespmem:s8+$0xE920];
	v14 =	vunpack.i.l.bf16.f32 v9;
	v9 =	vunpack.i.u.bf16.f32 v9;
	v40 =	vunpack.i.l.bf16.f32 v11  }
0x218: {  	v22 =	vld [tilespmem:s8+$0xF320];
	v11 =	vunpack.i.u.bf16.f32 v11;
	v18 =	vunpack.i.l.bf16.f32 v15;
	v45 =	vunpack.i.l.bf16.f32 v13  }
0x219: {  	v62 =	vld [tilespmem:s8+$0xE940];
	v15 =	vunpack.i.u.bf16.f32 v15;
	v13 =	vunpack.i.u.bf16.f32 v13;
	v49 =	vunpack.i.l.bf16.f32 v16  }
0x21a: {  	v29 =	vld [tilespmem:s8+$0xF340];
	v16 =	vunpack.i.u.bf16.f32 v16;
	v61 =	vunpack.i.l.bf16.f32 v19;
	v19 =	vunpack.i.u.bf16.f32 v19  }
0x21b: {  	v33 =	vld [tilespmem:s8+$0xE960];
	v14 =	vmax.f32 v14, $0.0e+00;
	v9 =	vmax.f32 v9, $0.0e+00;
	v18 =	vmax.f32 v18, $0.0e+00  }
0x21c: {  	v10 =	vld [tilespmem:s8+$0xF290];
	v11 =	vmax.f32 v11, $0.0e+00;
	v15 =	vmax.f32 v15, $0.0e+00;
	v14 =	vmul.f32 v14, v4  }
0x21d: {  	v24 =	vld [tilespmem:s8+$0xF360];
	v13 =	vmax.f32 v13, $0.0e+00;
	v9 =	vmul.f32 v9, v5;
	v43 =	vmul.f32 v18, v6  }
0x21e: {  	v16 =	vmax.f32 v16, $0.0e+00;
	v11 =	vmul.f32 v11, v7;
	v15 =	vmul.f32 v15, v7  }
0x21f: {  	v19 =	vmax.f32 v19, $0.0e+00;
	v13 =	vmul.f32 v13, v5;
	v54 =	vmul.f32 v16, v7  }
0x220: {  	v18 =	vadd.bf16 v51, v21;
	v16 =	vadd.bf16 v22, v56;
	v30 =	vmul.f32 v19, v7  }
0x221: {  	v21 =	vadd.bf16 v29, v62;
	v10 =	vadd.bf16 v10, v12;
	v12 =	vmax.f32 v40, $0.0e+00  }
0x222: {  	v19 =	vadd.bf16 v24, v33;
	v37 =	vadd.f32 $0.0e+00, v14;
	v12 =	vmul.f32 v12, v6  }
0x223: {  	v59 =	vunpack.i.l.bf16.f32 v18;
	v18 =	vunpack.i.u.bf16.f32 v18;
	v22 =	vunpack.i.l.bf16.f32 v16  }
0x224: {  	v42 =	vld [tilespmem:s8+$0xE990];
	v16 =	vunpack.i.u.bf16.f32 v16;
	v24 =	vunpack.i.l.bf16.f32 v19;
	v19 =	vunpack.i.u.bf16.f32 v19  }
0x225: {  	v44 =	vld [tilespmem:s8+$0xF390];
	v39 =	vunpack.i.l.bf16.f32 v10;
	v10 =	vunpack.i.u.bf16.f32 v10;
	v18 =	vmax.f32 v18, $0.0e+00  }
0x226: {  	v22 =	vmax.f32 v22, $0.0e+00;
	v16 =	vmax.f32 v16, $0.0e+00;
	v24 =	vmax.f32 v24, $0.0e+00  }
0x227: {  	v19 =	vmax.f32 v19, $0.0e+00;
	v9 =	vadd.f32 v37, v9;
	v14 =	vmax.f32 v39, $0.0e+00  }
0x228: {  	v10 =	vmax.f32 v10, $0.0e+00;
	v18 =	vmul.f32 v18, v5;
	v28 =	vmul.f32 v22, v6  }
0x229: {  	v16 =	vmul.f32 v16, v7;
	v39 =	vunpack.i.l.bf16.f32 v21;
	v21 =	vunpack.i.u.bf16.f32 v21  }
0x22a: {  	v46 =	vld [tilespmem:s8+$0xE8E0];
	v19 =	vmul.f32 v19, v7;
	v22 =	vadd.bf16 v44, v42;
	v14 =	vmul.f32 v14, v4  }
0x22b: {  	v20 =	vld [tilespmem:s8+$0xF2E0];
	v10 =	vmul.f32 v10, v5;
	v21 =	vmax.f32 v21, $0.0e+00;
	v9 =	vadd.f32 v12, v9  }
0x22c: {  	v47 =	vld [tilespmem:s8+$0xE8F0];
	v12 =	vmax.f32 v45, $0.0e+00;
	v45 =	vmul.f32 v21, v7;
	v53 =	vunpack.i.l.bf16.f32 v22  }
0x22d: {  	v48 =	vld [tilespmem:s8+$0xF2F0];
	v22 =	vunpack.i.u.bf16.f32 v22;
	v14 =	vadd.f32 $0.0e+00, v14;
	v12 =	vmul.f32 v12, v4  }
0x22e: {  	v23 =	vld [tilespmem:s8+$0xE950];
	v56 =	vmax.f32 v22, $0.0e+00;
	v9 =	vadd.f32 v9, v11;
	v11 =	vunpack.i.l.bf16.f32 v17  }
0x22f: {  	v63 =	vld [tilespmem:s8+$0xF350];
	v17 =	vunpack.i.u.bf16.f32 v17;
	v10 =	vadd.f32 v14, v10;
	v12 =	vadd.f32 $0.0e+00, v12  }
0x230: {  	v41 =	vld [tilespmem:s8+$0xF380];
	v11 =	vmax.f32 v11, $0.0e+00;
	v14 =	vadd.bf16 v20, v46;
	v17 =	vmax.f32 v17, $0.0e+00  }
0x231: {  	v40 =	vld [tilespmem:s8+$0xE980];
	v11 =	vmul.f32 v11, v4;
	v17 =	vmul.f32 v17, v5;
	v10 =	vadd.f32 v43, v10  }
0x232: {  	v12 =	vadd.f32 v12, v13;
	v13 =	vmax.f32 v49, $0.0e+00;
	v20 =	vunpack.i.l.bf16.f32 v14  }
0x233: {  	v14 =	vunpack.i.u.bf16.f32 v14;
	v43 =	vmul.f32 v24, v6;
	v11 =	vadd.f32 $0.0e+00, v11  }
0x234: {  	v13 =	vmul.f32 v13, v6;
	v20 =	vmax.f32 v20, $0.0e+00;
	v14 =	vmax.f32 v14, $0.0e+00  }
0x235: {  	v10 =	vadd.f32 v10, v15;
	v15 =	vadd.bf16 v48, v47;
	v52 =	vmul.f32 v20, v6  }
0x236: {  	v26 =	vld [tilespmem:s8+$0xF3A0];
	v14 =	vmul.f32 v14, v7;
	v20 =	vadd.bf16 v63, v23;
	v23 =	vadd.bf16 v41, v40  }
0x237: {  	v48 =	vld [tilespmem:s8+$0xE9A0];
	v11 =	vadd.f32 v11, v17;
	v12 =	vadd.f32 v13, v12;
	v13 =	vmax.f32 v59, $0.0e+00  }
0x238: {  	v58 =	vld [tilespmem:s8+$0xE930];
	v55 =	vunpack.i.l.bf16.f32 v15;
	v15 =	vunpack.i.u.bf16.f32 v15;
	v13 =	vmul.f32 v13, v4  }
0x239: {  	v60 =	vld [tilespmem:s8+$0xF330];
	v36 =	vunpack.i.l.bf16.f32 v20;
	v17 =	vadd.f32 v52, v11;
	v11 =	vmax.f32 v55, $0.0e+00  }
0x23a: {  	v20 =	vunpack.i.u.bf16.f32 v20;
	v51 =	vunpack.i.l.bf16.f32 v23;
	v11 =	vmul.f32 v11, v4  }
0x23b: {  	v50 =	vld [tilespmem:s8+$0xF3B0];
	v15 =	vmax.f32 v15, $0.0e+00;
	v20 =	vmax.f32 v20, $0.0e+00;
	v13 =	vadd.f32 $0.0e+00, v13  }
0x23c: {  	v49 =	vld [tilespmem:s8+$0xE9B0];
	v15 =	vmul.f32 v15, v5;
	v21 =	vadd.bf16 v26, v48;
	v57 =	vadd.f32 $0.0e+00, v11  }
0x23d: {  	v35 =	vld [tilespmem:s8+$0xE970];
	v20 =	vmul.f32 v20, v5;
	v11 =	vadd.f32 v12, v54;
	v12 =	vadd.f32 v17, v14  }
0x23e: {  	v37 =	vld [tilespmem:s8+$0xF370];
	v17 =	vmax.f32 v61, $0.0e+00;
	v14 =	vadd.bf16 v60, v58;
	v13 =	vadd.f32 v13, v18  }
0x23f: {  	v55 =	vld [tilespmem:s8+$0xE9C0];
	v54 =	vunpack.i.u.bf16.f32 v23;
	v17 =	vmul.f32 v17, v6;
	v59 =	vunpack.i.l.bf16.f32 v21  }
0x240: {  	v58 =	vld [tilespmem:s8+$0xF3C0];
	v21 =	vunpack.i.u.bf16.f32 v21;
	v15 =	vadd.f32 v57, v15;
	v31 =	vunpack.i.l.bf16.f32 v14  }
0x241: {  	v18 =	vadd.f32 v28, v13;
	v14 =	vunpack.i.u.bf16.f32 v14;
	v57 =	vadd.bf16 v50, v49  }
0x242: {  	v62 =	vld [tilespmem:s8+$0xF3D0];
	v32 =	vmax.f32 v31, $0.0e+00;
	v14 =	vmax.f32 v14, $0.0e+00;
	v15 =	vadd.f32 v17, v15  }
0x243: {  	v33 =	vld [tilespmem:s8+$0xF3E0];
	v13 =	vmul.f32 v32, v4;
	v25 =	vmul.f32 v14, v5;
	v14 =	vadd.f32 v18, v16  }
0x244: {  	v48 =	vld [tilespmem:s8+$0xEA20];
	v18 =	vmax.f32 v39, $0.0e+00;
	v16 =	vadd.bf16 v37, v35;
	v61 =	vunpack.i.l.bf16.f32 v57  }
0x245: {  	v60 =	vld [tilespmem:s8+$0xE9D0];
	v31 =	vunpack.i.u.bf16.f32 v57;
	v18 =	vmul.f32 v18, v6;
	v23 =	vadd.bf16 v58, v55  }
0x246: {  	v50 =	vld [tilespmem:s8+$0xF420];
	v29 =	vmax.f32 v61, $0.0e+00;
	v34 =	vadd.f32 $0.0e+00, v13;
	v13 =	vadd.f32 v15, v30  }
0x247: {  	v32 =	vld [tilespmem:s8+$0xE9E0];
	v15 =	vmax.f32 v36, $0.0e+00;
	v46 =	vunpack.i.l.bf16.f32 v16;
	v16 =	vunpack.i.u.bf16.f32 v16  }
0x248: {  	v30 =	vmax.f32 v21, $0.0e+00;
	v21 =	vmax.f32 v31, $0.0e+00;
	v15 =	vmul.f32 v15, v4  }
0x249: {  	v47 =	vmax.f32 v46, $0.0e+00;
	v16 =	vmax.f32 v16, $0.0e+00;
	v21 =	vmul.f32 v21, v5  }
0x24a: {  	v38 =	vadd.f32 v34, v25;
	v28 =	vmul.f32 v16, v5;
	v34 =	vadd.bf16 v62, v60  }
0x24b: {  	v25 =	vmax.f32 v59, $0.0e+00;
	v60 =	vadd.bf16 v50, v48;
	v15 =	vadd.f32 $0.0e+00, v15  }
0x24c: {  	v63 =	vmul.f32 v25, v6;
	v25 =	vmul.f32 v29, v4;
	v22 =	vadd.bf16 v33, v32  }
0x24d: {  	v44 =	vld [tilespmem:s8+$0xF410];
	v17 =	vadd.f32 v18, v38;
	v18 =	vmul.f32 v56, v5;
	v38 =	vunpack.i.l.bf16.f32 v23  }
0x24e: {  	v41 =	vld [tilespmem:s8+$0xEA10];
	v23 =	vunpack.i.u.bf16.f32 v23;
	v24 =	vunpack.i.u.bf16.f32 v34;
	v15 =	vadd.f32 v15, v20  }
0x24f: {  	v40 =	vld [tilespmem:s8+$0xEA00];
	v25 =	vadd.f32 $0.0e+00, v25;
	v23 =	vmax.f32 v23, $0.0e+00;
	v24 =	vmax.f32 v24, $0.0e+00  }
0x250: {  	v29 =	vld [tilespmem:s8+$0xF400];
	v39 =	vunpack.i.l.bf16.f32 v34;
	v24 =	vmul.f32 v24, v5;
	v42 =	vmul.f32 v23, v7  }
0x251: {  	v20 =	vadd.f32 v43, v15;
	v15 =	vmul.f32 v47, v4;
	v37 =	vadd.f32 v25, v21  }
0x252: {  	v21 =	vmax.f32 v38, $0.0e+00;
	v25 =	vmax.f32 v39, $0.0e+00;
	v43 =	vunpack.i.l.bf16.f32 v22  }
0x253: {  	v22 =	vunpack.i.u.bf16.f32 v22;
	v47 =	vadd.bf16 v44, v41;
	v44 =	vsel vm0, v12, v11  }
0x254: {  	v55 =	vld [tilespmem:s8+$0xEA50];
	v21 =	vmul.f32 v21, v6;
	v25 =	vmul.f32 v25, v4;
	v23 =	vmax.f32 v43, $0.0e+00  }
0x255: {  	v56 =	vld [tilespmem:s8+$0xF450];
	v22 =	vmax.f32 v22, $0.0e+00;
	v49 =	vadd.bf16 v29, v40;
	v43 =	vsel vm0, v10, v9  }
0x256: {  	v9 =	vsel vm0, v9, v10;
	v10 =	vsel vm0, v11, v12;
	v27 =	vadd.f32 $0.0e+00, v15  }
0x257: {  	v15 =	vadd.f32 v17, v45;
	v16 =	vadd.f32 v20, v19;
	v17 =	vmax.f32 v51, $0.0e+00  }
0x258: {  	v19 =	vmax.f32 v53, $0.0e+00;
	v20 =	vmax.f32 v54, $0.0e+00;
	v23 =	vmul.f32 v23, v6  }
0x259: {  	v35 =	vld [tilespmem:s8+$0xE9F0];
	v22 =	vmul.f32 v22, v7;
	v51 =	vunpack.i.l.bf16.f32 v47;
	v17 =	vmul.f32 v17, v6  }
0x25a: {  	v59 =	vld [tilespmem:s8+$0xF460];
	v62 =	vadd.bf16 v56, v55;
	v19 =	vmul.f32 v19, v4;
	v20 =	vmul.f32 v20, v7  }
0x25b: {  	v34 =	vld [tilespmem:s8+$0xEA60];
	v25 =	vadd.f32 $0.0e+00, v25;
	v53 =	vunpack.i.l.bf16.f32 v49;
	v52 =	vadd.f32 v27, v28  }
0x25c: {  	v36 =	vld [tilespmem:s8+$0xF3F0];
	v28 =	vmax.f32 v53, $0.0e+00;
	v27 =	vunpack.i.u.bf16.f32 v62;
	v19 =	vadd.f32 $0.0e+00, v19  }
0x25d: {  	v31 =	vld [tilespmem:s8+$0xF430];
	v24 =	vadd.f32 v25, v24;
	v27 =	vmax.f32 v27, $0.0e+00;
	v17 =	vadd.f32 v17, v52  }
0x25e: {  	v33 =	vld [tilespmem:s8+$0xF440];
	v28 =	vmul.f32 v28, v6;
	v27 =	vmul.f32 v27, v5;
	v18 =	vadd.f32 v19, v18  }
0x25f: {  	v52 =	vld [tilespmem:s8+$0xEA40];
	v19 =	vmul.f32 v30, v7;
	v23 =	vadd.f32 v23, v24;
	v17 =	vadd.f32 v17, v20  }
0x260: {  	v30 =	vld [tilespmem:s8+$0xEA30];
	v20 =	vadd.f32 v21, v37;
	v21 =	vunpack.i.u.bf16.f32 v49;
	v37 =	vadd.bf16 v59, v34  }
0x261: {  	v18 =	vadd.f32 v63, v18;
	v22 =	vadd.f32 v23, v22;
	v23 =	vmax.f32 v51, $0.0e+00  }
0x262: {  	v21 =	vmax.f32 v21, $0.0e+00;
	v20 =	vadd.f32 v20, v42;
	v23 =	vmul.f32 v23, v4  }
0x263: {  	v21 =	vmul.f32 v21, v7;
	v39 =	vunpack.i.l.bf16.f32 v37;
	v18 =	vadd.f32 v18, v19  }
0x264: {  	v40 =	vunpack.i.u.bf16.f32 v37;
	v19 =	vadd.bf16 v36, v35;
	v24 =	vadd.bf16 v33, v52  }
0x265: {  	v35 =	vunpack.i.l.bf16.f32 v60;
	v36 =	vunpack.i.l.bf16.f32 v62;
	v54 =	vadd.bf16 v31, v30  }
0x266: {  	v23 =	vadd.f32 $0.0e+00, v23;
	v29 =	vmax.f32 v35, $0.0e+00;
	v49 =	vsel vm0, v22, v20  }
0x267: {  	v51 =	vsel vm0, v20, v22;
	v45 =	vunpack.i.l.bf16.f32 v19;
	v19 =	vunpack.i.u.bf16.f32 v19  }
0x268: {  	v38 =	vunpack.i.l.bf16.f32 v24;
	v29 =	vmul.f32 v29, v6;
	v24 =	vunpack.i.u.bf16.f32 v24  }
0x269: {  	v48 =	vsel vm0, v18, v17;
	v50 =	vsel vm0, v17, v18;
	v25 =	vmax.f32 v45, $0.0e+00  }
0x26a: {  	v19 =	vmax.f32 v19, $0.0e+00;
	v32 =	vunpack.i.l.bf16.f32 v54;
	v25 =	vmul.f32 v25, v4  }
0x26b: {  	v57 =	vunpack.i.u.bf16.f32 v54;
	v31 =	vmax.f32 v38, $0.0e+00;
	v24 =	vmax.f32 v24, $0.0e+00  }
0x26c: {  	v45 =	vsel vm0, v14, v13;
	v19 =	vmul.f32 v19, v5;
	v46 =	vadd.f32 $0.0e+00, v25  }
0x26d: {  	v32 =	vmax.f32 v32, $0.0e+00;
	v61 =	vmax.f32 v57, $0.0e+00;
	v31 =	vmul.f32 v31, v6  }
0x26e: {  	v24 =	vmul.f32 v24, v7;
	v11 =	vperm.xlane v45, v0;
	v19 =	vadd.f32 v46, v19  }
0x26f: {  	v58 =	vmul.f32 v32, v4;
	v26 =	vmul.f32 v61, v5;
	v25 =	vunpack.i.u.bf16.f32 v47  }
0x270: {  	v47 =	vsel vm0, v16, v15;
	v19 =	vadd.f32 v28, v19;
	v28 =	vmax.f32 v36, $0.0e+00  }
0x271: {  	v25 =	vmax.f32 v25, $0.0e+00;
	v63 =	vadd.f32 $0.0e+00, v58;
	v28 =	vmul.f32 v28, v4  }
0x272: {  	v15 =	vsel vm0, v15, v16;
	v12 =	vperm.xlane v47, v0;
	v25 =	vmul.f32 v25, v5  }
0x273: {  	v46 =	vsel vm0, v13, v14;
	v26 =	vadd.f32 v63, v26;
	v28 =	vadd.f32 $0.0e+00, v28  }
0x274: {  	v13 =	vperm.xlane v48, v0;
	v11 =	vadd.f32 v11, v46;
	v12 =	vadd.f32 v12, v15  }
0x275: {  	v23 =	vadd.f32 v23, v25;
	v27 =	vadd.f32 v28, v27;
	v28 =	vmax.f32 v39, $0.0e+00  }
0x276: {  	v25 =	vunpack.i.u.bf16.f32 v60;
	v26 =	vadd.f32 v31, v26;
	v28 =	vmul.f32 v28, v6  }
0x277: {  	v25 =	vmax.f32 v25, $0.0e+00;
	v23 =	vadd.f32 v29, v23;
	v29 =	vmax.f32 v40, $0.0e+00  }
0x278: {  	v25 =	vmul.f32 v25, v7;
	v42 =	vmul.f32 v29, v7;
	v41 =	vadd.f32 v28, v27  }
0x279: {  	v14 =	vperm.xlane v49, v0;
	v19 =	vadd.f32 v19, v21;
	v24 =	vadd.f32 v26, v24  }
0x27a: {  	v26 =	vperm.xlane v44, v0;
	v23 =	vadd.f32 v23, v25;
	v21 =	vadd.f32 v41, v42  }
0x27b: {  	v13 =	vadd.f32 v13, v50;
	v14 =	vadd.f32 v14, v51;
	v25 =	vperm.xlane v43, v0  }
0x27c: {  	v10 =	vadd.f32 v26, v10;
	v52 =	vsel vm0, v23, v19;
	v53 =	vsel vm0, v21, v24  }
0x27d: {  	v9 =	vadd.f32 v25, v9;
	v15 =	vperm.xlane v52, v0;
	v16 =	vperm.xlane v53, v0  }
0x27e: {  	v57 =	vsel vm1, v14, v13;
	v55 =	vsel vm0, v19, v23;
	v56 =	vsel vm0, v24, v21  }
0x27f: {  	v54 =	vsel vm1, v10, v9;
	v15 =	vadd.f32 v15, v55;
	v16 =	vadd.f32 v16, v56  }
0x280: {  	v9 =	vsel vm1, v9, v10;
	v10 =	vsel vm1, v12, v11;
	v17 =	vperm.xlane v54, v1  }
0x281: {  	v58 =	vperm.xlane v57, v1;
	v10 =	vperm.xlane v10, v1;
	v18 =	vsel vm1, v16, v15  }
0x282: {  	v11 =	vsel vm1, v11, v12;
	v9 =	vadd.f32 v17, v9;
	v59 =	vperm.xlane v18, v1  }
0x283: {  	v10 =	vadd.f32 v10, v11;
	v11 =	vsel vm1, v13, v14;
	v60 =	vsel vm1, v15, v16  }
0x284: {  	v11 =	vadd.f32 v58, v11;
	v61 =	vadd.f32 v59, v60;
	_ =	sdelay $0x1  }
0x285: {  	v62 =	vsel vm2, v10, v9;
	v63 =	vsel vm2, v61, v11  }
0x286: {  	v13 =	vperm.xlane v62, v2;
	v14 =	vperm.xlane v63, v2  }
0x287: {  	v9 =	vsel vm2, v9, v10;
	v10 =	vsel vm2, v11, v61  }
0x288: {  	v9 =	vadd.f32 v13, v9;
	v10 =	vadd.f32 v14, v10;
	_ =	sdelay $0x1  }
0x289: {  	v11 =	vsel vm3, v10, v9  }
0x28a: {  	v11 =	vperm.xlane v11, v3  }
0x28b: {  	p0 =	sne.s32 s5, $0x27C0;
	v9 =	vsel vm3, v9, v10  }
.Ltmp4:
0x28c: {  	v9 =	vadd.f32 v9, v11;
	(pc) =	sbr.rel @p0 .LBB2_10-.Ltmp4, $3  }
0x28d: {  	_ = 	snop  }
0x28e: {  	v9 =	vadd.f32 v9, v8;
	_ =	sdelay $0x1  }
0x28f: {  	s5 =	sadd.s32 $0x800, s5;
	[tilespmem:s6+$0x0] =	vst v9;
	s6 =	sadd.s32 $0x10, s6  }
0x290: {  	_ =	swait.ge [sflag:s31], $0xA00  }
0x291: {  	[sflag:s31] =	ssyncset.done $0x0  }
0x292: {  	[sflag:s31] =	ssyncadd.s32 $0xFFFFF600  }
0x293: {  	_ =	swait.ge [sflag:s3], $0xA00  }
0x294: {  	[sflag:s3] =	ssyncset.done $0x0  }
0x295: {  	s5 =	simm.s32 $0x7C0;
	s6 =	simm.s32 $0x14D70;
	[sflag:s3] =	ssyncadd.s32 $0xFFFFF600  }
.LBB2_12:
0x296: {  	s8 =	sshra.s32 s5, $0x2  }
0x297: {  	v9 =	vld [tilespmem:s8+$0xFC70]  }
0x298: {  	v10 =	vld [tilespmem:s8+$0x10670]  }
0x299: {  	v11 =	vld [tilespmem:s8+$0xFC80]  }
0x29a: {  	v13 =	vld [tilespmem:s8+$0x10680]  }
0x29b: {  	v15 =	vld [tilespmem:s8+$0xFCA0]  }
0x29c: {  	v16 =	vld [tilespmem:s8+$0x106A0]  }
0x29d: {  	v38 =	vld [tilespmem:s8+$0xFCB0]  }
0x29e: {  	v17 =	vld [tilespmem:s8+$0x106B0]  }
0x29f: {  	v41 =	vld [tilespmem:s8+$0xFCC0]  }
0x2a0: {  	v19 =	vld [tilespmem:s8+$0xFCD0]  }
0x2a1: {  	v42 =	vld [tilespmem:s8+$0x106D0]  }
0x2a2: {  	v44 =	vld [tilespmem:s8+$0x106C0]  }
0x2a3: {  	v50 =	vld [tilespmem:s8+$0xFD00]  }
0x2a4: {  	v53 =	vld [tilespmem:s8+$0x10700];
	_ =	sdelay $0x1  }
0x2a5: {  	v9 =	vadd.bf16 v10, v9  }
0x2a6: {  	v12 =	vld [tilespmem:s8+$0xFC90];
	v11 =	vadd.bf16 v13, v11;
	v15 =	vadd.bf16 v16, v15  }
0x2a7: {  	v21 =	vld [tilespmem:s8+$0xFD10];
	v13 =	vadd.bf16 v17, v38;
	v17 =	vadd.bf16 v42, v19  }
0x2a8: {  	v51 =	vld [tilespmem:s8+$0x10710];
	v16 =	vadd.bf16 v44, v41;
	v19 =	vadd.bf16 v53, v50  }
0x2a9: {  	v56 =	vld [tilespmem:s8+$0xFD20];
	v14 =	vunpack.i.l.bf16.f32 v9;
	v9 =	vunpack.i.u.bf16.f32 v9;
	v40 =	vunpack.i.l.bf16.f32 v11  }
0x2aa: {  	v22 =	vld [tilespmem:s8+$0x10720];
	v11 =	vunpack.i.u.bf16.f32 v11;
	v18 =	vunpack.i.l.bf16.f32 v15;
	v45 =	vunpack.i.l.bf16.f32 v13  }
0x2ab: {  	v62 =	vld [tilespmem:s8+$0xFD40];
	v15 =	vunpack.i.u.bf16.f32 v15;
	v13 =	vunpack.i.u.bf16.f32 v13;
	v49 =	vunpack.i.l.bf16.f32 v16  }
0x2ac: {  	v29 =	vld [tilespmem:s8+$0x10740];
	v16 =	vunpack.i.u.bf16.f32 v16;
	v61 =	vunpack.i.l.bf16.f32 v19;
	v19 =	vunpack.i.u.bf16.f32 v19  }
0x2ad: {  	v33 =	vld [tilespmem:s8+$0xFD60];
	v14 =	vmax.f32 v14, $0.0e+00;
	v9 =	vmax.f32 v9, $0.0e+00;
	v18 =	vmax.f32 v18, $0.0e+00  }
0x2ae: {  	v10 =	vld [tilespmem:s8+$0x10690];
	v11 =	vmax.f32 v11, $0.0e+00;
	v15 =	vmax.f32 v15, $0.0e+00;
	v14 =	vmul.f32 v14, v4  }
0x2af: {  	v24 =	vld [tilespmem:s8+$0x10760];
	v13 =	vmax.f32 v13, $0.0e+00;
	v9 =	vmul.f32 v9, v5;
	v43 =	vmul.f32 v18, v6  }
0x2b0: {  	v16 =	vmax.f32 v16, $0.0e+00;
	v11 =	vmul.f32 v11, v7;
	v15 =	vmul.f32 v15, v7  }
0x2b1: {  	v19 =	vmax.f32 v19, $0.0e+00;
	v13 =	vmul.f32 v13, v5;
	v54 =	vmul.f32 v16, v7  }
0x2b2: {  	v18 =	vadd.bf16 v51, v21;
	v16 =	vadd.bf16 v22, v56;
	v30 =	vmul.f32 v19, v7  }
0x2b3: {  	v21 =	vadd.bf16 v29, v62;
	v10 =	vadd.bf16 v10, v12;
	v12 =	vmax.f32 v40, $0.0e+00  }
0x2b4: {  	v19 =	vadd.bf16 v24, v33;
	v37 =	vadd.f32 $0.0e+00, v14;
	v12 =	vmul.f32 v12, v6  }
0x2b5: {  	v59 =	vunpack.i.l.bf16.f32 v18;
	v18 =	vunpack.i.u.bf16.f32 v18;
	v22 =	vunpack.i.l.bf16.f32 v16  }
0x2b6: {  	v42 =	vld [tilespmem:s8+$0xFD90];
	v16 =	vunpack.i.u.bf16.f32 v16;
	v24 =	vunpack.i.l.bf16.f32 v19;
	v19 =	vunpack.i.u.bf16.f32 v19  }
0x2b7: {  	v44 =	vld [tilespmem:s8+$0x10790];
	v39 =	vunpack.i.l.bf16.f32 v10;
	v10 =	vunpack.i.u.bf16.f32 v10;
	v18 =	vmax.f32 v18, $0.0e+00  }
0x2b8: {  	v22 =	vmax.f32 v22, $0.0e+00;
	v16 =	vmax.f32 v16, $0.0e+00;
	v24 =	vmax.f32 v24, $0.0e+00  }
0x2b9: {  	v19 =	vmax.f32 v19, $0.0e+00;
	v9 =	vadd.f32 v37, v9;
	v14 =	vmax.f32 v39, $0.0e+00  }
0x2ba: {  	v10 =	vmax.f32 v10, $0.0e+00;
	v18 =	vmul.f32 v18, v5;
	v28 =	vmul.f32 v22, v6  }
0x2bb: {  	v16 =	vmul.f32 v16, v7;
	v39 =	vunpack.i.l.bf16.f32 v21;
	v21 =	vunpack.i.u.bf16.f32 v21  }
0x2bc: {  	v46 =	vld [tilespmem:s8+$0xFCE0];
	v19 =	vmul.f32 v19, v7;
	v22 =	vadd.bf16 v44, v42;
	v14 =	vmul.f32 v14, v4  }
0x2bd: {  	v20 =	vld [tilespmem:s8+$0x106E0];
	v10 =	vmul.f32 v10, v5;
	v21 =	vmax.f32 v21, $0.0e+00;
	v9 =	vadd.f32 v12, v9  }
0x2be: {  	v47 =	vld [tilespmem:s8+$0xFCF0];
	v12 =	vmax.f32 v45, $0.0e+00;
	v45 =	vmul.f32 v21, v7;
	v53 =	vunpack.i.l.bf16.f32 v22  }
0x2bf: {  	v48 =	vld [tilespmem:s8+$0x106F0];
	v22 =	vunpack.i.u.bf16.f32 v22;
	v14 =	vadd.f32 $0.0e+00, v14;
	v12 =	vmul.f32 v12, v4  }
0x2c0: {  	v23 =	vld [tilespmem:s8+$0xFD50];
	v56 =	vmax.f32 v22, $0.0e+00;
	v9 =	vadd.f32 v9, v11;
	v11 =	vunpack.i.l.bf16.f32 v17  }
0x2c1: {  	v63 =	vld [tilespmem:s8+$0x10750];
	v17 =	vunpack.i.u.bf16.f32 v17;
	v10 =	vadd.f32 v14, v10;
	v12 =	vadd.f32 $0.0e+00, v12  }
0x2c2: {  	v41 =	vld [tilespmem:s8+$0x10780];
	v11 =	vmax.f32 v11, $0.0e+00;
	v14 =	vadd.bf16 v20, v46;
	v17 =	vmax.f32 v17, $0.0e+00  }
0x2c3: {  	v40 =	vld [tilespmem:s8+$0xFD80];
	v11 =	vmul.f32 v11, v4;
	v17 =	vmul.f32 v17, v5;
	v10 =	vadd.f32 v43, v10  }
0x2c4: {  	v12 =	vadd.f32 v12, v13;
	v13 =	vmax.f32 v49, $0.0e+00;
	v20 =	vunpack.i.l.bf16.f32 v14  }
0x2c5: {  	v14 =	vunpack.i.u.bf16.f32 v14;
	v43 =	vmul.f32 v24, v6;
	v11 =	vadd.f32 $0.0e+00, v11  }
0x2c6: {  	v13 =	vmul.f32 v13, v6;
	v20 =	vmax.f32 v20, $0.0e+00;
	v14 =	vmax.f32 v14, $0.0e+00  }
0x2c7: {  	v10 =	vadd.f32 v10, v15;
	v15 =	vadd.bf16 v48, v47;
	v52 =	vmul.f32 v20, v6  }
0x2c8: {  	v26 =	vld [tilespmem:s8+$0x107A0];
	v14 =	vmul.f32 v14, v7;
	v20 =	vadd.bf16 v63, v23;
	v23 =	vadd.bf16 v41, v40  }
0x2c9: {  	v48 =	vld [tilespmem:s8+$0xFDA0];
	v11 =	vadd.f32 v11, v17;
	v12 =	vadd.f32 v13, v12;
	v13 =	vmax.f32 v59, $0.0e+00  }
0x2ca: {  	v58 =	vld [tilespmem:s8+$0xFD30];
	v55 =	vunpack.i.l.bf16.f32 v15;
	v15 =	vunpack.i.u.bf16.f32 v15;
	v13 =	vmul.f32 v13, v4  }
0x2cb: {  	v60 =	vld [tilespmem:s8+$0x10730];
	v36 =	vunpack.i.l.bf16.f32 v20;
	v17 =	vadd.f32 v52, v11;
	v11 =	vmax.f32 v55, $0.0e+00  }
0x2cc: {  	v20 =	vunpack.i.u.bf16.f32 v20;
	v51 =	vunpack.i.l.bf16.f32 v23;
	v11 =	vmul.f32 v11, v4  }
0x2cd: {  	v50 =	vld [tilespmem:s8+$0x107B0];
	v15 =	vmax.f32 v15, $0.0e+00;
	v20 =	vmax.f32 v20, $0.0e+00;
	v13 =	vadd.f32 $0.0e+00, v13  }
0x2ce: {  	v49 =	vld [tilespmem:s8+$0xFDB0];
	v15 =	vmul.f32 v15, v5;
	v21 =	vadd.bf16 v26, v48;
	v57 =	vadd.f32 $0.0e+00, v11  }
0x2cf: {  	v35 =	vld [tilespmem:s8+$0xFD70];
	v20 =	vmul.f32 v20, v5;
	v11 =	vadd.f32 v12, v54;
	v12 =	vadd.f32 v17, v14  }
0x2d0: {  	v37 =	vld [tilespmem:s8+$0x10770];
	v17 =	vmax.f32 v61, $0.0e+00;
	v14 =	vadd.bf16 v60, v58;
	v13 =	vadd.f32 v13, v18  }
0x2d1: {  	v55 =	vld [tilespmem:s8+$0xFDC0];
	v54 =	vunpack.i.u.bf16.f32 v23;
	v17 =	vmul.f32 v17, v6;
	v59 =	vunpack.i.l.bf16.f32 v21  }
0x2d2: {  	v58 =	vld [tilespmem:s8+$0x107C0];
	v21 =	vunpack.i.u.bf16.f32 v21;
	v15 =	vadd.f32 v57, v15;
	v31 =	vunpack.i.l.bf16.f32 v14  }
0x2d3: {  	v18 =	vadd.f32 v28, v13;
	v14 =	vunpack.i.u.bf16.f32 v14;
	v57 =	vadd.bf16 v50, v49  }
0x2d4: {  	v62 =	vld [tilespmem:s8+$0x107D0];
	v32 =	vmax.f32 v31, $0.0e+00;
	v14 =	vmax.f32 v14, $0.0e+00;
	v15 =	vadd.f32 v17, v15  }
0x2d5: {  	v33 =	vld [tilespmem:s8+$0x107E0];
	v13 =	vmul.f32 v32, v4;
	v25 =	vmul.f32 v14, v5;
	v14 =	vadd.f32 v18, v16  }
0x2d6: {  	v48 =	vld [tilespmem:s8+$0xFE20];
	v18 =	vmax.f32 v39, $0.0e+00;
	v16 =	vadd.bf16 v37, v35;
	v61 =	vunpack.i.l.bf16.f32 v57  }
0x2d7: {  	v60 =	vld [tilespmem:s8+$0xFDD0];
	v31 =	vunpack.i.u.bf16.f32 v57;
	v18 =	vmul.f32 v18, v6;
	v23 =	vadd.bf16 v58, v55  }
0x2d8: {  	v50 =	vld [tilespmem:s8+$0x10820];
	v29 =	vmax.f32 v61, $0.0e+00;
	v34 =	vadd.f32 $0.0e+00, v13;
	v13 =	vadd.f32 v15, v30  }
0x2d9: {  	v32 =	vld [tilespmem:s8+$0xFDE0];
	v15 =	vmax.f32 v36, $0.0e+00;
	v46 =	vunpack.i.l.bf16.f32 v16;
	v16 =	vunpack.i.u.bf16.f32 v16  }
0x2da: {  	v30 =	vmax.f32 v21, $0.0e+00;
	v21 =	vmax.f32 v31, $0.0e+00;
	v15 =	vmul.f32 v15, v4  }
0x2db: {  	v47 =	vmax.f32 v46, $0.0e+00;
	v16 =	vmax.f32 v16, $0.0e+00;
	v21 =	vmul.f32 v21, v5  }
0x2dc: {  	v38 =	vadd.f32 v34, v25;
	v28 =	vmul.f32 v16, v5;
	v34 =	vadd.bf16 v62, v60  }
0x2dd: {  	v25 =	vmax.f32 v59, $0.0e+00;
	v60 =	vadd.bf16 v50, v48;
	v15 =	vadd.f32 $0.0e+00, v15  }
0x2de: {  	v63 =	vmul.f32 v25, v6;
	v25 =	vmul.f32 v29, v4;
	v22 =	vadd.bf16 v33, v32  }
0x2df: {  	v44 =	vld [tilespmem:s8+$0x10810];
	v17 =	vadd.f32 v18, v38;
	v18 =	vmul.f32 v56, v5;
	v38 =	vunpack.i.l.bf16.f32 v23  }
0x2e0: {  	v41 =	vld [tilespmem:s8+$0xFE10];
	v23 =	vunpack.i.u.bf16.f32 v23;
	v24 =	vunpack.i.u.bf16.f32 v34;
	v15 =	vadd.f32 v15, v20  }
0x2e1: {  	v40 =	vld [tilespmem:s8+$0xFE00];
	v25 =	vadd.f32 $0.0e+00, v25;
	v23 =	vmax.f32 v23, $0.0e+00;
	v24 =	vmax.f32 v24, $0.0e+00  }
0x2e2: {  	v29 =	vld [tilespmem:s8+$0x10800];
	v39 =	vunpack.i.l.bf16.f32 v34;
	v24 =	vmul.f32 v24, v5;
	v42 =	vmul.f32 v23, v7  }
0x2e3: {  	v20 =	vadd.f32 v43, v15;
	v15 =	vmul.f32 v47, v4;
	v37 =	vadd.f32 v25, v21  }
0x2e4: {  	v21 =	vmax.f32 v38, $0.0e+00;
	v25 =	vmax.f32 v39, $0.0e+00;
	v43 =	vunpack.i.l.bf16.f32 v22  }
0x2e5: {  	v22 =	vunpack.i.u.bf16.f32 v22;
	v47 =	vadd.bf16 v44, v41;
	v44 =	vsel vm0, v12, v11  }
0x2e6: {  	v55 =	vld [tilespmem:s8+$0xFE50];
	v21 =	vmul.f32 v21, v6;
	v25 =	vmul.f32 v25, v4;
	v23 =	vmax.f32 v43, $0.0e+00  }
0x2e7: {  	v56 =	vld [tilespmem:s8+$0x10850];
	v22 =	vmax.f32 v22, $0.0e+00;
	v49 =	vadd.bf16 v29, v40;
	v43 =	vsel vm0, v10, v9  }
0x2e8: {  	v9 =	vsel vm0, v9, v10;
	v10 =	vsel vm0, v11, v12;
	v27 =	vadd.f32 $0.0e+00, v15  }
0x2e9: {  	v15 =	vadd.f32 v17, v45;
	v16 =	vadd.f32 v20, v19;
	v17 =	vmax.f32 v51, $0.0e+00  }
0x2ea: {  	v19 =	vmax.f32 v53, $0.0e+00;
	v20 =	vmax.f32 v54, $0.0e+00;
	v23 =	vmul.f32 v23, v6  }
0x2eb: {  	v35 =	vld [tilespmem:s8+$0xFDF0];
	v22 =	vmul.f32 v22, v7;
	v51 =	vunpack.i.l.bf16.f32 v47;
	v17 =	vmul.f32 v17, v6  }
0x2ec: {  	v59 =	vld [tilespmem:s8+$0x10860];
	v62 =	vadd.bf16 v56, v55;
	v19 =	vmul.f32 v19, v4;
	v20 =	vmul.f32 v20, v7  }
0x2ed: {  	v34 =	vld [tilespmem:s8+$0xFE60];
	v25 =	vadd.f32 $0.0e+00, v25;
	v53 =	vunpack.i.l.bf16.f32 v49;
	v52 =	vadd.f32 v27, v28  }
0x2ee: {  	v36 =	vld [tilespmem:s8+$0x107F0];
	v28 =	vmax.f32 v53, $0.0e+00;
	v27 =	vunpack.i.u.bf16.f32 v62;
	v19 =	vadd.f32 $0.0e+00, v19  }
0x2ef: {  	v31 =	vld [tilespmem:s8+$0x10830];
	v24 =	vadd.f32 v25, v24;
	v27 =	vmax.f32 v27, $0.0e+00;
	v17 =	vadd.f32 v17, v52  }
0x2f0: {  	v33 =	vld [tilespmem:s8+$0x10840];
	v28 =	vmul.f32 v28, v6;
	v27 =	vmul.f32 v27, v5;
	v18 =	vadd.f32 v19, v18  }
0x2f1: {  	v52 =	vld [tilespmem:s8+$0xFE40];
	v19 =	vmul.f32 v30, v7;
	v23 =	vadd.f32 v23, v24;
	v17 =	vadd.f32 v17, v20  }
0x2f2: {  	v30 =	vld [tilespmem:s8+$0xFE30];
	v20 =	vadd.f32 v21, v37;
	v21 =	vunpack.i.u.bf16.f32 v49;
	v37 =	vadd.bf16 v59, v34  }
0x2f3: {  	v18 =	vadd.f32 v63, v18;
	v22 =	vadd.f32 v23, v22;
	v23 =	vmax.f32 v51, $0.0e+00  }
0x2f4: {  	v21 =	vmax.f32 v21, $0.0e+00;
	v20 =	vadd.f32 v20, v42;
	v23 =	vmul.f32 v23, v4  }
0x2f5: {  	v21 =	vmul.f32 v21, v7;
	v39 =	vunpack.i.l.bf16.f32 v37;
	v18 =	vadd.f32 v18, v19  }
0x2f6: {  	v40 =	vunpack.i.u.bf16.f32 v37;
	v19 =	vadd.bf16 v36, v35;
	v24 =	vadd.bf16 v33, v52  }
0x2f7: {  	v35 =	vunpack.i.l.bf16.f32 v60;
	v36 =	vunpack.i.l.bf16.f32 v62;
	v54 =	vadd.bf16 v31, v30  }
0x2f8: {  	v23 =	vadd.f32 $0.0e+00, v23;
	v29 =	vmax.f32 v35, $0.0e+00;
	v49 =	vsel vm0, v22, v20  }
0x2f9: {  	v51 =	vsel vm0, v20, v22;
	v45 =	vunpack.i.l.bf16.f32 v19;
	v19 =	vunpack.i.u.bf16.f32 v19  }
0x2fa: {  	v38 =	vunpack.i.l.bf16.f32 v24;
	v29 =	vmul.f32 v29, v6;
	v24 =	vunpack.i.u.bf16.f32 v24  }
0x2fb: {  	v48 =	vsel vm0, v18, v17;
	v50 =	vsel vm0, v17, v18;
	v25 =	vmax.f32 v45, $0.0e+00  }
0x2fc: {  	v19 =	vmax.f32 v19, $0.0e+00;
	v32 =	vunpack.i.l.bf16.f32 v54;
	v25 =	vmul.f32 v25, v4  }
0x2fd: {  	v57 =	vunpack.i.u.bf16.f32 v54;
	v31 =	vmax.f32 v38, $0.0e+00;
	v24 =	vmax.f32 v24, $0.0e+00  }
0x2fe: {  	v45 =	vsel vm0, v14, v13;
	v19 =	vmul.f32 v19, v5;
	v46 =	vadd.f32 $0.0e+00, v25  }
0x2ff: {  	v32 =	vmax.f32 v32, $0.0e+00;
	v61 =	vmax.f32 v57, $0.0e+00;
	v31 =	vmul.f32 v31, v6  }
0x300: {  	v24 =	vmul.f32 v24, v7;
	v11 =	vperm.xlane v45, v0;
	v19 =	vadd.f32 v46, v19  }
0x301: {  	v58 =	vmul.f32 v32, v4;
	v26 =	vmul.f32 v61, v5;
	v25 =	vunpack.i.u.bf16.f32 v47  }
0x302: {  	v47 =	vsel vm0, v16, v15;
	v19 =	vadd.f32 v28, v19;
	v28 =	vmax.f32 v36, $0.0e+00  }
0x303: {  	v25 =	vmax.f32 v25, $0.0e+00;
	v63 =	vadd.f32 $0.0e+00, v58;
	v28 =	vmul.f32 v28, v4  }
0x304: {  	v15 =	vsel vm0, v15, v16;
	v12 =	vperm.xlane v47, v0;
	v25 =	vmul.f32 v25, v5  }
0x305: {  	v46 =	vsel vm0, v13, v14;
	v26 =	vadd.f32 v63, v26;
	v28 =	vadd.f32 $0.0e+00, v28  }
0x306: {  	v13 =	vperm.xlane v48, v0;
	v11 =	vadd.f32 v11, v46;
	v12 =	vadd.f32 v12, v15  }
0x307: {  	v23 =	vadd.f32 v23, v25;
	v27 =	vadd.f32 v28, v27;
	v28 =	vmax.f32 v39, $0.0e+00  }
0x308: {  	v25 =	vunpack.i.u.bf16.f32 v60;
	v26 =	vadd.f32 v31, v26;
	v28 =	vmul.f32 v28, v6  }
0x309: {  	v25 =	vmax.f32 v25, $0.0e+00;
	v23 =	vadd.f32 v29, v23;
	v29 =	vmax.f32 v40, $0.0e+00  }
0x30a: {  	v25 =	vmul.f32 v25, v7;
	v42 =	vmul.f32 v29, v7;
	v41 =	vadd.f32 v28, v27  }
0x30b: {  	v14 =	vperm.xlane v49, v0;
	v19 =	vadd.f32 v19, v21;
	v24 =	vadd.f32 v26, v24  }
0x30c: {  	v26 =	vperm.xlane v44, v0;
	v23 =	vadd.f32 v23, v25;
	v21 =	vadd.f32 v41, v42  }
0x30d: {  	v13 =	vadd.f32 v13, v50;
	v14 =	vadd.f32 v14, v51;
	v25 =	vperm.xlane v43, v0  }
0x30e: {  	v10 =	vadd.f32 v26, v10;
	v52 =	vsel vm0, v23, v19;
	v53 =	vsel vm0, v21, v24  }
0x30f: {  	v9 =	vadd.f32 v25, v9;
	v15 =	vperm.xlane v52, v0;
	v16 =	vperm.xlane v53, v0  }
0x310: {  	v57 =	vsel vm1, v14, v13;
	v55 =	vsel vm0, v19, v23;
	v56 =	vsel vm0, v24, v21  }
0x311: {  	v54 =	vsel vm1, v10, v9;
	v15 =	vadd.f32 v15, v55;
	v16 =	vadd.f32 v16, v56  }
0x312: {  	v9 =	vsel vm1, v9, v10;
	v10 =	vsel vm1, v12, v11;
	v17 =	vperm.xlane v54, v1  }
0x313: {  	v58 =	vperm.xlane v57, v1;
	v10 =	vperm.xlane v10, v1;
	v18 =	vsel vm1, v16, v15  }
0x314: {  	v11 =	vsel vm1, v11, v12;
	v9 =	vadd.f32 v17, v9;
	v59 =	vperm.xlane v18, v1  }
0x315: {  	v10 =	vadd.f32 v10, v11;
	v11 =	vsel vm1, v13, v14;
	v60 =	vsel vm1, v15, v16  }
0x316: {  	v11 =	vadd.f32 v58, v11;
	v61 =	vadd.f32 v59, v60;
	_ =	sdelay $0x1  }
0x317: {  	v62 =	vsel vm2, v10, v9;
	v63 =	vsel vm2, v61, v11  }
0x318: {  	v13 =	vperm.xlane v62, v2;
	v14 =	vperm.xlane v63, v2  }
0x319: {  	v9 =	vsel vm2, v9, v10;
	v10 =	vsel vm2, v11, v61  }
0x31a: {  	v9 =	vadd.f32 v13, v9;
	v10 =	vadd.f32 v14, v10;
	_ =	sdelay $0x1  }
0x31b: {  	v11 =	vsel vm3, v10, v9  }
0x31c: {  	v11 =	vperm.xlane v11, v3  }
0x31d: {  	p0 =	sne.s32 s5, $0x27C0;
	v9 =	vsel vm3, v9, v10  }
.Ltmp5:
0x31e: {  	v9 =	vadd.f32 v9, v11;
	(pc) =	sbr.rel @p0 .LBB2_12-.Ltmp5, $3  }
0x31f: {  	_ = 	snop  }
0x320: {  	v9 =	vadd.f32 v9, v8;
	_ =	sdelay $0x1  }
0x321: {  	s5 =	sadd.s32 $0x800, s5;
	[tilespmem:s6+$0x0] =	vst v9;
	s6 =	sadd.s32 $0x10, s6  }
0x322: {  	s24 =	sadd.s32 $0x1, s24  }
0x323: {  	p0 =	sne.s32 s24, s12  }
.Ltmp6:
0x324: {  	s5 =	simm.s32 $0x126B0;
	(pc) =	sbr.rel @p0 .LBB2_1-.Ltmp6, $4  }
0x325: {  	[hbm4b:s11+s4] =	stream.linear.scatter [tilespmem:s5], [sflag:$0x7], $0x2710, $0x38;
	[tilespmem:$0x14DC0] =	vst v63  }
0x326: {  	_ =	swait.ge [sflag:s14], $0x2710  }
0x327: {  	[sflag:s14] =	ssyncset.done $0x0  }
0x328: {  	[sflag:s14] =	ssyncadd.s32 $0xFFFFD8F0  }
0x329: {  	_ =	sfence.sel $0x180000  }
0x32a: {  	[bflag:$0x0] =	sbarrier.arrive $0xFFFF  }
0x32b: {  	_ =	strace $0x90000047  }
0x32c: {  	s0 =	stileid.u32;
	[bflag:$0x2] =	sbarrier.arrive $0xFFFF  }
0x32d: {  	p0 =	sne.s32 s0, $0x0;
	s0 =	rddreg [dreg:$0x4]  }
0x32e: {  	s0 =	sadd.s32 @!p0 $0x100000, s0  }
0x32f: {  	[sflag:s0] =	ssyncadd.tile.s32 @!p0 $0x1;
	_ =	shalt  }
.Lfunc_end2:
_tile_overlayer_lowered:
.L_overlay_start_2:
0x330: {  	(tag) =	ssettag $0x2  }
0x331: {  	s0 =	rddreg [dreg:$0x0];
	s2 =	stileid.u32  }
0x332: {  	s1 =	rddreg [dreg:$0x1];
	p0 =	sne.s32 s2, $0x0  }
0x333: {  	s3 =	rddreg [dreg:$0x2];
	[bflag:$0x3] =	sbarrier.arrive $0xFFFF;
	s2 =	simm.s32 @!p0 $0x1C07  }
0x334: {  	[timem:s3], [sflag:s2] =	dma.local @!p0 [hbm:s0], s1  }
0x335: {  	s0 =	simm.s32 @!p0 $0x7  }
0x336: {  	_ =	swait.ge @!p0 [sflag:s0], s1  }
0x337: {  	s1 =	ssub.s32 @!p0 $0x0, s1;
	[sflag:s0] =	ssyncset.done @!p0 $0x0  }
0x338: {  	[sflag:s0] =	ssyncadd.s32 @!p0 s1  }
0x339: {  	[bflag:$0x3] =	sbarrier.arrive $0xFFFF  }
0x33a: {  	_ =	shalt  }

</sc_bundles>
